<compile_context>
chip_gen: v7x
topology: tpu7x:2x2x1
jax: 0.10.2.dev20260603
libtpu: 0.0.44.dev20260713+nightly
codegen_flags: <defaults>
</compile_context>

<pallas_src>
import functools
import math

import jax
import jax.numpy as jnp
from jax import lax
from jax.experimental import pallas as pl

N = 4096
E = 131072
C = 256
HEADS = 8
HD = 32
LANE = 16
INV_SQRT_HD = 1.0 / math.sqrt(HD)
BIG = 1e30


def _scatter_messages(xw, src, dst, w=None):
    m = xw[src]
    if w is not None:
        m = m * w[:, None]
    return jnp.zeros((N, C), jnp.float32).at[dst].add(m)


def _edge_weights(A, B, src, dst):
    a = A[src]
    b = B[dst]
    sim = jnp.sum(a[:, :C] * b[:, :C], axis=1)
    dots = jnp.sum((a[:, C:2 * C] * b[:, C:]).reshape(E, HEADS, HD), axis=-1)
    w = jnp.mean(jnp.exp(dots * INV_SQRT_HD - a[:, 2 * C:2 * C + HEADS]),
                 axis=-1)
    return sim * w



def _mm_body(x_ref, w_ref, *rest, bias, rowscale):
    y = jnp.dot(x_ref[...], w_ref[...], preferred_element_type=jnp.float32)
    i = 0
    if bias:
        y = y + rest[i][...]
        i += 1
    if rowscale:
        y = y * rest[i][...]
        i += 1
    rest[i][...] = y


def _matmul(x, w, b=None, rowscale=None, bm=512):
    m, k = x.shape
    n = w.shape[1]
    args = [x, w]
    in_specs = [
        pl.BlockSpec((bm, k), lambda i: (i, 0)),
        pl.BlockSpec((k, n), lambda i: (0, 0)),
    ]
    if b is not None:
        args.append(b.reshape(1, n))
        in_specs.append(pl.BlockSpec((1, n), lambda i: (0, 0)))
    if rowscale is not None:
        args.append(rowscale)
        in_specs.append(pl.BlockSpec((bm, 1), lambda i: (i, 0)))
    return pl.pallas_call(
        functools.partial(_mm_body, bias=b is not None,
                          rowscale=rowscale is not None),
        grid=(m // bm,),
        in_specs=in_specs,
        out_specs=pl.BlockSpec((bm, n), lambda i: (i, 0)),
        out_shape=jax.ShapeDtypeStruct((m, n), jnp.float32),
    )(*args)


def _lse_body(q_ref, k_ref, o_ref, *, bq):
    i = pl.program_id(1)
    q = q_ref[0]
    k = k_ref[0]
    s = lax.dot_general(q, k, (((1,), (1,)), ((), ())),
                        preferred_element_type=jnp.float32) * INV_SQRT_HD
    m = jnp.max(s, axis=1, keepdims=True)
    lse = m[:, 0] + jnp.log(jnp.sum(jnp.exp(s - m), axis=1))
    o_ref[0, 0, pl.ds(i * bq, bq)] = lse


def _flash_lse(q3, k3, bq=256):
    out = pl.pallas_call(
        functools.partial(_lse_body, bq=bq),
        grid=(HEADS, N // bq),
        in_specs=[
            pl.BlockSpec((1, bq, HD), lambda h, i: (h, i, 0)),
            pl.BlockSpec((1, N, HD), lambda h, i: (h, 0, 0)),
        ],
        out_specs=pl.BlockSpec((1, 1, N), lambda h, i: (h, 0, 0)),
        out_shape=jax.ShapeDtypeStruct((HEADS, 1, N), jnp.float32),
    )(q3, k3)
    return out.reshape(HEADS, N)


def _deg_body(h_ref, o_ref):
    deg = 1.0 + jnp.sum(h_ref[...], axis=0, keepdims=True)
    o_ref[...] = jnp.where(deg > 0, lax.rsqrt(jnp.where(deg > 0, deg, 1.0)),
                           0.0)


def _deg_to_dinv(hist):
    return pl.pallas_call(
        _deg_body,
        in_specs=[pl.BlockSpec((1, N), lambda: (0, 0))],
        out_specs=pl.BlockSpec((1, N), lambda: (0, 0)),
        out_shape=jax.ShapeDtypeStruct((1, N), jnp.float32),
    )(hist)


def _epi_body(a0_ref, xwp_ref, dinv_ref, b_ref, o_ref, *norm_out,
              relu, emit_norm):
    y = dinv_ref[...] * (a0_ref[...] + xwp_ref[...]) + b_ref[...]
    if relu:
        y = jnp.maximum(y, 0.0)
    o_ref[...] = y
    if emit_norm:
        n2 = jnp.sum(y * y, axis=1, keepdims=True)
        inv = 1.0 / jnp.maximum(jnp.sqrt(n2), 1e-8)
        norm_out[0][...] = y * inv


def _epilogue(a0, xwp, dinv_col, b, relu, emit_norm=False, bm=512):
    out_shape = jax.ShapeDtypeStruct((N, C), jnp.float32)
    out_specs = pl.BlockSpec((bm, C), lambda i: (i, 0))
    if emit_norm:
        out_shape = (out_shape, jax.ShapeDtypeStruct((N, C), jnp.float32))
        out_specs = (out_specs, pl.BlockSpec((bm, C), lambda i: (i, 0)))
    return pl.pallas_call(
        functools.partial(_epi_body, relu=relu, emit_norm=emit_norm),
        grid=(N // bm,),
        in_specs=[
            pl.BlockSpec((bm, C), lambda i: (i, 0)),
            pl.BlockSpec((bm, C), lambda i: (i, 0)),
            pl.BlockSpec((bm, 1), lambda i: (i, 0)),
            pl.BlockSpec((1, C), lambda i: (0, 0)),
        ],
        out_specs=out_specs,
        out_shape=out_shape,
    )(a0, xwp, dinv_col, b.reshape(1, C))



@jax.jit
def kernel(x, edge_index, W1, b1, W2, b2, W3, b3,
           in_proj_w, in_proj_b, out_proj_w, out_proj_b):
    src = edge_index[0]
    dst = edge_index[1]

    hist1 = jnp.zeros((1, N), jnp.float32).at[0, dst].add(1.0)
    dinv1 = _deg_to_dinv(hist1)
    dinv1_col = dinv1.reshape(N, 1)
    xw1p = _matmul(x, W1, rowscale=dinv1_col)
    agg1 = _scatter_messages(xw1p, src, dst)
    x1, x1n = _epilogue(agg1, xw1p, dinv1_col, b1,
                        relu=True, emit_norm=True)

    qk = _matmul(x1, jnp.transpose(in_proj_w[:2 * C]), b=in_proj_b[:2 * C])
    q3 = jnp.transpose(qk[:, :C].reshape(N, HEADS, HD), (1, 0, 2))
    k3 = jnp.transpose(qk[:, C:].reshape(N, HEADS, HD), (1, 0, 2))
    lse = _flash_lse(q3, k3)
    L = jnp.concatenate(
        [jnp.transpose(lse), jnp.full((N, LANE - HEADS), BIG, jnp.float32),
         jnp.zeros((N, 128 - LANE), jnp.float32)], axis=1)
    A = jnp.concatenate([x1n, qk[:, :C], L], axis=1)
    B = jnp.concatenate([x1n, qk[:, C:]], axis=1)
    ew = _edge_weights(A, B, src, dst)

    hist2 = jnp.zeros((1, N), jnp.float32).at[0, dst].add(ew)
    dinv2 = _deg_to_dinv(hist2)
    dinv2_col = dinv2.reshape(N, 1)

    xw2p = _matmul(x1, W2, rowscale=dinv2_col)
    agg2 = _scatter_messages(xw2p, src, dst, ew)
    x2 = _epilogue(agg2, xw2p, dinv2_col, b2, relu=True)

    xw3p = _matmul(x2, W3, rowscale=dinv2_col)
    agg3 = _scatter_messages(xw3p, src, dst, ew)
    out = _epilogue(agg3, xw3p, dinv2_col, b3, relu=False)
    return out

# --- scband reference (transcript-rebuilt; emitter-appended) ---
"""Pipeline reference for scband-dynamic-gcn-47107201302652 (READ-ONLY COPY).

The authoritative reference and input builder live on the scoring server;
editing this copy changes nothing except your own understanding.
"""

import jax, jax.numpy as jnp
import numpy as np

N = 4096
E = 131072
IN_C = 256
HID = 256
OUT_C = 256
HEADS = 8
ALPHA = 1.0


def _glorot(key, shape):
    lim = np.sqrt(6.0 / (shape[0] + shape[1]))
    return jax.random.uniform(key, shape, dtype=jnp.float32, minval=-lim, maxval=lim)


def setup_inputs(seed: int = 0):
    key = jax.random.key(seed)
    ks = jax.random.split(key, 12)
    x = jax.random.normal(ks[0], (N, IN_C), dtype=jnp.float32)
    edge_index = jax.random.randint(ks[1], (2, E), 0, N, dtype=jnp.int32)
    W1 = _glorot(ks[2], (IN_C, HID)); b1 = jnp.zeros((HID,), jnp.float32)
    W2 = _glorot(ks[3], (HID, HID)); b2 = jnp.zeros((HID,), jnp.float32)
    W3 = _glorot(ks[4], (HID, OUT_C)); b3 = jnp.zeros((OUT_C,), jnp.float32)
    in_proj_w = _glorot(ks[5], (3 * HID, HID)); in_proj_b = jnp.zeros((3 * HID,), jnp.float32)
    out_proj_w = _glorot(ks[6], (HID, HID)); out_proj_b = jnp.zeros((HID,), jnp.float32)
    return {"x": x, "edge_index": edge_index, "W1": W1, "b1": b1, "W2": W2, "b2": b2,
            "W3": W3, "b3": b3, "in_proj_w": in_proj_w, "in_proj_b": in_proj_b,
            "out_proj_w": out_proj_w, "out_proj_b": out_proj_b}


def _gcn_conv(x, edge_index, edge_weight, W, b):
    # Faithful PyG GCNConv: add self-loops, symmetric normalization, linear, scatter-add, bias
    n = x.shape[0]
    row = edge_index[0]; col = edge_index[1]
    if edge_weight is None:
        edge_weight = jnp.ones((row.shape[0],), jnp.float32)
    loop = jnp.arange(n, dtype=edge_index.dtype)
    row_f = jnp.concatenate([row, loop])
    col_f = jnp.concatenate([col, loop])
    ew_f = jnp.concatenate([edge_weight, jnp.ones((n,), jnp.float32)])
    deg = jnp.zeros((n,), jnp.float32).at[col_f].add(ew_f)
    dinv = jnp.where(deg > 0, jax.lax.rsqrt(jnp.where(deg > 0, deg, 1.0)), 0.0)
    norm = dinv[row_f] * ew_f * dinv[col_f]
    xw = x @ W
    out = jnp.zeros((n, W.shape[1]), jnp.float32).at[col_f].add(norm[:, None] * xw[row_f])
    return out + b


def _mha(x, in_proj_w, in_proj_b, out_proj_w, out_proj_b):
    # torch.nn.MultiheadAttention with input (L=N, batch=1, E=HID), averaged attn weights
    n = x.shape[0]
    hd = HID // HEADS
    qkv = x @ in_proj_w.T + in_proj_b
    q, k, v = jnp.split(qkv, 3, axis=1)
    q = q.reshape(n, HEADS, hd).transpose(1, 0, 2)
    k = k.reshape(n, HEADS, hd).transpose(1, 0, 2)
    v = v.reshape(n, HEADS, hd).transpose(1, 0, 2)
    scores = jnp.einsum('hnd,hmd->hnm', q, k) / np.sqrt(hd)
    attn = jax.nn.softmax(scores, axis=-1)
    out = jnp.einsum('hnm,hmd->hnd', attn, v).transpose(1, 0, 2).reshape(n, HID)
    out = out @ out_proj_w.T + out_proj_b
    attn_w = jnp.mean(attn, axis=0)  # average over heads -> [N, N]
    return out, attn_w


def reference(x, edge_index, W1, b1, W2, b2, W3, b3, in_proj_w, in_proj_b, out_proj_w, out_proj_b):
    x1 = jax.nn.relu(_gcn_conv(x, edge_index, None, W1, b1))
    attn_out, attn_w = _mha(x1, in_proj_w, in_proj_b, out_proj_w, out_proj_b)
    src = edge_index[0]; dst = edge_index[1]
    xs = x1[src]; xt = x1[dst]
    eps = 1e-8
    ns = jnp.maximum(jnp.sqrt(jnp.sum(xs * xs, axis=1)), eps)
    nt = jnp.maximum(jnp.sqrt(jnp.sum(xt * xt, axis=1)), eps)
    sim = jnp.sum(xs * xt, axis=1) / (ns * nt) * ALPHA
    ew = sim * attn_w[src, dst]
    x2 = jax.nn.relu(_gcn_conv(x1, edge_index, ew, W2, b2))
    out = _gcn_conv(x2, edge_index, ew, W3, b3)
    return out

if __name__ == "__main__":
    import jax
    _d = setup_inputs()
    print(jax.jit(kernel)(*tuple(_d.values())))

</pallas_src>

<mosaic_0001>
module attributes {stable_mosaic.version = 14 : i64} {
  func.func @_deg_body(%arg0: memref<1x4096xf32, #tpu.memory_space<vmem>>, %arg1: memref<1x4096xf32, #tpu.memory_space<vmem>>) attributes {dimension_semantics = [], scalar_prefetch = 0 : i64, scratch_operands = 0 : i64, tpu.core_type = #tpu.core_type<tc>} {
    %get3A = arith.constant 0 : index
    %get3A_0 = arith.constant 0 : index
    %get3A_1 = vector.load %arg0[%get3A, %get3A_0] : memref<1x4096xf32, #tpu.memory_space<vmem>>, vector<1x4096xf32>
    %reduce_sum3A = arith.constant dense<0.000000e+00> : vector<4096xf32>
    %reduce_sum3A_2 = vector.multi_reduction <add>, %get3A_1, %reduce_sum3A [0] : vector<1x4096xf32> to vector<4096xf32>
    %broadcast_in_dim3A = vector.shape_cast %reduce_sum3A_2 : vector<4096xf32> to vector<1x4096xf32>
    %add3A = arith.constant 1.000000e+00 : f32
    %add3A_3 = vector.broadcast %add3A : f32 to vector<1x4096xf32>
    %add3A_4 = arith.addf %add3A_3, %broadcast_in_dim3A : vector<1x4096xf32>
    %gt3A = arith.constant 0.000000e+00 : f32
    %gt3A_5 = vector.broadcast %gt3A : f32 to vector<1x4096xf32>
    %gt3A_6 = arith.cmpf ogt, %add3A_4, %gt3A_5 : vector<1x4096xf32>
    %gt3A_7 = arith.constant 0.000000e+00 : f32
    %gt3A_8 = vector.broadcast %gt3A_7 : f32 to vector<1x4096xf32>
    %gt3A_9 = arith.cmpf ogt, %add3A_4, %gt3A_8 : vector<1x4096xf32>
    %jit3A = arith.constant 1.000000e+00 : f32
    %broadcast_in_dim3A_10 = vector.broadcast %jit3A : f32 to vector<1x4096xf32>
    %select_n3A = arith.select %gt3A_9, %add3A_4, %broadcast_in_dim3A_10 : vector<1x4096xi1>, vector<1x4096xf32>
    %rsqrt3A = math.rsqrt %select_n3A : vector<1x4096xf32>
    %jit3A_11 = arith.constant 0.000000e+00 : f32
    %broadcast_in_dim3A_12 = vector.broadcast %jit3A_11 : f32 to vector<1x4096xf32>
    %select_n3A_13 = arith.select %gt3A_6, %rsqrt3A, %broadcast_in_dim3A_12 : vector<1x4096xi1>, vector<1x4096xf32>
    %swap3A = arith.constant 0 : index
    %swap3A_14 = arith.constant 0 : index
    %swap3A_15 = vector.load %arg1[%swap3A, %swap3A_14] : memref<1x4096xf32, #tpu.memory_space<vmem>>, vector<1x4096xf32>
    tpu.vector_store %arg1[%swap3A, %swap3A_14], %select_n3A_13 {strides = array<i32>} : memref<1x4096xf32, #tpu.memory_space<vmem>>, vector<1x4096xf32>,
    return
  }
}

module attributes {stable_mosaic.version = 14 : i64} {
  func.func @_mm_body(%arg0: i32, %arg1: memref<512x256xf32, #tpu.memory_space<vmem>>, %arg2: memref<256x256xf32, #tpu.memory_space<vmem>>, %arg3: memref<512x1xf32, #tpu.memory_space<vmem>>, %arg4: memref<512x256xf32, #tpu.memory_space<vmem>>) attributes {dimension_semantics = [#tpu.dimension_semantics<arbitrary>], iteration_bounds = array<i64: 8>, scalar_prefetch = 0 : i64, scratch_operands = 0 : i64, tpu.core_type = #tpu.core_type<tc>, window_params = [{transform_indices = @transform_0, window_bounds = array<i64: 512, 256>}, {pipeline_mode = #tpu.pipeline_mode<synchronous>, transform_indices = @transform_1, window_bounds = array<i64: 256, 256>}, {transform_indices = @transform_2, window_bounds = array<i64: 512, 1>}, {transform_indices = @transform_3, window_bounds = array<i64: 512, 256>}]} {
    %get3A = arith.constant 0 : index
    %get3A_0 = arith.constant 0 : index
    %get3A_1 = vector.load %arg1[%get3A, %get3A_0] : memref<512x256xf32, #tpu.memory_space<vmem>>, vector<512x256xf32>
    %get3A_2 = arith.constant 0 : index
    %get3A_3 = arith.constant 0 : index
    %get3A_4 = vector.load %arg2[%get3A_2, %get3A_3] : memref<256x256xf32, #tpu.memory_space<vmem>>, vector<256x256xf32>
    %dot_general3A = arith.constant dense<0.000000e+00> : vector<512x256xf32>
    %dot_general3A_5 = tpu.matmul %get3A_1, %get3A_4, %dot_general3A {dimension_numbers = #tpu.dot_dimension_numbers<[1], [0], [0], [1], [0, 0, 1, 1], [], []>, transpose_lhs_hint = false} : vector<512x256xf32>, vector<256x256xf32>, vector<512x256xf32> -> vector<512x256xf32>
    %get3A_6 = arith.constant 0 : index
    %get3A_7 = arith.constant 0 : index
    %get3A_8 = vector.load %arg3[%get3A_6, %get3A_7] : memref<512x1xf32, #tpu.memory_space<vmem>>, vector<512x1xf32>
    %mul3A = vector.broadcast %get3A_8 : vector<512x1xf32> to vector<512x256xf32>
    %mul3A_9 = arith.mulf %dot_general3A_5, %mul3A : vector<512x256xf32>
    %swap3A = arith.constant 0 : index
    %swap3A_10 = arith.constant 0 : index
    %swap3A_11 = vector.load %arg4[%swap3A, %swap3A_10] : memref<512x256xf32, #tpu.memory_space<vmem>>, vector<512x256xf32>
    tpu.vector_store %arg4[%swap3A, %swap3A_10], %mul3A_9 {strides = array<i32>} : memref<512x256xf32, #tpu.memory_space<vmem>>, vector<512x256xf32>,
    return
  }
  func.func @transform_0(%arg0: i32) -> (i32, i32) {
    %c0_i32 = arith.constant 0 : i32
    %c0_i32_0 = arith.constant 0 : i32
    return %arg0, %c0_i32 : i32, i32
  }
  func.func @transform_1(%arg0: i32) -> (i32, i32) {
    %c0_i32 = arith.constant 0 : i32
    %c0_i32_0 = arith.constant 0 : i32
    %c0_i32_1 = arith.constant 0 : i32
    return %c0_i32, %c0_i32_0 : i32, i32
  }
  func.func @transform_2(%arg0: i32) -> (i32, i32) {
    %c0_i32 = arith.constant 0 : i32
    %c0_i32_0 = arith.constant 0 : i32
    return %arg0, %c0_i32 : i32, i32
  }
  func.func @transform_3(%arg0: i32) -> (i32, i32) {
    %c0_i32 = arith.constant 0 : i32
    %c0_i32_0 = arith.constant 0 : i32
    return %arg0, %c0_i32 : i32, i32
  }
}

module attributes {stable_mosaic.version = 14 : i64} {
  func.func @_epi_body(%arg0: i32, %arg1: memref<512x256xf32, #tpu.memory_space<vmem>>, %arg2: memref<512x256xf32, #tpu.memory_space<vmem>>, %arg3: memref<512x1xf32, #tpu.memory_space<vmem>>, %arg4: memref<1x256xf32, #tpu.memory_space<vmem>>, %arg5: memref<512x256xf32, #tpu.memory_space<vmem>>, %arg6: memref<512x256xf32, #tpu.memory_space<vmem>>) attributes {dimension_semantics = [#tpu.dimension_semantics<arbitrary>], iteration_bounds = array<i64: 8>, scalar_prefetch = 0 : i64, scratch_operands = 0 : i64, tpu.core_type = #tpu.core_type<tc>, window_params = [{transform_indices = @transform_0, window_bounds = array<i64: 512, 256>}, {transform_indices = @transform_1, window_bounds = array<i64: 512, 256>}, {transform_indices = @transform_2, window_bounds = array<i64: 512, 1>}, {pipeline_mode = #tpu.pipeline_mode<synchronous>, transform_indices = @transform_3, window_bounds = array<i64: 1, 256>}, {transform_indices = @transform_4, window_bounds = array<i64: 512, 256>}, {transform_indices = @transform_5, window_bounds = array<i64: 512, 256>}]} {
    %get3A = arith.constant 0 : index
    %get3A_0 = arith.constant 0 : index
    %get3A_1 = vector.load %arg3[%get3A, %get3A_0] : memref<512x1xf32, #tpu.memory_space<vmem>>, vector<512x1xf32>
    %get3A_2 = arith.constant 0 : index
    %get3A_3 = arith.constant 0 : index
    %get3A_4 = vector.load %arg1[%get3A_2, %get3A_3] : memref<512x256xf32, #tpu.memory_space<vmem>>, vector<512x256xf32>
    %get3A_5 = arith.constant 0 : index
    %get3A_6 = arith.constant 0 : index
    %get3A_7 = vector.load %arg2[%get3A_5, %get3A_6] : memref<512x256xf32, #tpu.memory_space<vmem>>, vector<512x256xf32>
    %add3A = arith.addf %get3A_4, %get3A_7 : vector<512x256xf32>
    %mul3A = vector.broadcast %get3A_1 : vector<512x1xf32> to vector<512x256xf32>
    %mul3A_8 = arith.mulf %mul3A, %add3A : vector<512x256xf32>
    %get3A_9 = arith.constant 0 : index
    %get3A_10 = arith.constant 0 : index
    %get3A_11 = vector.load %arg4[%get3A_9, %get3A_10] : memref<1x256xf32, #tpu.memory_space<vmem>>, vector<1x256xf32>
    %add3A_12 = vector.broadcast %get3A_11 : vector<1x256xf32> to vector<512x256xf32>
    %add3A_13 = arith.addf %mul3A_8, %add3A_12 : vector<512x256xf32>
    %max3A = arith.constant 0.000000e+00 : f32
    %max3A_14 = vector.broadcast %max3A : f32 to vector<512x256xf32>
    %max3A_15 = arith.maximumf %add3A_13, %max3A_14 : vector<512x256xf32>
    %swap3A = arith.constant 0 : index
    %swap3A_16 = arith.constant 0 : index
    %swap3A_17 = vector.load %arg5[%swap3A, %swap3A_16] : memref<512x256xf32, #tpu.memory_space<vmem>>, vector<512x256xf32>
    tpu.vector_store %arg5[%swap3A, %swap3A_16], %max3A_15 {strides = array<i32>} : memref<512x256xf32, #tpu.memory_space<vmem>>, vector<512x256xf32>,
    %mul3A_18 = arith.mulf %max3A_15, %max3A_15 : vector<512x256xf32>
    %reduce_sum3A = arith.constant dense<0.000000e+00> : vector<512xf32>
    %reduce_sum3A_19 = vector.multi_reduction <add>, %mul3A_18, %reduce_sum3A [1] : vector<512x256xf32> to vector<512xf32>
    %broadcast_in_dim3A = vector.shape_cast %reduce_sum3A_19 : vector<512xf32> to vector<512x1xf32>
    %sqrt3A = math.sqrt %broadcast_in_dim3A : vector<512x1xf32>
    %max3A_20 = arith.constant 9.99999993E-9 : f32
    %max3A_21 = vector.broadcast %max3A_20 : f32 to vector<512x1xf32>
    %max3A_22 = arith.maximumf %sqrt3A, %max3A_21 : vector<512x1xf32>
    %div3A = arith.constant 1.000000e+00 : f32
    %div3A_23 = vector.broadcast %div3A : f32 to vector<512x1xf32>
    %div3A_24 = arith.divf %div3A_23, %max3A_22 : vector<512x1xf32>
    %mul3A_25 = vector.broadcast %div3A_24 : vector<512x1xf32> to vector<512x256xf32>
    %mul3A_26 = arith.mulf %max3A_15, %mul3A_25 : vector<512x256xf32>
    %swap3A_27 = arith.constant 0 : index
    %swap3A_28 = arith.constant 0 : index
    %swap3A_29 = vector.load %arg6[%swap3A_27, %swap3A_28] : memref<512x256xf32, #tpu.memory_space<vmem>>, vector<512x256xf32>
    tpu.vector_store %arg6[%swap3A_27, %swap3A_28], %mul3A_26 {strides = array<i32>} : memref<512x256xf32, #tpu.memory_space<vmem>>, vector<512x256xf32>,
    return
  }
  func.func @transform_0(%arg0: i32) -> (i32, i32) {
    %c0_i32 = arith.constant 0 : i32
    %c0_i32_0 = arith.constant 0 : i32
    return %arg0, %c0_i32 : i32, i32
  }
  func.func @transform_1(%arg0: i32) -> (i32, i32) {
    %c0_i32 = arith.constant 0 : i32
    %c0_i32_0 = arith.constant 0 : i32
    return %arg0, %c0_i32 : i32, i32
  }
  func.func @transform_2(%arg0: i32) -> (i32, i32) {
    %c0_i32 = arith.constant 0 : i32
    %c0_i32_0 = arith.constant 0 : i32
    return %arg0, %c0_i32 : i32, i32
  }
  func.func @transform_3(%arg0: i32) -> (i32, i32) {
    %c0_i32 = arith.constant 0 : i32
    %c0_i32_0 = arith.constant 0 : i32
    %c0_i32_1 = arith.constant 0 : i32
    return %c0_i32, %c0_i32_0 : i32, i32
  }
  func.func @transform_4(%arg0: i32) -> (i32, i32) {
    %c0_i32 = arith.constant 0 : i32
    %c0_i32_0 = arith.constant 0 : i32
    return %arg0, %c0_i32 : i32, i32
  }
  func.func @transform_5(%arg0: i32) -> (i32, i32) {
    %c0_i32 = arith.constant 0 : i32
    %c0_i32_0 = arith.constant 0 : i32
    return %arg0, %c0_i32 : i32, i32
  }
}

module attributes {stable_mosaic.version = 14 : i64} {
  func.func @_mm_body(%arg0: i32, %arg1: memref<512x256xf32, #tpu.memory_space<vmem>>, %arg2: memref<256x512xf32, #tpu.memory_space<vmem>>, %arg3: memref<1x512xf32, #tpu.memory_space<vmem>>, %arg4: memref<512x512xf32, #tpu.memory_space<vmem>>) attributes {dimension_semantics = [#tpu.dimension_semantics<arbitrary>], iteration_bounds = array<i64: 8>, scalar_prefetch = 0 : i64, scratch_operands = 0 : i64, tpu.core_type = #tpu.core_type<tc>, window_params = [{transform_indices = @transform_0, window_bounds = array<i64: 512, 256>}, {pipeline_mode = #tpu.pipeline_mode<synchronous>, transform_indices = @transform_1, window_bounds = array<i64: 256, 512>}, {pipeline_mode = #tpu.pipeline_mode<synchronous>, transform_indices = @transform_2, window_bounds = array<i64: 1, 512>}, {transform_indices = @transform_3, window_bounds = array<i64: 512, 512>}]} {
    %get3A = arith.constant 0 : index
    %get3A_0 = arith.constant 0 : index
    %get3A_1 = vector.load %arg1[%get3A, %get3A_0] : memref<512x256xf32, #tpu.memory_space<vmem>>, vector<512x256xf32>
    %get3A_2 = arith.constant 0 : index
    %get3A_3 = arith.constant 0 : index
    %get3A_4 = vector.load %arg2[%get3A_2, %get3A_3] : memref<256x512xf32, #tpu.memory_space<vmem>>, vector<256x512xf32>
    %dot_general3A = arith.constant dense<0.000000e+00> : vector<512x512xf32>
    %dot_general3A_5 = tpu.matmul %get3A_1, %get3A_4, %dot_general3A {dimension_numbers = #tpu.dot_dimension_numbers<[1], [0], [0], [1], [0, 0, 1, 1], [], []>, transpose_lhs_hint = false} : vector<512x256xf32>, vector<256x512xf32>, vector<512x512xf32> -> vector<512x512xf32>
    %get3A_6 = arith.constant 0 : index
    %get3A_7 = arith.constant 0 : index
    %get3A_8 = vector.load %arg3[%get3A_6, %get3A_7] : memref<1x512xf32, #tpu.memory_space<vmem>>, vector<1x512xf32>
    %add3A = vector.broadcast %get3A_8 : vector<1x512xf32> to vector<512x512xf32>
    %add3A_9 = arith.addf %dot_general3A_5, %add3A : vector<512x512xf32>
    %swap3A = arith.constant 0 : index
    %swap3A_10 = arith.constant 0 : index
    %swap3A_11 = vector.load %arg4[%swap3A, %swap3A_10] : memref<512x512xf32, #tpu.memory_space<vmem>>, vector<512x512xf32>
    tpu.vector_store %arg4[%swap3A, %swap3A_10], %add3A_9 {strides = array<i32>} : memref<512x512xf32, #tpu.memory_space<vmem>>, vector<512x512xf32>,
    return
  }
  func.func @transform_0(%arg0: i32) -> (i32, i32) {
    %c0_i32 = arith.constant 0 : i32
    %c0_i32_0 = arith.constant 0 : i32
    return %arg0, %c0_i32 : i32, i32
  }
  func.func @transform_1(%arg0: i32) -> (i32, i32) {
    %c0_i32 = arith.constant 0 : i32
    %c0_i32_0 = arith.constant 0 : i32
    %c0_i32_1 = arith.constant 0 : i32
    return %c0_i32, %c0_i32_0 : i32, i32
  }
  func.func @transform_2(%arg0: i32) -> (i32, i32) {
    %c0_i32 = arith.constant 0 : i32
    %c0_i32_0 = arith.constant 0 : i32
    %c0_i32_1 = arith.constant 0 : i32
    return %c0_i32, %c0_i32_0 : i32, i32
  }
  func.func @transform_3(%arg0: i32) -> (i32, i32) {
    %c0_i32 = arith.constant 0 : i32
    %c0_i32_0 = arith.constant 0 : i32
    return %arg0, %c0_i32 : i32, i32
  }
}

module attributes {stable_mosaic.version = 14 : i64} {
  func.func @_lse_body(%arg0: i32, %arg1: i32, %arg2: memref<1x256x32xf32, #tpu.memory_space<vmem>>, %arg3: memref<1x4096x32xf32, #tpu.memory_space<vmem>>, %arg4: memref<1x1x4096xf32, #tpu.memory_space<vmem>>) attributes {dimension_semantics = [#tpu.dimension_semantics<arbitrary>, #tpu.dimension_semantics<arbitrary>], iteration_bounds = array<i64: 8, 16>, scalar_prefetch = 0 : i64, scratch_operands = 0 : i64, tpu.core_type = #tpu.core_type<tc>, window_params = [{transform_indices = @transform_0, window_bounds = array<i64: 1, 256, 32>}, {transform_indices = @transform_1, window_bounds = array<i64: 1, 4096, 32>}, {transform_indices = @transform_2, window_bounds = array<i64: 1, 1, 4096>}]} {
    %get3A = arith.constant 0 : index
    %get3A_0 = arith.constant 0 : index
    %get3A_1 = arith.constant 0 : index
    %get3A_2 = vector.load %arg2[%get3A, %get3A_0, %get3A_1] : memref<1x256x32xf32, #tpu.memory_space<vmem>>, vector<1x256x32xf32>
    %get3A_3 = vector.shape_cast %get3A_2 : vector<1x256x32xf32> to vector<256x32xf32>
    %get3A_4 = arith.constant 0 : index
    %get3A_5 = arith.constant 0 : index
    %get3A_6 = arith.constant 0 : index
    %get3A_7 = vector.load %arg3[%get3A_4, %get3A_5, %get3A_6] : memref<1x4096x32xf32, #tpu.memory_space<vmem>>, vector<1x4096x32xf32>
    %get3A_8 = vector.shape_cast %get3A_7 : vector<1x4096x32xf32> to vector<4096x32xf32>
    %dot_general3A = arith.constant dense<0.000000e+00> : vector<256x4096xf32>
    %dot_general3A_9 = tpu.matmul %get3A_3, %get3A_8, %dot_general3A {dimension_numbers = #tpu.dot_dimension_numbers<[1], [1], [0], [0], [0, 0, 1, 0], [], []>, transpose_lhs_hint = false} : vector<256x32xf32>, vector<4096x32xf32>, vector<256x4096xf32> -> vector<256x4096xf32>
    %mul3A = arith.constant 0.176776692 : f32
    %mul3A_10 = vector.broadcast %mul3A : f32 to vector<256x4096xf32>
    %mul3A_11 = arith.mulf %dot_general3A_9, %mul3A_10 : vector<256x4096xf32>
    %reduce_max3A = arith.constant dense<0xFF800000> : vector<256xf32>
    %reduce_max3A_12 = vector.multi_reduction <maximumf>, %mul3A_11, %reduce_max3A [1] : vector<256x4096xf32> to vector<256xf32>
    %broadcast_in_dim3A = vector.shape_cast %reduce_max3A_12 : vector<256xf32> to vector<256x1xf32>
    %squeeze3A = vector.shape_cast %broadcast_in_dim3A : vector<256x1xf32> to vector<256xf32>
    %sub3A = vector.broadcast %broadcast_in_dim3A : vector<256x1xf32> to vector<256x4096xf32>
    %sub3A_13 = arith.subf %mul3A_11, %sub3A : vector<256x4096xf32>
    %exp3A = math.exp %sub3A_13 : vector<256x4096xf32>
    %reduce_sum3A = arith.constant dense<0.000000e+00> : vector<256xf32>
    %reduce_sum3A_14 = vector.multi_reduction <add>, %exp3A, %reduce_sum3A [1] : vector<256x4096xf32> to vector<256xf32>
    %log3A = math.log %reduce_sum3A_14 : vector<256xf32>
    %add3A = arith.addf %squeeze3A, %log3A : vector<256xf32>
    %mul3A_15 = arith.constant 256 : i32
    %mul3A_16 = arith.muli %arg1, %mul3A_15 : i32
    %swap3A = arith.constant 0 : index
    %swap3A_17 = arith.constant 0 : index
    %swap3A_18 = arith.index_cast %mul3A_16 : i32 to index
    %swap3A_19 = vector.load %arg4[%swap3A, %swap3A_17, %swap3A_18] : memref<1x1x4096xf32, #tpu.memory_space<vmem>>, vector<1x1x256xf32>
    %swap3A_20 = vector.shape_cast %swap3A_19 : vector<1x1x256xf32> to vector<256xf32>
    %swap3A_21 = vector.shape_cast %add3A : vector<256xf32> to vector<1x1x256xf32>
    tpu.vector_store %arg4[%swap3A, %swap3A_17, %swap3A_18], %swap3A_21 {strides = array<i32>} : memref<1x1x4096xf32, #tpu.memory_space<vmem>>, vector<1x1x256xf32>,
    return
  }
  func.func @transform_0(%arg0: i32, %arg1: i32) -> (i32, i32, i32) {
    %c0_i32 = arith.constant 0 : i32
    %c0_i32_0 = arith.constant 0 : i32
    return %arg0, %arg1, %c0_i32 : i32, i32, i32
  }
  func.func @transform_1(%arg0: i32, %arg1: i32) -> (i32, i32, i32) {
    %c0_i32 = arith.constant 0 : i32
    %c0_i32_0 = arith.constant 0 : i32
    %c0_i32_1 = arith.constant 0 : i32
    return %arg0, %c0_i32, %c0_i32_0 : i32, i32, i32
  }
  func.func @transform_2(%arg0: i32, %arg1: i32) -> (i32, i32, i32) {
    %c0_i32 = arith.constant 0 : i32
    %c0_i32_0 = arith.constant 0 : i32
    %c0_i32_1 = arith.constant 0 : i32
    return %arg0, %c0_i32, %c0_i32_0 : i32, i32, i32
  }
}

module attributes {stable_mosaic.version = 14 : i64} {
  func.func @_epi_body(%arg0: i32, %arg1: memref<512x256xf32, #tpu.memory_space<vmem>>, %arg2: memref<512x256xf32, #tpu.memory_space<vmem>>, %arg3: memref<512x1xf32, #tpu.memory_space<vmem>>, %arg4: memref<1x256xf32, #tpu.memory_space<vmem>>, %arg5: memref<512x256xf32, #tpu.memory_space<vmem>>) attributes {dimension_semantics = [#tpu.dimension_semantics<arbitrary>], iteration_bounds = array<i64: 8>, scalar_prefetch = 0 : i64, scratch_operands = 0 : i64, tpu.core_type = #tpu.core_type<tc>, window_params = [{transform_indices = @transform_0, window_bounds = array<i64: 512, 256>}, {transform_indices = @transform_1, window_bounds = array<i64: 512, 256>}, {transform_indices = @transform_2, window_bounds = array<i64: 512, 1>}, {pipeline_mode = #tpu.pipeline_mode<synchronous>, transform_indices = @transform_3, window_bounds = array<i64: 1, 256>}, {transform_indices = @transform_4, window_bounds = array<i64: 512, 256>}]} {
    %get3A = arith.constant 0 : index
    %get3A_0 = arith.constant 0 : index
    %get3A_1 = vector.load %arg3[%get3A, %get3A_0] : memref<512x1xf32, #tpu.memory_space<vmem>>, vector<512x1xf32>
    %get3A_2 = arith.constant 0 : index
    %get3A_3 = arith.constant 0 : index
    %get3A_4 = vector.load %arg1[%get3A_2, %get3A_3] : memref<512x256xf32, #tpu.memory_space<vmem>>, vector<512x256xf32>
    %get3A_5 = arith.constant 0 : index
    %get3A_6 = arith.constant 0 : index
    %get3A_7 = vector.load %arg2[%get3A_5, %get3A_6] : memref<512x256xf32, #tpu.memory_space<vmem>>, vector<512x256xf32>
    %add3A = arith.addf %get3A_4, %get3A_7 : vector<512x256xf32>
    %mul3A = vector.broadcast %get3A_1 : vector<512x1xf32> to vector<512x256xf32>
    %mul3A_8 = arith.mulf %mul3A, %add3A : vector<512x256xf32>
    %get3A_9 = arith.constant 0 : index
    %get3A_10 = arith.constant 0 : index
    %get3A_11 = vector.load %arg4[%get3A_9, %get3A_10] : memref<1x256xf32, #tpu.memory_space<vmem>>, vector<1x256xf32>
    %add3A_12 = vector.broadcast %get3A_11 : vector<1x256xf32> to vector<512x256xf32>
    %add3A_13 = arith.addf %mul3A_8, %add3A_12 : vector<512x256xf32>
    %max3A = arith.constant 0.000000e+00 : f32
    %max3A_14 = vector.broadcast %max3A : f32 to vector<512x256xf32>
    %max3A_15 = arith.maximumf %add3A_13, %max3A_14 : vector<512x256xf32>
    %swap3A = arith.constant 0 : index
    %swap3A_16 = arith.constant 0 : index
    %swap3A_17 = vector.load %arg5[%swap3A, %swap3A_16] : memref<512x256xf32, #tpu.memory_space<vmem>>, vector<512x256xf32>
    tpu.vector_store %arg5[%swap3A, %swap3A_16], %max3A_15 {strides = array<i32>} : memref<512x256xf32, #tpu.memory_space<vmem>>, vector<512x256xf32>,
    return
  }
  func.func @transform_0(%arg0: i32) -> (i32, i32) {
    %c0_i32 = arith.constant 0 : i32
    %c0_i32_0 = arith.constant 0 : i32
    return %arg0, %c0_i32 : i32, i32
  }
  func.func @transform_1(%arg0: i32) -> (i32, i32) {
    %c0_i32 = arith.constant 0 : i32
    %c0_i32_0 = arith.constant 0 : i32
    return %arg0, %c0_i32 : i32, i32
  }
  func.func @transform_2(%arg0: i32) -> (i32, i32) {
    %c0_i32 = arith.constant 0 : i32
    %c0_i32_0 = arith.constant 0 : i32
    return %arg0, %c0_i32 : i32, i32
  }
  func.func @transform_3(%arg0: i32) -> (i32, i32) {
    %c0_i32 = arith.constant 0 : i32
    %c0_i32_0 = arith.constant 0 : i32
    %c0_i32_1 = arith.constant 0 : i32
    return %c0_i32, %c0_i32_0 : i32, i32
  }
  func.func @transform_4(%arg0: i32) -> (i32, i32) {
    %c0_i32 = arith.constant 0 : i32
    %c0_i32_0 = arith.constant 0 : i32
    return %arg0, %c0_i32 : i32, i32
  }
}

module attributes {stable_mosaic.version = 14 : i64} {
  func.func @_epi_body(%arg0: i32, %arg1: memref<512x256xf32, #tpu.memory_space<vmem>>, %arg2: memref<512x256xf32, #tpu.memory_space<vmem>>, %arg3: memref<512x1xf32, #tpu.memory_space<vmem>>, %arg4: memref<1x256xf32, #tpu.memory_space<vmem>>, %arg5: memref<512x256xf32, #tpu.memory_space<vmem>>) attributes {dimension_semantics = [#tpu.dimension_semantics<arbitrary>], iteration_bounds = array<i64: 8>, scalar_prefetch = 0 : i64, scratch_operands = 0 : i64, tpu.core_type = #tpu.core_type<tc>, window_params = [{transform_indices = @transform_0, window_bounds = array<i64: 512, 256>}, {transform_indices = @transform_1, window_bounds = array<i64: 512, 256>}, {transform_indices = @transform_2, window_bounds = array<i64: 512, 1>}, {pipeline_mode = #tpu.pipeline_mode<synchronous>, transform_indices = @transform_3, window_bounds = array<i64: 1, 256>}, {transform_indices = @transform_4, window_bounds = array<i64: 512, 256>}]} {
    %get3A = arith.constant 0 : index
    %get3A_0 = arith.constant 0 : index
    %get3A_1 = vector.load %arg3[%get3A, %get3A_0] : memref<512x1xf32, #tpu.memory_space<vmem>>, vector<512x1xf32>
    %get3A_2 = arith.constant 0 : index
    %get3A_3 = arith.constant 0 : index
    %get3A_4 = vector.load %arg1[%get3A_2, %get3A_3] : memref<512x256xf32, #tpu.memory_space<vmem>>, vector<512x256xf32>
    %get3A_5 = arith.constant 0 : index
    %get3A_6 = arith.constant 0 : index
    %get3A_7 = vector.load %arg2[%get3A_5, %get3A_6] : memref<512x256xf32, #tpu.memory_space<vmem>>, vector<512x256xf32>
    %add3A = arith.addf %get3A_4, %get3A_7 : vector<512x256xf32>
    %mul3A = vector.broadcast %get3A_1 : vector<512x1xf32> to vector<512x256xf32>
    %mul3A_8 = arith.mulf %mul3A, %add3A : vector<512x256xf32>
    %get3A_9 = arith.constant 0 : index
    %get3A_10 = arith.constant 0 : index
    %get3A_11 = vector.load %arg4[%get3A_9, %get3A_10] : memref<1x256xf32, #tpu.memory_space<vmem>>, vector<1x256xf32>
    %add3A_12 = vector.broadcast %get3A_11 : vector<1x256xf32> to vector<512x256xf32>
    %add3A_13 = arith.addf %mul3A_8, %add3A_12 : vector<512x256xf32>
    %swap3A = arith.constant 0 : index
    %swap3A_14 = arith.constant 0 : index
    %swap3A_15 = vector.load %arg5[%swap3A, %swap3A_14] : memref<512x256xf32, #tpu.memory_space<vmem>>, vector<512x256xf32>
    tpu.vector_store %arg5[%swap3A, %swap3A_14], %add3A_13 {strides = array<i32>} : memref<512x256xf32, #tpu.memory_space<vmem>>, vector<512x256xf32>,
    return
  }
  func.func @transform_0(%arg0: i32) -> (i32, i32) {
    %c0_i32 = arith.constant 0 : i32
    %c0_i32_0 = arith.constant 0 : i32
    return %arg0, %c0_i32 : i32, i32
  }
  func.func @transform_1(%arg0: i32) -> (i32, i32) {
    %c0_i32 = arith.constant 0 : i32
    %c0_i32_0 = arith.constant 0 : i32
    return %arg0, %c0_i32 : i32, i32
  }
  func.func @transform_2(%arg0: i32) -> (i32, i32) {
    %c0_i32 = arith.constant 0 : i32
    %c0_i32_0 = arith.constant 0 : i32
    return %arg0, %c0_i32 : i32, i32
  }
  func.func @transform_3(%arg0: i32) -> (i32, i32) {
    %c0_i32 = arith.constant 0 : i32
    %c0_i32_0 = arith.constant 0 : i32
    %c0_i32_1 = arith.constant 0 : i32
    return %c0_i32, %c0_i32_0 : i32, i32
  }
  func.func @transform_4(%arg0: i32) -> (i32, i32) {
    %c0_i32 = arith.constant 0 : i32
    %c0_i32_0 = arith.constant 0 : i32
    return %arg0, %c0_i32 : i32, i32
  }
}

</mosaic_0001>

<sc_bundles>
// kernel: scatter_offload_async_start.1
scs
__scs_entry_jumppad:
0x0: {  	(pc) =	sbr.rel $0x88, $3  }
0x1: {  	(tag) =	ssettag $0x0;
	lr =	simm.s32 $0x1  }
0x2: {  	[smem:$0x3F97] =	sst lr;
	_ =	strace $0xD0000000  }
0x3: {  	_ = 	snop  }
0x4: {  	_ = 	snop  }
0x5: {  	_ = 	snop  }
0x6: {  	_ = 	snop  }
0x7: {  	_ = 	snop  }
__scs_overlays_trampoline_lowered:
0x8: {  	[smem:$0x3FA6] =	sst s0  }
0x9: {  	[smem:$0x3FA7] =	sst s1  }
0xa: {  	[smem:$0x3FA8] =	sst s2  }
0xb: {  	[smem:$0x3FA9] =	sst s3  }
0xc: {  	[smem:$0x3FAA] =	sst s4  }
0xd: {  	[smem:$0x3FAB] =	sst s5  }
0xe: {  	[smem:$0x3FAC] =	sst s6  }
0xf: {  	[smem:$0x3FAD] =	sst s7  }
0x10: {  	[smem:$0x3FAE] =	sst s8  }
0x11: {  	[smem:$0x3FAF] =	sst s9;
	s0 =	simm.s32 @!p0 $0x0  }
0x12: {  	s1 =	sld [smem:$0x3F95];
	s0 =	simm.s32 @p0 $0x1  }
0x13: {  	[smem:$0x3FB0] =	sst s0;
	s0 =	simm.s32 @!p1 $0x0  }
0x14: {  	s2 =	sld [smem:$0x3F94];
	s0 =	simm.s32 @p1 $0x1  }
0x15: {  	[smem:$0x3FB1] =	sst s0;
	s0 =	simm.s32 @!p2 $0x0  }
0x16: {  	s3 =	sld [smem:$0x3FDB];
	s0 =	simm.s32 @p2 $0x1  }
0x17: {  	s4 =	simm.s32 $0x1BF5;
	[smem:$0x3FB3] =	sst s0  }
0x18: {  	s0 =	sld [smem:$0x3F96];
	_ =	swait.ge [sflag:s4], $0x0  }
0x19: {  	s7 =	sld [smem:$0x3F97]  }
0x1a: {  	s8 =	sadd.s32 $0xFFFFE003, lr  }
0x1b: {  	s9 =	sadd.s32 $0xFFFFFEF7, lr;
	s5 =	simm.s32 $0xFFFFFFFF;
	p2 =	slt.u32 s8, $0xFFFFF086  }
0x1c: {  	p1 =	slt.u32 s9, $0xF7A;
	s5 =	simm.s32 @!p2 $0x0  }
0x1d: {  	s5 =	simm.s32 @p1 $0x1;
	p0 =	seq.s32 s7, s2  }
0x1e: {  	s7 =	smul.u32 @!p0 $0xF7A, s2;
	p2 =	seq.s32 @!p0 s5, $0x0  }
0x1f: {  	s9 =	smul.u32 $0xF7A, s1;
	s8 =	simm.s32 @!p0 $0x1BF5;
	p2 =	por !p2, p0  }
0x20: {  	[sflag:s8] =	ssyncset.s32 @!p0 $0xFFFFF086;
	s6 =	sadd.s32 @!p0 s3, s7;
	s7 =	simm.s32 @!p0 $0x108  }
0x21: {  	s3 =	sadd.s32 s3, s9;
	s6 =	sadd.s32 @!p0 $0x88, s6;
	s7 =	simm.s32 @p2 $0x1082  }
0x22: {  	[simem:s7], [sflag:s8] =	dma.local @!p0 [hbm:s6], $0xF7A  }
0x23: {  	s9 =	sor.u32 $0xD0000000, s2;
	s6 =	simm.s32 $0x108;
	_ =	swait.ge @!p0 [sflag:s8], $0x0  }
0x24: {  	s3 =	sadd.s32 $0x88, s3;
	s6 =	simm.s32 @!p1 $0x1082;
	[sflag:s4] =	ssyncset.s32 $0xFFFFF086  }
0x25: {  	[simem:s6], [sflag:s4] =	dma.local [hbm:s3], $0xF7A  }
0x26: {  	[smem:$0x3F97] =	sst s1;
	(tag) =	ssettag s2;
	_ =	strace s9  }
0x27: {  	s1 =	sld [smem:$0x3FA7]  }
0x28: {  	s2 =	sld [smem:$0x3FA8]  }
0x29: {  	s4 =	sld [smem:$0x3FAA]  }
0x2a: {  	p0 =	seq.s32 s5, $0x0;
	s5 =	sld [smem:$0x3FAB]  }
0x2b: {  	s6 =	sld [smem:$0x3FAC]  }
0x2c: {  	s7 =	sld [smem:$0x3FAD]  }
0x2d: {  	s3 =	simm.s32 $0x108;
	s8 =	sld [smem:$0x3FAE]  }
0x2e: {  	s3 =	simm.s32 @!p0 $0x1082;
	s9 =	sld [smem:$0x3FAF]  }
0x2f: {  	lr =	sadd.s32 s0, s3;
	s0 =	sld [smem:$0x3FA6]  }
0x30: {  	s3 =	sld [smem:$0x3FA9]  }
0x31: {  	[smem:$0x3FB2] =	sst s10  }
0x32: {  	s10 =	sld [smem:$0x3FB0];
	_ =	sdelay $0x3  }
0x33: {  	p0 =	seq.s32 s10, $0x1;
	s10 =	sld [smem:$0x3FB2];
	_ =	sdelay $0x3  }
0x34: {  	[smem:$0x3FB2] =	sst s10  }
0x35: {  	s10 =	sld [smem:$0x3FB1];
	_ =	sdelay $0x3  }
0x36: {  	p1 =	seq.s32 s10, $0x1;
	s10 =	sld [smem:$0x3FB2];
	_ =	sdelay $0x3  }
0x37: {  	[smem:$0x3FB2] =	sst s10  }
0x38: {  	s10 =	sld [smem:$0x3FB3]  }
0x39: {  	_ = 	snop;
	(pc) =	sbr.ind lr, $3  }
0x3a: {  	_ = 	snop  }
0x3b: {  	_ = 	snop  }
0x3c: {  	p2 =	seq.s32 s10, $0x1;
	s10 =	sld [smem:$0x3FB2]  }
0x3d: {  	_ =	shalt  }
0x3e: {  	_ =	shalt  }
0x3f: {  	_ =	shalt  }
0x40: {  	_ =	shalt  }
0x41: {  	_ =	shalt  }
0x42: {  	_ =	shalt  }
0x43: {  	_ =	shalt  }
0x44: {  	_ =	shalt  }
0x45: {  	_ =	shalt  }
0x46: {  	_ =	shalt  }
0x47: {  	_ =	shalt  }
0x48: {  	_ =	shalt  }
0x49: {  	_ =	shalt  }
0x4a: {  	_ =	shalt  }
0x4b: {  	_ =	shalt  }
0x4c: {  	_ =	shalt  }
0x4d: {  	_ =	shalt  }
0x4e: {  	_ =	shalt  }
0x4f: {  	_ =	shalt  }
0x50: {  	_ =	shalt  }
0x51: {  	_ =	shalt  }
0x52: {  	_ =	shalt  }
0x53: {  	_ =	shalt  }
0x54: {  	_ =	shalt  }
0x55: {  	_ =	shalt  }
0x56: {  	_ =	shalt  }
0x57: {  	_ =	shalt  }
0x58: {  	_ =	shalt  }
0x59: {  	_ =	shalt  }
0x5a: {  	_ =	shalt  }
0x5b: {  	_ =	shalt  }
0x5c: {  	_ =	shalt  }
0x5d: {  	_ =	shalt  }
0x5e: {  	_ =	shalt  }
0x5f: {  	_ =	shalt  }
0x60: {  	_ =	shalt  }
0x61: {  	_ =	shalt  }
0x62: {  	_ =	shalt  }
0x63: {  	_ =	shalt  }
0x64: {  	_ =	shalt  }
0x65: {  	_ =	shalt  }
0x66: {  	_ =	shalt  }
0x67: {  	_ =	shalt  }
0x68: {  	_ =	shalt  }
0x69: {  	_ =	shalt  }
0x6a: {  	_ =	shalt  }
0x6b: {  	_ =	shalt  }
0x6c: {  	_ =	shalt  }
0x6d: {  	_ =	shalt  }
0x6e: {  	_ =	shalt  }
0x6f: {  	_ =	shalt  }
0x70: {  	_ =	shalt  }
0x71: {  	_ =	shalt  }
0x72: {  	_ =	shalt  }
0x73: {  	_ =	shalt  }
0x74: {  	_ =	shalt  }
0x75: {  	_ =	shalt  }
0x76: {  	_ =	shalt  }
0x77: {  	_ =	shalt  }
0x78: {  	_ =	shalt  }
0x79: {  	_ =	shalt  }
0x7a: {  	_ =	shalt  }
0x7b: {  	_ =	shalt  }
0x7c: {  	_ =	shalt  }
0x7d: {  	_ =	shalt  }
0x7e: {  	_ =	shalt  }
0x7f: {  	_ =	shalt  }
0x80: {  	_ =	shalt  }
0x81: {  	_ =	shalt  }
0x82: {  	_ =	shalt  }
0x83: {  	_ =	shalt  }
0x84: {  	_ =	shalt  }
0x85: {  	_ =	shalt  }
0x86: {  	_ =	shalt  }
0x87: {  	_ =	shalt  }
.Lfunc_end0:
.L_simem_size_0:
called_computation.1_lowered:
.L_overlay_start_0:
0x88: {  	s2 =	sld [smem:$0x3FD9]  }
0x89: {  	s3 =	sld [smem:$0x3FFE];
	_ =	sdelay $0x1  }
0x8a: {  	s1 =	srdreg.scid  }
0x8b: {  	s0 =	sand.u32 $0x1, s1  }
0x8c: {  	s15 =	sshll.u32 s0, $0xA;
	s2 =	sadd.s32 s3, s2  }
0x8d: {  	s2 =	sadd.s32 s2, s15  }
0x8e: {  	[smem:$0x3FBE] =	sst s2  }
0x8f: {  	_ = 	snop  }
0x90: {  	s16 =	sld [smem:$0x3FD0];
	(tm) =	ssettm $0x1  }
0x91: {  	s17 =	sld [smem:$0x3FFB];
	_ =	sdelay $0x3  }
0x92: {  	_ =	strace s17  }
0x93: {  	s2 =	sld [smem:$0x3FFC];
	_ =	sdelay $0x3  }
0x94: {  	_ =	strace s2  }
0x95: {  	s2 =	sld [smem:$0x3FFD];
	_ =	sdelay $0x3  }
0x96: {  	_ =	strace s2  }
0x97: {  	_ =	strace $0x8FFFFFFF  }
0x98: {  	s18 =	sld [smem:$0x3FDB];
	_ =	sdelay $0x1  }
0x99: {  	s4 =	simm.s32 $_scs_section_size  }
0x9a: {  	s5 =	simm.s32 $_size__tile_overlayer_lowered;
	s6 =	simm.s32 $_tile_overlayer_lowered  }
0x9b: {  	s7 =	simm.s32 $0x1BFF;
	s19 =	sshll.u32 s6, $0x1;
	s4 =	sadd.s32 s4, s18  }
0x9c: {  	s20 =	simm.s32 $0x0;
	s5 =	sshll.u32 s5, $0x1;
	s6 =	sadd.s32 s19, s4  }
0x9d: {  	[timem:s20], [sflag:s7] =	dma.local [hbm:s6], s5  }
0x9e: {  	_ =	swait.ge [sflag:s7], s5  }
0x9f: {  	s5 =	ssub.s32 $0x0, s5;
	[sflag:s7] =	ssyncset.done $0x0  }
0xa0: {  	[sflag:s7] =	ssyncadd.s32 s5;
	_ =	sdelay $0x1  }
0xa1: {  	s21 =	simm.s32 $0x1B8B  }
0xa2: {  	_ =	swait.ge [sflag:s21], $0x1  }
0xa3: {  	[sflag:s21] =	ssyncset.done $0x0  }
0xa4: {  	s22 =	sld [smem:$0x3FFE];
	[sflag:s21] =	ssyncadd.s32 $0xFFFFFFFF  }
0xa5: {  	s24 =	simm.s32 $0x1B8E;
	s23 =	sld [smem:$0x0]  }
0xa6: {  	s25 =	simm.s32 $execute0_lowered;
	[smem:$0x3FD2] =	sst s24  }
0xa7: {  	s7 =	sshll.u32 s25, $0x1;
	_ =	strace $0x80000055;
	[dreg:$0x1] =	wrdreg $0xFFFFFFFF  }
0xa8: {  	s8 =	simm.s32 $_size_execute0_lowered;
	s7 =	sadd.s32 s4, s7;
	[dreg:$0x0] =	wrdreg $0x0  }
0xa9: {  	s8 =	sshll.u32 s8, $0x1;
	[dreg:$0x2] =	wrdreg s7  }
0xaa: {  	[dreg:$0x3] =	wrdreg s8  }
0xab: {  	[dreg:$0x4] =	wrdreg $0xC0  }
0xac: {  	s26 =	simm.s32 $execute1_lowered;
	_ =	task [dreg:s20], $0x5FFFF  }
0xad: {  	s7 =	sshll.u32 s26, $0x1;
	[dreg:$0x1] =	wrdreg $0xFFFFFFFF  }
0xae: {  	s4 =	sadd.s32 s4, s7;
	[dreg:$0x0] =	wrdreg $0x60  }
0xaf: {  	[dreg:$0x2] =	wrdreg s4  }
0xb0: {  	[dreg:$0x3] =	wrdreg s16  }
0xb1: {  	[dreg:$0x4] =	wrdreg s22  }
0xb2: {  	[dreg:$0x5] =	wrdreg $0x9  }
0xb3: {  	_ =	task.clear_ibuf [dreg:s20], $0x6FFFF;
	_ =	strace $0x90000055  }
0xb4: {  	s28 =	simm.s32 $0x9;
	_ =	strace $0x80000057  }
0xb5: {  	_ =	swait.ge [sflag:s28], $0x1  }
0xb6: {  	[sflag:s28] =	ssyncadd.s32 $0xFFFFFFFF  }
0xb7: {  	_ =	strace $0x90000057  }
0xb8: {  	s3 =	sld [smem:$0x0]  }
0xb9: {  	s4 =	sand.u32 $0xFFFFFFFE, s1  }
0xba: {  	p0 =	sne.s32 s1, s4  }
0xbb: {  	s4 =	sshll.u32 @p0 s4, $0xE  }
0xbc: {  	s4 =	sadd.s32 @p0 $0x11BF3, s4;
	s7 =	sshll.u32 @p0 s3, $0x11  }
0xbd: {  	s4 =	sor.u32 @p0 s7, s4  }
0xbe: {  	[sflag:s4] =	ssyncadd.remote.s32 @p0 $0x1;
	_ =	sdelay $0x1  }
0xbf: {  	s4 =	simm.s32 @p0 $0x1BF3  }
0xc0: {  	_ =	swait.eq @p0 [sflag:s4], $0x1  }
0xc1: {  	[sflag:s4] =	ssyncadd.s32 @p0 $0xFFFFFFFF  }
0xc2: {  	s7 =	sshll.u32 @!p0 s1, $0xE  }
0xc3: {  	s7 =	sor.u32 @!p0 $0x4000, s7;
	s4 =	simm.s32 @!p0 $0x1BF3  }
0xc4: {  	s3 =	sshll.u32 @!p0 s3, $0x11;
	s7 =	sadd.s32 @!p0 $0x11BF3, s7;
	_ =	swait.eq @!p0 [sflag:s4], $0x1  }
0xc5: {  	s3 =	sor.u32 @!p0 s3, s7;
	[sflag:s4] =	ssyncadd.s32 @!p0 $0xFFFFFFFF  }
0xc6: {  	[sflag:s3] =	ssyncadd.remote.s32 @!p0 $0x1  }
0xc7: {  	_ =	strace $0x80000058;
	[dreg:$0x1] =	wrdreg $0xFFFFFFFF  }
0xc8: {  	[dreg:$0x0] =	wrdreg $0x2030  }
0xc9: {  	[dreg:$0x2] =	wrdreg s22  }
0xca: {  	[dreg:$0x3] =	wrdreg s1  }
0xcb: {  	[dreg:$0x4] =	wrdreg s23  }
0xcc: {  	[dreg:$0x5] =	wrdreg $0xA  }
0xcd: {  	_ =	task.clear_ibuf [dreg:s20], $0x6FFFF;
	_ =	strace $0x90000058  }
0xce: {  	s29 =	simm.s32 $0xA;
	_ =	strace $0x8000005A  }
0xcf: {  	_ =	swait.ge [sflag:s29], $0x1  }
0xd0: {  	[sflag:s29] =	ssyncadd.s32 $0xFFFFFFFF  }
0xd1: {  	_ =	strace $0x9000005A  }
0xd2: {  	_ =	sfence  }
0xd3: {  	s30 =	sld [smem:$0x0];
	_ =	sdelay $0x2  }
0xd4: {  	s31 =	sshll.u32 s1, $0xD;
	s1 =	sshrl.u32 s1, $0x2  }
0xd5: {  	s4 =	sand.u32 $0x4000, s31;
	s1 =	sadd.s32 s1, s30  }
0xd6: {  	s0 =	sor.u32 s4, s0;
	s1 =	sshll.u32 s1, $0x11  }
0xd7: {  	s0 =	sor.u32 s1, s0  }
0xd8: {  	s0 =	sadd.s32 $0x8F2B, s0  }
0xd9: {  	[sflag:s0] =	ssyncadd.remote.s32 $0x1  }
0xda: {  	_ =	sfence.sel $0xFFFF  }
0xdb: {  	[dreg:$0x0] =	wrdreg $0xFFFFFFFF;
	(pc) =	sbr.abs _section_cstart, $3  }
0xdc: {  	[dreg:$0x1] =	wrdreg $0xFFFFFFFF  }
0xdd: {  	_ =	task.clear_ibuf [dreg:s20], $0x2FFFF;
	_ =	strace $0x9FFFFFFF  }
0xde: {  	(tm) =	ssettm $0x7FFFFFFF  }
0xdf: {  	_ =	shalt  }
tec
execute0_lowered:
.L_overlay_start_1:
0x0: {  	(tag) =	ssettag $0x1  }
0x1: {  	s3 =	rddreg [dreg:$0x0]  }
0x2: {  	s2 =	rddreg [dreg:$0x1]  }
0x3: {  	s6 =	rddreg [dreg:$0x2]  }
0x4: {  	s4 =	stileid.u32;
	[bflag:$0x3] =	sbarrier.arrive $0xFFFF;
	s1 =	simm.s32 $_size_execute1_lowered  }
0x5: {  	s29 =	srdreg.scid;
	p0 =	sne.s32 s4, $0x0;
	s0 =	sshll.u32 s1, $0x1  }
0x6: {  	s5 =	simm.s32 @!p0 $0x1C3F;
	s7 =	simm.s32 @!p0 $0x4060;
	[dreg:$0x4] =	wrdreg s0  }
0x7: {  	[timem:s7], [sflag:s5] =	dma.local @!p0 [hbm:s3], s0  }
0x8: {  	s3 =	sshll.u32 s29, $0x6  }
0x9: {  	s4 =	sshll.u32 s4, $0x7;
	s3 =	sand.u32 $0x40, s3  }
0xa: {  	s3 =	sor.u32 s4, s3  }
0xb: {  	s8 =	simm.s32 $0x2;
	s11 =	simm.s32 $0x0;
	s30 =	ssub.s32 $0x1000, s3  }
.Ltmp0:
0xc: {  	s10 =	simm.s32 $0x0;
	s31 =	sand.u32 $0x7C0, s30;
	(pc) =	sbr.rel .LBB2_1-.Ltmp0, $4  }
0xd: {  	s7 =	simm.s32 $0x1;
	_ =	strace $0x80000056;
	p1 =	sne.s32 s31, $0x0  }
0xe: {  	s4 =	simm.s32 $0x1;
	s5 =	sshrl.u32 s30, $0xB;
	s7 =	simm.s32 @!p1 $0x0  }
0xf: {  	s6 =	sadd.s32 $0x44E000, s6;
	[sflag:s4] =	ssyncpa.u1 $0x0;
	s5 =	sadd.s32 s7, s5  }
0x10: {  	s9 =	smov.u32 s3;
	[sflag:s8] =	ssyncpa.u1 $0x0;
	s7 =	sadd.s32 $0x1, s5  }
.LBB2_4:
0x11: {  	_ =	sdelay $0x3  }
0x12: {  	[tilespmem:v1+s22+$0x0 ss:$0x1] =	vst.idx.msk $0xffff, v7  }
0x13: {  	s0 =	sor.u32 s24, s23;
	v46 =	vld.idx.msk [tilespmem:v0+s14+$0x0 ss:$0x1], $0xffff;
	[tilespmem:v1+s20+$0x0 ss:$0x1] =	vst.idx.msk $0xffff, v6  }
0x14: {  	v47 =	vld.idx.msk [tilespmem:v0+s13+$0x0 ss:$0x1], $0xffff;
	[tilespmem:v1+s15+$0x0 ss:$0x1] =	vst.idx.msk $0xffff, v4;
	s29 =	sor.u32 $0x410, s0  }
0x15: {  	[tilespmem:v1+s19+$0x0 ss:$0x1] =	vst.idx.msk $0xffff, v3;
	s22 =	sor.u32 $0x420, s0;
	v48 =	vld.idx.msk [tilespmem:v0+s29+$0x0 ss:$0x1], $0xffff  }
0x16: {  	[tilespmem:v1+s17+$0x0 ss:$0x1] =	vst.idx.msk $0xffff, v2;
	s23 =	sor.u32 $0x430, s0;
	v58 =	vld.idx.msk [tilespmem:v0+s22+$0x0 ss:$0x1], $0xffff  }
0x17: {  	[tilespmem:v1+s16+$0x0 ss:$0x1] =	vst.idx.msk $0xffff, v5;
	s24 =	sor.u32 $0x440, s0;
	v59 =	vld.idx.msk [tilespmem:v0+s23+$0x0 ss:$0x1], $0xffff  }
0x18: {  	s25 =	sor.u32 $0x450, s0;
	v60 =	vld.idx.msk [tilespmem:v0+s24+$0x0 ss:$0x1], $0xffff;
	[tilespmem:v1+s14+$0x0 ss:$0x1] =	vst.idx.msk $0xffff, v46  }
0x19: {  	s1 =	sand.u32 $0x80, s18;
	s8 =	sand.u32 $0x3B00, s0;
	s26 =	sor.u32 $0x460, s0;
	v61 =	vld.idx.msk [tilespmem:v0+s25+$0x0 ss:$0x1], $0xffff;
	[tilespmem:v1+s13+$0x0 ss:$0x1] =	vst.idx.msk $0xffff, v47  }
0x1a: {  	s1 =	sor.u32 s1, s8;
	v62 =	vld.idx.msk [tilespmem:v0+s26+$0x0 ss:$0x1], $0xffff;
	[tilespmem:v1+s29+$0x0 ss:$0x1] =	vst.idx.msk $0xffff, v48  }
0x1b: {  	s0 =	sor.u32 $0x470, s0;
	v49 =	vld.idx.msk [tilespmem:v0+s1+$0x0 ss:$0x1], $0xffff;
	[tilespmem:v1+s22+$0x0 ss:$0x1] =	vst.idx.msk $0xffff, v58  }
0x1c: {  	v63 =	vld.idx.msk [tilespmem:v0+s0+$0x0 ss:$0x1], $0xffff;
	s8 =	sor.u32 $0x400, s1;
	[tilespmem:v1+s23+$0x0 ss:$0x1] =	vst.idx.msk $0xffff, v59  }
0x1d: {  	s30 =	sor.u32 $0x10, s1;
	v50 =	vld.idx.msk [tilespmem:v0+s8+$0x0 ss:$0x1], $0xffff;
	[tilespmem:v1+s24+$0x0 ss:$0x1] =	vst.idx.msk $0xffff, v60  }
0x1e: {  	s31 =	sor.u32 $0x20, s1;
	v51 =	vld.idx.msk [tilespmem:v0+s30+$0x0 ss:$0x1], $0xffff;
	[tilespmem:v1+s25+$0x0 ss:$0x1] =	vst.idx.msk $0xffff, v61  }
0x1f: {  	s17 =	sor.u32 $0x30, s1;
	s19 =	sor.u32 $0x40, s1;
	v52 =	vld.idx.msk [tilespmem:v0+s31+$0x0 ss:$0x1], $0xffff;
	[tilespmem:v1+s26+$0x0 ss:$0x1] =	vst.idx.msk $0xffff, v62  }
0x20: {  	s20 =	sor.u32 $0x50, s1;
	s21 =	sor.u32 $0x60, s1;
	v53 =	vld.idx.msk [tilespmem:v0+s17+$0x0 ss:$0x1], $0xffff;
	[tilespmem:v1+s1+$0x0 ss:$0x1] =	vst.idx.msk $0xffff, v49;
	s1 =	sor.u32 $0x70, s1  }
0x21: {  	[tilespmem:v1+s0+$0x0 ss:$0x1] =	vst.idx.msk $0xffff, v63;
	v57 =	vld.idx.msk [tilespmem:v0+s1+$0x0 ss:$0x1], $0xffff  }
0x22: {  	v54 =	vld.idx.msk [tilespmem:v0+s19+$0x0 ss:$0x1], $0xffff;
	[tilespmem:v1+s8+$0x0 ss:$0x1] =	vst.idx.msk $0xffff, v50  }
0x23: {  	v55 =	vld.idx.msk [tilespmem:v0+s20+$0x0 ss:$0x1], $0xffff;
	[tilespmem:v1+s30+$0x0 ss:$0x1] =	vst.idx.msk $0xffff, v51  }
0x24: {  	v56 =	vld.idx.msk [tilespmem:v0+s21+$0x0 ss:$0x1], $0xffff;
	[tilespmem:v1+s31+$0x0 ss:$0x1] =	vst.idx.msk $0xffff, v52  }
0x25: {  	s28 =	sshll.u32 s11, $0x8;
	s29 =	sshll.u32 s11, $0x7;
	[tilespmem:v1+s17+$0x0 ss:$0x1] =	vst.idx.msk $0xffff, v53  }
0x26: {  	s8 =	sand.u32 $0x380, s29;
	[tilespmem:v1+s1+$0x0 ss:$0x1] =	vst.idx.msk $0xffff, v57;
	s1 =	sand.u32 $0xFF800, s28  }
0x27: {  	[tilespmem:v1+s19+$0x0 ss:$0x1] =	vst.idx.msk $0xffff, v54;
	s1 =	sor.u32 s8, s1  }
0x28: {  	[tilespmem:v1+s20+$0x0 ss:$0x1] =	vst.idx.msk $0xffff, v55;
	s1 =	sshrl.u32 s1, $0x3  }
0x29: {  	[tilespmem:v1+s21+$0x0 ss:$0x1] =	vst.idx.msk $0xffff, v56;
	s31 =	simm.s32 $0x0;
	s30 =	sadd.s32 s6, s1  }
0x2a: {  	[hbm4b:s30+s31] =	stream.linear.scatter [tilespmem:s12], [sflag:$0x2], $0x4000, $0x38;
	[tilespmem:$0x10000] =	vst v63  }
.LBB2_5:
0x2b: {  	s1 =	sadd.s32 $0x800, s9  }
0x2c: {  	p2 =	sgt.s32 s1, $0xFFF  }
0x2d: {  	s1 =	smov.u32 @p2 s3;
	p2 =	sne.s32 s10, s7  }
.Ltmp1:
0x2e: {  	p1 =	slt.u32 s10, $0x2;
	(pc) =	sbr.rel @!p2 .LBB2_6-.Ltmp1, $4  }
0x2f: {  	s0 =	simm.s32 @!p1 $0x2  }
0x30: {  	_ =	swait.ge @!p1 [sflag:s0], $0x4000  }
0x31: {  	s8 =	sadd.s32 $0x1, s10;
	s11 =	smov.u32 s9;
	[sflag:s0] =	ssyncset.done @!p1 $0x0  }
0x32: {  	s10 =	smov.u32 s8;
	s9 =	smov.u32 s1;
	[sflag:s0] =	ssyncadd.s32 @!p1 $0xFFFFC000  }
.LBB2_1:
0x33: {  	p1 =	sge.u32 s10, s5  }
0x34: {  	s12 =	sshll.u32 @!p1 s9, $0x8;
	s13 =	sshll.u32 @!p1 s9, $0x7  }
0x35: {  	s12 =	sand.u32 @!p1 $0xFF800, s12;
	s13 =	sand.u32 @!p1 $0x380, s13  }
0x36: {  	s14 =	sxor.u32 @!p1 $0xFFFFFFFF, s10;
	s12 =	sor.u32 @!p1 s13, s12  }
0x37: {  	s31 =	sadd.s32 $0xFFFFFFFF, s10;
	s13 =	sshll.u32 @!p1 s14, $0xE;
	s12 =	sshrl.u32 @!p1 s12, $0x3  }
0x38: {  	s14 =	simm.s32 @!p1 $0x0;
	s13 =	sand.u32 @!p1 $0x4000, s13;
	s12 =	sadd.s32 @!p1 s2, s12  }
0x39: {  	[tilespmem:s13], [sflag:$0x1] =	stream.linear.gather @!p1 [hbm4b:s12+s14], $0x4000, $0x38;
	[tilespmem:$0x10000] =	vst v63  }
0x3a: {  	p1 =	sge.u32 s31, s5  }
.Ltmp2:
0x3b: {  	_ = 	snop;
	(pc) =	sbr.rel @p1 .LBB2_5-.Ltmp2, $1  }
0x3c: {  	_ =	sdelay $0x3  }
0x3d: {  	s12 =	sshll.u32 s10, $0xE  }
0x3e: {  	s12 =	sand.u32 $0x4000, s12  }
0x3f: {  	v0 =	vmov s12  }
0x40: {  	s13 =	simm.s32 $0x0  }
0x41: {  	_ =	swait.ge [sflag:s4], $0x4000;
	s14 =	sand.u32 $0x3800, s13;
	s15 =	sand.u32 $0x380, s13  }
0x42: {  	[sflag:s4] =	ssyncset.done $0x0;
	s13 =	sand.u32 $0x80, s13;
	s18 =	sor.u32 s15, s14  }
0x43: {  	[sflag:s4] =	ssyncadd.s32 $0xFFFFC000;
	s14 =	sand.u32 $0x3B00, s18;
	s15 =	sor.u32 $0x410, s18  }
0x44: {  	s12 =	sor.u32 $0x8000, s12;
	s13 =	sor.u32 s13, s14;
	v2 =	vld.idx.msk [tilespmem:v0+s15+$0x0 ss:$0x1], $0xffff  }
0x45: {  	v1 =	vmov s12;
	s14 =	sor.u32 $0x400, s13;
	v3 =	vld.idx.msk [tilespmem:v0+s13+$0x0 ss:$0x1], $0xffff  }
0x46: {  	s16 =	sor.u32 $0x10, s13;
	v4 =	vld.idx.msk [tilespmem:v0+s14+$0x0 ss:$0x1], $0xffff  }
0x47: {  	s17 =	sor.u32 $0x20, s13;
	v5 =	vld.idx.msk [tilespmem:v0+s16+$0x0 ss:$0x1], $0xffff  }
0x48: {  	s21 =	sor.u32 $0x30, s13;
	v8 =	vld.idx.msk [tilespmem:v0+s17+$0x0 ss:$0x1], $0xffff  }
0x49: {  	s23 =	sor.u32 $0x40, s13;
	v9 =	vld.idx.msk [tilespmem:v0+s21+$0x0 ss:$0x1], $0xffff  }
0x4a: {  	s25 =	sor.u32 $0x50, s13;
	v10 =	vld.idx.msk [tilespmem:v0+s23+$0x0 ss:$0x1], $0xffff;
	[tilespmem:v1+s15+$0x0 ss:$0x1] =	vst.idx.msk $0xffff, v2  }
0x4b: {  	s22 =	sor.u32 $0x60, s13;
	v11 =	vld.idx.msk [tilespmem:v0+s25+$0x0 ss:$0x1], $0xffff;
	[tilespmem:v1+s13+$0x0 ss:$0x1] =	vst.idx.msk $0xffff, v3  }
0x4c: {  	s20 =	sor.u32 $0x70, s13;
	v7 =	vld.idx.msk [tilespmem:v0+s22+$0x0 ss:$0x1], $0xffff;
	[tilespmem:v1+s14+$0x0 ss:$0x1] =	vst.idx.msk $0xffff, v4  }
0x4d: {  	s19 =	sor.u32 $0x430, s18;
	v6 =	vld.idx.msk [tilespmem:v0+s20+$0x0 ss:$0x1], $0xffff;
	[tilespmem:v1+s16+$0x0 ss:$0x1] =	vst.idx.msk $0xffff, v5  }
0x4e: {  	s15 =	sor.u32 $0x420, s18;
	[tilespmem:v1+s17+$0x0 ss:$0x1] =	vst.idx.msk $0xffff, v8;
	v3 =	vld.idx.msk [tilespmem:v0+s19+$0x0 ss:$0x1], $0xffff  }
0x4f: {  	s24 =	simm.s32 $0x100;
	s17 =	sor.u32 $0x440, s18;
	s16 =	sor.u32 $0x450, s18;
	[tilespmem:v1+s21+$0x0 ss:$0x1] =	vst.idx.msk $0xffff, v9;
	v4 =	vld.idx.msk [tilespmem:v0+s15+$0x0 ss:$0x1], $0xffff  }
0x50: {  	s14 =	sor.u32 $0x460, s18;
	s13 =	sor.u32 $0x470, s18;
	[tilespmem:v1+s23+$0x0 ss:$0x1] =	vst.idx.msk $0xffff, v10;
	s18 =	simm.s32 $0x80;
	v2 =	vld.idx.msk [tilespmem:v0+s17+$0x0 ss:$0x1], $0xffff  }
0x51: {  	s23 =	sand.u32 $0x3800, s24;
	s21 =	simm.s32 $0x200;
	[tilespmem:v1+s25+$0x0 ss:$0x1] =	vst.idx.msk $0xffff, v11;
	s24 =	sand.u32 $0x380, s18;
	v5 =	vld.idx.msk [tilespmem:v0+s16+$0x0 ss:$0x1], $0xffff  }
.LBB2_3:
0x52: {  	p1 =	sne.s32 s21, $0x3F00;
	s23 =	sor.u32 s24, s23;
	[tilespmem:v1+s22+$0x0 ss:$0x1] =	vst.idx.msk $0xffff, v7;
	v7 =	vld.idx.msk [tilespmem:v0+s14+$0x0 ss:$0x1], $0xffff  }
0x53: {  	s22 =	sand.u32 $0x80, s18;
	s24 =	sand.u32 $0x3B00, s23;
	s25 =	sor.u32 $0x410, s23;
	[tilespmem:v1+s20+$0x0 ss:$0x1] =	vst.idx.msk $0xffff, v6;
	v6 =	vld.idx.msk [tilespmem:v0+s13+$0x0 ss:$0x1], $0xffff  }
0x54: {  	s26 =	sor.u32 $0x430, s23;
	s24 =	sor.u32 s22, s24;
	v8 =	vld.idx.msk [tilespmem:v0+s25+$0x0 ss:$0x1], $0xffff;
	[tilespmem:v1+s15+$0x0 ss:$0x1] =	vst.idx.msk $0xffff, v4;
	s15 =	sor.u32 $0x420, s23  }
0x55: {  	v4 =	vld.idx.msk [tilespmem:v0+s24+$0x0 ss:$0x1], $0xffff;
	s28 =	sor.u32 $0x10, s24;
	s29 =	sor.u32 $0x20, s24;
	s30 =	sor.u32 $0x400, s24;
	[tilespmem:v1+s19+$0x0 ss:$0x1] =	vst.idx.msk $0xffff, v3  }
0x56: {  	s31 =	sor.u32 $0x30, s24;
	s0 =	sor.u32 $0x40, s24;
	s1 =	sor.u32 $0x50, s24;
	v3 =	vld.idx.msk [tilespmem:v0+s30+$0x0 ss:$0x1], $0xffff;
	[tilespmem:v1+s17+$0x0 ss:$0x1] =	vst.idx.msk $0xffff, v2  }
0x57: {  	s22 =	sor.u32 $0x60, s24;
	s20 =	sor.u32 $0x70, s24;
	s17 =	sor.u32 $0x440, s23;
	v2 =	vld.idx.msk [tilespmem:v0+s28+$0x0 ss:$0x1], $0xffff;
	[tilespmem:v1+s16+$0x0 ss:$0x1] =	vst.idx.msk $0xffff, v5  }
0x58: {  	s8 =	sor.u32 $0x470, s23;
	s16 =	sor.u32 $0x450, s23;
	v5 =	vld.idx.msk [tilespmem:v0+s29+$0x0 ss:$0x1], $0xffff;
	[tilespmem:v1+s14+$0x0 ss:$0x1] =	vst.idx.msk $0xffff, v7;
	s14 =	sor.u32 $0x460, s23  }
0x59: {  	s19 =	smov.u32 s26;
	v9 =	vld.idx.msk [tilespmem:v0+s31+$0x0 ss:$0x1], $0xffff;
	[tilespmem:v1+s13+$0x0 ss:$0x1] =	vst.idx.msk $0xffff, v6;
	s13 =	smov.u32 s8  }
0x5a: {  	v10 =	vld.idx.msk [tilespmem:v0+s0+$0x0 ss:$0x1], $0xffff;
	[tilespmem:v1+s25+$0x0 ss:$0x1] =	vst.idx.msk $0xffff, v8  }
0x5b: {  	[tilespmem:v1+s24+$0x0 ss:$0x1] =	vst.idx.msk $0xffff, v4;
	v8 =	vld.idx.msk [tilespmem:v0+s1+$0x0 ss:$0x1], $0xffff  }
0x5c: {  	v7 =	vld.idx.msk [tilespmem:v0+s22+$0x0 ss:$0x1], $0xffff;
	[tilespmem:v1+s30+$0x0 ss:$0x1] =	vst.idx.msk $0xffff, v3  }
.Ltmp3:
0x5d: {  	[tilespmem:v1+s28+$0x0 ss:$0x1] =	vst.idx.msk $0xffff, v2;
	v6 =	vld.idx.msk [tilespmem:v0+s20+$0x0 ss:$0x1], $0xffff;
	(pc) =	sbr.rel @p1 .LBB2_3-.Ltmp3, $4  }
0x5e: {  	[tilespmem:v1+s29+$0x0 ss:$0x1] =	vst.idx.msk $0xffff, v5;
	v4 =	vld.idx.msk [tilespmem:v0+s15+$0x0 ss:$0x1], $0xffff  }
0x5f: {  	[tilespmem:v1+s31+$0x0 ss:$0x1] =	vst.idx.msk $0xffff, v9;
	v3 =	vld.idx.msk [tilespmem:v0+s19+$0x0 ss:$0x1], $0xffff  }
0x60: {  	s18 =	sadd.s32 $0x80, s18;
	[tilespmem:v1+s0+$0x0 ss:$0x1] =	vst.idx.msk $0xffff, v10;
	v2 =	vld.idx.msk [tilespmem:v0+s17+$0x0 ss:$0x1], $0xffff  }
0x61: {  	s23 =	sand.u32 $0x3800, s21;
	s21 =	sadd.s32 $0x100, s21;
	s24 =	sand.u32 $0x380, s18;
	[tilespmem:v1+s1+$0x0 ss:$0x1] =	vst.idx.msk $0xffff, v8;
	v5 =	vld.idx.msk [tilespmem:v0+s16+$0x0 ss:$0x1], $0xffff  }
.Ltmp4:
0x62: {  	_ = 	snop;
	(pc) =	sbr.rel .LBB2_4-.Ltmp4, $1  }
0x63: {  	_ =	sdelay $0x3  }
.LBB2_6:
0x64: {  	_ =	sfence.sel $0x180000  }
0x65: {  	s0 =	simm.s32 $0x1;
	[bflag:$0x0] =	sbarrier.arrive $0xFFFF  }
0x66: {  	s31 =	simm.s32 $0x2;
	[sflag:s0] =	ssyncpa.u1 $0x1  }
0x67: {  	[sflag:s31] =	ssyncpa.u1 $0x1  }
0x68: {  	_ =	strace $0x90000056  }
0x69: {  	[bflag:$0x2] =	sbarrier.arrive $0xFFFF  }
0x6a: {  	s0 =	rddreg [dreg:$0x3]  }
0x6b: {  	s0 =	sadd.s32 @!p0 $0x100000, s0  }
0x6c: {  	s1 =	rddreg [dreg:$0x4];
	[sflag:s0] =	ssyncadd.tile.s32 @!p0 $0x1;
	s0 =	simm.s32 @!p0 $0x3F  }
0x6d: {  	_ =	swait.ge @!p0 [sflag:s0], s1  }
0x6e: {  	s1 =	ssub.s32 @!p0 $0x0, s1;
	[sflag:s0] =	ssyncset.done @!p0 $0x0  }
0x6f: {  	[sflag:s0] =	ssyncadd.s32 @!p0 s1  }
0x70: {  	[bflag:$0x3] =	sbarrier.arrive $0xFFFF  }
0x71: {  	_ =	shalt  }
.Lfunc_end2:
execute1_lowered:
.L_overlay_start_2:
0x72: {  	(tag) =	ssettag $0x2  }
0x73: {  	s2 =	rddreg [dreg:$0x0]  }
0x74: {  	s3 =	rddreg [dreg:$0x1];
	_ =	strace $0x80000059;
	s0 =	simm.s32 $0x1  }
0x75: {  	s9 =	simm.s32 $0x208;
	v0 =	vimm.s32 $0x0;
	[sflag:s0] =	ssyncpa.u1 $0x0  }
0x76: {  	[tilespmem:s9+$0x70] =	vst v0  }
0x77: {  	[tilespmem:s9+$0x60] =	vst v0  }
0x78: {  	[tilespmem:s9+$0x50] =	vst v0  }
0x79: {  	[tilespmem:s9+$0x40] =	vst v0  }
0x7a: {  	s1 =	sadd.s32 $0x44E000, s2;
	s0 =	sadd.s32 $0x16000, s2;
	[tilespmem:s9+$0x30] =	vst v0  }
0x7b: {  	s6 =	sadd.s32 $0x4E000, s2;
	s3 =	sand.u32 $0x1, s3;
	s4 =	sadd.s32 $0x1A000, s2;
	[tilespmem:s9+$0x20] =	vst v0  }
0x7c: {  	s2 =	simm.s32 $0x40;
	[dreg:$0x4] =	wrdreg s3;
	s5 =	sshll.u32 s3, $0xD;
	[tilespmem:s9+$0x10] =	vst v0  }
.LBB3_1:
0x7d: {  	s2 =	sadd.s32 $0x40, s2;
	[tilespmem:s9+$0x0] =	vst v0;
	s9 =	sadd.s32 $0x80, s9  }
0x7e: {  	p0 =	slt.u32 s2, $0x3880;
	[tilespmem:s9+$0x70] =	vst v0  }
0x7f: {  	[tilespmem:s9+$0x60] =	vst v0  }
.Ltmp5:
0x80: {  	[tilespmem:s9+$0x50] =	vst v0;
	(pc) =	sbr.rel @p0 .LBB3_1-.Ltmp5, $4  }
0x81: {  	[tilespmem:s9+$0x40] =	vst v0  }
0x82: {  	[tilespmem:s9+$0x30] =	vst v0  }
0x83: {  	[tilespmem:s9+$0x20] =	vst v0  }
0x84: {  	[tilespmem:s9+$0x10] =	vst v0  }
0x85: {  	s11 =	stileid.u32  }
0x86: {  	s2 =	smul.u32 $0x24, s11  }
0x87: {  	s3 =	smin.u32 s11, $0xA  }
0x88: {  	s2 =	sadd.s32 s3, s2  }
0x89: {  	p0 =	slt.u32 s11, $0xA;
	s20 =	smul.u32 $0x70, s2;
	s2 =	simm.s32 $0x1030  }
0x8a: {  	s2 =	simm.s32 @!p0 $0xFC0  }
0x8b: {  	s2 =	sadd.s32 s2, s20  }
0x8c: {  	s8 =	smin.u32 s2, $0x10000  }
0x8d: {  	s2 =	ssub.s32 s8, s20  }
0x8e: {  	s28 =	simm.s32 $0x2;
	p0 =	sgt.s32 s2, $0x0  }
0x8f: {  	s10 =	simm.s32 $0x9;
	s30 =	simm.s32 $0xA;
	s2 =	simm.s32 @!p0 $0x0  }
0x90: {  	s31 =	simm.s32 $0xB;
	s12 =	simm.s32 $0x1;
	s26 =	smulhi.u32 $0x92492493, s2  }
0x91: {  	s14 =	sadd.s32 s5, s4;
	s15 =	sadd.s32 s5, s0;
	s24 =	simm.s32 $0x0  }
0x92: {  	p1 =	por $0x0, $0x0;
	s18 =	simm.s32 $0x80;
	s3 =	sshrl.u32 s26, $0x6  }
0x93: {  	s19 =	simm.s32 $0x400;
	s17 =	simm.s32 $0xC;
	s29 =	smul.u32 $0x70, s3  }
.Ltmp6:
0x94: {  	[tilespmem:s9+$0x0] =	vst v0;
	v0 =	vimm.s32 $0xFFFFFFFF;
	s21 =	simm.s32 $0x0;
	[sflag:s28] =	ssyncpa.u1 $0x0;
	(pc) =	sbr.rel .LBB3_3-.Ltmp6, $4  }
0x95: {  	[tilespmem:$0xE408] =	vst v0;
	[sflag:s10] =	ssyncpa.u1 $0x0;
	p0 =	sne.s32 s2, s29;
	s2 =	simm.s32 $0x1  }
0x96: {  	s23 =	simm.s32 $0x0;
	[sflag:s30] =	ssyncpa.u1 $0x0;
	s2 =	simm.s32 @!p0 $0x0  }
0x97: {  	s16 =	sshll.u32 s11, $0x9;
	[sflag:s31] =	ssyncpa.u1 $0x0;
	s13 =	sadd.s32 s2, s3  }
0x98: {  	v0 =	vlaneseq.u32;
	s22 =	smov.u32 s20;
	p0 =	por $0x1, $0x1;
	s11 =	sadd.s32 $0x1, s13  }
.LBB3_24:
0x99: {  	s2 =	sshrl.u32 s4, $0x2  }
.LBB3_26:
0x9a: {  	_ =	swait.ge [sflag:s17], s2  }
0x9b: {  	s31 =	ssub.s32 $0x0, s2;
	v1 =	vmov s26;
	vm0 =	veq.s32 v0, $0x0;
	[sflag:s17] =	ssyncset.done $0x0  }
0x9c: {  	vm15 =	veq.s32 v0, $0x2;
	v1 =	vsel vm0, s0, v1;
	[sflag:s17] =	ssyncadd.s32 s31  }
0x9d: {  	v1 =	vsel vm15, s24, v1;
	[sflag:s17] =	ssyncpa.u1 $0x1  }
0x9e: {  	[tilespmem:$0xE408] =	vst v1  }
.LBB3_27:
0x9f: {  	s0 =	sadd.s32 $0x70, s22  }
0xa0: {  	s2 =	smov.u32 s20;
	p2 =	slt.s32 s0, s8  }
0xa1: {  	s2 =	smov.u32 @p2 s0;
	p2 =	sne.s32 s23, s11  }
.Ltmp7:
0xa2: {  	_ = 	snop;
	(pc) =	sbr.rel @!p2 .LBB3_28-.Ltmp7, $4  }
0xa3: {  	_ = 	snop  }
0xa4: {  	s24 =	smov.u32 s21  }
0xa5: {  	s31 =	sadd.s32 $0x1, s23;
	s21 =	smov.u32 s22;
	p0 =	por !p0, !p0  }
0xa6: {  	p1 =	por !p1, !p1;
	s23 =	smov.u32 s31;
	s22 =	smov.u32 s2  }
.LBB3_3:
0xa7: {  	p2 =	sge.u32 s23, s13  }
0xa8: {  	s0 =	smulhi.u32 @!p2 $0xAAAAAAAB, s23  }
0xa9: {  	s2 =	smov.u32 s22;
	p3 =	sgt.s32 @!p2 s22, $0xFF90  }
0xaa: {  	s3 =	sshra.s32 @!p2 s22, $0x1F;
	p3 =	por !p3, p2;
	s0 =	sshrl.u32 @!p2 s0, $0x1  }
0xab: {  	s3 =	sand.u32 @!p2 s3, s22;
	s2 =	simm.s32 @p3 $0xFF90;
	s0 =	smul.u32 @!p2 $0x3, s0  }
0xac: {  	s2 =	ssub.s32 @!p2 s2, s3  }
0xad: {  	s2 =	sadd.s32 @!p2 $0xFFFF0070, s2;
	s0 =	ssub.s32 @!p2 s23, s0  }
0xae: {  	s3 =	sshll.u32 @!p2 s2, $0x2;
	p3 =	sgt.s32 @!p2 s2, $0x6F;
	s0 =	smul.u32 @!p2 $0x1C0, s0  }
0xaf: {  	s4 =	sand.u32 @!p2 $0x7, s22;
	s2 =	ssub.s32 @!p2 $0x1C0, s3;
	p3 =	por !p3, p2  }
0xb0: {  	s3 =	sshrl.u32 @!p2 s22, $0x3;
	s2 =	sshrl.u32 @!p2 s2, $0x2;
	s0 =	sshrl.u32 @!p2 s0, $0x2  }
0xb1: {  	s3 =	sadd.s32 @!p2 s3, s14;
	s2 =	simm.s32 @!p3 $0x0;
	s0 =	sadd.s32 @!p2 $0x10448, s0  }
0xb2: {  	[tilespmem:s0], [sflag:$0xA] =	stream.linear.gather @!p2 [hbm4b:s3+s4], s2, $0x38;
	[tilespmem:$0x1E678] =	vst v63  }
0xb3: {  	s2 =	sadd.s32 $0xFFFFFFFF, s23  }
0xb4: {  	p2 =	sge.u32 s2, s13  }
0xb5: {  	p3 =	sgt.s32 @!p2 s21, $0xFF90  }
0xb6: {  	s0 =	smov.u32 s21;
	s3 =	sshra.s32 @!p2 s21, $0x1F;
	p3 =	por !p3, p2  }
0xb7: {  	s3 =	sand.u32 @!p2 s3, s21;
	s0 =	simm.s32 @p3 $0xFF90  }
0xb8: {  	s0 =	ssub.s32 @!p2 s0, s3  }
0xb9: {  	s0 =	sadd.s32 @!p2 $0xFFFF0070, s0  }
0xba: {  	s3 =	sshll.u32 @!p2 s0, $0x2  }
0xbb: {  	p3 =	sgt.s32 @!p2 s0, $0x6F;
	s0 =	ssub.s32 @!p2 $0x1C0, s3  }
0xbc: {  	p3 =	por !p3, p2;
	s0 =	sshrl.u32 @!p2 s0, $0x2  }
0xbd: {  	s4 =	simm.s32 @!p2 $0xA;
	s3 =	sand.u32 @!p2 $0x1, s2;
	s0 =	simm.s32 @!p3 $0x0  }
0xbe: {  	s3 =	smul.u32 @!p2 $0x1C0, s3;
	_ =	swait.ge @!p2 [sflag:s4], s0  }
0xbf: {  	s5 =	ssub.s32 @!p2 $0x0, s0;
	[sflag:s4] =	ssyncset.done @!p2 $0x0  }
0xc0: {  	s3 =	sshrl.u32 @!p2 s3, $0x2;
	[sflag:s4] =	ssyncadd.s32 @!p2 s5;
	s4 =	sshrl.u32 @!p2 s21, $0x3  }
0xc1: {  	s3 =	sadd.s32 @!p2 $0x10598, s3;
	s5 =	sand.u32 @!p2 $0x7, s21;
	s4 =	sadd.s32 @!p2 s4, s15  }
0xc2: {  	[tilespmem:s3], [sflag:$0xB] =	stream.linear.gather @!p2 [hbm4b:s4+s5], s0, $0x38;
	[tilespmem:$0x1E678] =	vst v63  }
0xc3: {  	s0 =	ssub.s32 @!p2 $0x10000, s21  }
0xc4: {  	p3 =	slt.s32 @!p2 s0, $0x1  }
0xc5: {  	p3 =	por p2, p3  }
.Ltmp8:
0xc6: {  	_ = 	snop;
	(pc) =	sbr.rel @p3 .LBB3_9-.Ltmp8, $1  }
0xc7: {  	_ =	sdelay $0x3  }
0xc8: {  	s3 =	smulhi.u32 $0xAAAAAAAB, s2;
	_ =	sdelay $0x1  }
0xc9: {  	s3 =	sshrl.u32 s3, $0x1  }
0xca: {  	s3 =	smul.u32 $0x3, s3;
	_ =	sdelay $0x1  }
0xcb: {  	s30 =	ssub.s32 s2, s3  }
0xcc: {  	s4 =	simm.s32 $0x1;
	s2 =	smul.u32 $0x1C0, s30  }
.Ltmp9:
0xcd: {  	s4 =	simm.s32 @!p0 $0x0;
	(pc) =	sbr.rel .LBB3_6-.Ltmp9, $4  }
0xce: {  	s31 =	smul.u32 $0x1C000, s4  }
0xcf: {  	p3 =	slt.s32 @!p2 s0, $0x70;
	s2 =	sshrl.u32 s2, $0x2  }
0xd0: {  	p2 =	por !p3, p2;
	s3 =	sshrl.u32 s31, $0x2;
	s5 =	sadd.s32 $0x10448, s2  }
0xd1: {  	s0 =	simm.s32 @p2 $0x70;
	s4 =	sor.u32 $0x10678, s3;
	s2 =	simm.s32 $0x0;
	v1 =	vmov s5  }
.LBB3_5:
0xd2: {  	p2 =	sge.s32 s2, s0  }
.Ltmp10:
0xd3: {  	_ = 	snop;
	(pc) =	sbr.rel @p2 .LBB3_9-.Ltmp10, $2  }
0xd4: {  	_ =	sdelay $0x2  }
0xd5: {  	s4 =	sadd.s32 $0x1000, s4  }
.LBB3_6:
0xd6: {  	p2 =	sle.s32 s0, s2  }
.Ltmp11:
0xd7: {  	_ = 	snop;
	(pc) =	sbr.rel @p2 .LBB3_5-.Ltmp11, $2  }
0xd8: {  	_ =	sdelay $0x2  }
0xd9: {  	s5 =	smov.u32 s2;
	s2 =	sadd.s32 $0x10, s2  }
0xda: {  	s3 =	ssub.s32 s0, s5  }
0xdb: {  	p2 =	slt.s32 s3, $0x10  }
0xdc: {  	s3 =	simm.s32 @!p2 $0x10  }
0xdd: {  	v2 =	vmov s3  }
0xde: {  	vm0 =	vgt.s32 v2, v0;
	_ =	sdelay $0x5  }
0xdf: {  	v2 =	vld.idx.msk [tilespmem:v1+s5+$0x0 ss:$0x1], vm0;
	_ =	sdelay $0x2  }
0xe0: {  	p2 =	slt.s32 s2, s0;
	s3 =	smov.u32 s0  }
0xe1: {  	s9 =	smov.u32 s4;
	s25 =	simm.s32 $0x0;
	s3 =	smov.u32 @p2 s2  }
.LBB3_8:
0xe2: {  	(v2sf) =	vpush v2, s25;
	_ =	sdelay $0xe  }
0xe3: {  	s25 =	sadd.s32 $0x1, s25;
	s10 =	spop (v2sf)  }
0xe4: {  	s31 =	sadd.s32 s25, s5;
	s26 =	sshll.u32 s10, $0x8;
	s10 =	sshll.u32 s10, $0x7  }
0xe5: {  	p2 =	slt.s32 s31, s3;
	s26 =	sand.u32 $0xFFFFF800, s26;
	s10 =	sand.u32 $0x380, s10  }
.Ltmp12:
0xe6: {  	s10 =	sor.u32 s10, s26;
	(pc) =	sbr.rel @p2 .LBB3_8-.Ltmp12, $4  }
0xe7: {  	s10 =	sshrl.u32 s10, $0x3  }
0xe8: {  	s10 =	sadd.s32 s6, s10  }
0xe9: {  	[tilespmem:s9], [sflag:$0x9] =	stream.strided.gather [hbm4b:s10+s18], $0x100, s19, s18, $0x38;
	[tilespmem:$0x1E678] =	vst v63  }
0xea: {  	s9 =	sadd.s32 $0x100, s9  }
.Ltmp13:
0xeb: {  	_ = 	snop;
	(pc) =	sbr.rel .LBB3_5-.Ltmp13, $1  }
0xec: {  	_ =	sdelay $0x3  }
.LBB3_9:
0xed: {  	p2 =	slt.u32 s23, $0x2  }
.Ltmp14:
0xee: {  	_ = 	snop;
	(pc) =	sbr.rel @p2 .LBB3_27-.Ltmp14, $1  }
0xef: {  	_ =	sdelay $0x3  }
0xf0: {  	p2 =	sgt.s32 s24, $0xFF90  }
0xf1: {  	s0 =	smov.u32 s24;
	s2 =	sshra.s32 s24, $0x1F;
	s3 =	ssub.s32 $0x10000, s24  }
0xf2: {  	s0 =	simm.s32 @!p2 $0xFF90;
	s2 =	sand.u32 s2, s24;
	p2 =	slt.s32 s3, $0x70  }
0xf3: {  	s0 =	ssub.s32 s0, s2;
	s3 =	simm.s32 @!p2 $0x70  }
0xf4: {  	s0 =	sadd.s32 $0xFFFF0070, s0;
	s9 =	sshll.u32 s3, $0x8  }
0xf5: {  	s26 =	simm.s32 $0x9;
	s10 =	sshll.u32 s0, $0x2;
	s2 =	sand.u32 $0x3FFFFF00, s9  }
0xf6: {  	p2 =	sgt.s32 s0, $0x6F;
	s25 =	ssub.s32 $0x1C0, s10;
	_ =	swait.ge [sflag:s26], s2  }
0xf7: {  	s2 =	ssub.s32 $0x0, s2;
	[sflag:s26] =	ssyncset.done $0x0;
	s0 =	sshrl.u32 s25, $0x2  }
0xf8: {  	s29 =	simm.s32 $0xB;
	[sflag:s26] =	ssyncadd.s32 s2;
	s0 =	simm.s32 @p2 $0x0  }
0xf9: {  	_ =	swait.ge [sflag:s29], s0  }
0xfa: {  	s0 =	ssub.s32 $0x0, s0;
	[sflag:s29] =	ssyncset.done $0x0  }
0xfb: {  	[sflag:s29] =	ssyncadd.s32 s0  }
0xfc: {  	v1 =	vld [tilespmem:$0xE408];
	_ =	sdelay $0x4  }
0xfd: {  	(v2sf) =	vpush v1, $0x0  }
0xfe: {  	(v2sf) =	vpush v1, $0x1  }
0xff: {  	(v2sf) =	vpush v1, $0x2;
	_ =	sdelay $0x3  }
0x100: {  	s0 =	sadd.s32 $0x70, s24  }
0x101: {  	s2 =	ssub.s32 $0x20000, s24;
	p2 =	slt.s32 s8, s0  }
0x102: {  	s0 =	smov.u32 @p2 s8;
	p2 =	sgt.s32 s2, $0x0  }
0x103: {  	s0 =	ssub.s32 s0, s24;
	s2 =	simm.s32 @!p2 $0x0  }
0x104: {  	p2 =	slt.s32 s2, s0  }
0x105: {  	s0 =	smov.u32 @p2 s2  }
0x106: {  	s4 =	simm.s32 $0x1;
	p2 =	slt.s32 s0, $0x1  }
.Ltmp15:
0x107: {  	s4 =	simm.s32 @!p1 $0x0;
	(pc) =	sbr.rel @p2 .LBB3_14-.Ltmp15, $4  }
0x108: {  	s30 =	smul.u32 $0x1C0, s4  }
0x109: {  	s5 =	spop (v2sf)  }
0x10a: {  	s31 =	sshrl.u32 s30, $0x2;
	s28 =	spop (v2sf)  }
0x10b: {  	s25 =	sadd.s32 $0x10598, s31;
	s24 =	spop (v2sf)  }
0x10c: {  	s2 =	smin.u32 s0, $0x10  }
0x10d: {  	v1 =	vmov s2  }
0x10e: {  	vm1 =	vgt.u32 v1, v0  }
0x10f: {  	p3 =	sgt.s32 s0, $0x10  }
.Ltmp16:
0x110: {  	_ = 	snop;
	(pc) =	sbr.rel @!p3 .LBB3_13-.Ltmp16, $2  }
0x111: {  	_ =	sdelay $0x2  }
0x112: {  	s26 =	simm.s32 $0x10;
	s29 =	sadd.s32 $0xFFFFFFF0, s0;
	s2 =	smov.u32 s25;
	vm0 =	vmmov vm1;
	v1 =	vld.msk [tilespmem:s25+$0x0 ss:$0x1], vm1  }
.LBB3_12:
0x113: {  	s3 =	smin.u32 s29, $0x10;
	s26 =	sadd.s32 $0x10, s26  }
0x114: {  	v2 =	vmov s3;
	p3 =	slt.s32 s26, s0  }
0x115: {  	vm1 =	vgt.u32 v2, v0;
	_ =	sdelay $0x1  }
0x116: {  	v2 =	vshll.u32 v1, $0x5;
	v1 =	vshll.u32 v1, $0x4  }
.Ltmp17:
0x117: {  	v2 =	vand.u32 $0xFFFFFF00, v2;
	v1 =	vand.u32 $0x70, v1;
	(pc) =	sbr.rel @p3 .LBB3_12-.Ltmp17, $4  }
0x118: {  	v1 =	vor.u32 v1, v2  }
0x119: {  	[tilespmem:s2+$0x0] =	vst.msk vm0, v1;
	s2 =	sadd.s32 $0x10, s2;
	vm0 =	vmmov vm1  }
0x11a: {  	v1 =	vld.msk [tilespmem:s2+$0x0 ss:$0x1], vm1  }
0x11b: {  	s29 =	sadd.s32 $0xFFFFFFF0, s29  }
.LBB3_13:
0x11c: {  	_ =	sdelay $0x3  }
0x11d: {  	v2 =	vshll.u32 v1, $0x5;
	v1 =	vshll.u32 v1, $0x4  }
0x11e: {  	v2 =	vand.u32 $0xFFFFFF00, v2;
	v1 =	vand.u32 $0x70, v1  }
0x11f: {  	v1 =	vor.u32 v1, v2  }
0x120: {  	[tilespmem:s2+$0x0] =	vst.msk vm0, v1  }
.LBB3_14:
0x121: {  	s2 =	sand.u32 $0x1, s23  }
0x122: {  	s2 =	smul.u32 $0x70, s2  }
0x123: {  	p3 =	sne.s32 s28, $0xFFFFFFFF  }
0x124: {  	v1 =	vld.msk @!p3 [tilespmem:s2+$0x10598], $0x1;
	_ =	sdelay $0x4  }
0x125: {  	(v2sf) =	vpush @!p3 v1, $0x0;
	_ =	sdelay $0xc  }
.Ltmp18:
0x126: {  	_ = 	snop;
	(pc) =	sbr.rel @p2 .LBB3_25-.Ltmp18, $4  }
0x127: {  	_ = 	snop  }
0x128: {  	s31 =	spop @!p3 (v2sf)  }
0x129: {  	s24 =	simm.s32 @!p3 $0x0;
	s26 =	smov.u32 s31  }
0x12a: {  	[sflag:s17] =	ssyncpa.u1 $0x0;
	s31 =	smov.u32 @p3 s5;
	s26 =	smov.u32 @p3 s28  }
0x12b: {  	v1 =	vld.msk [tilespmem:s25+$0x0], $0x1;
	_ =	sdelay $0x4  }
0x12c: {  	(v2sf) =	vpush v1, $0x0;
	_ =	sdelay $0xe  }
0x12d: {  	s7 =	smov.u32 s11;
	s5 =	spop (v2sf)  }
0x12e: {  	s17 =	smov.u32 s15;
	s2 =	smul.u32 $0x1C000, s4;
	p2 =	seq.s32 s31, s5  }
0x12f: {  	s3 =	smov.u32 s31;
	s29 =	ssub.s32 $0x0, s0;
	p3 =	sgt.s32 @!p2 s31, $0x0  }
0x130: {  	s30 =	simm.s32 $0x0;
	s2 =	sshrl.u32 s2, $0x2;
	p3 =	por !p3, p2  }
0x131: {  	s0 =	sadd.s32 $0x1, s29;
	s28 =	sor.u32 $0x106F8, s2;
	s3 =	simm.s32 @p3 $0x0  }
0x132: {  	s2 =	simm.s32 @!p2 $0x1;
	p3 =	seq.s32 s0, $0x0;
	s3 =	smin.u32 @!p2 s3, $0x1FF70  }
.Ltmp19:
0x133: {  	s4 =	simm.s32 @!p2 $0x7308;
	s9 =	sand.u32 @!p2 $0x1FFF8, s3;
	(pc) =	sbr.rel @p3 .LBB3_17-.Ltmp19, $4  }
0x134: {  	s10 =	sadd.s32 @!p2 $0x80, s3;
	s11 =	sadd.s32 @!p2 s1, s9;
	s9 =	sand.u32 @!p2 $0x7, s3  }
0x135: {  	[tilespmem:s4], [sflag:$0x2] =	stream.linear.gather @!p2 [hbm4b:s11+s9], $0x80, $0x38;
	[tilespmem:$0x1E678] =	vst v63  }
0x136: {  	s15 =	smov.u32 s14;
	s2 =	smov.u32 @p2 s30;
	s4 =	sand.u32 @!p2 $0x3FFF8, s10  }
0x137: {  	s3 =	simm.s32 @!p2 $0x7388;
	s10 =	sadd.s32 @!p2 s1, s4;
	s4 =	sadd.s32 $0x1, s25  }
.LBB3_16:
0x138: {  	s11 =	smov.u32 s2  }
0x139: {  	[tilespmem:s3], [sflag:$0x2] =	stream.linear.gather @!p2 [hbm4b:s10+s9], $0x80, $0x38;
	[tilespmem:$0x1E678] =	vst v63  }
0x13a: {  	s0 =	sadd.s32 $0x1, s0;
	s9 =	smov.u32 s5;
	v1 =	vld.msk [tilespmem:s4+$0x0], $0x1  }
0x13b: {  	p3 =	seq.s32 s0, $0x0;
	_ =	sdelay $0x3  }
0x13c: {  	(v2sf) =	vpush v1, $0x0;
	_ =	sdelay $0xe  }
0x13d: {  	s5 =	spop (v2sf)  }
0x13e: {  	p2 =	seq.s32 s9, s5  }
0x13f: {  	p4 =	sgt.s32 @!p2 s9, $0x0;
	s3 =	sshll.u32 @!p2 s2, $0xA;
	s2 =	sadd.s32 @!p2 $0x1, s2  }
0x140: {  	p4 =	por !p4, p2;
	s3 =	sshra.s32 @!p2 s3, $0x2;
	s2 =	smov.u32 @p2 s11  }
0x141: {  	s9 =	simm.s32 @p4 $0x0;
	s10 =	sadd.s32 @!p2 $0x7308, s3;
	s3 =	sadd.s32 @!p2 $0x7388, s3  }
.Ltmp20:
0x142: {  	s9 =	smin.u32 @!p2 s9, $0x1FF70;
	(pc) =	sbr.rel @!p3 .LBB3_16-.Ltmp20, $4  }
0x143: {  	s11 =	sand.u32 @!p2 $0x1FFF8, s9;
	s14 =	sadd.s32 @!p2 $0x80, s9  }
0x144: {  	s9 =	sand.u32 @!p2 $0x7, s9;
	s11 =	sadd.s32 @!p2 s1, s11;
	s14 =	sand.u32 @!p2 $0x3FFF8, s14  }
0x145: {  	[tilespmem:s10], [sflag:$0x2] =	stream.linear.gather @!p2 [hbm4b:s11+s9], $0x80, $0x38;
	[tilespmem:$0x1E678] =	vst v63  }
0x146: {  	s4 =	sadd.s32 $0x1, s4;
	s10 =	sadd.s32 @!p2 s1, s14  }
.LBB3_17:
0x147: {  	[tilespmem:s3], [sflag:$0x2] =	stream.linear.gather @!p2 [hbm4b:s10+s9], $0x80, $0x38;
	[tilespmem:$0x1E678] =	vst v63  }
0x148: {  	s0 =	sshll.u32 s2, $0x8  }
.Ltmp21:
0x149: {  	s14 =	simm.s32 $0x2;
	s0 =	sand.u32 $0x3FFFFF00, s0;
	(pc) =	sbr.rel .LBB3_18-.Ltmp21, $4  }
0x14a: {  	_ =	swait.ge [sflag:s14], s0  }
0x14b: {  	s0 =	ssub.s32 $0x0, s0;
	[sflag:s14] =	ssyncset.done $0x0  }
0x14c: {  	s4 =	simm.s32 $0x0;
	s11 =	smov.u32 s7;
	[sflag:s14] =	ssyncadd.s32 s0  }
0x14d: {  	s14 =	smov.u32 s15;
	s15 =	smov.u32 s17;
	s17 =	simm.s32 $0xC  }
.LBB3_19:
0x14e: {  	v1 =	vld [tilespmem:s28+$0xFFFFFF80];
	_ =	sdelay $0x4  }
0x14f: {  	[tilespmem:s5+$0x208] =	vst.add.f32.msk $0xffff, v1  }
0x150: {  	v1 =	vld [tilespmem:s28+$0xFFFFFF90];
	_ =	sdelay $0x4  }
0x151: {  	[tilespmem:s5+$0x218] =	vst.add.f32.msk $0xffff, v1  }
0x152: {  	v1 =	vld [tilespmem:s28+$0xFFFFFFA0];
	_ =	sdelay $0x4  }
0x153: {  	[tilespmem:s5+$0x228] =	vst.add.f32.msk $0xffff, v1  }
0x154: {  	v1 =	vld [tilespmem:s28+$0xFFFFFFB0];
	_ =	sdelay $0x4  }
0x155: {  	[tilespmem:s5+$0x238] =	vst.add.f32.msk $0xffff, v1  }
0x156: {  	v1 =	vld [tilespmem:s28+$0xFFFFFFC0];
	_ =	sdelay $0x4  }
0x157: {  	[tilespmem:s5+$0x248] =	vst.add.f32.msk $0xffff, v1  }
0x158: {  	v1 =	vld [tilespmem:s28+$0xFFFFFFD0];
	_ =	sdelay $0x4  }
0x159: {  	[tilespmem:s5+$0x258] =	vst.add.f32.msk $0xffff, v1  }
0x15a: {  	v1 =	vld [tilespmem:s28+$0xFFFFFFE0];
	_ =	sdelay $0x4  }
0x15b: {  	[tilespmem:s5+$0x268] =	vst.add.f32.msk $0xffff, v1  }
0x15c: {  	v1 =	vld [tilespmem:s28+$0xFFFFFFF0];
	_ =	sdelay $0x4  }
0x15d: {  	[tilespmem:s5+$0x278] =	vst.add.f32.msk $0xffff, v1  }
0x15e: {  	v1 =	vld [tilespmem:s28+$0x0];
	_ =	sdelay $0x4  }
0x15f: {  	[tilespmem:s5+$0x288] =	vst.add.f32.msk $0xffff, v1  }
0x160: {  	v1 =	vld [tilespmem:s28+$0x10];
	_ =	sdelay $0x4  }
0x161: {  	[tilespmem:s5+$0x298] =	vst.add.f32.msk $0xffff, v1  }
0x162: {  	v1 =	vld [tilespmem:s28+$0x20];
	_ =	sdelay $0x4  }
0x163: {  	[tilespmem:s5+$0x2A8] =	vst.add.f32.msk $0xffff, v1  }
0x164: {  	v1 =	vld [tilespmem:s28+$0x30];
	_ =	sdelay $0x4  }
0x165: {  	[tilespmem:s5+$0x2B8] =	vst.add.f32.msk $0xffff, v1  }
0x166: {  	v1 =	vld [tilespmem:s28+$0x40];
	_ =	sdelay $0x4  }
0x167: {  	[tilespmem:s5+$0x2C8] =	vst.add.f32.msk $0xffff, v1  }
0x168: {  	v1 =	vld [tilespmem:s28+$0x50];
	_ =	sdelay $0x4  }
0x169: {  	[tilespmem:s5+$0x2D8] =	vst.add.f32.msk $0xffff, v1  }
0x16a: {  	v1 =	vld [tilespmem:s28+$0x60];
	_ =	sdelay $0x4  }
0x16b: {  	[tilespmem:s5+$0x2E8] =	vst.add.f32.msk $0xffff, v1  }
0x16c: {  	v1 =	vld [tilespmem:s28+$0x70];
	_ =	sdelay $0x4  }
0x16d: {  	[tilespmem:s5+$0x2F8] =	vst.add.f32.msk $0xffff, v1  }
.LBB3_23:
0x16e: {  	s29 =	sadd.s32 $0x1, s29  }
0x16f: {  	p2 =	seq.s32 s29, $0x0  }
.Ltmp22:
0x170: {  	_ = 	snop;
	(pc) =	sbr.rel @p2 .LBB3_24-.Ltmp22, $2  }
0x171: {  	_ =	sdelay $0x2  }
0x172: {  	s25 =	sadd.s32 $0x1, s25;
	s28 =	sadd.s32 $0x100, s28;
	s31 =	smov.u32 s0  }
.LBB3_18:
0x173: {  	v1 =	vld.msk [tilespmem:s25+$0x0], $0x1;
	_ =	sdelay $0x4  }
0x174: {  	(v2sf) =	vpush v1, $0x0;
	_ =	sdelay $0xe  }
0x175: {  	s0 =	spop (v2sf)  }
0x176: {  	p2 =	sne.s32 s31, s0  }
.Ltmp23:
0x177: {  	_ = 	snop;
	(pc) =	sbr.rel @!p2 .LBB3_19-.Ltmp23, $3  }
0x178: {  	_ =	sdelay $0x1  }
0x179: {  	s2 =	sshll.u32 s24, $0xA  }
0x17a: {  	s5 =	sshra.s32 s2, $0x2  }
0x17b: {  	p2 =	seq.s32 s31, s26  }
.Ltmp24:
0x17c: {  	_ = 	snop;
	(pc) =	sbr.rel @!p2 .LBB3_21-.Ltmp24, $1  }
0x17d: {  	_ =	sdelay $0x3  }
.Ltmp25:
0x17e: {  	s2 =	sadd.s32 $0x208, s5;
	(pc) =	sbr.rel .LBB3_22-.Ltmp25, $4  }
0x17f: {  	[spmem:s16] =	stream.linear.scatter [tilespmem:s2], [sflag:$0x1], $0x100, $0x38;
	[tilespmem:$0x1E678] =	vst v63  }
0x180: {  	_ =	swait.ge [sflag:s12], $0x100  }
0x181: {  	[sflag:s12] =	ssyncset.done $0x0  }
0x182: {  	[sflag:s12] =	ssyncadd.s32 $0xFFFFFF00  }
.LBB3_21:
0x183: {  	s2 =	sshll.u32 s30, $0xA  }
0x184: {  	s2 =	sshra.s32 s2, $0x2  }
0x185: {  	v1 =	vld [tilespmem:s2+$0x7308];
	_ =	sdelay $0x4  }
0x186: {  	[tilespmem:s5+$0x208] =	vst.add.f32.msk $0xffff, v1  }
0x187: {  	v1 =	vld [tilespmem:s2+$0x7318];
	_ =	sdelay $0x4  }
0x188: {  	[tilespmem:s5+$0x218] =	vst.add.f32.msk $0xffff, v1  }
0x189: {  	v1 =	vld [tilespmem:s2+$0x7328];
	_ =	sdelay $0x4  }
0x18a: {  	[tilespmem:s5+$0x228] =	vst.add.f32.msk $0xffff, v1  }
0x18b: {  	v1 =	vld [tilespmem:s2+$0x7338];
	_ =	sdelay $0x4  }
0x18c: {  	[tilespmem:s5+$0x238] =	vst.add.f32.msk $0xffff, v1  }
0x18d: {  	v1 =	vld [tilespmem:s2+$0x7348];
	_ =	sdelay $0x4  }
0x18e: {  	[tilespmem:s5+$0x248] =	vst.add.f32.msk $0xffff, v1  }
0x18f: {  	v1 =	vld [tilespmem:s2+$0x7358];
	_ =	sdelay $0x4  }
0x190: {  	[tilespmem:s5+$0x258] =	vst.add.f32.msk $0xffff, v1  }
0x191: {  	v1 =	vld [tilespmem:s2+$0x7368];
	_ =	sdelay $0x4  }
0x192: {  	[tilespmem:s5+$0x268] =	vst.add.f32.msk $0xffff, v1  }
0x193: {  	v1 =	vld [tilespmem:s2+$0x7378];
	_ =	sdelay $0x4  }
0x194: {  	[tilespmem:s5+$0x278] =	vst.add.f32.msk $0xffff, v1  }
0x195: {  	v1 =	vld [tilespmem:s2+$0x7388];
	_ =	sdelay $0x4  }
0x196: {  	[tilespmem:s5+$0x288] =	vst.add.f32.msk $0xffff, v1  }
0x197: {  	v1 =	vld [tilespmem:s2+$0x7398];
	_ =	sdelay $0x4  }
0x198: {  	[tilespmem:s5+$0x298] =	vst.add.f32.msk $0xffff, v1  }
0x199: {  	v1 =	vld [tilespmem:s2+$0x73A8];
	_ =	sdelay $0x4  }
0x19a: {  	[tilespmem:s5+$0x2A8] =	vst.add.f32.msk $0xffff, v1  }
0x19b: {  	v1 =	vld [tilespmem:s2+$0x73B8];
	_ =	sdelay $0x4  }
0x19c: {  	[tilespmem:s5+$0x2B8] =	vst.add.f32.msk $0xffff, v1  }
0x19d: {  	v1 =	vld [tilespmem:s2+$0x73C8];
	_ =	sdelay $0x4  }
0x19e: {  	[tilespmem:s5+$0x2C8] =	vst.add.f32.msk $0xffff, v1  }
0x19f: {  	v1 =	vld [tilespmem:s2+$0x73D8];
	_ =	sdelay $0x4  }
0x1a0: {  	[tilespmem:s5+$0x2D8] =	vst.add.f32.msk $0xffff, v1  }
0x1a1: {  	v1 =	vld [tilespmem:s2+$0x73E8];
	_ =	sdelay $0x4  }
0x1a2: {  	[tilespmem:s5+$0x2E8] =	vst.add.f32.msk $0xffff, v1  }
0x1a3: {  	v1 =	vld [tilespmem:s2+$0x73F8];
	_ =	sdelay $0x2  }
0x1a4: {  	p2 =	sgt.u32 s31, $0x1FF70  }
0x1a5: {  	s2 =	sand.u32 @!p2 $0x1FFF8, s31  }
0x1a6: {  	s3 =	sadd.s32 $0x208, s5;
	s9 =	sand.u32 @!p2 $0x7, s31;
	s2 =	sadd.s32 @!p2 s1, s2;
	[tilespmem:s5+$0x2F8] =	vst.add.f32.msk $0xffff, v1  }
0x1a7: {  	[hbm4b:s2+s9] =	stream.linear.scatter @!p2 [tilespmem:s3], [sflag:$0xC], $0x80, $0x38;
	[tilespmem:$0x1E678] =	vst v63  }
0x1a8: {  	s2 =	sadd.s32 @!p2 $0x80, s31  }
0x1a9: {  	s2 =	sand.u32 @!p2 $0x3FFF8, s2  }
0x1aa: {  	s3 =	sadd.s32 $0x288, s5;
	s2 =	sadd.s32 @!p2 s1, s2  }
0x1ab: {  	[hbm4b:s2+s9] =	stream.linear.scatter @!p2 [tilespmem:s3], [sflag:$0xC], $0x80, $0x38;
	[tilespmem:$0x1E678] =	vst v63  }
0x1ac: {  	s2 =	simm.s32 $0x0  }
0x1ad: {  	s2 =	simm.s32 @!p2 $0x400  }
0x1ae: {  	s4 =	sadd.s32 s2, s4  }
.LBB3_22:
0x1af: {  	s2 =	sadd.s32 $0x1, s24  }
0x1b0: {  	s3 =	sshrl.u32 s2, $0x4  }
0x1b1: {  	s3 =	smulhi.u32 $0x24924925, s3  }
0x1b2: {  	v1 =	vld [tilespmem:s28+$0xFFFFFF80]  }
0x1b3: {  	s3 =	smul.u32 $0x70, s3;
	_ =	sdelay $0x1  }
0x1b4: {  	s24 =	ssub.s32 s2, s3  }
0x1b5: {  	s2 =	sshll.u32 s24, $0x8  }
0x1b6: {  	[tilespmem:s2+$0x208] =	vst v1  }
0x1b7: {  	v1 =	vld [tilespmem:s28+$0xFFFFFF90];
	_ =	sdelay $0x4  }
0x1b8: {  	[tilespmem:s2+$0x218] =	vst v1  }
0x1b9: {  	v1 =	vld [tilespmem:s28+$0xFFFFFFA0];
	_ =	sdelay $0x4  }
0x1ba: {  	[tilespmem:s2+$0x228] =	vst v1  }
0x1bb: {  	v1 =	vld [tilespmem:s28+$0xFFFFFFB0];
	_ =	sdelay $0x4  }
0x1bc: {  	[tilespmem:s2+$0x238] =	vst v1  }
0x1bd: {  	v1 =	vld [tilespmem:s28+$0xFFFFFFC0];
	_ =	sdelay $0x4  }
0x1be: {  	[tilespmem:s2+$0x248] =	vst v1  }
0x1bf: {  	v1 =	vld [tilespmem:s28+$0xFFFFFFD0];
	_ =	sdelay $0x4  }
0x1c0: {  	[tilespmem:s2+$0x258] =	vst v1  }
0x1c1: {  	v1 =	vld [tilespmem:s28+$0xFFFFFFE0];
	_ =	sdelay $0x4  }
0x1c2: {  	[tilespmem:s2+$0x268] =	vst v1  }
0x1c3: {  	v1 =	vld [tilespmem:s28+$0xFFFFFFF0];
	_ =	sdelay $0x4  }
0x1c4: {  	[tilespmem:s2+$0x278] =	vst v1  }
0x1c5: {  	v1 =	vld [tilespmem:s28+$0x0];
	_ =	sdelay $0x4  }
0x1c6: {  	[tilespmem:s2+$0x288] =	vst v1  }
0x1c7: {  	v1 =	vld [tilespmem:s28+$0x10];
	_ =	sdelay $0x4  }
0x1c8: {  	[tilespmem:s2+$0x298] =	vst v1  }
0x1c9: {  	v1 =	vld [tilespmem:s28+$0x20];
	_ =	sdelay $0x4  }
0x1ca: {  	[tilespmem:s2+$0x2A8] =	vst v1  }
0x1cb: {  	v1 =	vld [tilespmem:s28+$0x30];
	_ =	sdelay $0x4  }
0x1cc: {  	[tilespmem:s2+$0x2B8] =	vst v1  }
0x1cd: {  	v1 =	vld [tilespmem:s28+$0x40];
	_ =	sdelay $0x4  }
0x1ce: {  	[tilespmem:s2+$0x2C8] =	vst v1  }
0x1cf: {  	v1 =	vld [tilespmem:s28+$0x50];
	_ =	sdelay $0x4  }
0x1d0: {  	[tilespmem:s2+$0x2D8] =	vst v1  }
0x1d1: {  	v1 =	vld [tilespmem:s28+$0x60];
	_ =	sdelay $0x4  }
0x1d2: {  	[tilespmem:s2+$0x2E8] =	vst v1  }
0x1d3: {  	v1 =	vld [tilespmem:s28+$0x70]  }
.Ltmp26:
0x1d4: {  	_ = 	snop;
	(pc) =	sbr.rel .LBB3_23-.Ltmp26, $2  }
0x1d5: {  	_ =	sdelay $0x2  }
0x1d6: {  	s30 =	sadd.s32 $0x1, s30;
	[tilespmem:s2+$0x2F8] =	vst v1  }
.LBB3_25:
.Ltmp27:
0x1d7: {  	(pc) =	sbr.rel .LBB3_26-.Ltmp27, $4  }
0x1d8: {  	_ = 	snop  }
0x1d9: {  	s0 =	simm.s32 $0x2  }
0x1da: {  	_ =	swait.ge [sflag:s0], $0x0  }
0x1db: {  	s2 =	simm.s32 $0x0;
	[sflag:s0] =	ssyncset.done $0x0;
	s0 =	smov.u32 s31  }
.LBB3_28:
0x1dc: {  	_ =	sfence.sel $0x180000  }
0x1dd: {  	s0 =	simm.s32 $0x9;
	[bflag:$0x0] =	sbarrier.arrive $0xFFFF  }
0x1de: {  	s24 =	simm.s32 $0xA;
	[sflag:s0] =	ssyncpa.u1 $0x1  }
0x1df: {  	s25 =	simm.s32 $0xB;
	[sflag:s24] =	ssyncpa.u1 $0x1  }
0x1e0: {  	s26 =	simm.s32 $0x2;
	[sflag:s25] =	ssyncpa.u1 $0x1  }
0x1e1: {  	[sflag:s26] =	ssyncpa.u1 $0x1  }
0x1e2: {  	v0 =	vld [tilespmem:$0xE408];
	_ =	sdelay $0x4  }
0x1e3: {  	(v2sf) =	vpush v0, $0x0  }
0x1e4: {  	(v2sf) =	vpush v0, $0x1;
	_ =	sdelay $0x1  }
0x1e5: {  	(v2sf) =	vpush v0, $0x2;
	_ =	sdelay $0xb  }
0x1e6: {  	s0 =	spop (v2sf)  }
0x1e7: {  	s2 =	spop (v2sf)  }
0x1e8: {  	s3 =	smov.u32 s0;
	p0 =	sne.s32 s0, s2  }
0x1e9: {  	s4 =	spop (v2sf);
	s3 =	simm.s32 @!p0 $0xFFFFFFFF  }
0x1ea: {  	v2 =	vimm.s32 $0x1;
	v3 =	vlaneseq.u32;
	p0 =	seq.s32 s4, $0xFFFFFFFF;
	v1 =	vmov s3  }
0x1eb: {  	s15 =	stileid.u32;
	v0 =	vperm.xlane v0, v2;
	p1 =	sne.s32 @!p0 s0, s2;
	v1 =	vperm.xlane v1, v3  }
0x1ec: {  	vm0 =	vcmask $0x3F04;
	s6 =	simm.s32 $0xE408;
	s0 =	simm.s32 @!p0 $0x1;
	p1 =	por !p1, p0  }
0x1ed: {  	s3 =	sshll.u32 s15, $0x1;
	s2 =	sshll.u32 @!p0 s4, $0xA;
	s0 =	simm.s32 @p1 $0x0;
	v0 =	vsel vm0, v1, v0  }
0x1ee: {  	s5 =	sor.u32 $0x2000, s3;
	s2 =	sshra.s32 @!p0 s2, $0x2;
	s0 =	sor.u32 @!p0 s0, s3;
	[tilespmem:$0xE408] =	vst v0  }
0x1ef: {  	[spmem:s5] =	stream.linear.scatter [tilespmem:s6], [sflag:$0x1], $0x2, $0x38;
	[tilespmem:$0x1E678] =	vst v63  }
0x1f0: {  	s2 =	sadd.s32 @!p0 $0x208, s2;
	s0 =	sshll.u32 @!p0 s0, $0x8  }
0x1f1: {  	[spmem:s0] =	stream.linear.scatter @!p0 [tilespmem:s2], [sflag:$0x1], $0x100, $0x38;
	[tilespmem:$0x1E678] =	vst v63  }
0x1f2: {  	s0 =	simm.s32 @!p0 $0x102  }
0x1f3: {  	s28 =	simm.s32 $0x1;
	s0 =	simm.s32 @p0 $0x2  }
0x1f4: {  	_ =	swait.ge [sflag:s28], s0  }
0x1f5: {  	s0 =	ssub.s32 $0x0, s0;
	[sflag:s28] =	ssyncset.done $0x0  }
0x1f6: {  	p0 =	sne.s32 s15, $0x0;
	[sflag:s28] =	ssyncadd.s32 s0  }
.Ltmp28:
0x1f7: {  	_ =	sfence.stream.spmem;
	(pc) =	sbr.rel @p0 .LBB3_45-.Ltmp28, $4  }
0x1f8: {  	s29 =	simm.s32 $0x3;
	[bflag:$0x0] =	sbarrier.arrive $0xFFFF  }
0x1f9: {  	s30 =	simm.s32 $0x4;
	[sflag:s29] =	ssyncpa.u1 $0x1  }
0x1fa: {  	s31 =	simm.s32 $0x3C;
	[sflag:s30] =	ssyncpa.u1 $0x1  }
0x1fb: {  	s14 =	rddreg [dreg:$0x4];
	[sflag:s31] =	ssyncpa.u1 $0x1  }
0x1fc: {  	_ =	sfence.stream.spmem;
	s0 =	simm.s32 $0x5  }
0x1fd: {  	s2 =	simm.s32 $0x2000;
	s3 =	simm.s32 $0xE418;
	[sflag:s0] =	ssyncpa.u1 $0x0  }
0x1fe: {  	[tilespmem:s3], [sflag:$0x5] =	stream.linear.gather [spmem:s2], $0x20, $0x38;
	[tilespmem:$0x1E678] =	vst v63  }
0x1ff: {  	s26 =	simm.s32 $0x0;
	s28 =	simm.s32 $0xE438  }
0x200: {  	[tilespmem:s28], [sflag:$0x5] =	stream.linear.gather [spmem:s26], $0x2000, $0x38;
	[tilespmem:$0x1E678] =	vst v63  }
0x201: {  	_ =	swait.ge [sflag:s0], $0x2020  }
0x202: {  	[sflag:s0] =	ssyncset.done $0x0  }
0x203: {  	s29 =	simm.s32 $0x0;
	[sflag:s0] =	ssyncadd.s32 $0xFFFFDFE0  }
0x204: {  	v0 =	vld.msk [tilespmem:s29+$0xE418], $0x1;
	_ =	sdelay $0x1  }
0x205: {  	s30 =	simm.s32 $0x1  }
0x206: {  	v1 =	vld.msk [tilespmem:s30+$0xE418], $0x1;
	_ =	sdelay $0x1  }
0x207: {  	(v2sf) =	vpush v0, $0x0;
	_ =	sdelay $0x2  }
0x208: {  	(v2sf) =	vpush v1, $0x0;
	_ =	sdelay $0x2  }
0x209: {  	s31 =	simm.s32 $0x2  }
0x20a: {  	v0 =	vld.msk [tilespmem:s31+$0xE418], $0x1;
	_ =	sdelay $0x2  }
0x20b: {  	s2 =	simm.s32 $0xFFFFFFFF;
	s3 =	simm.s32 $0xFFFFFFFF;
	s0 =	simm.s32 $0xC  }
.LBB3_30:
0x20c: {  	s4 =	smov.u32 s3;
	s5 =	smov.u32 s2  }
0x20d: {  	s2 =	sshra.s32 s0, $0x2;
	p1 =	sne.s32 s0, $0x7C;
	s0 =	sadd.s32 $0x4, s0;
	(v2sf) =	vpush v0, $0x0  }
0x20e: {  	v0 =	vld.msk [tilespmem:s2+$0xE418], $0x1  }
.Ltmp29:
0x20f: {  	(pc) =	sbr.rel @p1 .LBB3_30-.Ltmp29, $4  }
0x210: {  	s3 =	spop (v2sf)  }
0x211: {  	p2 =	sne.s32 s5, $0xFFFFFFFF;
	s2 =	smov.u32 s3  }
0x212: {  	p3 =	seq.s32 s3, $0xFFFFFFFF;
	s2 =	smov.u32 @p2 s5  }
0x213: {  	s3 =	smov.u32 @p3 s4;
	s2 =	smov.u32 @p3 s5  }
0x214: {  	(v2sf) =	vpush v0, $0x0;
	_ =	sdelay $0x8  }
0x215: {  	s0 =	spop (v2sf)  }
0x216: {  	p1 =	sne.s32 s2, $0xFFFFFFFF;
	s9 =	simm.s32 $0x6;
	s4 =	smov.u32 s0  }
0x217: {  	s6 =	simm.s32 $0x0;
	p2 =	seq.s32 s0, $0xFFFFFFFF;
	s4 =	smov.u32 @p1 s2  }
0x218: {  	s10 =	simm.s32 $0xE308;
	s4 =	smov.u32 @p2 s2;
	s2 =	spop (v2sf)  }
0x219: {  	s0 =	smov.u32 @p2 s3;
	p1 =	sne.s32 s4, $0xFFFFFFFF;
	s5 =	smov.u32 s2  }
.Ltmp30:
0x21a: {  	p2 =	seq.s32 s2, $0xFFFFFFFF;
	s5 =	smov.u32 @p1 s4;
	(pc) =	sbr.rel .LBB3_32-.Ltmp30, $4  }
0x21b: {  	s11 =	simm.s32 $0xE388;
	s5 =	smov.u32 @p2 s4;
	s7 =	spop (v2sf)  }
0x21c: {  	s12 =	simm.s32 $0x0;
	p1 =	sne.s32 s5, $0xFFFFFFFF;
	s8 =	smov.u32 s7  }
0x21d: {  	s2 =	smov.u32 @p2 s0;
	p2 =	seq.s32 s7, $0xFFFFFFFF;
	s8 =	smov.u32 @p1 s5  }
0x21e: {  	[sflag:s9] =	ssyncpa.u1 $0x0;
	s7 =	smov.u32 @p2 s2;
	s8 =	smov.u32 @p2 s5  }
.LBB3_38:
0x21f: {  	p1 =	sgt.u32 s0, $0x1FF70  }
0x220: {  	p2 =	seq.s32 @!p1 s0, s8  }
0x221: {  	p1 =	por p1, p2  }
0x222: {  	p2 =	sne.s32 @!p1 s0, s7  }
0x223: {  	p1 =	por p1, !p2  }
0x224: {  	s0 =	sshll.u32 @p1 s12, $0xA  }
0x225: {  	s2 =	sand.u32 @!p1 $0x1FFF8, s0;
	s3 =	sand.u32 @!p1 $0x7, s0;
	s0 =	sadd.s32 @!p1 $0x80, s0  }
0x226: {  	s2 =	sadd.s32 @!p1 s1, s2;
	s0 =	sand.u32 @!p1 $0x3FFF8, s0  }
0x227: {  	[tilespmem:s10], [sflag:$0x6] =	stream.linear.gather @!p1 [hbm4b:s2+s3], $0x80, $0x38;
	[tilespmem:$0x1E678] =	vst v63  }
0x228: {  	s0 =	sadd.s32 @!p1 s1, s0  }
0x229: {  	[tilespmem:s11], [sflag:$0x6] =	stream.linear.gather @!p1 [hbm4b:s0+s3], $0x80, $0x38;
	[tilespmem:$0x1E678] =	vst v63  }
0x22a: {  	_ =	swait.ge @!p1 [sflag:s9], $0x100  }
0x22b: {  	[sflag:s9] =	ssyncset.done @!p1 $0x0  }
0x22c: {  	[sflag:s9] =	ssyncadd.s32 @!p1 $0xFFFFFF00  }
0x22d: {  	v1 =	vld @!p1 [tilespmem:$0xE308];
	_ =	sdelay $0x2  }
0x22e: {  	s0 =	sshll.u32 @!p1 s12, $0xA  }
0x22f: {  	s2 =	sshrl.u32 @!p1 s0, $0x2  }
0x230: {  	[tilespmem:s2+$0xE438] =	vst.add.f32.msk @!p1 $0xffff, v1  }
0x231: {  	v1 =	vld @!p1 [tilespmem:$0xE318];
	_ =	sdelay $0x4  }
0x232: {  	[tilespmem:s2+$0xE448] =	vst.add.f32.msk @!p1 $0xffff, v1  }
0x233: {  	v1 =	vld @!p1 [tilespmem:$0xE328];
	_ =	sdelay $0x4  }
0x234: {  	[tilespmem:s2+$0xE458] =	vst.add.f32.msk @!p1 $0xffff, v1  }
0x235: {  	v1 =	vld @!p1 [tilespmem:$0xE338];
	_ =	sdelay $0x4  }
0x236: {  	[tilespmem:s2+$0xE468] =	vst.add.f32.msk @!p1 $0xffff, v1  }
0x237: {  	v1 =	vld @!p1 [tilespmem:$0xE348];
	_ =	sdelay $0x4  }
0x238: {  	[tilespmem:s2+$0xE478] =	vst.add.f32.msk @!p1 $0xffff, v1  }
0x239: {  	v1 =	vld @!p1 [tilespmem:$0xE358];
	_ =	sdelay $0x4  }
0x23a: {  	[tilespmem:s2+$0xE488] =	vst.add.f32.msk @!p1 $0xffff, v1  }
0x23b: {  	v1 =	vld @!p1 [tilespmem:$0xE368];
	_ =	sdelay $0x4  }
0x23c: {  	[tilespmem:s2+$0xE498] =	vst.add.f32.msk @!p1 $0xffff, v1  }
0x23d: {  	v1 =	vld @!p1 [tilespmem:$0xE378];
	_ =	sdelay $0x4  }
0x23e: {  	[tilespmem:s2+$0xE4A8] =	vst.add.f32.msk @!p1 $0xffff, v1  }
0x23f: {  	v1 =	vld @!p1 [tilespmem:$0xE388];
	_ =	sdelay $0x4  }
0x240: {  	[tilespmem:s2+$0xE4B8] =	vst.add.f32.msk @!p1 $0xffff, v1  }
0x241: {  	v1 =	vld @!p1 [tilespmem:$0xE398];
	_ =	sdelay $0x4  }
0x242: {  	[tilespmem:s2+$0xE4C8] =	vst.add.f32.msk @!p1 $0xffff, v1  }
0x243: {  	v1 =	vld @!p1 [tilespmem:$0xE3A8];
	_ =	sdelay $0x4  }
0x244: {  	[tilespmem:s2+$0xE4D8] =	vst.add.f32.msk @!p1 $0xffff, v1  }
0x245: {  	v1 =	vld @!p1 [tilespmem:$0xE3B8];
	_ =	sdelay $0x4  }
0x246: {  	[tilespmem:s2+$0xE4E8] =	vst.add.f32.msk @!p1 $0xffff, v1  }
0x247: {  	v1 =	vld @!p1 [tilespmem:$0xE3C8];
	_ =	sdelay $0x4  }
0x248: {  	[tilespmem:s2+$0xE4F8] =	vst.add.f32.msk @!p1 $0xffff, v1  }
0x249: {  	v1 =	vld @!p1 [tilespmem:$0xE3D8];
	_ =	sdelay $0x4  }
0x24a: {  	[tilespmem:s2+$0xE508] =	vst.add.f32.msk @!p1 $0xffff, v1  }
0x24b: {  	v1 =	vld @!p1 [tilespmem:$0xE3E8];
	_ =	sdelay $0x4  }
0x24c: {  	[tilespmem:s2+$0xE518] =	vst.add.f32.msk @!p1 $0xffff, v1  }
0x24d: {  	v1 =	vld @!p1 [tilespmem:$0xE3F8];
	_ =	sdelay $0x4  }
0x24e: {  	[tilespmem:s2+$0xE528] =	vst.add.f32.msk @!p1 $0xffff, v1  }
0x24f: {  	s0 =	sshrl.u32 s0, $0x2;
	[tilespmem:s6+$0xE418] =	vst.msk $0x1, v0  }
0x250: {  	v0 =	vld [tilespmem:s0+$0xE438];
	_ =	sdelay $0x2  }
0x251: {  	s31 =	sshll.u32 s6, $0xA  }
0x252: {  	s2 =	sshra.s32 s31, $0x2  }
0x253: {  	[tilespmem:s2+$0xE438] =	vst v0  }
0x254: {  	v0 =	vld [tilespmem:s0+$0xE448];
	_ =	sdelay $0x4  }
0x255: {  	[tilespmem:s2+$0xE448] =	vst v0  }
0x256: {  	v0 =	vld [tilespmem:s0+$0xE458];
	_ =	sdelay $0x4  }
0x257: {  	[tilespmem:s2+$0xE458] =	vst v0  }
0x258: {  	v0 =	vld [tilespmem:s0+$0xE468];
	_ =	sdelay $0x4  }
0x259: {  	[tilespmem:s2+$0xE468] =	vst v0  }
0x25a: {  	v0 =	vld [tilespmem:s0+$0xE478];
	_ =	sdelay $0x4  }
0x25b: {  	[tilespmem:s2+$0xE478] =	vst v0  }
0x25c: {  	v0 =	vld [tilespmem:s0+$0xE488];
	_ =	sdelay $0x4  }
0x25d: {  	[tilespmem:s2+$0xE488] =	vst v0  }
0x25e: {  	v0 =	vld [tilespmem:s0+$0xE498];
	_ =	sdelay $0x4  }
0x25f: {  	[tilespmem:s2+$0xE498] =	vst v0  }
0x260: {  	v0 =	vld [tilespmem:s0+$0xE4A8];
	_ =	sdelay $0x4  }
0x261: {  	[tilespmem:s2+$0xE4A8] =	vst v0  }
0x262: {  	v0 =	vld [tilespmem:s0+$0xE4B8];
	_ =	sdelay $0x4  }
0x263: {  	[tilespmem:s2+$0xE4B8] =	vst v0  }
0x264: {  	v0 =	vld [tilespmem:s0+$0xE4C8];
	_ =	sdelay $0x4  }
0x265: {  	[tilespmem:s2+$0xE4C8] =	vst v0  }
0x266: {  	v0 =	vld [tilespmem:s0+$0xE4D8];
	_ =	sdelay $0x4  }
0x267: {  	[tilespmem:s2+$0xE4D8] =	vst v0  }
0x268: {  	v0 =	vld [tilespmem:s0+$0xE4E8];
	_ =	sdelay $0x4  }
0x269: {  	[tilespmem:s2+$0xE4E8] =	vst v0  }
0x26a: {  	v0 =	vld [tilespmem:s0+$0xE4F8];
	_ =	sdelay $0x4  }
0x26b: {  	[tilespmem:s2+$0xE4F8] =	vst v0  }
0x26c: {  	v0 =	vld [tilespmem:s0+$0xE508];
	_ =	sdelay $0x4  }
0x26d: {  	[tilespmem:s2+$0xE508] =	vst v0  }
0x26e: {  	v0 =	vld [tilespmem:s0+$0xE518];
	_ =	sdelay $0x4  }
0x26f: {  	[tilespmem:s2+$0xE518] =	vst v0  }
0x270: {  	v0 =	vld [tilespmem:s0+$0xE528];
	_ =	sdelay $0x4  }
0x271: {  	s6 =	sadd.s32 $0x1, s6;
	[tilespmem:s2+$0xE528] =	vst v0  }
.LBB3_39:
0x272: {  	s12 =	sadd.s32 $0x1, s12  }
0x273: {  	p1 =	sne.s32 s12, $0x20  }
.Ltmp31:
0x274: {  	_ = 	snop;
	(pc) =	sbr.rel @!p1 .LBB3_40-.Ltmp31, $1  }
0x275: {  	_ =	sdelay $0x3  }
.LBB3_32:
0x276: {  	v0 =	vld.msk [tilespmem:s12+$0xE418], $0x1;
	_ =	sdelay $0x4  }
0x277: {  	(v2sf) =	vpush v0, $0x0;
	_ =	sdelay $0xe  }
0x278: {  	s0 =	spop (v2sf)  }
0x279: {  	p1 =	seq.s32 s0, $0xFFFFFFFF  }
.Ltmp32:
0x27a: {  	_ = 	snop;
	(pc) =	sbr.rel @p1 .LBB3_39-.Ltmp32, $1  }
0x27b: {  	_ =	sdelay $0x3  }
0x27c: {  	p1 =	slt.s32 s6, $0x1  }
.Ltmp33:
0x27d: {  	_ = 	snop;
	(pc) =	sbr.rel @p1 .LBB3_38-.Ltmp33, $1  }
0x27e: {  	_ =	sdelay $0x3  }
0x27f: {  	s4 =	simm.s32 $0xE418;
	p1 =	por $0x0, $0x0  }
0x280: {  	v1 =	vld.msk @!p1 [tilespmem:s4+$0x0], $0x1;
	_ =	sdelay $0x4  }
0x281: {  	(v2sf) =	vpush @!p1 v1, $0x0;
	_ =	sdelay $0xd  }
0x282: {  	p3 =	sne.s32 s6, $0x1  }
.Ltmp34:
0x283: {  	s2 =	spop @!p1 (v2sf);
	(pc) =	sbr.rel @!p3 .LBB3_36-.Ltmp34, $4  }
0x284: {  	p2 =	seq.s32 @!p1 s0, s2  }
0x285: {  	s5 =	simm.s32 $0x0;
	p2 =	por !p2, p1  }
0x286: {  	s2 =	simm.s32 $0xFFFFFFFF;
	s5 =	simm.s32 @p2 $0xFFFFFFFF  }
0x287: {  	s13 =	simm.s32 $0x1;
	s5 =	smov.u32 @p1 s2  }
.LBB3_35:
0x288: {  	s2 =	smov.u32 s5;
	p1 =	sne.s32 s5, $0xFFFFFFFF  }
0x289: {  	s4 =	sadd.s32 $0x1, s4;
	s5 =	smov.u32 s13;
	s13 =	sadd.s32 $0x1, s13  }
0x28a: {  	p2 =	sne.s32 s6, s13;
	v1 =	vld.msk @!p1 [tilespmem:s4+$0x0], $0x1;
	_ =	sdelay $0x4  }
0x28b: {  	(v2sf) =	vpush @!p1 v1, $0x0;
	_ =	sdelay $0xe  }
.Ltmp35:
0x28c: {  	s3 =	spop @!p1 (v2sf);
	(pc) =	sbr.rel @p2 .LBB3_35-.Ltmp35, $4  }
0x28d: {  	p3 =	seq.s32 @!p1 s0, s3  }
0x28e: {  	p3 =	por !p3, p1  }
0x28f: {  	s5 =	simm.s32 @p3 $0xFFFFFFFF  }
0x290: {  	s5 =	smov.u32 @p1 s2  }
.LBB3_36:
0x291: {  	p1 =	seq.s32 s5, $0xFFFFFFFF  }
.Ltmp36:
0x292: {  	_ = 	snop;
	(pc) =	sbr.rel @p1 .LBB3_38-.Ltmp36, $1  }
0x293: {  	_ =	sdelay $0x3  }
0x294: {  	s0 =	sshll.u32 s12, $0x8  }
0x295: {  	s0 =	sand.u32 $0x3FFFFF00, s0  }
0x296: {  	v0 =	vld [tilespmem:s0+$0xE438];
	_ =	sdelay $0x2  }
0x297: {  	s2 =	sshll.u32 s5, $0xA  }
0x298: {  	s2 =	sshra.s32 s2, $0x2  }
0x299: {  	[tilespmem:s2+$0xE438] =	vst.add.f32.msk $0xffff, v0  }
0x29a: {  	v0 =	vld [tilespmem:s0+$0xE448];
	_ =	sdelay $0x4  }
0x29b: {  	[tilespmem:s2+$0xE448] =	vst.add.f32.msk $0xffff, v0  }
0x29c: {  	v0 =	vld [tilespmem:s0+$0xE458];
	_ =	sdelay $0x4  }
0x29d: {  	[tilespmem:s2+$0xE458] =	vst.add.f32.msk $0xffff, v0  }
0x29e: {  	v0 =	vld [tilespmem:s0+$0xE468];
	_ =	sdelay $0x4  }
0x29f: {  	[tilespmem:s2+$0xE468] =	vst.add.f32.msk $0xffff, v0  }
0x2a0: {  	v0 =	vld [tilespmem:s0+$0xE478];
	_ =	sdelay $0x4  }
0x2a1: {  	[tilespmem:s2+$0xE478] =	vst.add.f32.msk $0xffff, v0  }
0x2a2: {  	v0 =	vld [tilespmem:s0+$0xE488];
	_ =	sdelay $0x4  }
0x2a3: {  	[tilespmem:s2+$0xE488] =	vst.add.f32.msk $0xffff, v0  }
0x2a4: {  	v0 =	vld [tilespmem:s0+$0xE498];
	_ =	sdelay $0x4  }
0x2a5: {  	[tilespmem:s2+$0xE498] =	vst.add.f32.msk $0xffff, v0  }
0x2a6: {  	v0 =	vld [tilespmem:s0+$0xE4A8];
	_ =	sdelay $0x4  }
0x2a7: {  	[tilespmem:s2+$0xE4A8] =	vst.add.f32.msk $0xffff, v0  }
0x2a8: {  	v0 =	vld [tilespmem:s0+$0xE4B8];
	_ =	sdelay $0x4  }
0x2a9: {  	[tilespmem:s2+$0xE4B8] =	vst.add.f32.msk $0xffff, v0  }
0x2aa: {  	v0 =	vld [tilespmem:s0+$0xE4C8];
	_ =	sdelay $0x4  }
0x2ab: {  	[tilespmem:s2+$0xE4C8] =	vst.add.f32.msk $0xffff, v0  }
0x2ac: {  	v0 =	vld [tilespmem:s0+$0xE4D8];
	_ =	sdelay $0x4  }
0x2ad: {  	[tilespmem:s2+$0xE4D8] =	vst.add.f32.msk $0xffff, v0  }
0x2ae: {  	v0 =	vld [tilespmem:s0+$0xE4E8];
	_ =	sdelay $0x4  }
0x2af: {  	[tilespmem:s2+$0xE4E8] =	vst.add.f32.msk $0xffff, v0  }
0x2b0: {  	v0 =	vld [tilespmem:s0+$0xE4F8];
	_ =	sdelay $0x4  }
0x2b1: {  	[tilespmem:s2+$0xE4F8] =	vst.add.f32.msk $0xffff, v0  }
0x2b2: {  	v0 =	vld [tilespmem:s0+$0xE508];
	_ =	sdelay $0x4  }
0x2b3: {  	[tilespmem:s2+$0xE508] =	vst.add.f32.msk $0xffff, v0  }
0x2b4: {  	v0 =	vld [tilespmem:s0+$0xE518];
	_ =	sdelay $0x4  }
0x2b5: {  	[tilespmem:s2+$0xE518] =	vst.add.f32.msk $0xffff, v0  }
0x2b6: {  	v0 =	vld [tilespmem:s0+$0xE528]  }
.Ltmp37:
0x2b7: {  	_ = 	snop;
	(pc) =	sbr.rel .LBB3_39-.Ltmp37, $2  }
0x2b8: {  	_ =	sdelay $0x2  }
0x2b9: {  	[tilespmem:s2+$0xE528] =	vst.add.f32.msk $0xffff, v0  }
.LBB3_40:
0x2ba: {  	s0 =	simm.s32 $0x6;
	p1 =	seq.s32 s6, $0x0  }
0x2bb: {  	[sflag:s0] =	ssyncpa.u1 $0x1;
	v0 =	vimm.s32 @p1 $0xFFFFFFFF  }
0x2bc: {  	s0 =	sadd.s32 $0xFFFFFFFF, s6;
	[tilespmem:$0x10438] =	vst @p1 v0  }
0x2bd: {  	v0 =	vld.msk @!p1 [tilespmem:s0+$0xE418], $0x1;
	_ =	sdelay $0x1  }
0x2be: {  	v1 =	vld.msk @!p1 [tilespmem:$0xE418], $0x1;
	_ =	sdelay $0x2  }
0x2bf: {  	p2 =	seq.s32 @!p1 s0, $0x0;
	v0 =	vbroadcast @!p1 v0, $0x0  }
0x2c0: {  	vm0 =	vmmov @!p1 $0x1;
	p2 =	por !p2, p1  }
0x2c1: {  	v1 =	vnsel @!p1 vm0, $0xFFFFFFFF, v1;
	vm0 =	vcmask @!p1 $0x308;
	v0 =	vpsel !p2, $0xFFFFFFFF, v0  }
0x2c2: {  	p2 =	sne.s32 @!p1 s8, s7;
	v0 =	vsel @!p1 vm0, v1, v0  }
0x2c3: {  	s2 =	simm.s32 @!p1 $0xE438;
	s3 =	simm.s32 @!p1 $0x0;
	p3 =	por !p2, p1;
	[tilespmem:$0x10438] =	vst @!p1 v0  }
0x2c4: {  	[spmem:s3] =	stream.linear.scatter @!p1 [tilespmem:s2], [sflag:$0x1], $0x100, $0x38;
	[tilespmem:$0x1E678] =	vst v63  }
0x2c5: {  	s2 =	sshll.u32 @!p3 s0, $0xA  }
0x2c6: {  	s2 =	sshra.s32 @!p3 s2, $0x2  }
0x2c7: {  	s3 =	simm.s32 @!p3 $0x100;
	s2 =	sadd.s32 @!p3 $0xE438, s2  }
0x2c8: {  	[spmem:s3] =	stream.linear.scatter @!p3 [tilespmem:s2], [sflag:$0x1], $0x100, $0x38;
	[tilespmem:$0x1E678] =	vst v63  }
0x2c9: {  	s2 =	simm.s32 @!p3 $0x1  }
0x2ca: {  	_ =	swait.ge @!p3 [sflag:s2], $0x200  }
0x2cb: {  	p1 =	por p2, p1;
	[sflag:s2] =	ssyncset.done @!p3 $0x0  }
0x2cc: {  	[sflag:s2] =	ssyncadd.s32 @!p3 $0xFFFFFE00;
	s2 =	simm.s32 @!p1 $0x1  }
0x2cd: {  	_ =	swait.ge @!p1 [sflag:s2], $0x100  }
0x2ce: {  	s29 =	simm.s32 $0x10438;
	[sflag:s2] =	ssyncset.done @!p1 $0x0  }
0x2cf: {  	s30 =	simm.s32 $0x2000;
	s31 =	simm.s32 $0x1;
	[sflag:s2] =	ssyncadd.s32 @!p1 $0xFFFFFF00  }
0x2d0: {  	[spmem:s30] =	stream.linear.scatter [tilespmem:s29], [sflag:$0x1], $0x10, $0x38;
	[tilespmem:$0x1E678] =	vst v63  }
0x2d1: {  	_ =	swait.ge [sflag:s31], $0x10  }
0x2d2: {  	[sflag:s31] =	ssyncset.done $0x0  }
0x2d3: {  	p1 =	seq.s32 s14, $0x0;
	s9 =	rddreg [dreg:$0x1];
	[sflag:s31] =	ssyncadd.s32 $0xFFFFFFF0  }
0x2d4: {  	s3 =	sshll.u32 @p1 s9, $0xE;
	s8 =	rddreg [dreg:$0x2]  }
0x2d5: {  	s2 =	sadd.s32 @p1 $0x15C3C, s3;
	s3 =	sshll.u32 @p1 s8, $0x11  }
0x2d6: {  	_ =	sfence.stream.spmem;
	s2 =	sor.u32 @p1 s3, s2  }
0x2d7: {  	[sflag:s2] =	ssyncadd.remote.s32 @p1 $0x1;
	s2 =	simm.s32 @p1 $0x4  }
0x2d8: {  	s4 =	simm.s32 @!p1 $0x3C;
	s3 =	sand.u32 $0xFFFFFFFE, s9;
	_ =	swait.ge @p1 [sflag:s2], $0x42  }
0x2d9: {  	s5 =	simm.s32 @!p1 $0x0;
	s3 =	sadd.s32 @!p1 $0x4, s3;
	[sflag:s2] =	ssyncset.done @p1 $0x0  }
0x2da: {  	s7 =	simm.s32 @!p1 $0x200;
	[sflag:s2] =	ssyncadd.s32 @p1 $0xFFFFFFBE;
	s2 =	sshll.u32 @!p1 s3, $0x1A  }
0x2db: {  	s3 =	sshll.u32 @!p1 s3, $0xD;
	s2 =	sor.u32 @!p1 s2, s8;
	_ =	swait.eq @!p1 [sflag:s4], $0x1  }
0x2dc: {  	s3 =	sor.u32 @!p1 $0x1C04, s3;
	s4 =	simm.s32 @!p1 $0x1C03;
	s2 =	sor.u32 @!p1 $0x80004000, s2  }
0x2dd: {  	[spmem:s7], [sflag:s3] =	dma.general @!p1 [spmem:s5], [sflag:s4], length:$0x40, [dreg:$0x0], stride_count:$0x0, ici_dest:s2, dma_misc:DstOpCode:WRITE  }
0x2de: {  	p2 =	slt.s32 s0, $0x2;
	s5 =	simm.s32 @!p1 $0x400;
	s7 =	simm.s32 @!p1 $0x402  }
0x2df: {  	[spmem:s7], [sflag:s3] =	dma.general @!p1 [spmem:s5], [sflag:s4], length:$0x2, [dreg:$0x0], stride_count:$0x0, ici_dest:s2, dma_misc:DstOpCode:WRITE  }
.Ltmp38:
0x2e0: {  	s2 =	simm.s32 @!p1 $0x3;
	(pc) =	sbr.rel @p2 .LBB3_44-.Ltmp38, $4  }
0x2e1: {  	s3 =	sshll.u32 @!p1 s9, $0xE;
	_ =	swait.ge @!p1 [sflag:s2], $0x42  }
0x2e2: {  	s4 =	sshll.u32 @!p1 s8, $0x11;
	s3 =	sadd.s32 @!p1 $0x11C3C, s3;
	[sflag:s2] =	ssyncset.done @!p1 $0x0  }
0x2e3: {  	[sflag:s2] =	ssyncadd.s32 @!p1 $0xFFFFFFBE;
	s2 =	sor.u32 @!p1 s4, s3  }
0x2e4: {  	s0 =	simm.s32 $0x0;
	[sflag:s2] =	ssyncadd.remote.s32 @!p1 $0xFFFFFFFF  }
0x2e5: {  	s0 =	simm.s32 $0xE419  }
0x2e6: {  	v0 =	vld.msk [tilespmem:s0+$0x0], $0x1;
	_ =	sdelay $0x4  }
0x2e7: {  	(v2sf) =	vpush v0, $0x0;
	_ =	sdelay $0xd  }
0x2e8: {  	s31 =	sadd.s32 $0xFFFFFFFE, s6  }
0x2e9: {  	s6 =	simm.s32 $0x0;
	s0 =	sadd.s32 $0xFFFFFFFF, s31;
	s2 =	spop (v2sf)  }
0x2ea: {  	s3 =	simm.s32 $0xE538;
	p1 =	sne.s32 s0, $0x0;
	p2 =	sgt.u32 s2, $0x1FF70  }
.Ltmp39:
0x2eb: {  	s4 =	simm.s32 $0xE638;
	s5 =	sand.u32 @!p2 $0x1FFF8, s2;
	(pc) =	sbr.rel @!p1 .LBB3_43-.Ltmp39, $4  }
0x2ec: {  	s7 =	sadd.s32 @!p2 $0x80, s2;
	s2 =	sand.u32 @!p2 $0x7, s2;
	s6 =	simm.s32 @!p2 $0x400  }
0x2ed: {  	s5 =	sadd.s32 @!p2 s1, s5;
	s7 =	sand.u32 @!p2 $0x3FFF8, s7;
	s6 =	sadd.s32 $0x0, s6  }
0x2ee: {  	[hbm4b:s5+s2] =	stream.linear.scatter @!p2 [tilespmem:s3], [sflag:$0x5], $0x80, $0x38;
	[tilespmem:$0x1E678] =	vst v63  }
0x2ef: {  	s5 =	simm.s32 $0xE41A;
	s3 =	simm.s32 @!p2 $0xE5B8;
	s7 =	sadd.s32 @!p2 s1, s7  }
.LBB3_42:
0x2f0: {  	[hbm4b:s7+s2] =	stream.linear.scatter @!p2 [tilespmem:s3], [sflag:$0x5], $0x80, $0x38;
	[tilespmem:$0x1E678] =	vst v63  }
0x2f1: {  	s0 =	sadd.s32 $0xFFFFFFFF, s0;
	s3 =	smov.u32 s4;
	v0 =	vld.msk [tilespmem:s5+$0x0], $0x1  }
0x2f2: {  	p1 =	sne.s32 s0, $0x0;
	_ =	sdelay $0x3  }
0x2f3: {  	(v2sf) =	vpush v0, $0x0;
	_ =	sdelay $0xe  }
0x2f4: {  	s4 =	sadd.s32 $0x100, s4;
	s8 =	simm.s32 $0x0;
	s2 =	spop (v2sf)  }
.Ltmp40:
0x2f5: {  	s5 =	sadd.s32 $0x1, s5;
	p2 =	sgt.u32 s2, $0x1FF70;
	(pc) =	sbr.rel @p1 .LBB3_42-.Ltmp40, $4  }
0x2f6: {  	s8 =	simm.s32 @!p2 $0x400;
	s7 =	sand.u32 @!p2 $0x1FFF8, s2;
	s9 =	sadd.s32 @!p2 $0x80, s2  }
0x2f7: {  	s2 =	sand.u32 @!p2 $0x7, s2;
	s7 =	sadd.s32 @!p2 s1, s7;
	s9 =	sand.u32 @!p2 $0x3FFF8, s9  }
0x2f8: {  	[hbm4b:s7+s2] =	stream.linear.scatter @!p2 [tilespmem:s3], [sflag:$0x5], $0x80, $0x38;
	[tilespmem:$0x1E678] =	vst v63  }
0x2f9: {  	s6 =	sadd.s32 s6, s8;
	s3 =	sadd.s32 @!p2 $0x80, s3;
	s7 =	sadd.s32 @!p2 s1, s9  }
.LBB3_43:
0x2fa: {  	[hbm4b:s7+s2] =	stream.linear.scatter @!p2 [tilespmem:s3], [sflag:$0x5], $0x80, $0x38;
	[tilespmem:$0x1E678] =	vst v63  }
0x2fb: {  	s0 =	sshrl.u32 s6, $0x2  }
.LBB3_44:
0x2fc: {  	s2 =	simm.s32 $0x5  }
0x2fd: {  	_ =	swait.ge [sflag:s2], s0  }
0x2fe: {  	s31 =	ssub.s32 $0x0, s0;
	[sflag:s2] =	ssyncset.done $0x0  }
0x2ff: {  	[sflag:s2] =	ssyncadd.s32 s31  }
0x300: {  	[sflag:s2] =	ssyncpa.u1 $0x1  }
.LBB3_45:
0x301: {  	s0 =	sor.u32 s14, s15  }
0x302: {  	p1 =	sne.s32 s0, $0x0  }
.Ltmp41:
0x303: {  	_ = 	snop;
	(pc) =	sbr.rel @p1 .LBB3_60-.Ltmp41, $3  }
0x304: {  	_ =	sdelay $0x1  }
0x305: {  	[bflag:$0x0] =	sbarrier.arrive $0xFFFF  }
0x306: {  	_ =	sfence  }
0x307: {  	s0 =	simm.s32 $0x7  }
0x308: {  	s2 =	simm.s32 $0x2000;
	s3 =	simm.s32 $0xE418;
	[sflag:s0] =	ssyncpa.u1 $0x0  }
0x309: {  	[tilespmem:s3], [sflag:$0x7] =	stream.linear.gather [spmem:s2], $0x20, $0x38;
	[tilespmem:$0x1E678] =	vst v63  }
0x30a: {  	s30 =	simm.s32 $0xE438;
	s2 =	simm.s32 $0x0  }
0x30b: {  	[tilespmem:s30], [sflag:$0x7] =	stream.linear.gather [spmem:s2], $0x2000, $0x38;
	[tilespmem:$0x1E678] =	vst v63  }
.Ltmp42:
0x30c: {  	_ = 	snop;
	(pc) =	sbr.rel .LBB3_47-.Ltmp42, $4  }
0x30d: {  	_ =	swait.ge [sflag:s0], $0x2020  }
0x30e: {  	[sflag:s0] =	ssyncset.done $0x0  }
0x30f: {  	s31 =	simm.s32 $0x8;
	[sflag:s0] =	ssyncadd.s32 $0xFFFFDFE0  }
0x310: {  	s3 =	simm.s32 $0x0;
	[sflag:s31] =	ssyncpa.u1 $0x0  }
.LBB3_53:
0x311: {  	p1 =	slt.u32 s0, $0x1FF71  }
0x312: {  	s4 =	sand.u32 @p1 $0x1FFF8, s0;
	s5 =	sand.u32 @p1 $0x7, s0;
	s0 =	sadd.s32 @p1 $0x80, s0  }
0x313: {  	s6 =	simm.s32 @p1 $0xE308;
	s4 =	sadd.s32 @p1 s1, s4;
	s0 =	sand.u32 @p1 $0x3FFF8, s0  }
0x314: {  	[tilespmem:s6], [sflag:$0x8] =	stream.linear.gather @p1 [hbm4b:s4+s5], $0x80, $0x38;
	[tilespmem:$0x1E678] =	vst v63  }
0x315: {  	s0 =	sadd.s32 @p1 s1, s0;
	s4 =	simm.s32 @p1 $0xE388  }
0x316: {  	[tilespmem:s4], [sflag:$0x8] =	stream.linear.gather @p1 [hbm4b:s0+s5], $0x80, $0x38;
	[tilespmem:$0x1E678] =	vst v63  }
0x317: {  	s0 =	simm.s32 @p1 $0x8  }
0x318: {  	_ =	swait.ge @p1 [sflag:s0], $0x100  }
0x319: {  	[sflag:s0] =	ssyncset.done @p1 $0x0  }
0x31a: {  	[sflag:s0] =	ssyncadd.s32 @p1 $0xFFFFFF00  }
0x31b: {  	v1 =	vld @p1 [tilespmem:$0xE308];
	_ =	sdelay $0x2  }
0x31c: {  	s0 =	sshll.u32 @p1 s3, $0xA  }
0x31d: {  	s4 =	sshrl.u32 @p1 s0, $0x2  }
0x31e: {  	[tilespmem:s4+$0xE438] =	vst.add.f32.msk @p1 $0xffff, v1  }
0x31f: {  	v1 =	vld @p1 [tilespmem:$0xE318];
	_ =	sdelay $0x4  }
0x320: {  	[tilespmem:s4+$0xE448] =	vst.add.f32.msk @p1 $0xffff, v1  }
0x321: {  	v1 =	vld @p1 [tilespmem:$0xE328];
	_ =	sdelay $0x4  }
0x322: {  	[tilespmem:s4+$0xE458] =	vst.add.f32.msk @p1 $0xffff, v1  }
0x323: {  	v1 =	vld @p1 [tilespmem:$0xE338];
	_ =	sdelay $0x4  }
0x324: {  	[tilespmem:s4+$0xE468] =	vst.add.f32.msk @p1 $0xffff, v1  }
0x325: {  	v1 =	vld @p1 [tilespmem:$0xE348];
	_ =	sdelay $0x4  }
0x326: {  	[tilespmem:s4+$0xE478] =	vst.add.f32.msk @p1 $0xffff, v1  }
0x327: {  	v1 =	vld @p1 [tilespmem:$0xE358];
	_ =	sdelay $0x4  }
0x328: {  	[tilespmem:s4+$0xE488] =	vst.add.f32.msk @p1 $0xffff, v1  }
0x329: {  	v1 =	vld @p1 [tilespmem:$0xE368];
	_ =	sdelay $0x4  }
0x32a: {  	[tilespmem:s4+$0xE498] =	vst.add.f32.msk @p1 $0xffff, v1  }
0x32b: {  	v1 =	vld @p1 [tilespmem:$0xE378];
	_ =	sdelay $0x4  }
0x32c: {  	[tilespmem:s4+$0xE4A8] =	vst.add.f32.msk @p1 $0xffff, v1  }
0x32d: {  	v1 =	vld @p1 [tilespmem:$0xE388];
	_ =	sdelay $0x4  }
0x32e: {  	[tilespmem:s4+$0xE4B8] =	vst.add.f32.msk @p1 $0xffff, v1  }
0x32f: {  	v1 =	vld @p1 [tilespmem:$0xE398];
	_ =	sdelay $0x4  }
0x330: {  	[tilespmem:s4+$0xE4C8] =	vst.add.f32.msk @p1 $0xffff, v1  }
0x331: {  	v1 =	vld @p1 [tilespmem:$0xE3A8];
	_ =	sdelay $0x4  }
0x332: {  	[tilespmem:s4+$0xE4D8] =	vst.add.f32.msk @p1 $0xffff, v1  }
0x333: {  	v1 =	vld @p1 [tilespmem:$0xE3B8];
	_ =	sdelay $0x4  }
0x334: {  	[tilespmem:s4+$0xE4E8] =	vst.add.f32.msk @p1 $0xffff, v1  }
0x335: {  	v1 =	vld @p1 [tilespmem:$0xE3C8];
	_ =	sdelay $0x4  }
0x336: {  	[tilespmem:s4+$0xE4F8] =	vst.add.f32.msk @p1 $0xffff, v1  }
0x337: {  	v1 =	vld @p1 [tilespmem:$0xE3D8];
	_ =	sdelay $0x4  }
0x338: {  	[tilespmem:s4+$0xE508] =	vst.add.f32.msk @p1 $0xffff, v1  }
0x339: {  	v1 =	vld @p1 [tilespmem:$0xE3E8];
	_ =	sdelay $0x4  }
0x33a: {  	[tilespmem:s4+$0xE518] =	vst.add.f32.msk @p1 $0xffff, v1  }
0x33b: {  	v1 =	vld @p1 [tilespmem:$0xE3F8];
	_ =	sdelay $0x3  }
0x33c: {  	s5 =	sshll.u32 @!p1 s3, $0xA  }
0x33d: {  	s5 =	smov.u32 @p1 s0;
	[tilespmem:s4+$0xE528] =	vst.add.f32.msk @p1 $0xffff, v1  }
0x33e: {  	s0 =	sshrl.u32 s5, $0x2;
	[tilespmem:s2+$0xE418] =	vst.msk $0x1, v0  }
0x33f: {  	v0 =	vld [tilespmem:s0+$0xE438];
	_ =	sdelay $0x2  }
0x340: {  	s31 =	sshll.u32 s2, $0xA  }
0x341: {  	s4 =	sshra.s32 s31, $0x2  }
0x342: {  	[tilespmem:s4+$0xE438] =	vst v0  }
0x343: {  	v0 =	vld [tilespmem:s0+$0xE448];
	_ =	sdelay $0x4  }
0x344: {  	[tilespmem:s4+$0xE448] =	vst v0  }
0x345: {  	v0 =	vld [tilespmem:s0+$0xE458];
	_ =	sdelay $0x4  }
0x346: {  	[tilespmem:s4+$0xE458] =	vst v0  }
0x347: {  	v0 =	vld [tilespmem:s0+$0xE468];
	_ =	sdelay $0x4  }
0x348: {  	[tilespmem:s4+$0xE468] =	vst v0  }
0x349: {  	v0 =	vld [tilespmem:s0+$0xE478];
	_ =	sdelay $0x4  }
0x34a: {  	[tilespmem:s4+$0xE478] =	vst v0  }
0x34b: {  	v0 =	vld [tilespmem:s0+$0xE488];
	_ =	sdelay $0x4  }
0x34c: {  	[tilespmem:s4+$0xE488] =	vst v0  }
0x34d: {  	v0 =	vld [tilespmem:s0+$0xE498];
	_ =	sdelay $0x4  }
0x34e: {  	[tilespmem:s4+$0xE498] =	vst v0  }
0x34f: {  	v0 =	vld [tilespmem:s0+$0xE4A8];
	_ =	sdelay $0x4  }
0x350: {  	[tilespmem:s4+$0xE4A8] =	vst v0  }
0x351: {  	v0 =	vld [tilespmem:s0+$0xE4B8];
	_ =	sdelay $0x4  }
0x352: {  	[tilespmem:s4+$0xE4B8] =	vst v0  }
0x353: {  	v0 =	vld [tilespmem:s0+$0xE4C8];
	_ =	sdelay $0x4  }
0x354: {  	[tilespmem:s4+$0xE4C8] =	vst v0  }
0x355: {  	v0 =	vld [tilespmem:s0+$0xE4D8];
	_ =	sdelay $0x4  }
0x356: {  	[tilespmem:s4+$0xE4D8] =	vst v0  }
0x357: {  	v0 =	vld [tilespmem:s0+$0xE4E8];
	_ =	sdelay $0x4  }
0x358: {  	[tilespmem:s4+$0xE4E8] =	vst v0  }
0x359: {  	v0 =	vld [tilespmem:s0+$0xE4F8];
	_ =	sdelay $0x4  }
0x35a: {  	[tilespmem:s4+$0xE4F8] =	vst v0  }
0x35b: {  	v0 =	vld [tilespmem:s0+$0xE508];
	_ =	sdelay $0x4  }
0x35c: {  	[tilespmem:s4+$0xE508] =	vst v0  }
0x35d: {  	v0 =	vld [tilespmem:s0+$0xE518];
	_ =	sdelay $0x4  }
0x35e: {  	[tilespmem:s4+$0xE518] =	vst v0  }
0x35f: {  	v0 =	vld [tilespmem:s0+$0xE528];
	_ =	sdelay $0x4  }
0x360: {  	s2 =	sadd.s32 $0x1, s2;
	[tilespmem:s4+$0xE528] =	vst v0  }
.LBB3_54:
0x361: {  	s3 =	sadd.s32 $0x1, s3  }
0x362: {  	p1 =	sne.s32 s3, $0x20  }
.Ltmp43:
0x363: {  	_ = 	snop;
	(pc) =	sbr.rel @!p1 .LBB3_55-.Ltmp43, $1  }
0x364: {  	_ =	sdelay $0x3  }
.LBB3_47:
0x365: {  	v0 =	vld.msk [tilespmem:s3+$0xE418], $0x1;
	_ =	sdelay $0x4  }
0x366: {  	(v2sf) =	vpush v0, $0x0;
	_ =	sdelay $0xe  }
0x367: {  	s0 =	spop (v2sf)  }
0x368: {  	p1 =	seq.s32 s0, $0xFFFFFFFF  }
.Ltmp44:
0x369: {  	_ = 	snop;
	(pc) =	sbr.rel @p1 .LBB3_54-.Ltmp44, $1  }
0x36a: {  	_ =	sdelay $0x3  }
0x36b: {  	p1 =	slt.s32 s2, $0x1  }
.Ltmp45:
0x36c: {  	_ = 	snop;
	(pc) =	sbr.rel @p1 .LBB3_53-.Ltmp45, $1  }
0x36d: {  	_ =	sdelay $0x3  }
0x36e: {  	s4 =	simm.s32 $0xE418;
	p1 =	por $0x0, $0x0  }
0x36f: {  	v1 =	vld.msk @!p1 [tilespmem:s4+$0x0], $0x1;
	_ =	sdelay $0x4  }
0x370: {  	(v2sf) =	vpush @!p1 v1, $0x0;
	_ =	sdelay $0xd  }
0x371: {  	p3 =	sne.s32 s2, $0x1  }
.Ltmp46:
0x372: {  	s5 =	spop @!p1 (v2sf);
	(pc) =	sbr.rel @!p3 .LBB3_51-.Ltmp46, $4  }
0x373: {  	p2 =	seq.s32 @!p1 s0, s5  }
0x374: {  	s5 =	simm.s32 $0x0;
	p2 =	por !p2, p1  }
0x375: {  	s7 =	simm.s32 $0xFFFFFFFF;
	s5 =	simm.s32 @p2 $0xFFFFFFFF  }
0x376: {  	s6 =	simm.s32 $0x1;
	s5 =	smov.u32 @p1 s7  }
.LBB3_50:
0x377: {  	s7 =	smov.u32 s5;
	p1 =	sne.s32 s5, $0xFFFFFFFF  }
0x378: {  	s4 =	sadd.s32 $0x1, s4;
	s5 =	smov.u32 s6;
	s6 =	sadd.s32 $0x1, s6  }
0x379: {  	p2 =	sne.s32 s2, s6;
	v1 =	vld.msk @!p1 [tilespmem:s4+$0x0], $0x1;
	_ =	sdelay $0x4  }
0x37a: {  	(v2sf) =	vpush @!p1 v1, $0x0;
	_ =	sdelay $0xe  }
.Ltmp47:
0x37b: {  	s8 =	spop @!p1 (v2sf);
	(pc) =	sbr.rel @p2 .LBB3_50-.Ltmp47, $4  }
0x37c: {  	p3 =	seq.s32 @!p1 s0, s8  }
0x37d: {  	p3 =	por !p3, p1  }
0x37e: {  	s5 =	simm.s32 @p3 $0xFFFFFFFF  }
0x37f: {  	s5 =	smov.u32 @p1 s7  }
.LBB3_51:
0x380: {  	p1 =	seq.s32 s5, $0xFFFFFFFF  }
.Ltmp48:
0x381: {  	_ = 	snop;
	(pc) =	sbr.rel @p1 .LBB3_53-.Ltmp48, $1  }
0x382: {  	_ =	sdelay $0x3  }
0x383: {  	s0 =	sshll.u32 s3, $0x8  }
0x384: {  	s0 =	sand.u32 $0x3FFFFF00, s0  }
0x385: {  	v0 =	vld [tilespmem:s0+$0xE438];
	_ =	sdelay $0x2  }
0x386: {  	s4 =	sshll.u32 s5, $0xA  }
0x387: {  	s4 =	sshra.s32 s4, $0x2  }
0x388: {  	[tilespmem:s4+$0xE438] =	vst.add.f32.msk $0xffff, v0  }
0x389: {  	v0 =	vld [tilespmem:s0+$0xE448];
	_ =	sdelay $0x4  }
0x38a: {  	[tilespmem:s4+$0xE448] =	vst.add.f32.msk $0xffff, v0  }
0x38b: {  	v0 =	vld [tilespmem:s0+$0xE458];
	_ =	sdelay $0x4  }
0x38c: {  	[tilespmem:s4+$0xE458] =	vst.add.f32.msk $0xffff, v0  }
0x38d: {  	v0 =	vld [tilespmem:s0+$0xE468];
	_ =	sdelay $0x4  }
0x38e: {  	[tilespmem:s4+$0xE468] =	vst.add.f32.msk $0xffff, v0  }
0x38f: {  	v0 =	vld [tilespmem:s0+$0xE478];
	_ =	sdelay $0x4  }
0x390: {  	[tilespmem:s4+$0xE478] =	vst.add.f32.msk $0xffff, v0  }
0x391: {  	v0 =	vld [tilespmem:s0+$0xE488];
	_ =	sdelay $0x4  }
0x392: {  	[tilespmem:s4+$0xE488] =	vst.add.f32.msk $0xffff, v0  }
0x393: {  	v0 =	vld [tilespmem:s0+$0xE498];
	_ =	sdelay $0x4  }
0x394: {  	[tilespmem:s4+$0xE498] =	vst.add.f32.msk $0xffff, v0  }
0x395: {  	v0 =	vld [tilespmem:s0+$0xE4A8];
	_ =	sdelay $0x4  }
0x396: {  	[tilespmem:s4+$0xE4A8] =	vst.add.f32.msk $0xffff, v0  }
0x397: {  	v0 =	vld [tilespmem:s0+$0xE4B8];
	_ =	sdelay $0x4  }
0x398: {  	[tilespmem:s4+$0xE4B8] =	vst.add.f32.msk $0xffff, v0  }
0x399: {  	v0 =	vld [tilespmem:s0+$0xE4C8];
	_ =	sdelay $0x4  }
0x39a: {  	[tilespmem:s4+$0xE4C8] =	vst.add.f32.msk $0xffff, v0  }
0x39b: {  	v0 =	vld [tilespmem:s0+$0xE4D8];
	_ =	sdelay $0x4  }
0x39c: {  	[tilespmem:s4+$0xE4D8] =	vst.add.f32.msk $0xffff, v0  }
0x39d: {  	v0 =	vld [tilespmem:s0+$0xE4E8];
	_ =	sdelay $0x4  }
0x39e: {  	[tilespmem:s4+$0xE4E8] =	vst.add.f32.msk $0xffff, v0  }
0x39f: {  	v0 =	vld [tilespmem:s0+$0xE4F8];
	_ =	sdelay $0x4  }
0x3a0: {  	[tilespmem:s4+$0xE4F8] =	vst.add.f32.msk $0xffff, v0  }
0x3a1: {  	v0 =	vld [tilespmem:s0+$0xE508];
	_ =	sdelay $0x4  }
0x3a2: {  	[tilespmem:s4+$0xE508] =	vst.add.f32.msk $0xffff, v0  }
0x3a3: {  	v0 =	vld [tilespmem:s0+$0xE518];
	_ =	sdelay $0x4  }
0x3a4: {  	[tilespmem:s4+$0xE518] =	vst.add.f32.msk $0xffff, v0  }
0x3a5: {  	v0 =	vld [tilespmem:s0+$0xE528]  }
.Ltmp49:
0x3a6: {  	_ = 	snop;
	(pc) =	sbr.rel .LBB3_54-.Ltmp49, $2  }
0x3a7: {  	_ =	sdelay $0x2  }
0x3a8: {  	[tilespmem:s4+$0xE528] =	vst.add.f32.msk $0xffff, v0  }
.LBB3_55:
0x3a9: {  	p1 =	slt.s32 s2, $0x1  }
.Ltmp50:
0x3aa: {  	_ = 	snop;
	(pc) =	sbr.rel @p1 .LBB3_59-.Ltmp50, $3  }
0x3ab: {  	_ =	sdelay $0x1  }
0x3ac: {  	s0 =	simm.s32 $0x8  }
0x3ad: {  	s4 =	simm.s32 $0x0;
	[sflag:s0] =	ssyncpa.u1 $0x1  }
0x3ae: {  	s0 =	simm.s32 $0xE418  }
0x3af: {  	v0 =	vld.msk [tilespmem:s0+$0x0], $0x1;
	_ =	sdelay $0x4  }
0x3b0: {  	(v2sf) =	vpush v0, $0x0;
	_ =	sdelay $0xe  }
0x3b1: {  	s0 =	sadd.s32 $0xFFFFFFFF, s2;
	s3 =	spop (v2sf)  }
0x3b2: {  	s6 =	simm.s32 $0xE438;
	p1 =	sne.s32 s0, $0x0;
	p2 =	sgt.u32 s3, $0x1FF70  }
.Ltmp51:
0x3b3: {  	s2 =	simm.s32 $0xE538;
	s5 =	sand.u32 @!p2 $0x1FFF8, s3;
	(pc) =	sbr.rel @!p1 .LBB3_58-.Ltmp51, $4  }
0x3b4: {  	s7 =	sadd.s32 @!p2 $0x80, s3;
	s4 =	simm.s32 @!p2 $0x400;
	s8 =	sadd.s32 @!p2 s1, s5  }
0x3b5: {  	s5 =	sand.u32 @!p2 $0x7, s3;
	s3 =	simm.s32 $0xE419;
	s7 =	sand.u32 @!p2 $0x3FFF8, s7  }
0x3b6: {  	[hbm4b:s8+s5] =	stream.linear.scatter @!p2 [tilespmem:s6], [sflag:$0x7], $0x80, $0x38;
	[tilespmem:$0x1E678] =	vst v63  }
0x3b7: {  	s4 =	sadd.s32 $0x0, s4;
	s6 =	simm.s32 @!p2 $0xE4B8;
	s7 =	sadd.s32 @!p2 s1, s7  }
.LBB3_57:
0x3b8: {  	[hbm4b:s7+s5] =	stream.linear.scatter @!p2 [tilespmem:s6], [sflag:$0x7], $0x80, $0x38;
	[tilespmem:$0x1E678] =	vst v63  }
0x3b9: {  	s0 =	sadd.s32 $0xFFFFFFFF, s0;
	s6 =	smov.u32 s2;
	v0 =	vld.msk [tilespmem:s3+$0x0], $0x1  }
0x3ba: {  	p1 =	sne.s32 s0, $0x0;
	_ =	sdelay $0x3  }
0x3bb: {  	(v2sf) =	vpush v0, $0x0;
	_ =	sdelay $0xe  }
0x3bc: {  	s2 =	sadd.s32 $0x100, s2;
	s8 =	simm.s32 $0x0;
	s5 =	spop (v2sf)  }
.Ltmp52:
0x3bd: {  	s3 =	sadd.s32 $0x1, s3;
	p2 =	sgt.u32 s5, $0x1FF70;
	(pc) =	sbr.rel @p1 .LBB3_57-.Ltmp52, $4  }
0x3be: {  	s8 =	simm.s32 @!p2 $0x400;
	s7 =	sand.u32 @!p2 $0x1FFF8, s5;
	s9 =	sadd.s32 @!p2 $0x80, s5  }
0x3bf: {  	s5 =	sand.u32 @!p2 $0x7, s5;
	s7 =	sadd.s32 @!p2 s1, s7;
	s9 =	sand.u32 @!p2 $0x3FFF8, s9  }
0x3c0: {  	[hbm4b:s7+s5] =	stream.linear.scatter @!p2 [tilespmem:s6], [sflag:$0x7], $0x80, $0x38;
	[tilespmem:$0x1E678] =	vst v63  }
0x3c1: {  	s4 =	sadd.s32 s4, s8;
	s6 =	sadd.s32 @!p2 $0x80, s6;
	s7 =	sadd.s32 @!p2 s1, s9  }
.LBB3_58:
0x3c2: {  	[hbm4b:s7+s5] =	stream.linear.scatter @!p2 [tilespmem:s6], [sflag:$0x7], $0x80, $0x38;
	[tilespmem:$0x1E678] =	vst v63  }
0x3c3: {  	s4 =	sshrl.u32 s4, $0x2  }
.LBB3_59:
0x3c4: {  	s0 =	simm.s32 $0x7  }
0x3c5: {  	_ =	swait.ge [sflag:s0], s4  }
0x3c6: {  	s1 =	ssub.s32 $0x0, s4;
	[sflag:s0] =	ssyncset.done $0x0  }
0x3c7: {  	[sflag:s0] =	ssyncadd.s32 s1  }
0x3c8: {  	[sflag:s0] =	ssyncpa.u1 $0x1  }
.LBB3_60:
0x3c9: {  	_ =	sfence;
	s0 =	simm.s32 $0x1  }
0x3ca: {  	[sflag:s0] =	ssyncpa.u1 $0x1  }
0x3cb: {  	_ =	strace $0x90000059  }
0x3cc: {  	[bflag:$0x2] =	sbarrier.arrive $0xFFFF  }
0x3cd: {  	s0 =	rddreg [dreg:$0x3]  }
0x3ce: {  	s0 =	sadd.s32 @!p0 $0x100000, s0  }
0x3cf: {  	[sflag:s0] =	ssyncadd.tile.s32 @!p0 $0x1;
	_ =	shalt  }
.Lfunc_end3:
_tile_overlayer_lowered:
.L_overlay_start_3:
0x3d0: {  	(tag) =	ssettag $0x3  }
0x3d1: {  	s0 =	rddreg [dreg:$0x0];
	s2 =	stileid.u32  }
0x3d2: {  	s1 =	rddreg [dreg:$0x1];
	p0 =	sne.s32 s2, $0x0  }
0x3d3: {  	s3 =	rddreg [dreg:$0x2];
	[bflag:$0x3] =	sbarrier.arrive $0xFFFF;
	s2 =	simm.s32 @!p0 $0x1C01  }
0x3d4: {  	[timem:s3], [sflag:s2] =	dma.local @!p0 [hbm:s0], s1  }
0x3d5: {  	s0 =	simm.s32 @!p0 $0x1  }
0x3d6: {  	_ =	swait.ge @!p0 [sflag:s0], s1  }
0x3d7: {  	s1 =	ssub.s32 @!p0 $0x0, s1;
	[sflag:s0] =	ssyncset.done @!p0 $0x0  }
0x3d8: {  	[sflag:s0] =	ssyncadd.s32 @!p0 s1  }
0x3d9: {  	[bflag:$0x3] =	sbarrier.arrive $0xFFFF  }
0x3da: {  	_ =	shalt  }

// kernel: scatter_offload_async_start.2
scs
__scs_entry_jumppad:
0x0: {  	(pc) =	sbr.rel $0x88, $3  }
0x1: {  	(tag) =	ssettag $0x0;
	lr =	simm.s32 $0x1  }
0x2: {  	[smem:$0x3F97] =	sst lr;
	_ =	strace $0xD0000000  }
0x3: {  	_ = 	snop  }
0x4: {  	_ = 	snop  }
0x5: {  	_ = 	snop  }
0x6: {  	_ = 	snop  }
0x7: {  	_ = 	snop  }
__scs_overlays_trampoline_lowered:
0x8: {  	[smem:$0x3FA6] =	sst s0  }
0x9: {  	[smem:$0x3FA7] =	sst s1  }
0xa: {  	[smem:$0x3FA8] =	sst s2  }
0xb: {  	[smem:$0x3FA9] =	sst s3  }
0xc: {  	[smem:$0x3FAA] =	sst s4  }
0xd: {  	[smem:$0x3FAB] =	sst s5  }
0xe: {  	[smem:$0x3FAC] =	sst s6  }
0xf: {  	[smem:$0x3FAD] =	sst s7  }
0x10: {  	[smem:$0x3FAE] =	sst s8  }
0x11: {  	[smem:$0x3FAF] =	sst s9;
	s0 =	simm.s32 @!p0 $0x0  }
0x12: {  	s1 =	sld [smem:$0x3F95];
	s0 =	simm.s32 @p0 $0x1  }
0x13: {  	[smem:$0x3FB0] =	sst s0;
	s0 =	simm.s32 @!p1 $0x0  }
0x14: {  	s2 =	sld [smem:$0x3F94];
	s0 =	simm.s32 @p1 $0x1  }
0x15: {  	[smem:$0x3FB1] =	sst s0;
	s0 =	simm.s32 @!p2 $0x0  }
0x16: {  	s3 =	sld [smem:$0x3FDB];
	s0 =	simm.s32 @p2 $0x1  }
0x17: {  	s4 =	simm.s32 $0x1BF5;
	[smem:$0x3FB3] =	sst s0  }
0x18: {  	s0 =	sld [smem:$0x3F96];
	_ =	swait.ge [sflag:s4], $0x0  }
0x19: {  	s7 =	sld [smem:$0x3F97]  }
0x1a: {  	s8 =	sadd.s32 $0xFFFFE003, lr  }
0x1b: {  	s9 =	sadd.s32 $0xFFFFFEF7, lr;
	s5 =	simm.s32 $0xFFFFFFFF;
	p2 =	slt.u32 s8, $0xFFFFF086  }
0x1c: {  	p1 =	slt.u32 s9, $0xF7A;
	s5 =	simm.s32 @!p2 $0x0  }
0x1d: {  	s5 =	simm.s32 @p1 $0x1;
	p0 =	seq.s32 s7, s2  }
0x1e: {  	s7 =	smul.u32 @!p0 $0xF7A, s2;
	p2 =	seq.s32 @!p0 s5, $0x0  }
0x1f: {  	s9 =	smul.u32 $0xF7A, s1;
	s8 =	simm.s32 @!p0 $0x1BF5;
	p2 =	por !p2, p0  }
0x20: {  	[sflag:s8] =	ssyncset.s32 @!p0 $0xFFFFF086;
	s6 =	sadd.s32 @!p0 s3, s7;
	s7 =	simm.s32 @!p0 $0x108  }
0x21: {  	s3 =	sadd.s32 s3, s9;
	s6 =	sadd.s32 @!p0 $0x88, s6;
	s7 =	simm.s32 @p2 $0x1082  }
0x22: {  	[simem:s7], [sflag:s8] =	dma.local @!p0 [hbm:s6], $0xF7A  }
0x23: {  	s9 =	sor.u32 $0xD0000000, s2;
	s6 =	simm.s32 $0x108;
	_ =	swait.ge @!p0 [sflag:s8], $0x0  }
0x24: {  	s3 =	sadd.s32 $0x88, s3;
	s6 =	simm.s32 @!p1 $0x1082;
	[sflag:s4] =	ssyncset.s32 $0xFFFFF086  }
0x25: {  	[simem:s6], [sflag:s4] =	dma.local [hbm:s3], $0xF7A  }
0x26: {  	[smem:$0x3F97] =	sst s1;
	(tag) =	ssettag s2;
	_ =	strace s9  }
0x27: {  	s1 =	sld [smem:$0x3FA7]  }
0x28: {  	s2 =	sld [smem:$0x3FA8]  }
0x29: {  	s4 =	sld [smem:$0x3FAA]  }
0x2a: {  	p0 =	seq.s32 s5, $0x0;
	s5 =	sld [smem:$0x3FAB]  }
0x2b: {  	s6 =	sld [smem:$0x3FAC]  }
0x2c: {  	s7 =	sld [smem:$0x3FAD]  }
0x2d: {  	s3 =	simm.s32 $0x108;
	s8 =	sld [smem:$0x3FAE]  }
0x2e: {  	s3 =	simm.s32 @!p0 $0x1082;
	s9 =	sld [smem:$0x3FAF]  }
0x2f: {  	lr =	sadd.s32 s0, s3;
	s0 =	sld [smem:$0x3FA6]  }
0x30: {  	s3 =	sld [smem:$0x3FA9]  }
0x31: {  	[smem:$0x3FB2] =	sst s10  }
0x32: {  	s10 =	sld [smem:$0x3FB0];
	_ =	sdelay $0x3  }
0x33: {  	p0 =	seq.s32 s10, $0x1;
	s10 =	sld [smem:$0x3FB2];
	_ =	sdelay $0x3  }
0x34: {  	[smem:$0x3FB2] =	sst s10  }
0x35: {  	s10 =	sld [smem:$0x3FB1];
	_ =	sdelay $0x3  }
0x36: {  	p1 =	seq.s32 s10, $0x1;
	s10 =	sld [smem:$0x3FB2];
	_ =	sdelay $0x3  }
0x37: {  	[smem:$0x3FB2] =	sst s10  }
0x38: {  	s10 =	sld [smem:$0x3FB3]  }
0x39: {  	_ = 	snop;
	(pc) =	sbr.ind lr, $3  }
0x3a: {  	_ = 	snop  }
0x3b: {  	_ = 	snop  }
0x3c: {  	p2 =	seq.s32 s10, $0x1;
	s10 =	sld [smem:$0x3FB2]  }
0x3d: {  	_ =	shalt  }
0x3e: {  	_ =	shalt  }
0x3f: {  	_ =	shalt  }
0x40: {  	_ =	shalt  }
0x41: {  	_ =	shalt  }
0x42: {  	_ =	shalt  }
0x43: {  	_ =	shalt  }
0x44: {  	_ =	shalt  }
0x45: {  	_ =	shalt  }
0x46: {  	_ =	shalt  }
0x47: {  	_ =	shalt  }
0x48: {  	_ =	shalt  }
0x49: {  	_ =	shalt  }
0x4a: {  	_ =	shalt  }
0x4b: {  	_ =	shalt  }
0x4c: {  	_ =	shalt  }
0x4d: {  	_ =	shalt  }
0x4e: {  	_ =	shalt  }
0x4f: {  	_ =	shalt  }
0x50: {  	_ =	shalt  }
0x51: {  	_ =	shalt  }
0x52: {  	_ =	shalt  }
0x53: {  	_ =	shalt  }
0x54: {  	_ =	shalt  }
0x55: {  	_ =	shalt  }
0x56: {  	_ =	shalt  }
0x57: {  	_ =	shalt  }
0x58: {  	_ =	shalt  }
0x59: {  	_ =	shalt  }
0x5a: {  	_ =	shalt  }
0x5b: {  	_ =	shalt  }
0x5c: {  	_ =	shalt  }
0x5d: {  	_ =	shalt  }
0x5e: {  	_ =	shalt  }
0x5f: {  	_ =	shalt  }
0x60: {  	_ =	shalt  }
0x61: {  	_ =	shalt  }
0x62: {  	_ =	shalt  }
0x63: {  	_ =	shalt  }
0x64: {  	_ =	shalt  }
0x65: {  	_ =	shalt  }
0x66: {  	_ =	shalt  }
0x67: {  	_ =	shalt  }
0x68: {  	_ =	shalt  }
0x69: {  	_ =	shalt  }
0x6a: {  	_ =	shalt  }
0x6b: {  	_ =	shalt  }
0x6c: {  	_ =	shalt  }
0x6d: {  	_ =	shalt  }
0x6e: {  	_ =	shalt  }
0x6f: {  	_ =	shalt  }
0x70: {  	_ =	shalt  }
0x71: {  	_ =	shalt  }
0x72: {  	_ =	shalt  }
0x73: {  	_ =	shalt  }
0x74: {  	_ =	shalt  }
0x75: {  	_ =	shalt  }
0x76: {  	_ =	shalt  }
0x77: {  	_ =	shalt  }
0x78: {  	_ =	shalt  }
0x79: {  	_ =	shalt  }
0x7a: {  	_ =	shalt  }
0x7b: {  	_ =	shalt  }
0x7c: {  	_ =	shalt  }
0x7d: {  	_ =	shalt  }
0x7e: {  	_ =	shalt  }
0x7f: {  	_ =	shalt  }
0x80: {  	_ =	shalt  }
0x81: {  	_ =	shalt  }
0x82: {  	_ =	shalt  }
0x83: {  	_ =	shalt  }
0x84: {  	_ =	shalt  }
0x85: {  	_ =	shalt  }
0x86: {  	_ =	shalt  }
0x87: {  	_ =	shalt  }
.Lfunc_end0:
.L_simem_size_0:
called_computation.2_lowered:
.L_overlay_start_0:
0x88: {  	s2 =	sld [smem:$0x3FD9]  }
0x89: {  	s3 =	sld [smem:$0x3FFE];
	_ =	sdelay $0x1  }
0x8a: {  	s1 =	srdreg.scid  }
0x8b: {  	s0 =	sand.u32 $0x1, s1  }
0x8c: {  	s16 =	sshll.u32 s0, $0xA;
	s2 =	sadd.s32 s3, s2  }
0x8d: {  	s2 =	sadd.s32 s2, s16  }
0x8e: {  	[smem:$0x3FBE] =	sst s2  }
0x8f: {  	_ = 	snop  }
0x90: {  	s2 =	sld [smem:$0x3FD0];
	(tm) =	ssettm $0x1  }
0x91: {  	s17 =	sld [smem:$0x3FFB];
	_ =	sdelay $0x3  }
0x92: {  	_ =	strace s17  }
0x93: {  	s3 =	sld [smem:$0x3FFC];
	_ =	sdelay $0x3  }
0x94: {  	_ =	strace s3  }
0x95: {  	s3 =	sld [smem:$0x3FFD];
	_ =	sdelay $0x3  }
0x96: {  	_ =	strace s3  }
0x97: {  	_ =	strace $0x8FFFFFFF  }
0x98: {  	s18 =	sld [smem:$0x3FDB];
	_ =	sdelay $0x1  }
0x99: {  	s4 =	simm.s32 $_scs_section_size  }
0x9a: {  	s5 =	simm.s32 $_size__tile_overlayer_lowered;
	s6 =	simm.s32 $_tile_overlayer_lowered  }
0x9b: {  	s21 =	simm.s32 $0x1BFF;
	s20 =	sshll.u32 s6, $0x1;
	s3 =	sadd.s32 s4, s18  }
0x9c: {  	s7 =	simm.s32 $0x0;
	s19 =	sshll.u32 s5, $0x1;
	s5 =	sadd.s32 s20, s3  }
0x9d: {  	[timem:s7], [sflag:s21] =	dma.local [hbm:s5], s19  }
0x9e: {  	_ =	swait.ge [sflag:s21], s19  }
0x9f: {  	s4 =	ssub.s32 $0x0, s19;
	[sflag:s21] =	ssyncset.done $0x0  }
0xa0: {  	[sflag:s21] =	ssyncadd.s32 s4;
	_ =	sdelay $0x1  }
0xa1: {  	s22 =	simm.s32 $0x1B8B  }
0xa2: {  	_ =	swait.ge [sflag:s22], $0x1  }
0xa3: {  	[sflag:s22] =	ssyncset.done $0x0  }
0xa4: {  	s23 =	sld [smem:$0x3FFE];
	[sflag:s22] =	ssyncadd.s32 $0xFFFFFFFF  }
0xa5: {  	s25 =	simm.s32 $0x1B8E;
	s24 =	sld [smem:$0x0]  }
0xa6: {  	s26 =	simm.s32 $execute0_lowered;
	[smem:$0x3FD2] =	sst s25  }
0xa7: {  	s6 =	sshll.u32 s26, $0x1;
	_ =	strace $0x8000005B;
	[dreg:$0x1] =	wrdreg $0xFFFFFFFF  }
0xa8: {  	s28 =	simm.s32 $_size_execute0_lowered;
	s3 =	sadd.s32 s3, s6;
	[dreg:$0x0] =	wrdreg $0x0  }
0xa9: {  	s6 =	sshll.u32 s28, $0x1;
	[dreg:$0x2] =	wrdreg s3  }
0xaa: {  	[dreg:$0x3] =	wrdreg s6  }
0xab: {  	[dreg:$0x4] =	wrdreg $0xC0  }
0xac: {  	_ =	task [dreg:s7], $0x5FFFF  }
0xad: {  	[dreg:$0x1] =	wrdreg $0xFFFFFFFF  }
0xae: {  	[dreg:$0x0] =	wrdreg $0x60  }
0xaf: {  	[dreg:$0x2] =	wrdreg s2  }
0xb0: {  	[dreg:$0x3] =	wrdreg s23  }
0xb1: {  	[dreg:$0x4] =	wrdreg s1  }
0xb2: {  	[dreg:$0x5] =	wrdreg s24  }
0xb3: {  	[dreg:$0x6] =	wrdreg $0x9  }
0xb4: {  	_ =	task.clear_ibuf [dreg:s7], $0x7FFFF;
	_ =	strace $0x9000005B  }
0xb5: {  	s29 =	simm.s32 $0x9;
	_ =	strace $0x8000005D  }
0xb6: {  	_ =	swait.ge [sflag:s29], $0x1  }
0xb7: {  	[sflag:s29] =	ssyncadd.s32 $0xFFFFFFFF  }
0xb8: {  	_ =	strace $0x9000005D  }
0xb9: {  	_ =	sfence  }
0xba: {  	s30 =	sld [smem:$0x0];
	_ =	sdelay $0x2  }
0xbb: {  	s31 =	sshll.u32 s1, $0xD;
	s1 =	sshrl.u32 s1, $0x2  }
0xbc: {  	s3 =	sand.u32 $0x4000, s31;
	s1 =	sadd.s32 s1, s30  }
0xbd: {  	s0 =	sor.u32 s3, s0;
	s1 =	sshll.u32 s1, $0x11  }
0xbe: {  	s0 =	sor.u32 s1, s0  }
0xbf: {  	s0 =	sadd.s32 $0x8F2B, s0  }
0xc0: {  	[sflag:s0] =	ssyncadd.remote.s32 $0x1  }
0xc1: {  	_ =	sfence.sel $0xFFFF  }
0xc2: {  	[dreg:$0x0] =	wrdreg $0xFFFFFFFF;
	(pc) =	sbr.abs _section_cstart, $3  }
0xc3: {  	[dreg:$0x1] =	wrdreg $0xFFFFFFFF  }
0xc4: {  	_ =	task.clear_ibuf [dreg:s7], $0x2FFFF;
	_ =	strace $0x9FFFFFFF  }
0xc5: {  	(tm) =	ssettm $0x7FFFFFFF  }
tec
execute0_lowered:
.L_overlay_start_1:
0x0: {  	(tag) =	ssettag $0x1  }
0x1: {  	s1 =	rddreg [dreg:$0x0]  }
0x2: {  	s2 =	rddreg [dreg:$0x1]  }
0x3: {  	s3 =	rddreg [dreg:$0x2];
	_ =	strace $0x8000005C;
	s0 =	simm.s32 $0x1  }
0x4: {  	s9 =	simm.s32 $0x208;
	v0 =	vimm.s32 $0x0;
	[sflag:s0] =	ssyncpa.u1 $0x0  }
0x5: {  	[tilespmem:s9+$0x70] =	vst v0  }
0x6: {  	[tilespmem:s9+$0x60] =	vst v0  }
0x7: {  	[tilespmem:s9+$0x50] =	vst v0  }
0x8: {  	[tilespmem:s9+$0x40] =	vst v0  }
0x9: {  	s0 =	sadd.s32 $0x16000, s2;
	[tilespmem:s9+$0x30] =	vst v0  }
0xa: {  	s6 =	sadd.s32 $0x4E000, s2;
	s3 =	sand.u32 $0x1, s3;
	s4 =	sadd.s32 $0x1A000, s2;
	[tilespmem:s9+$0x20] =	vst v0  }
0xb: {  	s2 =	simm.s32 $0x40;
	[dreg:$0x5] =	wrdreg s3;
	s5 =	sshll.u32 s3, $0xD;
	[tilespmem:s9+$0x10] =	vst v0  }
.LBB2_1:
0xc: {  	s2 =	sadd.s32 $0x40, s2;
	[tilespmem:s9+$0x0] =	vst v0;
	s9 =	sadd.s32 $0x80, s9  }
0xd: {  	p0 =	slt.u32 s2, $0x3880;
	[tilespmem:s9+$0x70] =	vst v0  }
0xe: {  	[tilespmem:s9+$0x60] =	vst v0  }
.Ltmp0:
0xf: {  	[tilespmem:s9+$0x50] =	vst v0;
	(pc) =	sbr.rel @p0 .LBB2_1-.Ltmp0, $4  }
0x10: {  	[tilespmem:s9+$0x40] =	vst v0  }
0x11: {  	[tilespmem:s9+$0x30] =	vst v0  }
0x12: {  	[tilespmem:s9+$0x20] =	vst v0  }
0x13: {  	[tilespmem:s9+$0x10] =	vst v0  }
0x14: {  	s11 =	stileid.u32  }
0x15: {  	s2 =	smul.u32 $0x24, s11  }
0x16: {  	s3 =	smin.u32 s11, $0xA  }
0x17: {  	s2 =	sadd.s32 s3, s2  }
0x18: {  	p0 =	slt.u32 s11, $0xA;
	s20 =	smul.u32 $0x70, s2;
	s2 =	simm.s32 $0x1030  }
0x19: {  	s2 =	simm.s32 @!p0 $0xFC0  }
0x1a: {  	s2 =	sadd.s32 s2, s20  }
0x1b: {  	s8 =	smin.u32 s2, $0x10000  }
0x1c: {  	s2 =	ssub.s32 s8, s20  }
0x1d: {  	s28 =	simm.s32 $0x2;
	p0 =	sgt.s32 s2, $0x0  }
0x1e: {  	s10 =	simm.s32 $0x9;
	s30 =	simm.s32 $0xA;
	s2 =	simm.s32 @!p0 $0x0  }
0x1f: {  	s31 =	simm.s32 $0xB;
	s12 =	simm.s32 $0x1;
	s26 =	smulhi.u32 $0x92492493, s2  }
0x20: {  	s14 =	sadd.s32 s5, s4;
	s15 =	sadd.s32 s5, s0;
	s24 =	simm.s32 $0x0  }
0x21: {  	p1 =	por $0x0, $0x0;
	s18 =	simm.s32 $0x80;
	s3 =	sshrl.u32 s26, $0x6  }
0x22: {  	s19 =	simm.s32 $0x400;
	s17 =	simm.s32 $0xC;
	s29 =	smul.u32 $0x70, s3  }
.Ltmp1:
0x23: {  	[tilespmem:s9+$0x0] =	vst v0;
	v0 =	vimm.s32 $0xFFFFFFFF;
	s21 =	simm.s32 $0x0;
	[sflag:s28] =	ssyncpa.u1 $0x0;
	(pc) =	sbr.rel .LBB2_3-.Ltmp1, $4  }
0x24: {  	[tilespmem:$0xE408] =	vst v0;
	[sflag:s10] =	ssyncpa.u1 $0x0;
	p0 =	sne.s32 s2, s29;
	s2 =	simm.s32 $0x1  }
0x25: {  	s23 =	simm.s32 $0x0;
	[sflag:s30] =	ssyncpa.u1 $0x0;
	s2 =	simm.s32 @!p0 $0x0  }
0x26: {  	s16 =	sshll.u32 s11, $0x9;
	[sflag:s31] =	ssyncpa.u1 $0x0;
	s13 =	sadd.s32 s2, s3  }
0x27: {  	v0 =	vlaneseq.u32;
	s22 =	smov.u32 s20;
	p0 =	por $0x1, $0x1;
	s11 =	sadd.s32 $0x1, s13  }
.LBB2_24:
0x28: {  	s2 =	sshrl.u32 s4, $0x2  }
.LBB2_26:
0x29: {  	_ =	swait.ge [sflag:s17], s2  }
0x2a: {  	s31 =	ssub.s32 $0x0, s2;
	v1 =	vmov s26;
	vm0 =	veq.s32 v0, $0x0;
	[sflag:s17] =	ssyncset.done $0x0  }
0x2b: {  	vm15 =	veq.s32 v0, $0x2;
	v1 =	vsel vm0, s0, v1;
	[sflag:s17] =	ssyncadd.s32 s31  }
0x2c: {  	v1 =	vsel vm15, s24, v1;
	[sflag:s17] =	ssyncpa.u1 $0x1  }
0x2d: {  	[tilespmem:$0xE408] =	vst v1  }
.LBB2_27:
0x2e: {  	s0 =	sadd.s32 $0x70, s22  }
0x2f: {  	s2 =	smov.u32 s20;
	p2 =	slt.s32 s0, s8  }
0x30: {  	s2 =	smov.u32 @p2 s0;
	p2 =	sne.s32 s23, s11  }
.Ltmp2:
0x31: {  	_ = 	snop;
	(pc) =	sbr.rel @!p2 .LBB2_28-.Ltmp2, $4  }
0x32: {  	_ = 	snop  }
0x33: {  	s24 =	smov.u32 s21  }
0x34: {  	s31 =	sadd.s32 $0x1, s23;
	s21 =	smov.u32 s22;
	p0 =	por !p0, !p0  }
0x35: {  	p1 =	por !p1, !p1;
	s23 =	smov.u32 s31;
	s22 =	smov.u32 s2  }
.LBB2_3:
0x36: {  	p2 =	sge.u32 s23, s13  }
0x37: {  	s0 =	smulhi.u32 @!p2 $0xAAAAAAAB, s23  }
0x38: {  	s2 =	smov.u32 s22;
	p3 =	sgt.s32 @!p2 s22, $0xFF90  }
0x39: {  	s3 =	sshra.s32 @!p2 s22, $0x1F;
	p3 =	por !p3, p2;
	s0 =	sshrl.u32 @!p2 s0, $0x1  }
0x3a: {  	s3 =	sand.u32 @!p2 s3, s22;
	s2 =	simm.s32 @p3 $0xFF90;
	s0 =	smul.u32 @!p2 $0x3, s0  }
0x3b: {  	s2 =	ssub.s32 @!p2 s2, s3  }
0x3c: {  	s2 =	sadd.s32 @!p2 $0xFFFF0070, s2;
	s0 =	ssub.s32 @!p2 s23, s0  }
0x3d: {  	s3 =	sshll.u32 @!p2 s2, $0x2;
	p3 =	sgt.s32 @!p2 s2, $0x6F;
	s0 =	smul.u32 @!p2 $0x1C0, s0  }
0x3e: {  	s4 =	sand.u32 @!p2 $0x7, s22;
	s2 =	ssub.s32 @!p2 $0x1C0, s3;
	p3 =	por !p3, p2  }
0x3f: {  	s3 =	sshrl.u32 @!p2 s22, $0x3;
	s2 =	sshrl.u32 @!p2 s2, $0x2;
	s0 =	sshrl.u32 @!p2 s0, $0x2  }
0x40: {  	s3 =	sadd.s32 @!p2 s3, s14;
	s2 =	simm.s32 @!p3 $0x0;
	s0 =	sadd.s32 @!p2 $0x10448, s0  }
0x41: {  	[tilespmem:s0], [sflag:$0xA] =	stream.linear.gather @!p2 [hbm4b:s3+s4], s2, $0x38;
	[tilespmem:$0x1E678] =	vst v63  }
0x42: {  	s2 =	sadd.s32 $0xFFFFFFFF, s23  }
0x43: {  	p2 =	sge.u32 s2, s13  }
0x44: {  	p3 =	sgt.s32 @!p2 s21, $0xFF90  }
0x45: {  	s0 =	smov.u32 s21;
	s3 =	sshra.s32 @!p2 s21, $0x1F;
	p3 =	por !p3, p2  }
0x46: {  	s3 =	sand.u32 @!p2 s3, s21;
	s0 =	simm.s32 @p3 $0xFF90  }
0x47: {  	s0 =	ssub.s32 @!p2 s0, s3  }
0x48: {  	s0 =	sadd.s32 @!p2 $0xFFFF0070, s0  }
0x49: {  	s3 =	sshll.u32 @!p2 s0, $0x2  }
0x4a: {  	p3 =	sgt.s32 @!p2 s0, $0x6F;
	s0 =	ssub.s32 @!p2 $0x1C0, s3  }
0x4b: {  	p3 =	por !p3, p2;
	s0 =	sshrl.u32 @!p2 s0, $0x2  }
0x4c: {  	s4 =	simm.s32 @!p2 $0xA;
	s3 =	sand.u32 @!p2 $0x1, s2;
	s0 =	simm.s32 @!p3 $0x0  }
0x4d: {  	s3 =	smul.u32 @!p2 $0x1C0, s3;
	_ =	swait.ge @!p2 [sflag:s4], s0  }
0x4e: {  	s5 =	ssub.s32 @!p2 $0x0, s0;
	[sflag:s4] =	ssyncset.done @!p2 $0x0  }
0x4f: {  	s3 =	sshrl.u32 @!p2 s3, $0x2;
	[sflag:s4] =	ssyncadd.s32 @!p2 s5;
	s4 =	sshrl.u32 @!p2 s21, $0x3  }
0x50: {  	s3 =	sadd.s32 @!p2 $0x10598, s3;
	s5 =	sand.u32 @!p2 $0x7, s21;
	s4 =	sadd.s32 @!p2 s4, s15  }
0x51: {  	[tilespmem:s3], [sflag:$0xB] =	stream.linear.gather @!p2 [hbm4b:s4+s5], s0, $0x38;
	[tilespmem:$0x1E678] =	vst v63  }
0x52: {  	s0 =	ssub.s32 @!p2 $0x10000, s21  }
0x53: {  	p3 =	slt.s32 @!p2 s0, $0x1  }
0x54: {  	p3 =	por p2, p3  }
.Ltmp3:
0x55: {  	_ = 	snop;
	(pc) =	sbr.rel @p3 .LBB2_9-.Ltmp3, $1  }
0x56: {  	_ =	sdelay $0x3  }
0x57: {  	s3 =	smulhi.u32 $0xAAAAAAAB, s2;
	_ =	sdelay $0x1  }
0x58: {  	s3 =	sshrl.u32 s3, $0x1  }
0x59: {  	s3 =	smul.u32 $0x3, s3;
	_ =	sdelay $0x1  }
0x5a: {  	s30 =	ssub.s32 s2, s3  }
0x5b: {  	s4 =	simm.s32 $0x1;
	s2 =	smul.u32 $0x1C0, s30  }
.Ltmp4:
0x5c: {  	s4 =	simm.s32 @!p0 $0x0;
	(pc) =	sbr.rel .LBB2_6-.Ltmp4, $4  }
0x5d: {  	s31 =	smul.u32 $0x1C000, s4  }
0x5e: {  	p3 =	slt.s32 @!p2 s0, $0x70;
	s2 =	sshrl.u32 s2, $0x2  }
0x5f: {  	p2 =	por !p3, p2;
	s3 =	sshrl.u32 s31, $0x2;
	s5 =	sadd.s32 $0x10448, s2  }
0x60: {  	s0 =	simm.s32 @p2 $0x70;
	s4 =	sor.u32 $0x10678, s3;
	s2 =	simm.s32 $0x0;
	v1 =	vmov s5  }
.LBB2_5:
0x61: {  	p2 =	sge.s32 s2, s0  }
.Ltmp5:
0x62: {  	_ = 	snop;
	(pc) =	sbr.rel @p2 .LBB2_9-.Ltmp5, $2  }
0x63: {  	_ =	sdelay $0x2  }
0x64: {  	s4 =	sadd.s32 $0x1000, s4  }
.LBB2_6:
0x65: {  	p2 =	sle.s32 s0, s2  }
.Ltmp6:
0x66: {  	_ = 	snop;
	(pc) =	sbr.rel @p2 .LBB2_5-.Ltmp6, $2  }
0x67: {  	_ =	sdelay $0x2  }
0x68: {  	s5 =	smov.u32 s2;
	s2 =	sadd.s32 $0x10, s2  }
0x69: {  	s3 =	ssub.s32 s0, s5  }
0x6a: {  	p2 =	slt.s32 s3, $0x10  }
0x6b: {  	s3 =	simm.s32 @!p2 $0x10  }
0x6c: {  	v2 =	vmov s3  }
0x6d: {  	vm0 =	vgt.s32 v2, v0;
	_ =	sdelay $0x5  }
0x6e: {  	v2 =	vld.idx.msk [tilespmem:v1+s5+$0x0 ss:$0x1], vm0;
	_ =	sdelay $0x2  }
0x6f: {  	p2 =	slt.s32 s2, s0;
	s3 =	smov.u32 s0  }
0x70: {  	s9 =	smov.u32 s4;
	s25 =	simm.s32 $0x0;
	s3 =	smov.u32 @p2 s2  }
.LBB2_8:
0x71: {  	(v2sf) =	vpush v2, s25;
	_ =	sdelay $0xe  }
0x72: {  	s25 =	sadd.s32 $0x1, s25;
	s10 =	spop (v2sf)  }
0x73: {  	s31 =	sadd.s32 s25, s5;
	s26 =	sshll.u32 s10, $0x8;
	s10 =	sshll.u32 s10, $0x7  }
0x74: {  	p2 =	slt.s32 s31, s3;
	s26 =	sand.u32 $0xFFFFF800, s26;
	s10 =	sand.u32 $0x380, s10  }
.Ltmp7:
0x75: {  	s10 =	sor.u32 s10, s26;
	(pc) =	sbr.rel @p2 .LBB2_8-.Ltmp7, $4  }
0x76: {  	s10 =	sshrl.u32 s10, $0x3  }
0x77: {  	s10 =	sadd.s32 s6, s10  }
0x78: {  	[tilespmem:s9], [sflag:$0x9] =	stream.strided.gather [hbm4b:s10+s18], $0x100, s19, s18, $0x38;
	[tilespmem:$0x1E678] =	vst v63  }
0x79: {  	s9 =	sadd.s32 $0x100, s9  }
.Ltmp8:
0x7a: {  	_ = 	snop;
	(pc) =	sbr.rel .LBB2_5-.Ltmp8, $1  }
0x7b: {  	_ =	sdelay $0x3  }
.LBB2_9:
0x7c: {  	p2 =	slt.u32 s23, $0x2  }
.Ltmp9:
0x7d: {  	_ = 	snop;
	(pc) =	sbr.rel @p2 .LBB2_27-.Ltmp9, $1  }
0x7e: {  	_ =	sdelay $0x3  }
0x7f: {  	p2 =	sgt.s32 s24, $0xFF90  }
0x80: {  	s0 =	smov.u32 s24;
	s2 =	sshra.s32 s24, $0x1F;
	s3 =	ssub.s32 $0x10000, s24  }
0x81: {  	s0 =	simm.s32 @!p2 $0xFF90;
	s2 =	sand.u32 s2, s24;
	p2 =	slt.s32 s3, $0x70  }
0x82: {  	s0 =	ssub.s32 s0, s2;
	s3 =	simm.s32 @!p2 $0x70  }
0x83: {  	s0 =	sadd.s32 $0xFFFF0070, s0;
	s9 =	sshll.u32 s3, $0x8  }
0x84: {  	s26 =	simm.s32 $0x9;
	s10 =	sshll.u32 s0, $0x2;
	s2 =	sand.u32 $0x3FFFFF00, s9  }
0x85: {  	p2 =	sgt.s32 s0, $0x6F;
	s25 =	ssub.s32 $0x1C0, s10;
	_ =	swait.ge [sflag:s26], s2  }
0x86: {  	s2 =	ssub.s32 $0x0, s2;
	[sflag:s26] =	ssyncset.done $0x0;
	s0 =	sshrl.u32 s25, $0x2  }
0x87: {  	s29 =	simm.s32 $0xB;
	[sflag:s26] =	ssyncadd.s32 s2;
	s0 =	simm.s32 @p2 $0x0  }
0x88: {  	_ =	swait.ge [sflag:s29], s0  }
0x89: {  	s0 =	ssub.s32 $0x0, s0;
	[sflag:s29] =	ssyncset.done $0x0  }
0x8a: {  	[sflag:s29] =	ssyncadd.s32 s0  }
0x8b: {  	v1 =	vld [tilespmem:$0xE408];
	_ =	sdelay $0x4  }
0x8c: {  	(v2sf) =	vpush v1, $0x0  }
0x8d: {  	(v2sf) =	vpush v1, $0x1  }
0x8e: {  	(v2sf) =	vpush v1, $0x2;
	_ =	sdelay $0x3  }
0x8f: {  	s0 =	sadd.s32 $0x70, s24  }
0x90: {  	s2 =	ssub.s32 $0x20000, s24;
	p2 =	slt.s32 s8, s0  }
0x91: {  	s0 =	smov.u32 @p2 s8;
	p2 =	sgt.s32 s2, $0x0  }
0x92: {  	s0 =	ssub.s32 s0, s24;
	s2 =	simm.s32 @!p2 $0x0  }
0x93: {  	p2 =	slt.s32 s2, s0  }
0x94: {  	s0 =	smov.u32 @p2 s2  }
0x95: {  	s4 =	simm.s32 $0x1;
	p2 =	slt.s32 s0, $0x1  }
.Ltmp10:
0x96: {  	s4 =	simm.s32 @!p1 $0x0;
	(pc) =	sbr.rel @p2 .LBB2_14-.Ltmp10, $4  }
0x97: {  	s30 =	smul.u32 $0x1C0, s4  }
0x98: {  	s5 =	spop (v2sf)  }
0x99: {  	s31 =	sshrl.u32 s30, $0x2;
	s28 =	spop (v2sf)  }
0x9a: {  	s25 =	sadd.s32 $0x10598, s31;
	s24 =	spop (v2sf)  }
0x9b: {  	s2 =	smin.u32 s0, $0x10  }
0x9c: {  	v1 =	vmov s2  }
0x9d: {  	vm1 =	vgt.u32 v1, v0  }
0x9e: {  	p3 =	sgt.s32 s0, $0x10  }
.Ltmp11:
0x9f: {  	_ = 	snop;
	(pc) =	sbr.rel @!p3 .LBB2_13-.Ltmp11, $2  }
0xa0: {  	_ =	sdelay $0x2  }
0xa1: {  	s26 =	simm.s32 $0x10;
	s29 =	sadd.s32 $0xFFFFFFF0, s0;
	s2 =	smov.u32 s25;
	vm0 =	vmmov vm1;
	v1 =	vld.msk [tilespmem:s25+$0x0 ss:$0x1], vm1  }
.LBB2_12:
0xa2: {  	s3 =	smin.u32 s29, $0x10;
	s26 =	sadd.s32 $0x10, s26  }
0xa3: {  	v2 =	vmov s3;
	p3 =	slt.s32 s26, s0  }
0xa4: {  	vm1 =	vgt.u32 v2, v0;
	_ =	sdelay $0x1  }
0xa5: {  	v2 =	vshll.u32 v1, $0x5;
	v1 =	vshll.u32 v1, $0x4  }
.Ltmp12:
0xa6: {  	v2 =	vand.u32 $0xFFFFFF00, v2;
	v1 =	vand.u32 $0x70, v1;
	(pc) =	sbr.rel @p3 .LBB2_12-.Ltmp12, $4  }
0xa7: {  	v1 =	vor.u32 v1, v2  }
0xa8: {  	[tilespmem:s2+$0x0] =	vst.msk vm0, v1;
	s2 =	sadd.s32 $0x10, s2;
	vm0 =	vmmov vm1  }
0xa9: {  	v1 =	vld.msk [tilespmem:s2+$0x0 ss:$0x1], vm1  }
0xaa: {  	s29 =	sadd.s32 $0xFFFFFFF0, s29  }
.LBB2_13:
0xab: {  	_ =	sdelay $0x3  }
0xac: {  	v2 =	vshll.u32 v1, $0x5;
	v1 =	vshll.u32 v1, $0x4  }
0xad: {  	v2 =	vand.u32 $0xFFFFFF00, v2;
	v1 =	vand.u32 $0x70, v1  }
0xae: {  	v1 =	vor.u32 v1, v2  }
0xaf: {  	[tilespmem:s2+$0x0] =	vst.msk vm0, v1  }
.LBB2_14:
0xb0: {  	s2 =	sand.u32 $0x1, s23  }
0xb1: {  	s2 =	smul.u32 $0x70, s2  }
0xb2: {  	p3 =	sne.s32 s28, $0xFFFFFFFF  }
0xb3: {  	v1 =	vld.msk @!p3 [tilespmem:s2+$0x10598], $0x1;
	_ =	sdelay $0x4  }
0xb4: {  	(v2sf) =	vpush @!p3 v1, $0x0;
	_ =	sdelay $0xc  }
.Ltmp13:
0xb5: {  	_ = 	snop;
	(pc) =	sbr.rel @p2 .LBB2_25-.Ltmp13, $4  }
0xb6: {  	_ = 	snop  }
0xb7: {  	s31 =	spop @!p3 (v2sf)  }
0xb8: {  	s24 =	simm.s32 @!p3 $0x0;
	s26 =	smov.u32 s31  }
0xb9: {  	[sflag:s17] =	ssyncpa.u1 $0x0;
	s31 =	smov.u32 @p3 s5;
	s26 =	smov.u32 @p3 s28  }
0xba: {  	v1 =	vld.msk [tilespmem:s25+$0x0], $0x1;
	_ =	sdelay $0x4  }
0xbb: {  	(v2sf) =	vpush v1, $0x0;
	_ =	sdelay $0xe  }
0xbc: {  	s7 =	smov.u32 s11;
	s5 =	spop (v2sf)  }
0xbd: {  	s17 =	smov.u32 s15;
	s2 =	smul.u32 $0x1C000, s4;
	p2 =	seq.s32 s31, s5  }
0xbe: {  	s3 =	smov.u32 s31;
	s29 =	ssub.s32 $0x0, s0;
	p3 =	sgt.s32 @!p2 s31, $0x0  }
0xbf: {  	s30 =	simm.s32 $0x0;
	s2 =	sshrl.u32 s2, $0x2;
	p3 =	por !p3, p2  }
0xc0: {  	s0 =	sadd.s32 $0x1, s29;
	s28 =	sor.u32 $0x106F8, s2;
	s3 =	simm.s32 @p3 $0x0  }
0xc1: {  	s2 =	simm.s32 @!p2 $0x1;
	p3 =	seq.s32 s0, $0x0;
	s3 =	smin.u32 @!p2 s3, $0x1FF70  }
.Ltmp14:
0xc2: {  	s4 =	simm.s32 @!p2 $0x7308;
	s9 =	sand.u32 @!p2 $0x1FFF8, s3;
	(pc) =	sbr.rel @p3 .LBB2_17-.Ltmp14, $4  }
0xc3: {  	s10 =	sadd.s32 @!p2 $0x80, s3;
	s11 =	sadd.s32 @!p2 s1, s9;
	s9 =	sand.u32 @!p2 $0x7, s3  }
0xc4: {  	[tilespmem:s4], [sflag:$0x2] =	stream.linear.gather @!p2 [hbm4b:s11+s9], $0x80, $0x38;
	[tilespmem:$0x1E678] =	vst v63  }
0xc5: {  	s15 =	smov.u32 s14;
	s2 =	smov.u32 @p2 s30;
	s4 =	sand.u32 @!p2 $0x3FFF8, s10  }
0xc6: {  	s3 =	simm.s32 @!p2 $0x7388;
	s10 =	sadd.s32 @!p2 s1, s4;
	s4 =	sadd.s32 $0x1, s25  }
.LBB2_16:
0xc7: {  	s11 =	smov.u32 s2  }
0xc8: {  	[tilespmem:s3], [sflag:$0x2] =	stream.linear.gather @!p2 [hbm4b:s10+s9], $0x80, $0x38;
	[tilespmem:$0x1E678] =	vst v63  }
0xc9: {  	s0 =	sadd.s32 $0x1, s0;
	s9 =	smov.u32 s5;
	v1 =	vld.msk [tilespmem:s4+$0x0], $0x1  }
0xca: {  	p3 =	seq.s32 s0, $0x0;
	_ =	sdelay $0x3  }
0xcb: {  	(v2sf) =	vpush v1, $0x0;
	_ =	sdelay $0xe  }
0xcc: {  	s5 =	spop (v2sf)  }
0xcd: {  	p2 =	seq.s32 s9, s5  }
0xce: {  	p4 =	sgt.s32 @!p2 s9, $0x0;
	s3 =	sshll.u32 @!p2 s2, $0xA;
	s2 =	sadd.s32 @!p2 $0x1, s2  }
0xcf: {  	p4 =	por !p4, p2;
	s3 =	sshra.s32 @!p2 s3, $0x2;
	s2 =	smov.u32 @p2 s11  }
0xd0: {  	s9 =	simm.s32 @p4 $0x0;
	s10 =	sadd.s32 @!p2 $0x7308, s3;
	s3 =	sadd.s32 @!p2 $0x7388, s3  }
.Ltmp15:
0xd1: {  	s9 =	smin.u32 @!p2 s9, $0x1FF70;
	(pc) =	sbr.rel @!p3 .LBB2_16-.Ltmp15, $4  }
0xd2: {  	s11 =	sand.u32 @!p2 $0x1FFF8, s9;
	s14 =	sadd.s32 @!p2 $0x80, s9  }
0xd3: {  	s9 =	sand.u32 @!p2 $0x7, s9;
	s11 =	sadd.s32 @!p2 s1, s11;
	s14 =	sand.u32 @!p2 $0x3FFF8, s14  }
0xd4: {  	[tilespmem:s10], [sflag:$0x2] =	stream.linear.gather @!p2 [hbm4b:s11+s9], $0x80, $0x38;
	[tilespmem:$0x1E678] =	vst v63  }
0xd5: {  	s4 =	sadd.s32 $0x1, s4;
	s10 =	sadd.s32 @!p2 s1, s14  }
.LBB2_17:
0xd6: {  	[tilespmem:s3], [sflag:$0x2] =	stream.linear.gather @!p2 [hbm4b:s10+s9], $0x80, $0x38;
	[tilespmem:$0x1E678] =	vst v63  }
0xd7: {  	s0 =	sshll.u32 s2, $0x8  }
.Ltmp16:
0xd8: {  	s14 =	simm.s32 $0x2;
	s0 =	sand.u32 $0x3FFFFF00, s0;
	(pc) =	sbr.rel .LBB2_18-.Ltmp16, $4  }
0xd9: {  	_ =	swait.ge [sflag:s14], s0  }
0xda: {  	s0 =	ssub.s32 $0x0, s0;
	[sflag:s14] =	ssyncset.done $0x0  }
0xdb: {  	s4 =	simm.s32 $0x0;
	s11 =	smov.u32 s7;
	[sflag:s14] =	ssyncadd.s32 s0  }
0xdc: {  	s14 =	smov.u32 s15;
	s15 =	smov.u32 s17;
	s17 =	simm.s32 $0xC  }
.LBB2_19:
0xdd: {  	v1 =	vld [tilespmem:s28+$0xFFFFFF80];
	_ =	sdelay $0x4  }
0xde: {  	[tilespmem:s5+$0x208] =	vst.add.f32.msk $0xffff, v1  }
0xdf: {  	v1 =	vld [tilespmem:s28+$0xFFFFFF90];
	_ =	sdelay $0x4  }
0xe0: {  	[tilespmem:s5+$0x218] =	vst.add.f32.msk $0xffff, v1  }
0xe1: {  	v1 =	vld [tilespmem:s28+$0xFFFFFFA0];
	_ =	sdelay $0x4  }
0xe2: {  	[tilespmem:s5+$0x228] =	vst.add.f32.msk $0xffff, v1  }
0xe3: {  	v1 =	vld [tilespmem:s28+$0xFFFFFFB0];
	_ =	sdelay $0x4  }
0xe4: {  	[tilespmem:s5+$0x238] =	vst.add.f32.msk $0xffff, v1  }
0xe5: {  	v1 =	vld [tilespmem:s28+$0xFFFFFFC0];
	_ =	sdelay $0x4  }
0xe6: {  	[tilespmem:s5+$0x248] =	vst.add.f32.msk $0xffff, v1  }
0xe7: {  	v1 =	vld [tilespmem:s28+$0xFFFFFFD0];
	_ =	sdelay $0x4  }
0xe8: {  	[tilespmem:s5+$0x258] =	vst.add.f32.msk $0xffff, v1  }
0xe9: {  	v1 =	vld [tilespmem:s28+$0xFFFFFFE0];
	_ =	sdelay $0x4  }
0xea: {  	[tilespmem:s5+$0x268] =	vst.add.f32.msk $0xffff, v1  }
0xeb: {  	v1 =	vld [tilespmem:s28+$0xFFFFFFF0];
	_ =	sdelay $0x4  }
0xec: {  	[tilespmem:s5+$0x278] =	vst.add.f32.msk $0xffff, v1  }
0xed: {  	v1 =	vld [tilespmem:s28+$0x0];
	_ =	sdelay $0x4  }
0xee: {  	[tilespmem:s5+$0x288] =	vst.add.f32.msk $0xffff, v1  }
0xef: {  	v1 =	vld [tilespmem:s28+$0x10];
	_ =	sdelay $0x4  }
0xf0: {  	[tilespmem:s5+$0x298] =	vst.add.f32.msk $0xffff, v1  }
0xf1: {  	v1 =	vld [tilespmem:s28+$0x20];
	_ =	sdelay $0x4  }
0xf2: {  	[tilespmem:s5+$0x2A8] =	vst.add.f32.msk $0xffff, v1  }
0xf3: {  	v1 =	vld [tilespmem:s28+$0x30];
	_ =	sdelay $0x4  }
0xf4: {  	[tilespmem:s5+$0x2B8] =	vst.add.f32.msk $0xffff, v1  }
0xf5: {  	v1 =	vld [tilespmem:s28+$0x40];
	_ =	sdelay $0x4  }
0xf6: {  	[tilespmem:s5+$0x2C8] =	vst.add.f32.msk $0xffff, v1  }
0xf7: {  	v1 =	vld [tilespmem:s28+$0x50];
	_ =	sdelay $0x4  }
0xf8: {  	[tilespmem:s5+$0x2D8] =	vst.add.f32.msk $0xffff, v1  }
0xf9: {  	v1 =	vld [tilespmem:s28+$0x60];
	_ =	sdelay $0x4  }
0xfa: {  	[tilespmem:s5+$0x2E8] =	vst.add.f32.msk $0xffff, v1  }
0xfb: {  	v1 =	vld [tilespmem:s28+$0x70];
	_ =	sdelay $0x4  }
0xfc: {  	[tilespmem:s5+$0x2F8] =	vst.add.f32.msk $0xffff, v1  }
.LBB2_23:
0xfd: {  	s29 =	sadd.s32 $0x1, s29  }
0xfe: {  	p2 =	seq.s32 s29, $0x0  }
.Ltmp17:
0xff: {  	_ = 	snop;
	(pc) =	sbr.rel @p2 .LBB2_24-.Ltmp17, $2  }
0x100: {  	_ =	sdelay $0x2  }
0x101: {  	s25 =	sadd.s32 $0x1, s25;
	s28 =	sadd.s32 $0x100, s28;
	s31 =	smov.u32 s0  }
.LBB2_18:
0x102: {  	v1 =	vld.msk [tilespmem:s25+$0x0], $0x1;
	_ =	sdelay $0x4  }
0x103: {  	(v2sf) =	vpush v1, $0x0;
	_ =	sdelay $0xe  }
0x104: {  	s0 =	spop (v2sf)  }
0x105: {  	p2 =	sne.s32 s31, s0  }
.Ltmp18:
0x106: {  	_ = 	snop;
	(pc) =	sbr.rel @!p2 .LBB2_19-.Ltmp18, $3  }
0x107: {  	_ =	sdelay $0x1  }
0x108: {  	s2 =	sshll.u32 s24, $0xA  }
0x109: {  	s5 =	sshra.s32 s2, $0x2  }
0x10a: {  	p2 =	seq.s32 s31, s26  }
.Ltmp19:
0x10b: {  	_ = 	snop;
	(pc) =	sbr.rel @!p2 .LBB2_21-.Ltmp19, $1  }
0x10c: {  	_ =	sdelay $0x3  }
.Ltmp20:
0x10d: {  	s2 =	sadd.s32 $0x208, s5;
	(pc) =	sbr.rel .LBB2_22-.Ltmp20, $4  }
0x10e: {  	[spmem:s16] =	stream.linear.scatter [tilespmem:s2], [sflag:$0x1], $0x100, $0x38;
	[tilespmem:$0x1E678] =	vst v63  }
0x10f: {  	_ =	swait.ge [sflag:s12], $0x100  }
0x110: {  	[sflag:s12] =	ssyncset.done $0x0  }
0x111: {  	[sflag:s12] =	ssyncadd.s32 $0xFFFFFF00  }
.LBB2_21:
0x112: {  	s2 =	sshll.u32 s30, $0xA  }
0x113: {  	s2 =	sshra.s32 s2, $0x2  }
0x114: {  	v1 =	vld [tilespmem:s2+$0x7308];
	_ =	sdelay $0x4  }
0x115: {  	[tilespmem:s5+$0x208] =	vst.add.f32.msk $0xffff, v1  }
0x116: {  	v1 =	vld [tilespmem:s2+$0x7318];
	_ =	sdelay $0x4  }
0x117: {  	[tilespmem:s5+$0x218] =	vst.add.f32.msk $0xffff, v1  }
0x118: {  	v1 =	vld [tilespmem:s2+$0x7328];
	_ =	sdelay $0x4  }
0x119: {  	[tilespmem:s5+$0x228] =	vst.add.f32.msk $0xffff, v1  }
0x11a: {  	v1 =	vld [tilespmem:s2+$0x7338];
	_ =	sdelay $0x4  }
0x11b: {  	[tilespmem:s5+$0x238] =	vst.add.f32.msk $0xffff, v1  }
0x11c: {  	v1 =	vld [tilespmem:s2+$0x7348];
	_ =	sdelay $0x4  }
0x11d: {  	[tilespmem:s5+$0x248] =	vst.add.f32.msk $0xffff, v1  }
0x11e: {  	v1 =	vld [tilespmem:s2+$0x7358];
	_ =	sdelay $0x4  }
0x11f: {  	[tilespmem:s5+$0x258] =	vst.add.f32.msk $0xffff, v1  }
0x120: {  	v1 =	vld [tilespmem:s2+$0x7368];
	_ =	sdelay $0x4  }
0x121: {  	[tilespmem:s5+$0x268] =	vst.add.f32.msk $0xffff, v1  }
0x122: {  	v1 =	vld [tilespmem:s2+$0x7378];
	_ =	sdelay $0x4  }
0x123: {  	[tilespmem:s5+$0x278] =	vst.add.f32.msk $0xffff, v1  }
0x124: {  	v1 =	vld [tilespmem:s2+$0x7388];
	_ =	sdelay $0x4  }
0x125: {  	[tilespmem:s5+$0x288] =	vst.add.f32.msk $0xffff, v1  }
0x126: {  	v1 =	vld [tilespmem:s2+$0x7398];
	_ =	sdelay $0x4  }
0x127: {  	[tilespmem:s5+$0x298] =	vst.add.f32.msk $0xffff, v1  }
0x128: {  	v1 =	vld [tilespmem:s2+$0x73A8];
	_ =	sdelay $0x4  }
0x129: {  	[tilespmem:s5+$0x2A8] =	vst.add.f32.msk $0xffff, v1  }
0x12a: {  	v1 =	vld [tilespmem:s2+$0x73B8];
	_ =	sdelay $0x4  }
0x12b: {  	[tilespmem:s5+$0x2B8] =	vst.add.f32.msk $0xffff, v1  }
0x12c: {  	v1 =	vld [tilespmem:s2+$0x73C8];
	_ =	sdelay $0x4  }
0x12d: {  	[tilespmem:s5+$0x2C8] =	vst.add.f32.msk $0xffff, v1  }
0x12e: {  	v1 =	vld [tilespmem:s2+$0x73D8];
	_ =	sdelay $0x4  }
0x12f: {  	[tilespmem:s5+$0x2D8] =	vst.add.f32.msk $0xffff, v1  }
0x130: {  	v1 =	vld [tilespmem:s2+$0x73E8];
	_ =	sdelay $0x4  }
0x131: {  	[tilespmem:s5+$0x2E8] =	vst.add.f32.msk $0xffff, v1  }
0x132: {  	v1 =	vld [tilespmem:s2+$0x73F8];
	_ =	sdelay $0x2  }
0x133: {  	p2 =	sgt.u32 s31, $0x1FF70  }
0x134: {  	s2 =	sand.u32 @!p2 $0x1FFF8, s31  }
0x135: {  	s3 =	sadd.s32 $0x208, s5;
	s9 =	sand.u32 @!p2 $0x7, s31;
	s2 =	sadd.s32 @!p2 s1, s2;
	[tilespmem:s5+$0x2F8] =	vst.add.f32.msk $0xffff, v1  }
0x136: {  	[hbm4b:s2+s9] =	stream.linear.scatter @!p2 [tilespmem:s3], [sflag:$0xC], $0x80, $0x38;
	[tilespmem:$0x1E678] =	vst v63  }
0x137: {  	s2 =	sadd.s32 @!p2 $0x80, s31  }
0x138: {  	s2 =	sand.u32 @!p2 $0x3FFF8, s2  }
0x139: {  	s3 =	sadd.s32 $0x288, s5;
	s2 =	sadd.s32 @!p2 s1, s2  }
0x13a: {  	[hbm4b:s2+s9] =	stream.linear.scatter @!p2 [tilespmem:s3], [sflag:$0xC], $0x80, $0x38;
	[tilespmem:$0x1E678] =	vst v63  }
0x13b: {  	s2 =	simm.s32 $0x0  }
0x13c: {  	s2 =	simm.s32 @!p2 $0x400  }
0x13d: {  	s4 =	sadd.s32 s2, s4  }
.LBB2_22:
0x13e: {  	s2 =	sadd.s32 $0x1, s24  }
0x13f: {  	s3 =	sshrl.u32 s2, $0x4  }
0x140: {  	s3 =	smulhi.u32 $0x24924925, s3  }
0x141: {  	v1 =	vld [tilespmem:s28+$0xFFFFFF80]  }
0x142: {  	s3 =	smul.u32 $0x70, s3;
	_ =	sdelay $0x1  }
0x143: {  	s24 =	ssub.s32 s2, s3  }
0x144: {  	s2 =	sshll.u32 s24, $0x8  }
0x145: {  	[tilespmem:s2+$0x208] =	vst v1  }
0x146: {  	v1 =	vld [tilespmem:s28+$0xFFFFFF90];
	_ =	sdelay $0x4  }
0x147: {  	[tilespmem:s2+$0x218] =	vst v1  }
0x148: {  	v1 =	vld [tilespmem:s28+$0xFFFFFFA0];
	_ =	sdelay $0x4  }
0x149: {  	[tilespmem:s2+$0x228] =	vst v1  }
0x14a: {  	v1 =	vld [tilespmem:s28+$0xFFFFFFB0];
	_ =	sdelay $0x4  }
0x14b: {  	[tilespmem:s2+$0x238] =	vst v1  }
0x14c: {  	v1 =	vld [tilespmem:s28+$0xFFFFFFC0];
	_ =	sdelay $0x4  }
0x14d: {  	[tilespmem:s2+$0x248] =	vst v1  }
0x14e: {  	v1 =	vld [tilespmem:s28+$0xFFFFFFD0];
	_ =	sdelay $0x4  }
0x14f: {  	[tilespmem:s2+$0x258] =	vst v1  }
0x150: {  	v1 =	vld [tilespmem:s28+$0xFFFFFFE0];
	_ =	sdelay $0x4  }
0x151: {  	[tilespmem:s2+$0x268] =	vst v1  }
0x152: {  	v1 =	vld [tilespmem:s28+$0xFFFFFFF0];
	_ =	sdelay $0x4  }
0x153: {  	[tilespmem:s2+$0x278] =	vst v1  }
0x154: {  	v1 =	vld [tilespmem:s28+$0x0];
	_ =	sdelay $0x4  }
0x155: {  	[tilespmem:s2+$0x288] =	vst v1  }
0x156: {  	v1 =	vld [tilespmem:s28+$0x10];
	_ =	sdelay $0x4  }
0x157: {  	[tilespmem:s2+$0x298] =	vst v1  }
0x158: {  	v1 =	vld [tilespmem:s28+$0x20];
	_ =	sdelay $0x4  }
0x159: {  	[tilespmem:s2+$0x2A8] =	vst v1  }
0x15a: {  	v1 =	vld [tilespmem:s28+$0x30];
	_ =	sdelay $0x4  }
0x15b: {  	[tilespmem:s2+$0x2B8] =	vst v1  }
0x15c: {  	v1 =	vld [tilespmem:s28+$0x40];
	_ =	sdelay $0x4  }
0x15d: {  	[tilespmem:s2+$0x2C8] =	vst v1  }
0x15e: {  	v1 =	vld [tilespmem:s28+$0x50];
	_ =	sdelay $0x4  }
0x15f: {  	[tilespmem:s2+$0x2D8] =	vst v1  }
0x160: {  	v1 =	vld [tilespmem:s28+$0x60];
	_ =	sdelay $0x4  }
0x161: {  	[tilespmem:s2+$0x2E8] =	vst v1  }
0x162: {  	v1 =	vld [tilespmem:s28+$0x70]  }
.Ltmp21:
0x163: {  	_ = 	snop;
	(pc) =	sbr.rel .LBB2_23-.Ltmp21, $2  }
0x164: {  	_ =	sdelay $0x2  }
0x165: {  	s30 =	sadd.s32 $0x1, s30;
	[tilespmem:s2+$0x2F8] =	vst v1  }
.LBB2_25:
.Ltmp22:
0x166: {  	(pc) =	sbr.rel .LBB2_26-.Ltmp22, $4  }
0x167: {  	_ = 	snop  }
0x168: {  	s0 =	simm.s32 $0x2  }
0x169: {  	_ =	swait.ge [sflag:s0], $0x0  }
0x16a: {  	s2 =	simm.s32 $0x0;
	[sflag:s0] =	ssyncset.done $0x0;
	s0 =	smov.u32 s31  }
.LBB2_28:
0x16b: {  	_ =	sfence.sel $0x180000  }
0x16c: {  	s0 =	simm.s32 $0x9;
	[bflag:$0x0] =	sbarrier.arrive $0xFFFF  }
0x16d: {  	s24 =	simm.s32 $0xA;
	[sflag:s0] =	ssyncpa.u1 $0x1  }
0x16e: {  	s25 =	simm.s32 $0xB;
	[sflag:s24] =	ssyncpa.u1 $0x1  }
0x16f: {  	s26 =	simm.s32 $0x2;
	[sflag:s25] =	ssyncpa.u1 $0x1  }
0x170: {  	[sflag:s26] =	ssyncpa.u1 $0x1  }
0x171: {  	v0 =	vld [tilespmem:$0xE408];
	_ =	sdelay $0x4  }
0x172: {  	(v2sf) =	vpush v0, $0x0  }
0x173: {  	(v2sf) =	vpush v0, $0x1;
	_ =	sdelay $0x1  }
0x174: {  	(v2sf) =	vpush v0, $0x2;
	_ =	sdelay $0xb  }
0x175: {  	s0 =	spop (v2sf)  }
0x176: {  	s2 =	spop (v2sf)  }
0x177: {  	s3 =	smov.u32 s0;
	p0 =	sne.s32 s0, s2  }
0x178: {  	s4 =	spop (v2sf);
	s3 =	simm.s32 @!p0 $0xFFFFFFFF  }
0x179: {  	v2 =	vimm.s32 $0x1;
	v3 =	vlaneseq.u32;
	p0 =	seq.s32 s4, $0xFFFFFFFF;
	v1 =	vmov s3  }
0x17a: {  	s15 =	stileid.u32;
	v0 =	vperm.xlane v0, v2;
	p1 =	sne.s32 @!p0 s0, s2;
	v1 =	vperm.xlane v1, v3  }
0x17b: {  	vm0 =	vcmask $0x3F04;
	s6 =	simm.s32 $0xE408;
	s0 =	simm.s32 @!p0 $0x1;
	p1 =	por !p1, p0  }
0x17c: {  	s3 =	sshll.u32 s15, $0x1;
	s2 =	sshll.u32 @!p0 s4, $0xA;
	s0 =	simm.s32 @p1 $0x0;
	v0 =	vsel vm0, v1, v0  }
0x17d: {  	s5 =	sor.u32 $0x2000, s3;
	s2 =	sshra.s32 @!p0 s2, $0x2;
	s0 =	sor.u32 @!p0 s0, s3;
	[tilespmem:$0xE408] =	vst v0  }
0x17e: {  	[spmem:s5] =	stream.linear.scatter [tilespmem:s6], [sflag:$0x1], $0x2, $0x38;
	[tilespmem:$0x1E678] =	vst v63  }
0x17f: {  	s2 =	sadd.s32 @!p0 $0x208, s2;
	s0 =	sshll.u32 @!p0 s0, $0x8  }
0x180: {  	[spmem:s0] =	stream.linear.scatter @!p0 [tilespmem:s2], [sflag:$0x1], $0x100, $0x38;
	[tilespmem:$0x1E678] =	vst v63  }
0x181: {  	s0 =	simm.s32 @!p0 $0x102  }
0x182: {  	s28 =	simm.s32 $0x1;
	s0 =	simm.s32 @p0 $0x2  }
0x183: {  	_ =	swait.ge [sflag:s28], s0  }
0x184: {  	s0 =	ssub.s32 $0x0, s0;
	[sflag:s28] =	ssyncset.done $0x0  }
0x185: {  	p0 =	sne.s32 s15, $0x0;
	[sflag:s28] =	ssyncadd.s32 s0  }
.Ltmp23:
0x186: {  	_ =	sfence.stream.spmem;
	(pc) =	sbr.rel @p0 .LBB2_45-.Ltmp23, $4  }
0x187: {  	s29 =	simm.s32 $0x3;
	[bflag:$0x0] =	sbarrier.arrive $0xFFFF  }
0x188: {  	s30 =	simm.s32 $0x4;
	[sflag:s29] =	ssyncpa.u1 $0x1  }
0x189: {  	s31 =	simm.s32 $0x3C;
	[sflag:s30] =	ssyncpa.u1 $0x1  }
0x18a: {  	s14 =	rddreg [dreg:$0x5];
	[sflag:s31] =	ssyncpa.u1 $0x1  }
0x18b: {  	_ =	sfence.stream.spmem;
	s0 =	simm.s32 $0x5  }
0x18c: {  	s2 =	simm.s32 $0x2000;
	s3 =	simm.s32 $0xE418;
	[sflag:s0] =	ssyncpa.u1 $0x0  }
0x18d: {  	[tilespmem:s3], [sflag:$0x5] =	stream.linear.gather [spmem:s2], $0x20, $0x38;
	[tilespmem:$0x1E678] =	vst v63  }
0x18e: {  	s26 =	simm.s32 $0x0;
	s28 =	simm.s32 $0xE438  }
0x18f: {  	[tilespmem:s28], [sflag:$0x5] =	stream.linear.gather [spmem:s26], $0x2000, $0x38;
	[tilespmem:$0x1E678] =	vst v63  }
0x190: {  	_ =	swait.ge [sflag:s0], $0x2020  }
0x191: {  	[sflag:s0] =	ssyncset.done $0x0  }
0x192: {  	s29 =	simm.s32 $0x0;
	[sflag:s0] =	ssyncadd.s32 $0xFFFFDFE0  }
0x193: {  	v0 =	vld.msk [tilespmem:s29+$0xE418], $0x1;
	_ =	sdelay $0x1  }
0x194: {  	s30 =	simm.s32 $0x1  }
0x195: {  	v1 =	vld.msk [tilespmem:s30+$0xE418], $0x1;
	_ =	sdelay $0x1  }
0x196: {  	(v2sf) =	vpush v0, $0x0;
	_ =	sdelay $0x2  }
0x197: {  	(v2sf) =	vpush v1, $0x0;
	_ =	sdelay $0x2  }
0x198: {  	s31 =	simm.s32 $0x2  }
0x199: {  	v0 =	vld.msk [tilespmem:s31+$0xE418], $0x1;
	_ =	sdelay $0x2  }
0x19a: {  	s2 =	simm.s32 $0xFFFFFFFF;
	s3 =	simm.s32 $0xFFFFFFFF;
	s0 =	simm.s32 $0xC  }
.LBB2_30:
0x19b: {  	s4 =	smov.u32 s3;
	s5 =	smov.u32 s2  }
0x19c: {  	s2 =	sshra.s32 s0, $0x2;
	p1 =	sne.s32 s0, $0x7C;
	s0 =	sadd.s32 $0x4, s0;
	(v2sf) =	vpush v0, $0x0  }
0x19d: {  	v0 =	vld.msk [tilespmem:s2+$0xE418], $0x1  }
.Ltmp24:
0x19e: {  	(pc) =	sbr.rel @p1 .LBB2_30-.Ltmp24, $4  }
0x19f: {  	s3 =	spop (v2sf)  }
0x1a0: {  	p2 =	sne.s32 s5, $0xFFFFFFFF;
	s2 =	smov.u32 s3  }
0x1a1: {  	p3 =	seq.s32 s3, $0xFFFFFFFF;
	s2 =	smov.u32 @p2 s5  }
0x1a2: {  	s3 =	smov.u32 @p3 s4;
	s2 =	smov.u32 @p3 s5  }
0x1a3: {  	(v2sf) =	vpush v0, $0x0;
	_ =	sdelay $0x8  }
0x1a4: {  	s0 =	spop (v2sf)  }
0x1a5: {  	p1 =	sne.s32 s2, $0xFFFFFFFF;
	s9 =	simm.s32 $0x6;
	s4 =	smov.u32 s0  }
0x1a6: {  	s6 =	simm.s32 $0x0;
	p2 =	seq.s32 s0, $0xFFFFFFFF;
	s4 =	smov.u32 @p1 s2  }
0x1a7: {  	s10 =	simm.s32 $0xE308;
	s4 =	smov.u32 @p2 s2;
	s2 =	spop (v2sf)  }
0x1a8: {  	s0 =	smov.u32 @p2 s3;
	p1 =	sne.s32 s4, $0xFFFFFFFF;
	s5 =	smov.u32 s2  }
.Ltmp25:
0x1a9: {  	p2 =	seq.s32 s2, $0xFFFFFFFF;
	s5 =	smov.u32 @p1 s4;
	(pc) =	sbr.rel .LBB2_32-.Ltmp25, $4  }
0x1aa: {  	s11 =	simm.s32 $0xE388;
	s5 =	smov.u32 @p2 s4;
	s7 =	spop (v2sf)  }
0x1ab: {  	s12 =	simm.s32 $0x0;
	p1 =	sne.s32 s5, $0xFFFFFFFF;
	s8 =	smov.u32 s7  }
0x1ac: {  	s2 =	smov.u32 @p2 s0;
	p2 =	seq.s32 s7, $0xFFFFFFFF;
	s8 =	smov.u32 @p1 s5  }
0x1ad: {  	[sflag:s9] =	ssyncpa.u1 $0x0;
	s7 =	smov.u32 @p2 s2;
	s8 =	smov.u32 @p2 s5  }
.LBB2_38:
0x1ae: {  	p1 =	sgt.u32 s0, $0x1FF70  }
0x1af: {  	p2 =	seq.s32 @!p1 s0, s8  }
0x1b0: {  	p1 =	por p1, p2  }
0x1b1: {  	p2 =	sne.s32 @!p1 s0, s7  }
0x1b2: {  	p1 =	por p1, !p2  }
0x1b3: {  	s0 =	sshll.u32 @p1 s12, $0xA  }
0x1b4: {  	s2 =	sand.u32 @!p1 $0x1FFF8, s0;
	s3 =	sand.u32 @!p1 $0x7, s0;
	s0 =	sadd.s32 @!p1 $0x80, s0  }
0x1b5: {  	s2 =	sadd.s32 @!p1 s1, s2;
	s0 =	sand.u32 @!p1 $0x3FFF8, s0  }
0x1b6: {  	[tilespmem:s10], [sflag:$0x6] =	stream.linear.gather @!p1 [hbm4b:s2+s3], $0x80, $0x38;
	[tilespmem:$0x1E678] =	vst v63  }
0x1b7: {  	s0 =	sadd.s32 @!p1 s1, s0  }
0x1b8: {  	[tilespmem:s11], [sflag:$0x6] =	stream.linear.gather @!p1 [hbm4b:s0+s3], $0x80, $0x38;
	[tilespmem:$0x1E678] =	vst v63  }
0x1b9: {  	_ =	swait.ge @!p1 [sflag:s9], $0x100  }
0x1ba: {  	[sflag:s9] =	ssyncset.done @!p1 $0x0  }
0x1bb: {  	[sflag:s9] =	ssyncadd.s32 @!p1 $0xFFFFFF00  }
0x1bc: {  	v1 =	vld @!p1 [tilespmem:$0xE308];
	_ =	sdelay $0x2  }
0x1bd: {  	s0 =	sshll.u32 @!p1 s12, $0xA  }
0x1be: {  	s2 =	sshrl.u32 @!p1 s0, $0x2  }
0x1bf: {  	[tilespmem:s2+$0xE438] =	vst.add.f32.msk @!p1 $0xffff, v1  }
0x1c0: {  	v1 =	vld @!p1 [tilespmem:$0xE318];
	_ =	sdelay $0x4  }
0x1c1: {  	[tilespmem:s2+$0xE448] =	vst.add.f32.msk @!p1 $0xffff, v1  }
0x1c2: {  	v1 =	vld @!p1 [tilespmem:$0xE328];
	_ =	sdelay $0x4  }
0x1c3: {  	[tilespmem:s2+$0xE458] =	vst.add.f32.msk @!p1 $0xffff, v1  }
0x1c4: {  	v1 =	vld @!p1 [tilespmem:$0xE338];
	_ =	sdelay $0x4  }
0x1c5: {  	[tilespmem:s2+$0xE468] =	vst.add.f32.msk @!p1 $0xffff, v1  }
0x1c6: {  	v1 =	vld @!p1 [tilespmem:$0xE348];
	_ =	sdelay $0x4  }
0x1c7: {  	[tilespmem:s2+$0xE478] =	vst.add.f32.msk @!p1 $0xffff, v1  }
0x1c8: {  	v1 =	vld @!p1 [tilespmem:$0xE358];
	_ =	sdelay $0x4  }
0x1c9: {  	[tilespmem:s2+$0xE488] =	vst.add.f32.msk @!p1 $0xffff, v1  }
0x1ca: {  	v1 =	vld @!p1 [tilespmem:$0xE368];
	_ =	sdelay $0x4  }
0x1cb: {  	[tilespmem:s2+$0xE498] =	vst.add.f32.msk @!p1 $0xffff, v1  }
0x1cc: {  	v1 =	vld @!p1 [tilespmem:$0xE378];
	_ =	sdelay $0x4  }
0x1cd: {  	[tilespmem:s2+$0xE4A8] =	vst.add.f32.msk @!p1 $0xffff, v1  }
0x1ce: {  	v1 =	vld @!p1 [tilespmem:$0xE388];
	_ =	sdelay $0x4  }
0x1cf: {  	[tilespmem:s2+$0xE4B8] =	vst.add.f32.msk @!p1 $0xffff, v1  }
0x1d0: {  	v1 =	vld @!p1 [tilespmem:$0xE398];
	_ =	sdelay $0x4  }
0x1d1: {  	[tilespmem:s2+$0xE4C8] =	vst.add.f32.msk @!p1 $0xffff, v1  }
0x1d2: {  	v1 =	vld @!p1 [tilespmem:$0xE3A8];
	_ =	sdelay $0x4  }
0x1d3: {  	[tilespmem:s2+$0xE4D8] =	vst.add.f32.msk @!p1 $0xffff, v1  }
0x1d4: {  	v1 =	vld @!p1 [tilespmem:$0xE3B8];
	_ =	sdelay $0x4  }
0x1d5: {  	[tilespmem:s2+$0xE4E8] =	vst.add.f32.msk @!p1 $0xffff, v1  }
0x1d6: {  	v1 =	vld @!p1 [tilespmem:$0xE3C8];
	_ =	sdelay $0x4  }
0x1d7: {  	[tilespmem:s2+$0xE4F8] =	vst.add.f32.msk @!p1 $0xffff, v1  }
0x1d8: {  	v1 =	vld @!p1 [tilespmem:$0xE3D8];
	_ =	sdelay $0x4  }
0x1d9: {  	[tilespmem:s2+$0xE508] =	vst.add.f32.msk @!p1 $0xffff, v1  }
0x1da: {  	v1 =	vld @!p1 [tilespmem:$0xE3E8];
	_ =	sdelay $0x4  }
0x1db: {  	[tilespmem:s2+$0xE518] =	vst.add.f32.msk @!p1 $0xffff, v1  }
0x1dc: {  	v1 =	vld @!p1 [tilespmem:$0xE3F8];
	_ =	sdelay $0x4  }
0x1dd: {  	[tilespmem:s2+$0xE528] =	vst.add.f32.msk @!p1 $0xffff, v1  }
0x1de: {  	s0 =	sshrl.u32 s0, $0x2;
	[tilespmem:s6+$0xE418] =	vst.msk $0x1, v0  }
0x1df: {  	v0 =	vld [tilespmem:s0+$0xE438];
	_ =	sdelay $0x2  }
0x1e0: {  	s31 =	sshll.u32 s6, $0xA  }
0x1e1: {  	s2 =	sshra.s32 s31, $0x2  }
0x1e2: {  	[tilespmem:s2+$0xE438] =	vst v0  }
0x1e3: {  	v0 =	vld [tilespmem:s0+$0xE448];
	_ =	sdelay $0x4  }
0x1e4: {  	[tilespmem:s2+$0xE448] =	vst v0  }
0x1e5: {  	v0 =	vld [tilespmem:s0+$0xE458];
	_ =	sdelay $0x4  }
0x1e6: {  	[tilespmem:s2+$0xE458] =	vst v0  }
0x1e7: {  	v0 =	vld [tilespmem:s0+$0xE468];
	_ =	sdelay $0x4  }
0x1e8: {  	[tilespmem:s2+$0xE468] =	vst v0  }
0x1e9: {  	v0 =	vld [tilespmem:s0+$0xE478];
	_ =	sdelay $0x4  }
0x1ea: {  	[tilespmem:s2+$0xE478] =	vst v0  }
0x1eb: {  	v0 =	vld [tilespmem:s0+$0xE488];
	_ =	sdelay $0x4  }
0x1ec: {  	[tilespmem:s2+$0xE488] =	vst v0  }
0x1ed: {  	v0 =	vld [tilespmem:s0+$0xE498];
	_ =	sdelay $0x4  }
0x1ee: {  	[tilespmem:s2+$0xE498] =	vst v0  }
0x1ef: {  	v0 =	vld [tilespmem:s0+$0xE4A8];
	_ =	sdelay $0x4  }
0x1f0: {  	[tilespmem:s2+$0xE4A8] =	vst v0  }
0x1f1: {  	v0 =	vld [tilespmem:s0+$0xE4B8];
	_ =	sdelay $0x4  }
0x1f2: {  	[tilespmem:s2+$0xE4B8] =	vst v0  }
0x1f3: {  	v0 =	vld [tilespmem:s0+$0xE4C8];
	_ =	sdelay $0x4  }
0x1f4: {  	[tilespmem:s2+$0xE4C8] =	vst v0  }
0x1f5: {  	v0 =	vld [tilespmem:s0+$0xE4D8];
	_ =	sdelay $0x4  }
0x1f6: {  	[tilespmem:s2+$0xE4D8] =	vst v0  }
0x1f7: {  	v0 =	vld [tilespmem:s0+$0xE4E8];
	_ =	sdelay $0x4  }
0x1f8: {  	[tilespmem:s2+$0xE4E8] =	vst v0  }
0x1f9: {  	v0 =	vld [tilespmem:s0+$0xE4F8];
	_ =	sdelay $0x4  }
0x1fa: {  	[tilespmem:s2+$0xE4F8] =	vst v0  }
0x1fb: {  	v0 =	vld [tilespmem:s0+$0xE508];
	_ =	sdelay $0x4  }
0x1fc: {  	[tilespmem:s2+$0xE508] =	vst v0  }
0x1fd: {  	v0 =	vld [tilespmem:s0+$0xE518];
	_ =	sdelay $0x4  }
0x1fe: {  	[tilespmem:s2+$0xE518] =	vst v0  }
0x1ff: {  	v0 =	vld [tilespmem:s0+$0xE528];
	_ =	sdelay $0x4  }
0x200: {  	s6 =	sadd.s32 $0x1, s6;
	[tilespmem:s2+$0xE528] =	vst v0  }
.LBB2_39:
0x201: {  	s12 =	sadd.s32 $0x1, s12  }
0x202: {  	p1 =	sne.s32 s12, $0x20  }
.Ltmp26:
0x203: {  	_ = 	snop;
	(pc) =	sbr.rel @!p1 .LBB2_40-.Ltmp26, $1  }
0x204: {  	_ =	sdelay $0x3  }
.LBB2_32:
0x205: {  	v0 =	vld.msk [tilespmem:s12+$0xE418], $0x1;
	_ =	sdelay $0x4  }
0x206: {  	(v2sf) =	vpush v0, $0x0;
	_ =	sdelay $0xe  }
0x207: {  	s0 =	spop (v2sf)  }
0x208: {  	p1 =	seq.s32 s0, $0xFFFFFFFF  }
.Ltmp27:
0x209: {  	_ = 	snop;
	(pc) =	sbr.rel @p1 .LBB2_39-.Ltmp27, $1  }
0x20a: {  	_ =	sdelay $0x3  }
0x20b: {  	p1 =	slt.s32 s6, $0x1  }
.Ltmp28:
0x20c: {  	_ = 	snop;
	(pc) =	sbr.rel @p1 .LBB2_38-.Ltmp28, $1  }
0x20d: {  	_ =	sdelay $0x3  }
0x20e: {  	s4 =	simm.s32 $0xE418;
	p1 =	por $0x0, $0x0  }
0x20f: {  	v1 =	vld.msk @!p1 [tilespmem:s4+$0x0], $0x1;
	_ =	sdelay $0x4  }
0x210: {  	(v2sf) =	vpush @!p1 v1, $0x0;
	_ =	sdelay $0xd  }
0x211: {  	p3 =	sne.s32 s6, $0x1  }
.Ltmp29:
0x212: {  	s2 =	spop @!p1 (v2sf);
	(pc) =	sbr.rel @!p3 .LBB2_36-.Ltmp29, $4  }
0x213: {  	p2 =	seq.s32 @!p1 s0, s2  }
0x214: {  	s5 =	simm.s32 $0x0;
	p2 =	por !p2, p1  }
0x215: {  	s2 =	simm.s32 $0xFFFFFFFF;
	s5 =	simm.s32 @p2 $0xFFFFFFFF  }
0x216: {  	s13 =	simm.s32 $0x1;
	s5 =	smov.u32 @p1 s2  }
.LBB2_35:
0x217: {  	s2 =	smov.u32 s5;
	p1 =	sne.s32 s5, $0xFFFFFFFF  }
0x218: {  	s4 =	sadd.s32 $0x1, s4;
	s5 =	smov.u32 s13;
	s13 =	sadd.s32 $0x1, s13  }
0x219: {  	p2 =	sne.s32 s6, s13;
	v1 =	vld.msk @!p1 [tilespmem:s4+$0x0], $0x1;
	_ =	sdelay $0x4  }
0x21a: {  	(v2sf) =	vpush @!p1 v1, $0x0;
	_ =	sdelay $0xe  }
.Ltmp30:
0x21b: {  	s3 =	spop @!p1 (v2sf);
	(pc) =	sbr.rel @p2 .LBB2_35-.Ltmp30, $4  }
0x21c: {  	p3 =	seq.s32 @!p1 s0, s3  }
0x21d: {  	p3 =	por !p3, p1  }
0x21e: {  	s5 =	simm.s32 @p3 $0xFFFFFFFF  }
0x21f: {  	s5 =	smov.u32 @p1 s2  }
.LBB2_36:
0x220: {  	p1 =	seq.s32 s5, $0xFFFFFFFF  }
.Ltmp31:
0x221: {  	_ = 	snop;
	(pc) =	sbr.rel @p1 .LBB2_38-.Ltmp31, $1  }
0x222: {  	_ =	sdelay $0x3  }
0x223: {  	s0 =	sshll.u32 s12, $0x8  }
0x224: {  	s0 =	sand.u32 $0x3FFFFF00, s0  }
0x225: {  	v0 =	vld [tilespmem:s0+$0xE438];
	_ =	sdelay $0x2  }
0x226: {  	s2 =	sshll.u32 s5, $0xA  }
0x227: {  	s2 =	sshra.s32 s2, $0x2  }
0x228: {  	[tilespmem:s2+$0xE438] =	vst.add.f32.msk $0xffff, v0  }
0x229: {  	v0 =	vld [tilespmem:s0+$0xE448];
	_ =	sdelay $0x4  }
0x22a: {  	[tilespmem:s2+$0xE448] =	vst.add.f32.msk $0xffff, v0  }
0x22b: {  	v0 =	vld [tilespmem:s0+$0xE458];
	_ =	sdelay $0x4  }
0x22c: {  	[tilespmem:s2+$0xE458] =	vst.add.f32.msk $0xffff, v0  }
0x22d: {  	v0 =	vld [tilespmem:s0+$0xE468];
	_ =	sdelay $0x4  }
0x22e: {  	[tilespmem:s2+$0xE468] =	vst.add.f32.msk $0xffff, v0  }
0x22f: {  	v0 =	vld [tilespmem:s0+$0xE478];
	_ =	sdelay $0x4  }
0x230: {  	[tilespmem:s2+$0xE478] =	vst.add.f32.msk $0xffff, v0  }
0x231: {  	v0 =	vld [tilespmem:s0+$0xE488];
	_ =	sdelay $0x4  }
0x232: {  	[tilespmem:s2+$0xE488] =	vst.add.f32.msk $0xffff, v0  }
0x233: {  	v0 =	vld [tilespmem:s0+$0xE498];
	_ =	sdelay $0x4  }
0x234: {  	[tilespmem:s2+$0xE498] =	vst.add.f32.msk $0xffff, v0  }
0x235: {  	v0 =	vld [tilespmem:s0+$0xE4A8];
	_ =	sdelay $0x4  }
0x236: {  	[tilespmem:s2+$0xE4A8] =	vst.add.f32.msk $0xffff, v0  }
0x237: {  	v0 =	vld [tilespmem:s0+$0xE4B8];
	_ =	sdelay $0x4  }
0x238: {  	[tilespmem:s2+$0xE4B8] =	vst.add.f32.msk $0xffff, v0  }
0x239: {  	v0 =	vld [tilespmem:s0+$0xE4C8];
	_ =	sdelay $0x4  }
0x23a: {  	[tilespmem:s2+$0xE4C8] =	vst.add.f32.msk $0xffff, v0  }
0x23b: {  	v0 =	vld [tilespmem:s0+$0xE4D8];
	_ =	sdelay $0x4  }
0x23c: {  	[tilespmem:s2+$0xE4D8] =	vst.add.f32.msk $0xffff, v0  }
0x23d: {  	v0 =	vld [tilespmem:s0+$0xE4E8];
	_ =	sdelay $0x4  }
0x23e: {  	[tilespmem:s2+$0xE4E8] =	vst.add.f32.msk $0xffff, v0  }
0x23f: {  	v0 =	vld [tilespmem:s0+$0xE4F8];
	_ =	sdelay $0x4  }
0x240: {  	[tilespmem:s2+$0xE4F8] =	vst.add.f32.msk $0xffff, v0  }
0x241: {  	v0 =	vld [tilespmem:s0+$0xE508];
	_ =	sdelay $0x4  }
0x242: {  	[tilespmem:s2+$0xE508] =	vst.add.f32.msk $0xffff, v0  }
0x243: {  	v0 =	vld [tilespmem:s0+$0xE518];
	_ =	sdelay $0x4  }
0x244: {  	[tilespmem:s2+$0xE518] =	vst.add.f32.msk $0xffff, v0  }
0x245: {  	v0 =	vld [tilespmem:s0+$0xE528]  }
.Ltmp32:
0x246: {  	_ = 	snop;
	(pc) =	sbr.rel .LBB2_39-.Ltmp32, $2  }
0x247: {  	_ =	sdelay $0x2  }
0x248: {  	[tilespmem:s2+$0xE528] =	vst.add.f32.msk $0xffff, v0  }
.LBB2_40:
0x249: {  	s0 =	simm.s32 $0x6;
	p1 =	seq.s32 s6, $0x0  }
0x24a: {  	[sflag:s0] =	ssyncpa.u1 $0x1;
	v0 =	vimm.s32 @p1 $0xFFFFFFFF  }
0x24b: {  	s0 =	sadd.s32 $0xFFFFFFFF, s6;
	[tilespmem:$0x10438] =	vst @p1 v0  }
0x24c: {  	v0 =	vld.msk @!p1 [tilespmem:s0+$0xE418], $0x1;
	_ =	sdelay $0x1  }
0x24d: {  	v1 =	vld.msk @!p1 [tilespmem:$0xE418], $0x1;
	_ =	sdelay $0x2  }
0x24e: {  	p2 =	seq.s32 @!p1 s0, $0x0;
	v0 =	vbroadcast @!p1 v0, $0x0  }
0x24f: {  	vm0 =	vmmov @!p1 $0x1;
	p2 =	por !p2, p1  }
0x250: {  	v1 =	vnsel @!p1 vm0, $0xFFFFFFFF, v1;
	vm0 =	vcmask @!p1 $0x308;
	v0 =	vpsel !p2, $0xFFFFFFFF, v0  }
0x251: {  	p2 =	sne.s32 @!p1 s8, s7;
	v0 =	vsel @!p1 vm0, v1, v0  }
0x252: {  	s2 =	simm.s32 @!p1 $0xE438;
	s3 =	simm.s32 @!p1 $0x0;
	p3 =	por !p2, p1;
	[tilespmem:$0x10438] =	vst @!p1 v0  }
0x253: {  	[spmem:s3] =	stream.linear.scatter @!p1 [tilespmem:s2], [sflag:$0x1], $0x100, $0x38;
	[tilespmem:$0x1E678] =	vst v63  }
0x254: {  	s2 =	sshll.u32 @!p3 s0, $0xA  }
0x255: {  	s2 =	sshra.s32 @!p3 s2, $0x2  }
0x256: {  	s3 =	simm.s32 @!p3 $0x100;
	s2 =	sadd.s32 @!p3 $0xE438, s2  }
0x257: {  	[spmem:s3] =	stream.linear.scatter @!p3 [tilespmem:s2], [sflag:$0x1], $0x100, $0x38;
	[tilespmem:$0x1E678] =	vst v63  }
0x258: {  	s2 =	simm.s32 @!p3 $0x1  }
0x259: {  	_ =	swait.ge @!p3 [sflag:s2], $0x200  }
0x25a: {  	p1 =	por p2, p1;
	[sflag:s2] =	ssyncset.done @!p3 $0x0  }
0x25b: {  	[sflag:s2] =	ssyncadd.s32 @!p3 $0xFFFFFE00;
	s2 =	simm.s32 @!p1 $0x1  }
0x25c: {  	_ =	swait.ge @!p1 [sflag:s2], $0x100  }
0x25d: {  	s29 =	simm.s32 $0x10438;
	[sflag:s2] =	ssyncset.done @!p1 $0x0  }
0x25e: {  	s30 =	simm.s32 $0x2000;
	s31 =	simm.s32 $0x1;
	[sflag:s2] =	ssyncadd.s32 @!p1 $0xFFFFFF00  }
0x25f: {  	[spmem:s30] =	stream.linear.scatter [tilespmem:s29], [sflag:$0x1], $0x10, $0x38;
	[tilespmem:$0x1E678] =	vst v63  }
0x260: {  	_ =	swait.ge [sflag:s31], $0x10  }
0x261: {  	[sflag:s31] =	ssyncset.done $0x0  }
0x262: {  	p1 =	seq.s32 s14, $0x0;
	s9 =	rddreg [dreg:$0x2];
	[sflag:s31] =	ssyncadd.s32 $0xFFFFFFF0  }
0x263: {  	s3 =	sshll.u32 @p1 s9, $0xE;
	s8 =	rddreg [dreg:$0x3]  }
0x264: {  	s2 =	sadd.s32 @p1 $0x15C3C, s3;
	s3 =	sshll.u32 @p1 s8, $0x11  }
0x265: {  	_ =	sfence.stream.spmem;
	s2 =	sor.u32 @p1 s3, s2  }
0x266: {  	[sflag:s2] =	ssyncadd.remote.s32 @p1 $0x1;
	s2 =	simm.s32 @p1 $0x4  }
0x267: {  	s4 =	simm.s32 @!p1 $0x3C;
	s3 =	sand.u32 $0xFFFFFFFE, s9;
	_ =	swait.ge @p1 [sflag:s2], $0x42  }
0x268: {  	s5 =	simm.s32 @!p1 $0x0;
	s3 =	sadd.s32 @!p1 $0x4, s3;
	[sflag:s2] =	ssyncset.done @p1 $0x0  }
0x269: {  	s7 =	simm.s32 @!p1 $0x200;
	[sflag:s2] =	ssyncadd.s32 @p1 $0xFFFFFFBE;
	s2 =	sshll.u32 @!p1 s3, $0x1A  }
0x26a: {  	s3 =	sshll.u32 @!p1 s3, $0xD;
	s2 =	sor.u32 @!p1 s2, s8;
	_ =	swait.eq @!p1 [sflag:s4], $0x1  }
0x26b: {  	s3 =	sor.u32 @!p1 $0x1C04, s3;
	s4 =	simm.s32 @!p1 $0x1C03;
	s2 =	sor.u32 @!p1 $0x80004000, s2  }
0x26c: {  	[spmem:s7], [sflag:s3] =	dma.general @!p1 [spmem:s5], [sflag:s4], length:$0x40, [dreg:$0x0], stride_count:$0x0, ici_dest:s2, dma_misc:DstOpCode:WRITE  }
0x26d: {  	p2 =	slt.s32 s0, $0x2;
	s5 =	simm.s32 @!p1 $0x400;
	s7 =	simm.s32 @!p1 $0x402  }
0x26e: {  	[spmem:s7], [sflag:s3] =	dma.general @!p1 [spmem:s5], [sflag:s4], length:$0x2, [dreg:$0x0], stride_count:$0x0, ici_dest:s2, dma_misc:DstOpCode:WRITE  }
.Ltmp33:
0x26f: {  	s2 =	simm.s32 @!p1 $0x3;
	(pc) =	sbr.rel @p2 .LBB2_44-.Ltmp33, $4  }
0x270: {  	s3 =	sshll.u32 @!p1 s9, $0xE;
	_ =	swait.ge @!p1 [sflag:s2], $0x42  }
0x271: {  	s4 =	sshll.u32 @!p1 s8, $0x11;
	s3 =	sadd.s32 @!p1 $0x11C3C, s3;
	[sflag:s2] =	ssyncset.done @!p1 $0x0  }
0x272: {  	[sflag:s2] =	ssyncadd.s32 @!p1 $0xFFFFFFBE;
	s2 =	sor.u32 @!p1 s4, s3  }
0x273: {  	s0 =	simm.s32 $0x0;
	[sflag:s2] =	ssyncadd.remote.s32 @!p1 $0xFFFFFFFF  }
0x274: {  	s0 =	simm.s32 $0xE419  }
0x275: {  	v0 =	vld.msk [tilespmem:s0+$0x0], $0x1;
	_ =	sdelay $0x4  }
0x276: {  	(v2sf) =	vpush v0, $0x0;
	_ =	sdelay $0xd  }
0x277: {  	s31 =	sadd.s32 $0xFFFFFFFE, s6  }
0x278: {  	s6 =	simm.s32 $0x0;
	s0 =	sadd.s32 $0xFFFFFFFF, s31;
	s2 =	spop (v2sf)  }
0x279: {  	s3 =	simm.s32 $0xE538;
	p1 =	sne.s32 s0, $0x0;
	p2 =	sgt.u32 s2, $0x1FF70  }
.Ltmp34:
0x27a: {  	s4 =	simm.s32 $0xE638;
	s5 =	sand.u32 @!p2 $0x1FFF8, s2;
	(pc) =	sbr.rel @!p1 .LBB2_43-.Ltmp34, $4  }
0x27b: {  	s7 =	sadd.s32 @!p2 $0x80, s2;
	s2 =	sand.u32 @!p2 $0x7, s2;
	s6 =	simm.s32 @!p2 $0x400  }
0x27c: {  	s5 =	sadd.s32 @!p2 s1, s5;
	s7 =	sand.u32 @!p2 $0x3FFF8, s7;
	s6 =	sadd.s32 $0x0, s6  }
0x27d: {  	[hbm4b:s5+s2] =	stream.linear.scatter @!p2 [tilespmem:s3], [sflag:$0x5], $0x80, $0x38;
	[tilespmem:$0x1E678] =	vst v63  }
0x27e: {  	s5 =	simm.s32 $0xE41A;
	s3 =	simm.s32 @!p2 $0xE5B8;
	s7 =	sadd.s32 @!p2 s1, s7  }
.LBB2_42:
0x27f: {  	[hbm4b:s7+s2] =	stream.linear.scatter @!p2 [tilespmem:s3], [sflag:$0x5], $0x80, $0x38;
	[tilespmem:$0x1E678] =	vst v63  }
0x280: {  	s0 =	sadd.s32 $0xFFFFFFFF, s0;
	s3 =	smov.u32 s4;
	v0 =	vld.msk [tilespmem:s5+$0x0], $0x1  }
0x281: {  	p1 =	sne.s32 s0, $0x0;
	_ =	sdelay $0x3  }
0x282: {  	(v2sf) =	vpush v0, $0x0;
	_ =	sdelay $0xe  }
0x283: {  	s4 =	sadd.s32 $0x100, s4;
	s8 =	simm.s32 $0x0;
	s2 =	spop (v2sf)  }
.Ltmp35:
0x284: {  	s5 =	sadd.s32 $0x1, s5;
	p2 =	sgt.u32 s2, $0x1FF70;
	(pc) =	sbr.rel @p1 .LBB2_42-.Ltmp35, $4  }
0x285: {  	s8 =	simm.s32 @!p2 $0x400;
	s7 =	sand.u32 @!p2 $0x1FFF8, s2;
	s9 =	sadd.s32 @!p2 $0x80, s2  }
0x286: {  	s2 =	sand.u32 @!p2 $0x7, s2;
	s7 =	sadd.s32 @!p2 s1, s7;
	s9 =	sand.u32 @!p2 $0x3FFF8, s9  }
0x287: {  	[hbm4b:s7+s2] =	stream.linear.scatter @!p2 [tilespmem:s3], [sflag:$0x5], $0x80, $0x38;
	[tilespmem:$0x1E678] =	vst v63  }
0x288: {  	s6 =	sadd.s32 s6, s8;
	s3 =	sadd.s32 @!p2 $0x80, s3;
	s7 =	sadd.s32 @!p2 s1, s9  }
.LBB2_43:
0x289: {  	[hbm4b:s7+s2] =	stream.linear.scatter @!p2 [tilespmem:s3], [sflag:$0x5], $0x80, $0x38;
	[tilespmem:$0x1E678] =	vst v63  }
0x28a: {  	s0 =	sshrl.u32 s6, $0x2  }
.LBB2_44:
0x28b: {  	s2 =	simm.s32 $0x5  }
0x28c: {  	_ =	swait.ge [sflag:s2], s0  }
0x28d: {  	s31 =	ssub.s32 $0x0, s0;
	[sflag:s2] =	ssyncset.done $0x0  }
0x28e: {  	[sflag:s2] =	ssyncadd.s32 s31  }
0x28f: {  	[sflag:s2] =	ssyncpa.u1 $0x1  }
.LBB2_45:
0x290: {  	s0 =	sor.u32 s14, s15  }
0x291: {  	p1 =	sne.s32 s0, $0x0  }
.Ltmp36:
0x292: {  	_ = 	snop;
	(pc) =	sbr.rel @p1 .LBB2_60-.Ltmp36, $3  }
0x293: {  	_ =	sdelay $0x1  }
0x294: {  	[bflag:$0x0] =	sbarrier.arrive $0xFFFF  }
0x295: {  	_ =	sfence  }
0x296: {  	s0 =	simm.s32 $0x7  }
0x297: {  	s2 =	simm.s32 $0x2000;
	s3 =	simm.s32 $0xE418;
	[sflag:s0] =	ssyncpa.u1 $0x0  }
0x298: {  	[tilespmem:s3], [sflag:$0x7] =	stream.linear.gather [spmem:s2], $0x20, $0x38;
	[tilespmem:$0x1E678] =	vst v63  }
0x299: {  	s30 =	simm.s32 $0xE438;
	s2 =	simm.s32 $0x0  }
0x29a: {  	[tilespmem:s30], [sflag:$0x7] =	stream.linear.gather [spmem:s2], $0x2000, $0x38;
	[tilespmem:$0x1E678] =	vst v63  }
.Ltmp37:
0x29b: {  	_ = 	snop;
	(pc) =	sbr.rel .LBB2_47-.Ltmp37, $4  }
0x29c: {  	_ =	swait.ge [sflag:s0], $0x2020  }
0x29d: {  	[sflag:s0] =	ssyncset.done $0x0  }
0x29e: {  	s31 =	simm.s32 $0x8;
	[sflag:s0] =	ssyncadd.s32 $0xFFFFDFE0  }
0x29f: {  	s3 =	simm.s32 $0x0;
	[sflag:s31] =	ssyncpa.u1 $0x0  }
.LBB2_53:
0x2a0: {  	p1 =	slt.u32 s0, $0x1FF71  }
0x2a1: {  	s4 =	sand.u32 @p1 $0x1FFF8, s0;
	s5 =	sand.u32 @p1 $0x7, s0;
	s0 =	sadd.s32 @p1 $0x80, s0  }
0x2a2: {  	s6 =	simm.s32 @p1 $0xE308;
	s4 =	sadd.s32 @p1 s1, s4;
	s0 =	sand.u32 @p1 $0x3FFF8, s0  }
0x2a3: {  	[tilespmem:s6], [sflag:$0x8] =	stream.linear.gather @p1 [hbm4b:s4+s5], $0x80, $0x38;
	[tilespmem:$0x1E678] =	vst v63  }
0x2a4: {  	s0 =	sadd.s32 @p1 s1, s0;
	s4 =	simm.s32 @p1 $0xE388  }
0x2a5: {  	[tilespmem:s4], [sflag:$0x8] =	stream.linear.gather @p1 [hbm4b:s0+s5], $0x80, $0x38;
	[tilespmem:$0x1E678] =	vst v63  }
0x2a6: {  	s0 =	simm.s32 @p1 $0x8  }
0x2a7: {  	_ =	swait.ge @p1 [sflag:s0], $0x100  }
0x2a8: {  	[sflag:s0] =	ssyncset.done @p1 $0x0  }
0x2a9: {  	[sflag:s0] =	ssyncadd.s32 @p1 $0xFFFFFF00  }
0x2aa: {  	v1 =	vld @p1 [tilespmem:$0xE308];
	_ =	sdelay $0x2  }
0x2ab: {  	s0 =	sshll.u32 @p1 s3, $0xA  }
0x2ac: {  	s4 =	sshrl.u32 @p1 s0, $0x2  }
0x2ad: {  	[tilespmem:s4+$0xE438] =	vst.add.f32.msk @p1 $0xffff, v1  }
0x2ae: {  	v1 =	vld @p1 [tilespmem:$0xE318];
	_ =	sdelay $0x4  }
0x2af: {  	[tilespmem:s4+$0xE448] =	vst.add.f32.msk @p1 $0xffff, v1  }
0x2b0: {  	v1 =	vld @p1 [tilespmem:$0xE328];
	_ =	sdelay $0x4  }
0x2b1: {  	[tilespmem:s4+$0xE458] =	vst.add.f32.msk @p1 $0xffff, v1  }
0x2b2: {  	v1 =	vld @p1 [tilespmem:$0xE338];
	_ =	sdelay $0x4  }
0x2b3: {  	[tilespmem:s4+$0xE468] =	vst.add.f32.msk @p1 $0xffff, v1  }
0x2b4: {  	v1 =	vld @p1 [tilespmem:$0xE348];
	_ =	sdelay $0x4  }
0x2b5: {  	[tilespmem:s4+$0xE478] =	vst.add.f32.msk @p1 $0xffff, v1  }
0x2b6: {  	v1 =	vld @p1 [tilespmem:$0xE358];
	_ =	sdelay $0x4  }
0x2b7: {  	[tilespmem:s4+$0xE488] =	vst.add.f32.msk @p1 $0xffff, v1  }
0x2b8: {  	v1 =	vld @p1 [tilespmem:$0xE368];
	_ =	sdelay $0x4  }
0x2b9: {  	[tilespmem:s4+$0xE498] =	vst.add.f32.msk @p1 $0xffff, v1  }
0x2ba: {  	v1 =	vld @p1 [tilespmem:$0xE378];
	_ =	sdelay $0x4  }
0x2bb: {  	[tilespmem:s4+$0xE4A8] =	vst.add.f32.msk @p1 $0xffff, v1  }
0x2bc: {  	v1 =	vld @p1 [tilespmem:$0xE388];
	_ =	sdelay $0x4  }
0x2bd: {  	[tilespmem:s4+$0xE4B8] =	vst.add.f32.msk @p1 $0xffff, v1  }
0x2be: {  	v1 =	vld @p1 [tilespmem:$0xE398];
	_ =	sdelay $0x4  }
0x2bf: {  	[tilespmem:s4+$0xE4C8] =	vst.add.f32.msk @p1 $0xffff, v1  }
0x2c0: {  	v1 =	vld @p1 [tilespmem:$0xE3A8];
	_ =	sdelay $0x4  }
0x2c1: {  	[tilespmem:s4+$0xE4D8] =	vst.add.f32.msk @p1 $0xffff, v1  }
0x2c2: {  	v1 =	vld @p1 [tilespmem:$0xE3B8];
	_ =	sdelay $0x4  }
0x2c3: {  	[tilespmem:s4+$0xE4E8] =	vst.add.f32.msk @p1 $0xffff, v1  }
0x2c4: {  	v1 =	vld @p1 [tilespmem:$0xE3C8];
	_ =	sdelay $0x4  }
0x2c5: {  	[tilespmem:s4+$0xE4F8] =	vst.add.f32.msk @p1 $0xffff, v1  }
0x2c6: {  	v1 =	vld @p1 [tilespmem:$0xE3D8];
	_ =	sdelay $0x4  }
0x2c7: {  	[tilespmem:s4+$0xE508] =	vst.add.f32.msk @p1 $0xffff, v1  }
0x2c8: {  	v1 =	vld @p1 [tilespmem:$0xE3E8];
	_ =	sdelay $0x4  }
0x2c9: {  	[tilespmem:s4+$0xE518] =	vst.add.f32.msk @p1 $0xffff, v1  }
0x2ca: {  	v1 =	vld @p1 [tilespmem:$0xE3F8];
	_ =	sdelay $0x3  }
0x2cb: {  	s5 =	sshll.u32 @!p1 s3, $0xA  }
0x2cc: {  	s5 =	smov.u32 @p1 s0;
	[tilespmem:s4+$0xE528] =	vst.add.f32.msk @p1 $0xffff, v1  }
0x2cd: {  	s0 =	sshrl.u32 s5, $0x2;
	[tilespmem:s2+$0xE418] =	vst.msk $0x1, v0  }
0x2ce: {  	v0 =	vld [tilespmem:s0+$0xE438];
	_ =	sdelay $0x2  }
0x2cf: {  	s31 =	sshll.u32 s2, $0xA  }
0x2d0: {  	s4 =	sshra.s32 s31, $0x2  }
0x2d1: {  	[tilespmem:s4+$0xE438] =	vst v0  }
0x2d2: {  	v0 =	vld [tilespmem:s0+$0xE448];
	_ =	sdelay $0x4  }
0x2d3: {  	[tilespmem:s4+$0xE448] =	vst v0  }
0x2d4: {  	v0 =	vld [tilespmem:s0+$0xE458];
	_ =	sdelay $0x4  }
0x2d5: {  	[tilespmem:s4+$0xE458] =	vst v0  }
0x2d6: {  	v0 =	vld [tilespmem:s0+$0xE468];
	_ =	sdelay $0x4  }
0x2d7: {  	[tilespmem:s4+$0xE468] =	vst v0  }
0x2d8: {  	v0 =	vld [tilespmem:s0+$0xE478];
	_ =	sdelay $0x4  }
0x2d9: {  	[tilespmem:s4+$0xE478] =	vst v0  }
0x2da: {  	v0 =	vld [tilespmem:s0+$0xE488];
	_ =	sdelay $0x4  }
0x2db: {  	[tilespmem:s4+$0xE488] =	vst v0  }
0x2dc: {  	v0 =	vld [tilespmem:s0+$0xE498];
	_ =	sdelay $0x4  }
0x2dd: {  	[tilespmem:s4+$0xE498] =	vst v0  }
0x2de: {  	v0 =	vld [tilespmem:s0+$0xE4A8];
	_ =	sdelay $0x4  }
0x2df: {  	[tilespmem:s4+$0xE4A8] =	vst v0  }
0x2e0: {  	v0 =	vld [tilespmem:s0+$0xE4B8];
	_ =	sdelay $0x4  }
0x2e1: {  	[tilespmem:s4+$0xE4B8] =	vst v0  }
0x2e2: {  	v0 =	vld [tilespmem:s0+$0xE4C8];
	_ =	sdelay $0x4  }
0x2e3: {  	[tilespmem:s4+$0xE4C8] =	vst v0  }
0x2e4: {  	v0 =	vld [tilespmem:s0+$0xE4D8];
	_ =	sdelay $0x4  }
0x2e5: {  	[tilespmem:s4+$0xE4D8] =	vst v0  }
0x2e6: {  	v0 =	vld [tilespmem:s0+$0xE4E8];
	_ =	sdelay $0x4  }
0x2e7: {  	[tilespmem:s4+$0xE4E8] =	vst v0  }
0x2e8: {  	v0 =	vld [tilespmem:s0+$0xE4F8];
	_ =	sdelay $0x4  }
0x2e9: {  	[tilespmem:s4+$0xE4F8] =	vst v0  }
0x2ea: {  	v0 =	vld [tilespmem:s0+$0xE508];
	_ =	sdelay $0x4  }
0x2eb: {  	[tilespmem:s4+$0xE508] =	vst v0  }
0x2ec: {  	v0 =	vld [tilespmem:s0+$0xE518];
	_ =	sdelay $0x4  }
0x2ed: {  	[tilespmem:s4+$0xE518] =	vst v0  }
0x2ee: {  	v0 =	vld [tilespmem:s0+$0xE528];
	_ =	sdelay $0x4  }
0x2ef: {  	s2 =	sadd.s32 $0x1, s2;
	[tilespmem:s4+$0xE528] =	vst v0  }
.LBB2_54:
0x2f0: {  	s3 =	sadd.s32 $0x1, s3  }
0x2f1: {  	p1 =	sne.s32 s3, $0x20  }
.Ltmp38:
0x2f2: {  	_ = 	snop;
	(pc) =	sbr.rel @!p1 .LBB2_55-.Ltmp38, $1  }
0x2f3: {  	_ =	sdelay $0x3  }
.LBB2_47:
0x2f4: {  	v0 =	vld.msk [tilespmem:s3+$0xE418], $0x1;
	_ =	sdelay $0x4  }
0x2f5: {  	(v2sf) =	vpush v0, $0x0;
	_ =	sdelay $0xe  }
0x2f6: {  	s0 =	spop (v2sf)  }
0x2f7: {  	p1 =	seq.s32 s0, $0xFFFFFFFF  }
.Ltmp39:
0x2f8: {  	_ = 	snop;
	(pc) =	sbr.rel @p1 .LBB2_54-.Ltmp39, $1  }
0x2f9: {  	_ =	sdelay $0x3  }
0x2fa: {  	p1 =	slt.s32 s2, $0x1  }
.Ltmp40:
0x2fb: {  	_ = 	snop;
	(pc) =	sbr.rel @p1 .LBB2_53-.Ltmp40, $1  }
0x2fc: {  	_ =	sdelay $0x3  }
0x2fd: {  	s4 =	simm.s32 $0xE418;
	p1 =	por $0x0, $0x0  }
0x2fe: {  	v1 =	vld.msk @!p1 [tilespmem:s4+$0x0], $0x1;
	_ =	sdelay $0x4  }
0x2ff: {  	(v2sf) =	vpush @!p1 v1, $0x0;
	_ =	sdelay $0xd  }
0x300: {  	p3 =	sne.s32 s2, $0x1  }
.Ltmp41:
0x301: {  	s5 =	spop @!p1 (v2sf);
	(pc) =	sbr.rel @!p3 .LBB2_51-.Ltmp41, $4  }
0x302: {  	p2 =	seq.s32 @!p1 s0, s5  }
0x303: {  	s5 =	simm.s32 $0x0;
	p2 =	por !p2, p1  }
0x304: {  	s7 =	simm.s32 $0xFFFFFFFF;
	s5 =	simm.s32 @p2 $0xFFFFFFFF  }
0x305: {  	s6 =	simm.s32 $0x1;
	s5 =	smov.u32 @p1 s7  }
.LBB2_50:
0x306: {  	s7 =	smov.u32 s5;
	p1 =	sne.s32 s5, $0xFFFFFFFF  }
0x307: {  	s4 =	sadd.s32 $0x1, s4;
	s5 =	smov.u32 s6;
	s6 =	sadd.s32 $0x1, s6  }
0x308: {  	p2 =	sne.s32 s2, s6;
	v1 =	vld.msk @!p1 [tilespmem:s4+$0x0], $0x1;
	_ =	sdelay $0x4  }
0x309: {  	(v2sf) =	vpush @!p1 v1, $0x0;
	_ =	sdelay $0xe  }
.Ltmp42:
0x30a: {  	s8 =	spop @!p1 (v2sf);
	(pc) =	sbr.rel @p2 .LBB2_50-.Ltmp42, $4  }
0x30b: {  	p3 =	seq.s32 @!p1 s0, s8  }
0x30c: {  	p3 =	por !p3, p1  }
0x30d: {  	s5 =	simm.s32 @p3 $0xFFFFFFFF  }
0x30e: {  	s5 =	smov.u32 @p1 s7  }
.LBB2_51:
0x30f: {  	p1 =	seq.s32 s5, $0xFFFFFFFF  }
.Ltmp43:
0x310: {  	_ = 	snop;
	(pc) =	sbr.rel @p1 .LBB2_53-.Ltmp43, $1  }
0x311: {  	_ =	sdelay $0x3  }
0x312: {  	s0 =	sshll.u32 s3, $0x8  }
0x313: {  	s0 =	sand.u32 $0x3FFFFF00, s0  }
0x314: {  	v0 =	vld [tilespmem:s0+$0xE438];
	_ =	sdelay $0x2  }
0x315: {  	s4 =	sshll.u32 s5, $0xA  }
0x316: {  	s4 =	sshra.s32 s4, $0x2  }
0x317: {  	[tilespmem:s4+$0xE438] =	vst.add.f32.msk $0xffff, v0  }
0x318: {  	v0 =	vld [tilespmem:s0+$0xE448];
	_ =	sdelay $0x4  }
0x319: {  	[tilespmem:s4+$0xE448] =	vst.add.f32.msk $0xffff, v0  }
0x31a: {  	v0 =	vld [tilespmem:s0+$0xE458];
	_ =	sdelay $0x4  }
0x31b: {  	[tilespmem:s4+$0xE458] =	vst.add.f32.msk $0xffff, v0  }
0x31c: {  	v0 =	vld [tilespmem:s0+$0xE468];
	_ =	sdelay $0x4  }
0x31d: {  	[tilespmem:s4+$0xE468] =	vst.add.f32.msk $0xffff, v0  }
0x31e: {  	v0 =	vld [tilespmem:s0+$0xE478];
	_ =	sdelay $0x4  }
0x31f: {  	[tilespmem:s4+$0xE478] =	vst.add.f32.msk $0xffff, v0  }
0x320: {  	v0 =	vld [tilespmem:s0+$0xE488];
	_ =	sdelay $0x4  }
0x321: {  	[tilespmem:s4+$0xE488] =	vst.add.f32.msk $0xffff, v0  }
0x322: {  	v0 =	vld [tilespmem:s0+$0xE498];
	_ =	sdelay $0x4  }
0x323: {  	[tilespmem:s4+$0xE498] =	vst.add.f32.msk $0xffff, v0  }
0x324: {  	v0 =	vld [tilespmem:s0+$0xE4A8];
	_ =	sdelay $0x4  }
0x325: {  	[tilespmem:s4+$0xE4A8] =	vst.add.f32.msk $0xffff, v0  }
0x326: {  	v0 =	vld [tilespmem:s0+$0xE4B8];
	_ =	sdelay $0x4  }
0x327: {  	[tilespmem:s4+$0xE4B8] =	vst.add.f32.msk $0xffff, v0  }
0x328: {  	v0 =	vld [tilespmem:s0+$0xE4C8];
	_ =	sdelay $0x4  }
0x329: {  	[tilespmem:s4+$0xE4C8] =	vst.add.f32.msk $0xffff, v0  }
0x32a: {  	v0 =	vld [tilespmem:s0+$0xE4D8];
	_ =	sdelay $0x4  }
0x32b: {  	[tilespmem:s4+$0xE4D8] =	vst.add.f32.msk $0xffff, v0  }
0x32c: {  	v0 =	vld [tilespmem:s0+$0xE4E8];
	_ =	sdelay $0x4  }
0x32d: {  	[tilespmem:s4+$0xE4E8] =	vst.add.f32.msk $0xffff, v0  }
0x32e: {  	v0 =	vld [tilespmem:s0+$0xE4F8];
	_ =	sdelay $0x4  }
0x32f: {  	[tilespmem:s4+$0xE4F8] =	vst.add.f32.msk $0xffff, v0  }
0x330: {  	v0 =	vld [tilespmem:s0+$0xE508];
	_ =	sdelay $0x4  }
0x331: {  	[tilespmem:s4+$0xE508] =	vst.add.f32.msk $0xffff, v0  }
0x332: {  	v0 =	vld [tilespmem:s0+$0xE518];
	_ =	sdelay $0x4  }
0x333: {  	[tilespmem:s4+$0xE518] =	vst.add.f32.msk $0xffff, v0  }
0x334: {  	v0 =	vld [tilespmem:s0+$0xE528]  }
.Ltmp44:
0x335: {  	_ = 	snop;
	(pc) =	sbr.rel .LBB2_54-.Ltmp44, $2  }
0x336: {  	_ =	sdelay $0x2  }
0x337: {  	[tilespmem:s4+$0xE528] =	vst.add.f32.msk $0xffff, v0  }
.LBB2_55:
0x338: {  	p1 =	slt.s32 s2, $0x1  }
.Ltmp45:
0x339: {  	_ = 	snop;
	(pc) =	sbr.rel @p1 .LBB2_59-.Ltmp45, $3  }
0x33a: {  	_ =	sdelay $0x1  }
0x33b: {  	s0 =	simm.s32 $0x8  }
0x33c: {  	s4 =	simm.s32 $0x0;
	[sflag:s0] =	ssyncpa.u1 $0x1  }
0x33d: {  	s0 =	simm.s32 $0xE418  }
0x33e: {  	v0 =	vld.msk [tilespmem:s0+$0x0], $0x1;
	_ =	sdelay $0x4  }
0x33f: {  	(v2sf) =	vpush v0, $0x0;
	_ =	sdelay $0xe  }
0x340: {  	s0 =	sadd.s32 $0xFFFFFFFF, s2;
	s3 =	spop (v2sf)  }
0x341: {  	s6 =	simm.s32 $0xE438;
	p1 =	sne.s32 s0, $0x0;
	p2 =	sgt.u32 s3, $0x1FF70  }
.Ltmp46:
0x342: {  	s2 =	simm.s32 $0xE538;
	s5 =	sand.u32 @!p2 $0x1FFF8, s3;
	(pc) =	sbr.rel @!p1 .LBB2_58-.Ltmp46, $4  }
0x343: {  	s7 =	sadd.s32 @!p2 $0x80, s3;
	s4 =	simm.s32 @!p2 $0x400;
	s8 =	sadd.s32 @!p2 s1, s5  }
0x344: {  	s5 =	sand.u32 @!p2 $0x7, s3;
	s3 =	simm.s32 $0xE419;
	s7 =	sand.u32 @!p2 $0x3FFF8, s7  }
0x345: {  	[hbm4b:s8+s5] =	stream.linear.scatter @!p2 [tilespmem:s6], [sflag:$0x7], $0x80, $0x38;
	[tilespmem:$0x1E678] =	vst v63  }
0x346: {  	s4 =	sadd.s32 $0x0, s4;
	s6 =	simm.s32 @!p2 $0xE4B8;
	s7 =	sadd.s32 @!p2 s1, s7  }
.LBB2_57:
0x347: {  	[hbm4b:s7+s5] =	stream.linear.scatter @!p2 [tilespmem:s6], [sflag:$0x7], $0x80, $0x38;
	[tilespmem:$0x1E678] =	vst v63  }
0x348: {  	s0 =	sadd.s32 $0xFFFFFFFF, s0;
	s6 =	smov.u32 s2;
	v0 =	vld.msk [tilespmem:s3+$0x0], $0x1  }
0x349: {  	p1 =	sne.s32 s0, $0x0;
	_ =	sdelay $0x3  }
0x34a: {  	(v2sf) =	vpush v0, $0x0;
	_ =	sdelay $0xe  }
0x34b: {  	s2 =	sadd.s32 $0x100, s2;
	s8 =	simm.s32 $0x0;
	s5 =	spop (v2sf)  }
.Ltmp47:
0x34c: {  	s3 =	sadd.s32 $0x1, s3;
	p2 =	sgt.u32 s5, $0x1FF70;
	(pc) =	sbr.rel @p1 .LBB2_57-.Ltmp47, $4  }
0x34d: {  	s8 =	simm.s32 @!p2 $0x400;
	s7 =	sand.u32 @!p2 $0x1FFF8, s5;
	s9 =	sadd.s32 @!p2 $0x80, s5  }
0x34e: {  	s5 =	sand.u32 @!p2 $0x7, s5;
	s7 =	sadd.s32 @!p2 s1, s7;
	s9 =	sand.u32 @!p2 $0x3FFF8, s9  }
0x34f: {  	[hbm4b:s7+s5] =	stream.linear.scatter @!p2 [tilespmem:s6], [sflag:$0x7], $0x80, $0x38;
	[tilespmem:$0x1E678] =	vst v63  }
0x350: {  	s4 =	sadd.s32 s4, s8;
	s6 =	sadd.s32 @!p2 $0x80, s6;
	s7 =	sadd.s32 @!p2 s1, s9  }
.LBB2_58:
0x351: {  	[hbm4b:s7+s5] =	stream.linear.scatter @!p2 [tilespmem:s6], [sflag:$0x7], $0x80, $0x38;
	[tilespmem:$0x1E678] =	vst v63  }
0x352: {  	s4 =	sshrl.u32 s4, $0x2  }
.LBB2_59:
0x353: {  	s0 =	simm.s32 $0x7  }
0x354: {  	_ =	swait.ge [sflag:s0], s4  }
0x355: {  	s1 =	ssub.s32 $0x0, s4;
	[sflag:s0] =	ssyncset.done $0x0  }
0x356: {  	[sflag:s0] =	ssyncadd.s32 s1  }
0x357: {  	[sflag:s0] =	ssyncpa.u1 $0x1  }
.LBB2_60:
0x358: {  	_ =	sfence;
	s0 =	simm.s32 $0x1  }
0x359: {  	[sflag:s0] =	ssyncpa.u1 $0x1  }
0x35a: {  	_ =	strace $0x9000005C  }
0x35b: {  	[bflag:$0x2] =	sbarrier.arrive $0xFFFF  }
0x35c: {  	s0 =	rddreg [dreg:$0x4]  }
0x35d: {  	s0 =	sadd.s32 @!p0 $0x100000, s0  }
0x35e: {  	[sflag:s0] =	ssyncadd.tile.s32 @!p0 $0x1;
	_ =	shalt  }
.Lfunc_end2:
_tile_overlayer_lowered:
.L_overlay_start_2:
0x35f: {  	(tag) =	ssettag $0x2  }
0x360: {  	s0 =	rddreg [dreg:$0x0];
	s2 =	stileid.u32  }
0x361: {  	s1 =	rddreg [dreg:$0x1];
	p0 =	sne.s32 s2, $0x0  }
0x362: {  	s3 =	rddreg [dreg:$0x2];
	[bflag:$0x3] =	sbarrier.arrive $0xFFFF;
	s2 =	simm.s32 @!p0 $0x1C01  }
0x363: {  	[timem:s3], [sflag:s2] =	dma.local @!p0 [hbm:s0], s1  }
0x364: {  	s0 =	simm.s32 @!p0 $0x1  }
0x365: {  	_ =	swait.ge @!p0 [sflag:s0], s1  }
0x366: {  	s1 =	ssub.s32 @!p0 $0x0, s1;
	[sflag:s0] =	ssyncset.done @!p0 $0x0  }
0x367: {  	[sflag:s0] =	ssyncadd.s32 @!p0 s1  }
0x368: {  	[bflag:$0x3] =	sbarrier.arrive $0xFFFF  }
0x369: {  	_ =	shalt  }

// kernel: scatter_offload_async_start.3
scs
__scs_entry_jumppad:
0x0: {  	(pc) =	sbr.rel $0x88, $3  }
0x1: {  	(tag) =	ssettag $0x0;
	lr =	simm.s32 $0x1  }
0x2: {  	[smem:$0x3F97] =	sst lr;
	_ =	strace $0xD0000000  }
0x3: {  	_ = 	snop  }
0x4: {  	_ = 	snop  }
0x5: {  	_ = 	snop  }
0x6: {  	_ = 	snop  }
0x7: {  	_ = 	snop  }
__scs_overlays_trampoline_lowered:
0x8: {  	[smem:$0x3FA6] =	sst s0  }
0x9: {  	[smem:$0x3FA7] =	sst s1  }
0xa: {  	[smem:$0x3FA8] =	sst s2  }
0xb: {  	[smem:$0x3FA9] =	sst s3  }
0xc: {  	[smem:$0x3FAA] =	sst s4  }
0xd: {  	[smem:$0x3FAB] =	sst s5  }
0xe: {  	[smem:$0x3FAC] =	sst s6  }
0xf: {  	[smem:$0x3FAD] =	sst s7  }
0x10: {  	[smem:$0x3FAE] =	sst s8  }
0x11: {  	[smem:$0x3FAF] =	sst s9;
	s0 =	simm.s32 @!p0 $0x0  }
0x12: {  	s1 =	sld [smem:$0x3F95];
	s0 =	simm.s32 @p0 $0x1  }
0x13: {  	[smem:$0x3FB0] =	sst s0;
	s0 =	simm.s32 @!p1 $0x0  }
0x14: {  	s2 =	sld [smem:$0x3F94];
	s0 =	simm.s32 @p1 $0x1  }
0x15: {  	[smem:$0x3FB1] =	sst s0;
	s0 =	simm.s32 @!p2 $0x0  }
0x16: {  	s3 =	sld [smem:$0x3FDB];
	s0 =	simm.s32 @p2 $0x1  }
0x17: {  	s4 =	simm.s32 $0x1BF5;
	[smem:$0x3FB3] =	sst s0  }
0x18: {  	s0 =	sld [smem:$0x3F96];
	_ =	swait.ge [sflag:s4], $0x0  }
0x19: {  	s7 =	sld [smem:$0x3F97]  }
0x1a: {  	s8 =	sadd.s32 $0xFFFFE003, lr  }
0x1b: {  	s9 =	sadd.s32 $0xFFFFFEF7, lr;
	s5 =	simm.s32 $0xFFFFFFFF;
	p2 =	slt.u32 s8, $0xFFFFF086  }
0x1c: {  	p1 =	slt.u32 s9, $0xF7A;
	s5 =	simm.s32 @!p2 $0x0  }
0x1d: {  	s5 =	simm.s32 @p1 $0x1;
	p0 =	seq.s32 s7, s2  }
0x1e: {  	s7 =	smul.u32 @!p0 $0xF7A, s2;
	p2 =	seq.s32 @!p0 s5, $0x0  }
0x1f: {  	s9 =	smul.u32 $0xF7A, s1;
	s8 =	simm.s32 @!p0 $0x1BF5;
	p2 =	por !p2, p0  }
0x20: {  	[sflag:s8] =	ssyncset.s32 @!p0 $0xFFFFF086;
	s6 =	sadd.s32 @!p0 s3, s7;
	s7 =	simm.s32 @!p0 $0x108  }
0x21: {  	s3 =	sadd.s32 s3, s9;
	s6 =	sadd.s32 @!p0 $0x88, s6;
	s7 =	simm.s32 @p2 $0x1082  }
0x22: {  	[simem:s7], [sflag:s8] =	dma.local @!p0 [hbm:s6], $0xF7A  }
0x23: {  	s9 =	sor.u32 $0xD0000000, s2;
	s6 =	simm.s32 $0x108;
	_ =	swait.ge @!p0 [sflag:s8], $0x0  }
0x24: {  	s3 =	sadd.s32 $0x88, s3;
	s6 =	simm.s32 @!p1 $0x1082;
	[sflag:s4] =	ssyncset.s32 $0xFFFFF086  }
0x25: {  	[simem:s6], [sflag:s4] =	dma.local [hbm:s3], $0xF7A  }
0x26: {  	[smem:$0x3F97] =	sst s1;
	(tag) =	ssettag s2;
	_ =	strace s9  }
0x27: {  	s1 =	sld [smem:$0x3FA7]  }
0x28: {  	s2 =	sld [smem:$0x3FA8]  }
0x29: {  	s4 =	sld [smem:$0x3FAA]  }
0x2a: {  	p0 =	seq.s32 s5, $0x0;
	s5 =	sld [smem:$0x3FAB]  }
0x2b: {  	s6 =	sld [smem:$0x3FAC]  }
0x2c: {  	s7 =	sld [smem:$0x3FAD]  }
0x2d: {  	s3 =	simm.s32 $0x108;
	s8 =	sld [smem:$0x3FAE]  }
0x2e: {  	s3 =	simm.s32 @!p0 $0x1082;
	s9 =	sld [smem:$0x3FAF]  }
0x2f: {  	lr =	sadd.s32 s0, s3;
	s0 =	sld [smem:$0x3FA6]  }
0x30: {  	s3 =	sld [smem:$0x3FA9]  }
0x31: {  	[smem:$0x3FB2] =	sst s10  }
0x32: {  	s10 =	sld [smem:$0x3FB0];
	_ =	sdelay $0x3  }
0x33: {  	p0 =	seq.s32 s10, $0x1;
	s10 =	sld [smem:$0x3FB2];
	_ =	sdelay $0x3  }
0x34: {  	[smem:$0x3FB2] =	sst s10  }
0x35: {  	s10 =	sld [smem:$0x3FB1];
	_ =	sdelay $0x3  }
0x36: {  	p1 =	seq.s32 s10, $0x1;
	s10 =	sld [smem:$0x3FB2];
	_ =	sdelay $0x3  }
0x37: {  	[smem:$0x3FB2] =	sst s10  }
0x38: {  	s10 =	sld [smem:$0x3FB3]  }
0x39: {  	_ = 	snop;
	(pc) =	sbr.ind lr, $3  }
0x3a: {  	_ = 	snop  }
0x3b: {  	_ = 	snop  }
0x3c: {  	p2 =	seq.s32 s10, $0x1;
	s10 =	sld [smem:$0x3FB2]  }
0x3d: {  	_ =	shalt  }
0x3e: {  	_ =	shalt  }
0x3f: {  	_ =	shalt  }
0x40: {  	_ =	shalt  }
0x41: {  	_ =	shalt  }
0x42: {  	_ =	shalt  }
0x43: {  	_ =	shalt  }
0x44: {  	_ =	shalt  }
0x45: {  	_ =	shalt  }
0x46: {  	_ =	shalt  }
0x47: {  	_ =	shalt  }
0x48: {  	_ =	shalt  }
0x49: {  	_ =	shalt  }
0x4a: {  	_ =	shalt  }
0x4b: {  	_ =	shalt  }
0x4c: {  	_ =	shalt  }
0x4d: {  	_ =	shalt  }
0x4e: {  	_ =	shalt  }
0x4f: {  	_ =	shalt  }
0x50: {  	_ =	shalt  }
0x51: {  	_ =	shalt  }
0x52: {  	_ =	shalt  }
0x53: {  	_ =	shalt  }
0x54: {  	_ =	shalt  }
0x55: {  	_ =	shalt  }
0x56: {  	_ =	shalt  }
0x57: {  	_ =	shalt  }
0x58: {  	_ =	shalt  }
0x59: {  	_ =	shalt  }
0x5a: {  	_ =	shalt  }
0x5b: {  	_ =	shalt  }
0x5c: {  	_ =	shalt  }
0x5d: {  	_ =	shalt  }
0x5e: {  	_ =	shalt  }
0x5f: {  	_ =	shalt  }
0x60: {  	_ =	shalt  }
0x61: {  	_ =	shalt  }
0x62: {  	_ =	shalt  }
0x63: {  	_ =	shalt  }
0x64: {  	_ =	shalt  }
0x65: {  	_ =	shalt  }
0x66: {  	_ =	shalt  }
0x67: {  	_ =	shalt  }
0x68: {  	_ =	shalt  }
0x69: {  	_ =	shalt  }
0x6a: {  	_ =	shalt  }
0x6b: {  	_ =	shalt  }
0x6c: {  	_ =	shalt  }
0x6d: {  	_ =	shalt  }
0x6e: {  	_ =	shalt  }
0x6f: {  	_ =	shalt  }
0x70: {  	_ =	shalt  }
0x71: {  	_ =	shalt  }
0x72: {  	_ =	shalt  }
0x73: {  	_ =	shalt  }
0x74: {  	_ =	shalt  }
0x75: {  	_ =	shalt  }
0x76: {  	_ =	shalt  }
0x77: {  	_ =	shalt  }
0x78: {  	_ =	shalt  }
0x79: {  	_ =	shalt  }
0x7a: {  	_ =	shalt  }
0x7b: {  	_ =	shalt  }
0x7c: {  	_ =	shalt  }
0x7d: {  	_ =	shalt  }
0x7e: {  	_ =	shalt  }
0x7f: {  	_ =	shalt  }
0x80: {  	_ =	shalt  }
0x81: {  	_ =	shalt  }
0x82: {  	_ =	shalt  }
0x83: {  	_ =	shalt  }
0x84: {  	_ =	shalt  }
0x85: {  	_ =	shalt  }
0x86: {  	_ =	shalt  }
0x87: {  	_ =	shalt  }
.Lfunc_end0:
.L_simem_size_0:
called_computation.3_lowered:
.L_overlay_start_0:
0x88: {  	s0 =	sld [smem:$0x3FD9]  }
0x89: {  	s1 =	sld [smem:$0x3FFE];
	_ =	sdelay $0x3  }
0x8a: {  	s0 =	sadd.s32 s1, s0  }
0x8b: {  	[smem:$0x3FBE] =	sst s0  }
0x8c: {  	_ = 	snop  }
0x8d: {  	(tm) =	ssettm $0x1  }
0x8e: {  	s14 =	sld [smem:$0x3FFB];
	_ =	sdelay $0x3  }
0x8f: {  	_ =	strace s14  }
0x90: {  	s0 =	sld [smem:$0x3FFC];
	_ =	sdelay $0x3  }
0x91: {  	_ =	strace s0  }
0x92: {  	s0 =	sld [smem:$0x3FFD];
	_ =	sdelay $0x3  }
0x93: {  	_ =	strace s0  }
0x94: {  	_ =	strace $0x8FFFFFFF  }
0x95: {  	s15 =	sld [smem:$0x3FDB];
	_ =	sdelay $0x1  }
0x96: {  	s16 =	simm.s32 $_scs_section_size  }
0x97: {  	s2 =	simm.s32 $_size__tile_overlayer_lowered;
	s3 =	simm.s32 $_tile_overlayer_lowered  }
0x98: {  	s4 =	simm.s32 $0x1BFF;
	s17 =	sshll.u32 s3, $0x1;
	s1 =	sadd.s32 s16, s15  }
0x99: {  	s18 =	simm.s32 $0x0;
	s2 =	sshll.u32 s2, $0x1;
	s3 =	sadd.s32 s17, s1  }
0x9a: {  	[timem:s18], [sflag:s4] =	dma.local [hbm:s3], s2  }
0x9b: {  	_ =	swait.ge [sflag:s4], s2  }
0x9c: {  	s2 =	ssub.s32 $0x0, s2;
	[sflag:s4] =	ssyncset.done $0x0  }
0x9d: {  	[sflag:s4] =	ssyncadd.s32 s2;
	_ =	sdelay $0x1  }
0x9e: {  	s19 =	simm.s32 $0x1B8B  }
0x9f: {  	_ =	swait.ge [sflag:s19], $0x1  }
0xa0: {  	[sflag:s19] =	ssyncset.done $0x0  }
0xa1: {  	s21 =	simm.s32 $0x1B8E;
	s20 =	sld [smem:$0x3FFE];
	[sflag:s19] =	ssyncadd.s32 $0xFFFFFFFF  }
0xa2: {  	s22 =	simm.s32 $execute0_lowered;
	[smem:$0x3FD2] =	sst s21  }
0xa3: {  	s3 =	sshll.u32 s22, $0x1;
	_ =	strace $0x80000046;
	[dreg:$0x1] =	wrdreg $0xFFFFFFFF  }
0xa4: {  	s23 =	simm.s32 $_size_execute0_lowered;
	s3 =	sadd.s32 s1, s3;
	[dreg:$0x0] =	wrdreg $0x0  }
0xa5: {  	s4 =	sshll.u32 s23, $0x1;
	[dreg:$0x2] =	wrdreg s3  }
0xa6: {  	[dreg:$0x3] =	wrdreg s4  }
0xa7: {  	[dreg:$0x4] =	wrdreg $0xC0  }
0xa8: {  	s24 =	simm.s32 $execute1_lowered;
	_ =	task [dreg:s18], $0x5FFFF  }
0xa9: {  	s3 =	sshll.u32 s24, $0x1;
	[dreg:$0x1] =	wrdreg $0xFFFFFFFF  }
0xaa: {  	s1 =	sadd.s32 s1, s3;
	[dreg:$0x0] =	wrdreg $0x60  }
0xab: {  	[dreg:$0x2] =	wrdreg s1  }
0xac: {  	[dreg:$0x3] =	wrdreg s20  }
0xad: {  	[dreg:$0x4] =	wrdreg $0x9  }
0xae: {  	_ =	task.clear_ibuf [dreg:s18], $0x5FFFF;
	_ =	strace $0x90000046  }
0xaf: {  	s25 =	simm.s32 $0x9;
	_ =	strace $0x80000048  }
0xb0: {  	_ =	swait.ge [sflag:s25], $0x1  }
0xb1: {  	[sflag:s25] =	ssyncadd.s32 $0xFFFFFFFF  }
0xb2: {  	_ =	strace $0x90000048  }
0xb3: {  	_ =	strace $0x80000049;
	[dreg:$0x1] =	wrdreg $0xFFFFFFFF  }
0xb4: {  	[dreg:$0x0] =	wrdreg $0x2030  }
0xb5: {  	[dreg:$0x2] =	wrdreg s20  }
0xb6: {  	[dreg:$0x3] =	wrdreg $0xA  }
0xb7: {  	_ =	task.clear_ibuf [dreg:s18], $0x4FFFF;
	_ =	strace $0x90000049  }
0xb8: {  	s26 =	simm.s32 $0xA;
	_ =	strace $0x8000004B  }
0xb9: {  	_ =	swait.ge [sflag:s26], $0x1  }
0xba: {  	[sflag:s26] =	ssyncadd.s32 $0xFFFFFFFF  }
0xbb: {  	_ =	strace $0x9000004B  }
0xbc: {  	_ =	sfence  }
0xbd: {  	s28 =	sld [smem:$0x0];
	_ =	sdelay $0x1  }
0xbe: {  	s29 =	srdreg.scid  }
0xbf: {  	s30 =	sshll.u32 s29, $0xD;
	s31 =	sshrl.u32 s29, $0x2  }
0xc0: {  	s2 =	sand.u32 $0x1, s29;
	s3 =	sand.u32 $0x4000, s30;
	s1 =	sadd.s32 s31, s28  }
0xc1: {  	s2 =	sor.u32 s3, s2;
	s1 =	sshll.u32 s1, $0x11  }
0xc2: {  	s1 =	sor.u32 s1, s2  }
0xc3: {  	s1 =	sadd.s32 $0x8F2B, s1  }
0xc4: {  	[sflag:s1] =	ssyncadd.remote.s32 $0x1  }
0xc5: {  	_ =	sfence.sel $0xFFFF  }
0xc6: {  	[dreg:$0x0] =	wrdreg $0xFFFFFFFF;
	(pc) =	sbr.abs _section_cstart, $3  }
0xc7: {  	[dreg:$0x1] =	wrdreg $0xFFFFFFFF  }
0xc8: {  	_ =	task.clear_ibuf [dreg:s18], $0x2FFFF;
	_ =	strace $0x9FFFFFFF  }
0xc9: {  	(tm) =	ssettm $0x7FFFFFFF  }
tec
execute0_lowered:
.L_overlay_start_1:
0x0: {  	(tag) =	ssettag $0x1  }
0x1: {  	s2 =	rddreg [dreg:$0x0]  }
0x2: {  	s3 =	rddreg [dreg:$0x1]  }
0x3: {  	s0 =	rddreg [dreg:$0x2];
	s5 =	stileid.u32  }
0x4: {  	[bflag:$0x3] =	sbarrier.arrive $0xFFFF;
	s1 =	simm.s32 $_size_execute1_lowered;
	p0 =	sne.s32 s5, $0x0  }
0x5: {  	s1 =	sshll.u32 s1, $0x1;
	s4 =	simm.s32 @!p0 $0x1C3F;
	s6 =	simm.s32 @!p0 $0x4060  }
0x6: {  	[timem:s6], [sflag:s4] =	dma.local @!p0 [hbm:s2], s1  }
0x7: {  	s4 =	sshll.u32 s5, $0x8  }
0x8: {  	s30 =	ssub.s32 $0x1000, s4  }
0x9: {  	s31 =	sand.u32 $0xF00, s30  }
0xa: {  	s8 =	simm.s32 $0x1;
	p1 =	sne.s32 s31, $0x0  }
0xb: {  	s6 =	sshrl.u32 s30, $0xC;
	s8 =	simm.s32 @!p1 $0x0  }
0xc: {  	s8 =	sadd.s32 s8, s6  }
0xd: {  	s15 =	simm.s32 $0x1;
	s11 =	sadd.s32 $0x1, s8  }
0xe: {  	s10 =	simm.s32 $0xFFFFFFFF;
	s29 =	sshll.u32 s5, $0x5;
	p2 =	sne.s32 s11, $0x0  }
.Ltmp0:
0xf: {  	p3 =	por $0x0, $0x0;
	s7 =	sadd.s32 s29, s3;
	(pc) =	sbr.rel @!p2 .LBB2_1-.Ltmp0, $4  }
0x10: {  	s5 =	sadd.s32 $0x11E00, s3;
	s2 =	simm.s32 $0x1;
	s3 =	simm.s32 $0x2  }
0x11: {  	_ =	strace $0x80000047;
	s6 =	simm.s32 $0x0;
	p1 =	sle.u32 s8, $0x0  }
0x12: {  	s7 =	sadd.s32 $0x11C00, s7;
	[sflag:s2] =	ssyncpa.u1 $0x0;
	s9 =	sxor.u32 @!p1 $0xFFFFFFFF, s6  }
0x13: {  	[sflag:s3] =	ssyncpa.u1 $0x0;
	s17 =	sand.u32 @!p1 $0x100, s9;
	p1 =	por p1, p1  }
0x14: {  	p2 =	sle.u32 s8, $0xFFFFFFFF  }
0x15: {  	s9 =	simm.s32 @!p1 $0x0;
	s10 =	simm.s32 @!p2 $0x1  }
0x16: {  	[tilespmem:s17], [sflag:$0x1] =	stream.linear.gather @!p1 [hbm4b:s7+s9], $0x100, $0x38;
	[tilespmem:$0x400] =	vst v63  }
0x17: {  	_ =	swait.ge @!p2 [sflag:s10], $0x100  }
0x18: {  	[sflag:s10] =	ssyncset.done @!p2 $0x0  }
0x19: {  	s12 =	sand.u32 @!p2 $0x100, s6;
	[sflag:s10] =	ssyncadd.s32 @!p2 $0xFFFFFF00  }
0x1a: {  	v2 =	vld @!p2 [tilespmem:s12+$0xF0]  }
0x1b: {  	v3 =	vld @!p2 [tilespmem:s12+$0xE0]  }
0x1c: {  	v4 =	vld @!p2 [tilespmem:s12+$0xC0]  }
0x1d: {  	p4 =	sne.s32 s11, $0x1;
	v5 =	vld @!p2 [tilespmem:s12+$0xD0]  }
.Ltmp1:
0x1e: {  	v0 =	vld @!p2 [tilespmem:s12+$0xB0];
	(pc) =	sbr.rel @!p4 .LBB2_3-.Ltmp1, $4  }
0x1f: {  	s14 =	simm.s32 $0x2;
	s9 =	simm.s32 $0x100;
	p1 =	sle.u32 s8, $0x1;
	v1 =	vld @!p2 [tilespmem:s12+$0x90];
	[tilespmem:s12+$0x2F0] =	vst @!p2 v2  }
0x20: {  	p3 =	por $0x1, $0x1;
	s16 =	sshrl.u32 @!p2 s4, $0x3;
	s13 =	sxor.u32 @!p1 $0xFFFFFFFF, s9;
	v2 =	vld @!p2 [tilespmem:s12+$0x70];
	[tilespmem:s12+$0x2E0] =	vst @!p2 v3  }
0x21: {  	s18 =	simm.s32 $0x100;
	s17 =	sand.u32 @!p1 $0x100, s13;
	s13 =	sadd.s32 @!p2 s5, s16;
	v3 =	vld @!p2 [tilespmem:s12+$0x60];
	[tilespmem:s12+$0x2C0] =	vst @!p2 v4  }
0x22: {  	s16 =	sor.u32 @!p2 $0x200, s12;
	p1 =	por p1, p1;
	s10 =	simm.s32 $0x0;
	v4 =	vld @!p2 [tilespmem:s12+$0xA0];
	[tilespmem:s12+$0x2D0] =	vst @!p2 v5  }
.LBB2_4:
0x23: {  	p4 =	sne.s32 s14, s11  }
0x24: {  	s18 =	sadd.s32 $0x100, s18;
	v5 =	vld @!p2 [tilespmem:s12+$0x40];
	[tilespmem:s12+$0x2B0] =	vst @!p2 v0;
	s19 =	smov.u32 s14;
	s14 =	sadd.s32 $0x1, s14  }
0x25: {  	v0 =	vld @!p2 [tilespmem:s12+$0x0];
	[tilespmem:s12+$0x290] =	vst @!p2 v1  }
0x26: {  	v1 =	vld @!p2 [tilespmem:s12+$0x30];
	[tilespmem:s12+$0x270] =	vst @!p2 v2  }
0x27: {  	v2 =	vld @!p2 [tilespmem:s12+$0x50];
	[tilespmem:s12+$0x260] =	vst @!p2 v3  }
0x28: {  	v3 =	vld @!p2 [tilespmem:s12+$0x80];
	[tilespmem:s12+$0x2A0] =	vst @!p2 v4  }
0x29: {  	v4 =	vld @!p2 [tilespmem:s12+$0x20];
	[tilespmem:s12+$0x240] =	vst @!p2 v5  }
0x2a: {  	[tilespmem:s12+$0x200] =	vst @!p2 v0;
	v0 =	vld @!p2 [tilespmem:s12+$0x10]  }
0x2b: {  	[tilespmem:s12+$0x230] =	vst @!p2 v1  }
0x2c: {  	[tilespmem:s12+$0x250] =	vst @!p2 v2  }
0x2d: {  	[tilespmem:s12+$0x280] =	vst @!p2 v3  }
0x2e: {  	s20 =	simm.s32 @!p2 $0x0;
	p6 =	slt.u32 s6, $0x2;
	s6 =	smov.u32 s15;
	[tilespmem:s12+$0x220] =	vst @!p2 v4  }
0x2f: {  	s15 =	simm.s32 @!p1 $0x0;
	p5 =	sge.u32 s19, s8;
	[tilespmem:s12+$0x210] =	vst @!p2 v0;
	s12 =	simm.s32 @!p6 $0x2  }
0x30: {  	[hbm4b:s13+s20] =	stream.linear.scatter @!p2 [tilespmem:s16], [sflag:$0x2], $0x100, $0x38;
	[tilespmem:$0x400] =	vst v63  }
0x31: {  	s13 =	sxor.u32 @!p5 $0xFFFFFFFF, s18;
	s16 =	sadd.s32 $0xFFFFFFFF, s19;
	_ =	swait.ge @!p6 [sflag:s12], $0x100  }
0x32: {  	p2 =	sge.u32 s10, s8;
	s20 =	sand.u32 @!p5 $0x100, s13;
	[sflag:s12] =	ssyncset.done @!p6 $0x0  }
0x33: {  	s21 =	simm.s32 @!p2 $0x1;
	s10 =	sshrl.u32 @!p2 s4, $0x3;
	[sflag:s12] =	ssyncadd.s32 @!p6 $0xFFFFFF00  }
0x34: {  	[tilespmem:s17], [sflag:$0x1] =	stream.linear.gather @!p1 [hbm4b:s7+s15], $0x100, $0x38;
	[tilespmem:$0x400] =	vst v63  }
0x35: {  	s13 =	sadd.s32 @!p2 s5, s10;
	s15 =	smov.u32 s19;
	_ =	swait.ge @!p2 [sflag:s21], $0x100  }
0x36: {  	s10 =	smov.u32 s16;
	s17 =	smov.u32 s20;
	[sflag:s21] =	ssyncset.done @!p2 $0x0  }
0x37: {  	s12 =	sand.u32 @!p2 $0x100, s9;
	s9 =	smov.u32 s18;
	[sflag:s21] =	ssyncadd.s32 @!p2 $0xFFFFFF00  }
0x38: {  	s16 =	sor.u32 @!p2 $0x200, s12;
	p1 =	por p5, p5;
	v2 =	vld @!p2 [tilespmem:s12+$0xF0]  }
0x39: {  	v3 =	vld @!p2 [tilespmem:s12+$0xE0]  }
0x3a: {  	v4 =	vld @!p2 [tilespmem:s12+$0xC0]  }
0x3b: {  	v5 =	vld @!p2 [tilespmem:s12+$0xD0]  }
.Ltmp2:
0x3c: {  	v0 =	vld @!p2 [tilespmem:s12+$0xB0];
	(pc) =	sbr.rel @p4 .LBB2_4-.Ltmp2, $4  }
0x3d: {  	v1 =	vld @!p2 [tilespmem:s12+$0x90];
	[tilespmem:s12+$0x2F0] =	vst @!p2 v2  }
0x3e: {  	v2 =	vld @!p2 [tilespmem:s12+$0x70];
	[tilespmem:s12+$0x2E0] =	vst @!p2 v3  }
0x3f: {  	v3 =	vld @!p2 [tilespmem:s12+$0x60];
	[tilespmem:s12+$0x2C0] =	vst @!p2 v4  }
0x40: {  	v4 =	vld @!p2 [tilespmem:s12+$0xA0];
	[tilespmem:s12+$0x2D0] =	vst @!p2 v5  }
0x41: {  	s11 =	smov.u32 s6;
	s6 =	smov.u32 s15  }
.LBB2_6:
0x42: {  	p2 =	por p2, !p3  }
0x43: {  	v5 =	vld @!p2 [tilespmem:s12+$0x40];
	[tilespmem:s12+$0x2B0] =	vst @!p2 v0  }
0x44: {  	v0 =	vld @!p2 [tilespmem:s12+$0x0];
	[tilespmem:s12+$0x290] =	vst @!p2 v1  }
0x45: {  	v1 =	vld @!p2 [tilespmem:s12+$0x30];
	[tilespmem:s12+$0x270] =	vst @!p2 v2  }
0x46: {  	v2 =	vld @!p2 [tilespmem:s12+$0x50];
	[tilespmem:s12+$0x260] =	vst @!p2 v3  }
0x47: {  	v3 =	vld @!p2 [tilespmem:s12+$0x80];
	[tilespmem:s12+$0x2A0] =	vst @!p2 v4  }
0x48: {  	v4 =	vld @!p2 [tilespmem:s12+$0x20];
	[tilespmem:s12+$0x240] =	vst @!p2 v5  }
0x49: {  	[tilespmem:s12+$0x200] =	vst @!p2 v0;
	v0 =	vld @!p2 [tilespmem:s12+$0x10]  }
0x4a: {  	[tilespmem:s12+$0x230] =	vst @!p2 v1  }
0x4b: {  	[tilespmem:s12+$0x250] =	vst @!p2 v2  }
0x4c: {  	p4 =	slt.u32 @p3 s11, $0x2;
	[tilespmem:s12+$0x280] =	vst @!p2 v3  }
0x4d: {  	p3 =	por p4, !p3;
	[tilespmem:s12+$0x220] =	vst @!p2 v4  }
0x4e: {  	s11 =	simm.s32 @!p2 $0x0;
	[tilespmem:s12+$0x210] =	vst @!p2 v0;
	s12 =	simm.s32 @!p3 $0x2  }
0x4f: {  	[hbm4b:s13+s11] =	stream.linear.scatter @!p2 [tilespmem:s16], [sflag:$0x2], $0x100, $0x38;
	[tilespmem:$0x400] =	vst v63  }
0x50: {  	_ =	swait.ge @!p3 [sflag:s12], $0x100  }
0x51: {  	p2 =	sge.u32 s10, s8;
	[sflag:s12] =	ssyncset.done @!p3 $0x0  }
0x52: {  	s8 =	simm.s32 @!p1 $0x0;
	s10 =	simm.s32 @!p2 $0x1;
	[sflag:s12] =	ssyncadd.s32 @!p3 $0xFFFFFF00  }
0x53: {  	[tilespmem:s17], [sflag:$0x1] =	stream.linear.gather @!p1 [hbm4b:s7+s8], $0x100, $0x38;
	[tilespmem:$0x400] =	vst v63  }
0x54: {  	_ =	swait.ge @!p2 [sflag:s10], $0x100  }
0x55: {  	[sflag:s10] =	ssyncset.done @!p2 $0x0  }
0x56: {  	s7 =	sand.u32 @!p2 $0x100, s9;
	[sflag:s10] =	ssyncadd.s32 @!p2 $0xFFFFFF00  }
0x57: {  	v0 =	vld @!p2 [tilespmem:s7+$0xF0]  }
0x58: {  	v1 =	vld @!p2 [tilespmem:s7+$0xE0]  }
0x59: {  	v2 =	vld @!p2 [tilespmem:s7+$0xC0]  }
0x5a: {  	v3 =	vld @!p2 [tilespmem:s7+$0xD0]  }
0x5b: {  	v4 =	vld @!p2 [tilespmem:s7+$0xB0]  }
0x5c: {  	v5 =	vld @!p2 [tilespmem:s7+$0x90];
	[tilespmem:s7+$0x2F0] =	vst @!p2 v0  }
0x5d: {  	v0 =	vld @!p2 [tilespmem:s7+$0x70];
	[tilespmem:s7+$0x2E0] =	vst @!p2 v1  }
0x5e: {  	v1 =	vld @!p2 [tilespmem:s7+$0x60];
	[tilespmem:s7+$0x2C0] =	vst @!p2 v2  }
0x5f: {  	v2 =	vld @!p2 [tilespmem:s7+$0xA0];
	[tilespmem:s7+$0x2D0] =	vst @!p2 v3  }
0x60: {  	v3 =	vld @!p2 [tilespmem:s7+$0x40];
	[tilespmem:s7+$0x2B0] =	vst @!p2 v4  }
0x61: {  	v4 =	vld @!p2 [tilespmem:s7+$0x0];
	[tilespmem:s7+$0x290] =	vst @!p2 v5  }
0x62: {  	v5 =	vld @!p2 [tilespmem:s7+$0x30];
	[tilespmem:s7+$0x270] =	vst @!p2 v0  }
0x63: {  	v0 =	vld @!p2 [tilespmem:s7+$0x50];
	[tilespmem:s7+$0x260] =	vst @!p2 v1  }
0x64: {  	v1 =	vld @!p2 [tilespmem:s7+$0x80];
	[tilespmem:s7+$0x2A0] =	vst @!p2 v2  }
0x65: {  	v2 =	vld @!p2 [tilespmem:s7+$0x20];
	[tilespmem:s7+$0x240] =	vst @!p2 v3  }
0x66: {  	[tilespmem:s7+$0x200] =	vst @!p2 v4;
	v3 =	vld @!p2 [tilespmem:s7+$0x10]  }
0x67: {  	[tilespmem:s7+$0x230] =	vst @!p2 v5  }
0x68: {  	[tilespmem:s7+$0x250] =	vst @!p2 v0  }
0x69: {  	s4 =	sshrl.u32 @!p2 s4, $0x3;
	[tilespmem:s7+$0x280] =	vst @!p2 v1  }
0x6a: {  	s4 =	sadd.s32 @!p2 s5, s4;
	p1 =	slt.u32 s6, $0x2;
	[tilespmem:s7+$0x220] =	vst @!p2 v2  }
0x6b: {  	s6 =	simm.s32 @!p2 $0x0;
	s5 =	sor.u32 @!p2 $0x200, s7;
	[tilespmem:s7+$0x210] =	vst @!p2 v3;
	s7 =	simm.s32 @!p1 $0x2  }
0x6c: {  	[hbm4b:s4+s6] =	stream.linear.scatter @!p2 [tilespmem:s5], [sflag:$0x2], $0x100, $0x38;
	[tilespmem:$0x400] =	vst v63  }
0x6d: {  	_ =	swait.ge @!p1 [sflag:s7], $0x100  }
0x6e: {  	[sflag:s7] =	ssyncset.done @!p1 $0x0  }
0x6f: {  	[sflag:s7] =	ssyncadd.s32 @!p1 $0xFFFFFF00  }
0x70: {  	_ =	sfence.sel $0x180000  }
0x71: {  	[bflag:$0x0] =	sbarrier.arrive $0xFFFF  }
0x72: {  	[sflag:s2] =	ssyncpa.u1 $0x1  }
0x73: {  	[sflag:s3] =	ssyncpa.u1 $0x1  }
0x74: {  	_ =	strace $0x90000047  }
0x75: {  	s0 =	sadd.s32 @!p0 $0x100000, s0;
	[bflag:$0x2] =	sbarrier.arrive $0xFFFF  }
0x76: {  	[sflag:s0] =	ssyncadd.tile.s32 @!p0 $0x1;
	s0 =	simm.s32 @!p0 $0x3F  }
0x77: {  	_ =	swait.ge @!p0 [sflag:s0], s1  }
0x78: {  	s1 =	ssub.s32 @!p0 $0x0, s1;
	[sflag:s0] =	ssyncset.done @!p0 $0x0  }
0x79: {  	[sflag:s0] =	ssyncadd.s32 @!p0 s1  }
0x7a: {  	[bflag:$0x3] =	sbarrier.arrive $0xFFFF  }
0x7b: {  	_ =	shalt  }
.LBB2_1:
.Ltmp3:
0x7c: {  	(pc) =	sbr.rel .LBB2_6-.Ltmp3, $2  }
0x7d: {  	_ =	sdelay $0x2  }
0x7e: {  	s9 =	simm.s32 $0x0  }
.LBB2_3:
.Ltmp4:
0x7f: {  	(pc) =	sbr.rel .LBB2_6-.Ltmp4, $2  }
0x80: {  	_ =	sdelay $0x2  }
0x81: {  	s11 =	simm.s32 $0x0;
	s6 =	simm.s32 $0x1  }
.Lfunc_end2:
execute1_lowered:
.L_overlay_start_2:
0x82: {  	(tag) =	ssettag $0x2  }
0x83: {  	s0 =	rddreg [dreg:$0x0];
	_ =	strace $0x8000004A;
	s3 =	simm.s32 $0x1  }
0x84: {  	v1 =	vimm.s32 $0xFFFFFFFF;
	[sflag:s3] =	ssyncpa.u1 $0x0  }
0x85: {  	[tilespmem:$0x10] =	vst v1  }
0x86: {  	v0 =	vimm.f32 $0.0e+00;
	[tilespmem:$0x20] =	vst v1  }
0x87: {  	[tilespmem:$0x30] =	vst v0  }
0x88: {  	s2 =	simm.s32 $0x2;
	s6 =	simm.s32 $0x7;
	s26 =	stileid.u32;
	[tilespmem:$0x40] =	vst v0  }
0x89: {  	s7 =	simm.s32 $0x8;
	s31 =	simm.s32 $0x9;
	s14 =	simm.s32 $0x0;
	[tilespmem:$0x50] =	vst v0  }
0x8a: {  	s15 =	simm.s32 $0x100;
	s18 =	simm.s32 $0x10;
	s19 =	simm.s32 $0x12100;
	[tilespmem:$0x60] =	vst v1  }
0x8b: {  	s20 =	simm.s32 $0xF;
	s21 =	simm.s32 $0x50;
	s22 =	simm.s32 $0x80FF;
	[tilespmem:$0x70] =	vst v1  }
0x8c: {  	s23 =	simm.s32 $0x20;
	s24 =	simm.s32 $0x30;
	s25 =	simm.s32 $0x100FF;
	[tilespmem:$0x80] =	vst v1  }
0x8d: {  	s30 =	simm.s32 $0x0;
	s29 =	simm.s32 $0x0;
	s1 =	sadd.s32 $0x11E00, s0;
	v1 =	vimm.s32 $0x0;
	[tilespmem:$0xB0] =	vst v0  }
.Ltmp5:
0x8e: {  	s4 =	sadd.s32 $0x9C00, s0;
	s5 =	sadd.s32 $0xDC00, s0;
	[tilespmem:$0x90] =	vst v1;
	(pc) =	sbr.rel .LBB3_1-.Ltmp5, $4  }
0x8f: {  	s8 =	sshll.u32 s26, $0xD;
	s10 =	sshll.u32 s26, $0x1;
	[tilespmem:$0xA0] =	vst v1;
	[sflag:s2] =	ssyncpa.u1 $0x0  }
0x90: {  	s12 =	sshllo.u32 s26, $0x1;
	s26 =	simm.s32 $0x80;
	[sflag:s6] =	ssyncpa.u1 $0x0  }
0x91: {  	vm0 =	vmmov $0xffff;
	v2 =	vlaneseq.u32;
	s9 =	sadd.s32 $0x2000, s8;
	s11 =	sor.u32 $0x81, s10;
	[sflag:s7] =	ssyncpa.u1 $0x0  }
0x92: {  	vm1 =	vmxor vm1, vm1;
	vm2 =	vmmov $0x1;
	vm3 =	vcmask $0x3F3C;
	s13 =	sor.u32 $0x80, s10;
	s28 =	smov.u32 s8;
	[sflag:s31] =	ssyncpa.u1 $0x0  }
.LBB3_3:
0x93: {  	s0 =	sshrl.u32 s28, $0x3  }
0x94: {  	s2 =	sand.u32 $0x7, s28;
	s0 =	sadd.s32 s4, s0  }
0x95: {  	[tilespmem:s15], [sflag:$0x7] =	stream.linear.gather [hbm4b:s0+s2], $0x2000, $0x38;
	[tilespmem:$0x12120] =	vst v63  }
.LBB3_4:
0x96: {  	s0 =	sadd.s32 $0x2000, s28  }
0x97: {  	s2 =	smov.u32 s8;
	s29 =	sadd.s32 $0x1, s29;
	p0 =	slt.s32 s0, s9  }
0x98: {  	s2 =	smov.u32 @p0 s0;
	p0 =	sne.s32 s29, $0x4  }
.Ltmp6:
0x99: {  	_ = 	snop;
	(pc) =	sbr.rel @!p0 .LBB3_13-.Ltmp6, $2  }
0x9a: {  	_ =	sdelay $0x2  }
0x9b: {  	s30 =	smov.u32 s28;
	s28 =	smov.u32 s2  }
.LBB3_1:
0x9c: {  	p0 =	sgt.s32 s29, $0x1  }
.Ltmp7:
0x9d: {  	_ = 	snop;
	(pc) =	sbr.rel @p0 .LBB3_11-.Ltmp7, $1  }
0x9e: {  	_ =	sdelay $0x3  }
0x9f: {  	p0 =	seq.s32 s29, $0x0  }
.Ltmp8:
0xa0: {  	_ = 	snop;
	(pc) =	sbr.rel @p0 .LBB3_3-.Ltmp8, $1  }
0xa1: {  	_ =	sdelay $0x3  }
0xa2: {  	_ =	swait.ge [sflag:s6], $0x2000  }
0xa3: {  	[sflag:s6] =	ssyncset.done $0x0  }
0xa4: {  	[sflag:s6] =	ssyncadd.s32 $0xFFFFE000;
	(ifvalue) =	ssetifvalue $0xFFFFFFFF;
	v3 =	vld.msk [tilespmem:s15+$0x0 ss:$0x1], $0xffff;
	_ =	sdelay $0x4  }
0xa5: {  	v4 =	vperm.xlane v3, v1  }
0xa6: {  	vm4 =	vlt.u32 v3, $0x1000  }
0xa7: {  	v3 =	vnsel vm4, $0xFFFFFFFE, v3;
	vm4 =	vlt.u32 v4, $0x1000  }
0xa8: {  	[tilespmem:$0x70] =	vst v3;
	v3 =	vnsel vm4, $0xFFFFFFFE, v4  }
0xa9: {  	s17 =	simm.s32 $0x20F0;
	[tilespmem:$0x80] =	vst v3  }
0xaa: {  	v3 =	vld.msk [tilespmem:s17+$0x0 ss:$0x1], $0xffff;
	_ =	sdelay $0x4  }
0xab: {  	(xrf1) =	vunique.msk.u32 $0xffff, v3;
	_ =	sdelay $0xd  }
0xac: {  	v4 =	vimm.s32 $0xFFFFFFFF;
	v5, _, _ =	vpop (xrf1)  }
0xad: {  	vm5 =	vne.s32 v3, v4;
	vm4 =	veq.s32 v5, v2  }
0xae: {  	vm6 =	vlt.u32 v3, $0x1000;
	vm4 =	vmand vm5, vm4  }
0xaf: {  	vm4 =	vmand vm6, vm4  }
0xb0: {  	v4 =	vnsel vm4, $0xFFFFFFFF, v3;
	_ =	sdelay $0x3  }
0xb1: {  	s0 =	simm.s32 $0x80F0;
	(ifvalue) =	ssetifvalue $0xFFFFFFFF  }
0xb2: {  	v3 =	vperm.xlane v3, v1;
	[tilespmem:s0], [sflag:$0x8] =	stream.indirect_vreg.gather [hbm4b:s1+s14], $0x1, v4, vm0, $0x4038;
	v4 =	vnsel vm6, $0xFFFFFFFE, v4;
	[tilespmem:$0x12120] =	vst v63  }
0xb3: {  	s2 =	simm.s32 $0x0;
	s16 =	simm.s32 $0x20E0;
	[tilespmem:s17+$0x0] =	vst v4  }
.LBB3_6:
0xb4: {  	v4 =	vld.msk [tilespmem:s16+$0x0 ss:$0x1], $0xffff;
	s2 =	sadd.s32 $0x10, s2;
	v5 =	vmov v3;
	s17 =	smov.u32 s16  }
0xb5: {  	p0 =	slt.u32 s2, $0x1FF0;
	_ =	sdelay $0x4  }
0xb6: {  	v3 =	vperm.xlane v4, v1;
	(xrf1) =	vunique.msk.u32 $0xffff, v4;
	_ =	sdelay $0xd  }
0xb7: {  	v6, _, _ =	vpop (xrf1)  }
0xb8: {  	vm5 =	vne.s32 v4, v5;
	vm4 =	veq.s32 v6, v2  }
0xb9: {  	vm6 =	vlt.u32 v4, $0x1000;
	vm4 =	vmand vm5, vm4  }
0xba: {  	vm4 =	vmand vm6, vm4  }
0xbb: {  	v4 =	vnsel vm4, $0xFFFFFFFF, v4  }
.Ltmp9:
0xbc: {  	v5 =	vnsel vm6, $0xFFFFFFFE, v4;
	(pc) =	sbr.rel @p0 .LBB3_6-.Ltmp9, $3  }
0xbd: {  	_ =	sdelay $0x1  }
0xbe: {  	s16 =	sadd.s32 $0xFFFFFFF0, s16;
	s0 =	sadd.s32 $0xFFFFFFF0, s0;
	(ifvalue) =	ssetifvalue $0xFFFFFFFF  }
0xbf: {  	[tilespmem:s0], [sflag:$0x8] =	stream.indirect_vreg.gather [hbm4b:s1+s14], $0x1, v4, vm0, $0x4038;
	[tilespmem:s17+$0x0] =	vst v5  }
.Ltmp10:
0xc0: {  	(pc) =	sbr.rel .LBB3_4-.Ltmp10, $4  }
0xc1: {  	_ = 	snop  }
0xc2: {  	s0 =	sshrl.u32 s30, $0x3  }
0xc3: {  	s2 =	simm.s32 $0xA100;
	s0 =	sadd.s32 s5, s0  }
0xc4: {  	[tilespmem:s2], [sflag:$0x8] =	stream.linear.gather [hbm:s0], $0x2000, $0x38;
	[tilespmem:$0x12120] =	vst v63  }
.LBB3_11:
0xc5: {  	p0 =	seq.s32 s29, $0x2  }
.Ltmp11:
0xc6: {  	_ = 	snop;
	(pc) =	sbr.rel @!p0 .LBB3_12-.Ltmp11, $1  }
0xc7: {  	_ =	sdelay $0x3  }
0xc8: {  	_ =	swait.ge [sflag:s7], $0x4000  }
0xc9: {  	[sflag:s7] =	ssyncset.done $0x0  }
0xca: {  	s0 =	simm.s32 $0x20FF;
	[sflag:s7] =	ssyncadd.s32 $0xFFFFC000  }
0xcb: {  	[spmem:s11] =	stream.linear.scatter [tilespmem:s0], [sflag:$0x1], $0x1, $0x38;
	[tilespmem:$0x12120] =	vst v63  }
0xcc: {  	_ =	swait.ge [sflag:s3], $0x1  }
0xcd: {  	[sflag:s3] =	ssyncset.done $0x0  }
0xce: {  	[sflag:s3] =	ssyncadd.s32 $0xFFFFFFFF  }
0xcf: {  	v4 =	vld [tilespmem:$0x10]  }
0xd0: {  	v5 =	vld [tilespmem:$0x70]  }
0xd1: {  	v3 =	vld [tilespmem:$0x80];
	_ =	sdelay $0x2  }
0xd2: {  	(v2sf) =	vpush v4, $0x0  }
0xd3: {  	(v2sf) =	vpush v5, $0x0  }
0xd4: {  	(v2sf) =	vpush v3, $0x0;
	_ =	sdelay $0xc  }
0xd5: {  	s16 =	spop (v2sf)  }
0xd6: {  	s2 =	spop (v2sf)  }
0xd7: {  	s30 =	spop (v2sf)  }
0xd8: {  	p0 =	seq.s32 s16, s2;
	p1 =	seq.s32 s30, s16  }
0xd9: {  	p1 =	por p0, p1  }
0xda: {  	v4 =	vpsel p1, $0xFFFFFFFF, v4  }
0xdb: {  	[tilespmem:s18+$0x0] =	vst.msk $0x1, v4  }
0xdc: {  	v4 =	vld [tilespmem:$0x30]  }
0xdd: {  	v5 =	vld [tilespmem:$0xA100]  }
0xde: {  	v6 =	vld [tilespmem:$0x40];
	_ =	sdelay $0x3  }
0xdf: {  	vm4 =	vmmov vm1;
	v5 =	vadd.f32 v5, v4  }
0xe0: {  	vm5 =	vmmov vm2;
	s31 =	simm.s32 $0xA100;
	vm4 =	vmmov @p0 vm2;
	v4 =	vadd.f32 v6, v4  }
0xe1: {  	vm5 =	vmmov @p1 vm1;
	[tilespmem:s31+$0x0] =	vst.msk vm4, v5  }
0xe2: {  	[tilespmem:s19+$0x0] =	vst.msk vm5, v4  }
0xe3: {  	v4 =	vld [tilespmem:$0x80F0];
	_ =	sdelay $0x3  }
0xe4: {  	v5 =	vimm.f32 $0.0e+00  }
0xe5: {  	v4 =	vshift.insert v4, v5, s20;
	_ =	sdelay $0x1  }
0xe6: {  	[tilespmem:s21+$0x0] =	vst.msk $0x1, v4  }
0xe7: {  	[tilespmem:s22+$0x0] =	vst.msk $0x1, v5  }
0xe8: {  	v4 =	vld [tilespmem:$0x20F0];
	_ =	sdelay $0x4  }
0xe9: {  	v4 =	vshift.insert v4, v1, s20;
	_ =	sdelay $0x1  }
0xea: {  	[tilespmem:s23+$0x0] =	vst.msk $0x1, v4  }
0xeb: {  	s17 =	simm.s32 $0x100;
	v6 =	vld [tilespmem:s31+$0x0]  }
0xec: {  	v7 =	vld [tilespmem:s17+$0x0];
	_ =	sdelay $0x3  }
0xed: {  	v5 =	vadd.f32 v6, v5  }
0xee: {  	vm4 =	vne.s32 v7, $0xFFFFFFFF  }
0xef: {  	(xrf2) =	vadd.seg.scan.f32 vm4, v5;
	_ =	sdelay $0x3  }
0xf0: {  	s0 =	simm.s32 $0x6100;
	v5 =	vperm.xlane v4, v1  }
0xf1: {  	v6 =	vld [tilespmem:s0+$0x0]  }
0xf2: {  	vm5 =	veq.s32 v7, v3;
	vm6 =	veq.s32 v7, v5  }
0xf3: {  	vm7 =	vgt.u32 v7, $0xFFFFFFFD;
	vm6 =	vmor vm6, vm5  }
0xf4: {  	vm6 =	vmor vm6, vm7  }
0xf5: {  	v9 =	vld [tilespmem:$0xA0];
	v7 =	vsel vm6, $0xFFFFFFFF, v7  }
0xf6: {  	v10 =	vld [tilespmem:$0x90];
	v6 =	vsel vm5, $0x0, v6;
	v8, _, _ =	vpop (xrf2)  }
0xf7: {  	v6 =	vadd.f32 v8, v6  }
0xf8: {  	s2 =	simm.s32 $0xE100  }
0xf9: {  	vm4 =	vmand vm4, vm3;
	[tilespmem:s2+$0x0] =	vst v6;
	(ifvalue) =	ssetifvalue $0xFFFFFFFF  }
0xfa: {  	vm6 =	veq.s32 v9, $0x1;
	[hbm4b:s1+s14] =	stream.indirect_vreg.scatter [tilespmem:s2], [sflag:$0x2], $0x1, v7, vm0, $0x4038;
	v7 =	vsel vm4, $0x0, v8;
	[tilespmem:$0x12120] =	vst v63  }
0xfb: {  	s16 =	simm.s32 $0x0;
	s17 =	simm.s32 $0x110;
	vm4 =	vmor vm6, vm5;
	v6 =	vsel vm5, v8, v10;
	v7 =	vshift.insert v7, v0, s20  }
.LBB3_9:
0xfc: {  	v8 =	vld [tilespmem:s17+$0x0];
	s31 =	sadd.s32 $0x10, s31  }
0xfd: {  	s0 =	sadd.s32 $0x10, s0;
	v9 =	vld [tilespmem:s31+$0x0]  }
0xfe: {  	s16 =	sadd.s32 $0x10, s16;
	v10 =	vld [tilespmem:s0+$0x0]  }
0xff: {  	p0 =	slt.u32 s16, $0x1FF0;
	_ =	sdelay $0x2  }
0x100: {  	v7 =	vadd.f32 v9, v7  }
0x101: {  	vm5 =	vne.s32 v8, $0xFFFFFFFF  }
0x102: {  	vm6 =	vmand vm5, vm3;
	(xrf2) =	vadd.seg.scan.f32 vm5, v7;
	_ =	sdelay $0x5  }
0x103: {  	vm7 =	veq.s32 v8, v5;
	vm5 =	veq.s32 v8, v3  }
0x104: {  	vm8 =	vgt.u32 v8, $0xFFFFFFFD;
	vm4 =	vmor vm4, vm5;
	vm7 =	vmor vm7, vm5  }
0x105: {  	vm7 =	vmor vm7, vm8  }
0x106: {  	v8 =	vsel vm7, $0xFFFFFFFF, v8  }
.Ltmp12:
0x107: {  	v7 =	vsel vm5, $0x0, v10;
	v9, _, _ =	vpop (xrf2);
	(pc) =	sbr.rel @p0 .LBB3_9-.Ltmp12, $4  }
0x108: {  	v6 =	vsel vm5, v9, v6;
	v10 =	vadd.f32 v9, v7;
	v7 =	vsel vm6, $0x0, v9  }
0x109: {  	s2 =	sadd.s32 $0x10, s2;
	v7 =	vshift.insert v7, v0, s20  }
0x10a: {  	s17 =	sadd.s32 $0x10, s17;
	[tilespmem:s2+$0x0] =	vst v10;
	(ifvalue) =	ssetifvalue $0xFFFFFFFF  }
0x10b: {  	[hbm4b:s1+s14] =	stream.indirect_vreg.scatter [tilespmem:s2], [sflag:$0x2], $0x1, v8, vm0, $0x4038;
	[tilespmem:$0x12120] =	vst v63  }
0x10c: {  	v3 =	vld [tilespmem:$0x100F0];
	_ =	sdelay $0x4  }
0x10d: {  	v3 =	vshift.insert v3, v0, s20;
	_ =	sdelay $0x1  }
0x10e: {  	[tilespmem:s24+$0x0] =	vst.msk $0x1, v3  }
0x10f: {  	v3 =	vsel vm4, $0x1, v1;
	[tilespmem:$0x90] =	vst v6  }
0x110: {  	[tilespmem:$0xA0] =	vst v3  }
0x111: {  	[spmem:s12] =	stream.linear.scatter [tilespmem:s25], [sflag:$0x1], $0x1, $0x38;
	[tilespmem:$0x12120] =	vst v63  }
0x112: {  	v3 =	vmctz.xlane vm4;
	_ =	swait.ge [sflag:s3], $0x1  }
0x113: {  	(v2sf) =	vpush v4, $0x0  }
0x114: {  	(v2sf) =	vpush v3, $0x0;
	_ =	sdelay $0xd  }
0x115: {  	s0 =	spop (v2sf)  }
0x116: {  	s2 =	spop (v2sf)  }
0x117: {  	[sflag:s3] =	ssyncset.done $0x0;
	p0 =	sne.s32 s30, s0;
	p1 =	slt.s32 s2, $0xF  }
0x118: {  	[sflag:s3] =	ssyncadd.s32 $0xFFFFFFFF;
	v3 =	vimm.s32 @!p0 $0xFFFFFFFF;
	s2 =	simm.s32 @!p1 $0xF  }
0x119: {  	[tilespmem:$0x80] =	vst @!p0 v3;
	s31 =	sadd.s32 $0x90, s2  }
0x11a: {  	[spmem:s10] =	stream.linear.scatter [tilespmem:s31], [sflag:$0x1], $0x1, $0x38;
	[tilespmem:$0x12120] =	vst v63  }
0x11b: {  	_ =	swait.ge [sflag:s3], $0x1  }
0x11c: {  	[sflag:s3] =	ssyncset.done $0x0  }
0x11d: {  	[sflag:s3] =	ssyncadd.s32 $0xFFFFFFFF  }
0x11e: {  	[spmem:s13] =	stream.linear.scatter [tilespmem:s26], [sflag:$0x1], $0x1, $0x38;
	[tilespmem:$0x12120] =	vst v63  }
0x11f: {  	_ =	swait.ge [sflag:s3], $0x1  }
0x120: {  	[sflag:s3] =	ssyncset.done $0x0  }
0x121: {  	[sflag:s3] =	ssyncadd.s32 $0xFFFFFFFF;
	(ifvalue) =	ssetifvalue $0xFFFFFFFF;
	v3 =	vld [tilespmem:$0x10];
	_ =	sdelay $0x3  }
.Ltmp13:
0x122: {  	_ = 	snop;
	(pc) =	sbr.rel .LBB3_4-.Ltmp13, $3  }
0x123: {  	_ =	sdelay $0x1  }
0x124: {  	(ifvalue) =	ssetifvalue $0xFFFFFFFF  }
0x125: {  	[hbm4b:s1+s14] =	stream.indirect_vreg.scatter [tilespmem:s19], [sflag:$0x9], $0x1, v3, vm0, $0x4038;
	[tilespmem:$0x12120] =	vst v63  }
.LBB3_12:
0x126: {  	s0 =	simm.s32 $0x2  }
0x127: {  	_ =	swait.ge [sflag:s0], $0x2000  }
0x128: {  	[sflag:s0] =	ssyncset.done $0x0  }
0x129: {  	s31 =	simm.s32 $0x9;
	[sflag:s0] =	ssyncadd.s32 $0xFFFFE000  }
0x12a: {  	_ =	swait.ge [sflag:s31], $0x10  }
0x12b: {  	[sflag:s31] =	ssyncset.done $0x0  }
0x12c: {  	[sflag:s31] =	ssyncadd.s32 $0xFFFFFFF0  }
.LBB3_13:
0x12d: {  	_ =	sfence.sel $0x180000  }
0x12e: {  	s0 =	simm.s32 $0x7;
	[bflag:$0x0] =	sbarrier.arrive $0xFFFF  }
0x12f: {  	s26 =	simm.s32 $0x8;
	[sflag:s0] =	ssyncpa.u1 $0x1  }
0x130: {  	s28 =	simm.s32 $0x9;
	[sflag:s26] =	ssyncpa.u1 $0x1  }
0x131: {  	[sflag:s28] =	ssyncpa.u1 $0x1  }
0x132: {  	_ =	sfence.stream.spmem  }
0x133: {  	s29 =	simm.s32 $0x3;
	[bflag:$0x0] =	sbarrier.arrive $0xFFFF  }
0x134: {  	s30 =	simm.s32 $0x4;
	[sflag:s29] =	ssyncpa.u1 $0x1  }
0x135: {  	s31 =	simm.s32 $0x3C;
	s2 =	stileid.u32;
	[sflag:s30] =	ssyncpa.u1 $0x1  }
0x136: {  	p0 =	sne.s32 s2, $0x0;
	[sflag:s31] =	ssyncpa.u1 $0x1  }
0x137: {  	s0 =	simm.s32 @p0 $0x1;
	_ =	sfence @p0  }
0x138: {  	[sflag:s0] =	ssyncpa.u1 @p0 $0x1;
	s0 =	simm.s32 @p0 $0x2  }
0x139: {  	[sflag:s0] =	ssyncpa.u1 @p0 $0x1  }
0x13a: {  	_ =	strace @p0 $0x9000004A  }
0x13b: {  	[bflag:$0x2] =	sbarrier.arrive @p0 $0xFFFF  }
0x13c: {  	_ =	shalt @p0  }
.LBB3_14:
0x13d: {  	_ =	sfence.stream.spmem;
	s0 =	simm.s32 $0x5  }
0x13e: {  	s2 =	simm.s32 $0x80;
	s3 =	simm.s32 $0xC0;
	[sflag:s0] =	ssyncpa.u1 $0x0  }
0x13f: {  	[tilespmem:s3], [sflag:$0x5] =	stream.linear.gather [spmem:s2], $0x20, $0x38;
	[tilespmem:$0x12120] =	vst v63  }
0x140: {  	s2 =	simm.s32 $0x0;
	s3 =	simm.s32 $0xE0  }
0x141: {  	[tilespmem:s3], [sflag:$0x5] =	stream.linear.gather [spmem:s2], $0x20, $0x38;
	[tilespmem:$0x12120] =	vst v63  }
.Ltmp14:
0x142: {  	_ = 	snop;
	(pc) =	sbr.rel .LBB3_15-.Ltmp14, $4  }
0x143: {  	_ =	swait.ge [sflag:s0], $0x40  }
0x144: {  	[sflag:s0] =	ssyncset.done $0x0  }
0x145: {  	s31 =	simm.s32 $0x6;
	[sflag:s0] =	ssyncadd.s32 $0xFFFFFFC0  }
0x146: {  	s4 =	simm.s32 $0x0;
	[sflag:s31] =	ssyncpa.u1 $0x0  }
.LBB3_20:
0x147: {  	p0 =	sgt.u32 s0, $0xFFF  }
0x148: {  	s5 =	sshrl.u32 @!p0 s0, $0x3  }
0x149: {  	s0 =	sand.u32 @!p0 $0x7, s0;
	s6 =	simm.s32 @!p0 $0xB0;
	s5 =	sadd.s32 @!p0 s1, s5  }
0x14a: {  	[tilespmem:s6], [sflag:$0x6] =	stream.linear.gather @!p0 [hbm4b:s5+s0], $0x1, $0x38;
	[tilespmem:$0x12120] =	vst v63  }
0x14b: {  	s0 =	simm.s32 @!p0 $0x6  }
0x14c: {  	_ =	swait.ge @!p0 [sflag:s0], $0x1  }
0x14d: {  	[sflag:s0] =	ssyncset.done @!p0 $0x0  }
0x14e: {  	[sflag:s0] =	ssyncadd.s32 @!p0 $0xFFFFFFFF  }
0x14f: {  	v2 =	vmov @!p0 s4;
	v1 =	vld.msk @!p0 [tilespmem:$0xB0], $0x1;
	_ =	sdelay $0x3  }
0x150: {  	s0 =	simm.s32 @!p0 $0xE0  }
0x151: {  	[tilespmem:v2+s0+$0x0], v1 =	vst.idx.ret.add.f32.msk @!p0 $0x1, v1  }
0x152: {  	[tilespmem:s2+$0xC0] =	vst.msk $0x1, v0  }
0x153: {  	v0 =	vld.msk [tilespmem:s4+$0xE0], $0x1;
	_ =	sdelay $0x4  }
0x154: {  	[tilespmem:s2+$0xE0] =	vst.msk $0x1, v0;
	s2 =	sadd.s32 $0x1, s2  }
.LBB3_22:
0x155: {  	s4 =	sadd.s32 $0x1, s4  }
0x156: {  	p0 =	sne.s32 s4, $0x20  }
.Ltmp15:
0x157: {  	_ = 	snop;
	(pc) =	sbr.rel @!p0 .LBB3_23-.Ltmp15, $1  }
0x158: {  	_ =	sdelay $0x3  }
.LBB3_15:
0x159: {  	v0 =	vld.msk [tilespmem:s4+$0xC0], $0x1;
	_ =	sdelay $0x4  }
0x15a: {  	(v2sf) =	vpush v0, $0x0;
	_ =	sdelay $0xe  }
0x15b: {  	s0 =	spop (v2sf)  }
0x15c: {  	p0 =	seq.s32 s0, $0xFFFFFFFF  }
.Ltmp16:
0x15d: {  	_ = 	snop;
	(pc) =	sbr.rel @p0 .LBB3_22-.Ltmp16, $1  }
0x15e: {  	_ =	sdelay $0x3  }
0x15f: {  	p0 =	slt.s32 s2, $0x1  }
.Ltmp17:
0x160: {  	_ = 	snop;
	(pc) =	sbr.rel @p0 .LBB3_20-.Ltmp17, $1  }
0x161: {  	_ =	sdelay $0x3  }
0x162: {  	s5 =	simm.s32 $0xC0;
	p0 =	por $0x0, $0x0  }
0x163: {  	v1 =	vld.msk @!p0 [tilespmem:s5+$0x0], $0x1;
	_ =	sdelay $0x4  }
0x164: {  	(v2sf) =	vpush @!p0 v1, $0x0;
	_ =	sdelay $0xd  }
0x165: {  	p2 =	sne.s32 s2, $0x1  }
.Ltmp18:
0x166: {  	s6 =	spop @!p0 (v2sf);
	(pc) =	sbr.rel @!p2 .LBB3_19-.Ltmp18, $4  }
0x167: {  	p1 =	seq.s32 @!p0 s0, s6  }
0x168: {  	s6 =	simm.s32 $0x0;
	p1 =	por !p1, p0  }
0x169: {  	s8 =	simm.s32 $0xFFFFFFFF;
	s6 =	simm.s32 @p1 $0xFFFFFFFF  }
0x16a: {  	s7 =	simm.s32 $0x1;
	s6 =	smov.u32 @p0 s8  }
.LBB3_18:
0x16b: {  	s8 =	smov.u32 s6;
	p0 =	sne.s32 s6, $0xFFFFFFFF  }
0x16c: {  	s5 =	sadd.s32 $0x1, s5;
	s6 =	smov.u32 s7;
	s7 =	sadd.s32 $0x1, s7  }
0x16d: {  	p1 =	sne.s32 s2, s7;
	v1 =	vld.msk @!p0 [tilespmem:s5+$0x0], $0x1;
	_ =	sdelay $0x4  }
0x16e: {  	(v2sf) =	vpush @!p0 v1, $0x0;
	_ =	sdelay $0xe  }
.Ltmp19:
0x16f: {  	s9 =	spop @!p0 (v2sf);
	(pc) =	sbr.rel @p1 .LBB3_18-.Ltmp19, $4  }
0x170: {  	p2 =	seq.s32 @!p0 s0, s9  }
0x171: {  	p2 =	por !p2, p0  }
0x172: {  	s6 =	simm.s32 @p2 $0xFFFFFFFF  }
0x173: {  	s6 =	smov.u32 @p0 s8  }
.LBB3_19:
0x174: {  	p0 =	sne.s32 s6, $0xFFFFFFFF  }
.Ltmp20:
0x175: {  	_ = 	snop;
	(pc) =	sbr.rel @!p0 .LBB3_20-.Ltmp20, $1  }
0x176: {  	_ =	sdelay $0x3  }
0x177: {  	v0 =	vld.msk [tilespmem:s4+$0xE0], $0x1;
	v1 =	vmov s6  }
.Ltmp21:
0x178: {  	_ = 	snop;
	(pc) =	sbr.rel .LBB3_22-.Ltmp21, $2  }
0x179: {  	_ =	sdelay $0x2  }
0x17a: {  	[tilespmem:v1+s3+$0x0], v0 =	vst.idx.ret.add.f32.msk $0x1, v0  }
.LBB3_23:
0x17b: {  	p0 =	slt.s32 s2, $0x1  }
.Ltmp22:
0x17c: {  	_ = 	snop;
	(pc) =	sbr.rel @p0 .LBB3_27-.Ltmp22, $3  }
0x17d: {  	_ =	sdelay $0x1  }
0x17e: {  	s0 =	simm.s32 $0x6  }
0x17f: {  	[sflag:s0] =	ssyncpa.u1 $0x1;
	s0 =	simm.s32 $0x0  }
0x180: {  	s3 =	simm.s32 $0xC0  }
0x181: {  	v0 =	vld.msk [tilespmem:s3+$0x0], $0x1;
	_ =	sdelay $0x4  }
0x182: {  	(v2sf) =	vpush v0, $0x0;
	_ =	sdelay $0xe  }
0x183: {  	s2 =	sadd.s32 $0xFFFFFFFF, s2;
	s4 =	spop (v2sf)  }
0x184: {  	p1 =	sne.s32 s2, $0x0;
	p0 =	sgt.u32 s4, $0xFFF  }
.Ltmp23:
0x185: {  	s5 =	sshrl.u32 @!p0 s4, $0x3;
	(pc) =	sbr.rel @!p1 .LBB3_26-.Ltmp23, $4  }
0x186: {  	s3 =	simm.s32 $0xE0;
	s4 =	sand.u32 @!p0 $0x7, s4;
	s5 =	sadd.s32 @!p0 s1, s5  }
0x187: {  	[hbm4b:s5+s4] =	stream.linear.scatter @!p0 [tilespmem:s3], [sflag:$0x5], $0x1, $0x38;
	[tilespmem:$0x12120] =	vst v63  }
0x188: {  	s5 =	simm.s32 $0x0  }
0x189: {  	s4 =	simm.s32 $0xC1;
	s5 =	simm.s32 @!p0 $0x4  }
.LBB3_25:
0x18a: {  	v0 =	vld.msk [tilespmem:s4+$0x0], $0x1;
	s2 =	sadd.s32 $0xFFFFFFFF, s2;
	s0 =	sadd.s32 s0, s5  }
0x18b: {  	p0 =	sne.s32 s2, $0x0;
	_ =	sdelay $0x3  }
0x18c: {  	(v2sf) =	vpush v0, $0x0;
	_ =	sdelay $0xe  }
.Ltmp24:
0x18d: {  	s6 =	spop (v2sf);
	(pc) =	sbr.rel @p0 .LBB3_25-.Ltmp24, $4  }
0x18e: {  	s5 =	simm.s32 $0x0;
	p1 =	sgt.u32 s6, $0xFFF  }
0x18f: {  	s3 =	sadd.s32 $0x1, s3;
	s5 =	simm.s32 @!p1 $0x4;
	s7 =	sshrl.u32 @!p1 s6, $0x3  }
0x190: {  	s4 =	sadd.s32 $0x1, s4;
	s6 =	sand.u32 @!p1 $0x7, s6;
	s7 =	sadd.s32 @!p1 s1, s7  }
0x191: {  	[hbm4b:s7+s6] =	stream.linear.scatter @!p1 [tilespmem:s3], [sflag:$0x5], $0x1, $0x38;
	[tilespmem:$0x12120] =	vst v63  }
.LBB3_26:
0x192: {  	s0 =	sadd.s32 s0, s5  }
0x193: {  	s0 =	sshrl.u32 s0, $0x2  }
.LBB3_27:
0x194: {  	s1 =	simm.s32 $0x5  }
0x195: {  	_ =	swait.ge [sflag:s1], s0  }
0x196: {  	s28 =	ssub.s32 $0x0, s0;
	[sflag:s1] =	ssyncset.done $0x0  }
0x197: {  	[sflag:s1] =	ssyncadd.s32 s28  }
0x198: {  	[sflag:s1] =	ssyncpa.u1 $0x1  }
0x199: {  	s29 =	simm.s32 $0x1;
	_ =	sfence  }
0x19a: {  	s30 =	simm.s32 $0x2;
	[sflag:s29] =	ssyncpa.u1 $0x1  }
0x19b: {  	[sflag:s30] =	ssyncpa.u1 $0x1  }
0x19c: {  	_ =	strace $0x9000004A  }
0x19d: {  	[bflag:$0x2] =	sbarrier.arrive $0xFFFF  }
0x19e: {  	s31 =	rddreg [dreg:$0x1]  }
0x19f: {  	s0 =	sadd.s32 $0x100000, s31  }
0x1a0: {  	[sflag:s0] =	ssyncadd.tile.s32 $0x1;
	_ =	shalt  }
.Lfunc_end3:
_tile_overlayer_lowered:
.L_overlay_start_3:
0x1a1: {  	(tag) =	ssettag $0x3  }
0x1a2: {  	s0 =	rddreg [dreg:$0x0];
	s2 =	stileid.u32  }
0x1a3: {  	s1 =	rddreg [dreg:$0x1];
	p0 =	sne.s32 s2, $0x0  }
0x1a4: {  	s3 =	rddreg [dreg:$0x2];
	[bflag:$0x3] =	sbarrier.arrive $0xFFFF;
	s2 =	simm.s32 @!p0 $0x1C01  }
0x1a5: {  	[timem:s3], [sflag:s2] =	dma.local @!p0 [hbm:s0], s1  }
0x1a6: {  	s0 =	simm.s32 @!p0 $0x1  }
0x1a7: {  	_ =	swait.ge @!p0 [sflag:s0], s1  }
0x1a8: {  	s1 =	ssub.s32 @!p0 $0x0, s1;
	[sflag:s0] =	ssyncset.done @!p0 $0x0  }
0x1a9: {  	[sflag:s0] =	ssyncadd.s32 @!p0 s1  }
0x1aa: {  	[bflag:$0x3] =	sbarrier.arrive $0xFFFF  }
0x1ab: {  	_ =	shalt  }

// kernel: scatter_offload_async_start.4
scs
__scs_entry_jumppad:
0x0: {  	(pc) =	sbr.rel $0x88, $3  }
0x1: {  	(tag) =	ssettag $0x0;
	lr =	simm.s32 $0x1  }
0x2: {  	[smem:$0x3F97] =	sst lr;
	_ =	strace $0xD0000000  }
0x3: {  	_ = 	snop  }
0x4: {  	_ = 	snop  }
0x5: {  	_ = 	snop  }
0x6: {  	_ = 	snop  }
0x7: {  	_ = 	snop  }
__scs_overlays_trampoline_lowered:
0x8: {  	[smem:$0x3FA6] =	sst s0  }
0x9: {  	[smem:$0x3FA7] =	sst s1  }
0xa: {  	[smem:$0x3FA8] =	sst s2  }
0xb: {  	[smem:$0x3FA9] =	sst s3  }
0xc: {  	[smem:$0x3FAA] =	sst s4  }
0xd: {  	[smem:$0x3FAB] =	sst s5  }
0xe: {  	[smem:$0x3FAC] =	sst s6  }
0xf: {  	[smem:$0x3FAD] =	sst s7  }
0x10: {  	[smem:$0x3FAE] =	sst s8  }
0x11: {  	[smem:$0x3FAF] =	sst s9;
	s0 =	simm.s32 @!p0 $0x0  }
0x12: {  	s1 =	sld [smem:$0x3F95];
	s0 =	simm.s32 @p0 $0x1  }
0x13: {  	[smem:$0x3FB0] =	sst s0;
	s0 =	simm.s32 @!p1 $0x0  }
0x14: {  	s2 =	sld [smem:$0x3F94];
	s0 =	simm.s32 @p1 $0x1  }
0x15: {  	[smem:$0x3FB1] =	sst s0;
	s0 =	simm.s32 @!p2 $0x0  }
0x16: {  	s3 =	sld [smem:$0x3FDB];
	s0 =	simm.s32 @p2 $0x1  }
0x17: {  	s4 =	simm.s32 $0x1BF5;
	[smem:$0x3FB3] =	sst s0  }
0x18: {  	s0 =	sld [smem:$0x3F96];
	_ =	swait.ge [sflag:s4], $0x0  }
0x19: {  	s7 =	sld [smem:$0x3F97]  }
0x1a: {  	s8 =	sadd.s32 $0xFFFFE003, lr  }
0x1b: {  	s9 =	sadd.s32 $0xFFFFFEF7, lr;
	s5 =	simm.s32 $0xFFFFFFFF;
	p2 =	slt.u32 s8, $0xFFFFF086  }
0x1c: {  	p1 =	slt.u32 s9, $0xF7A;
	s5 =	simm.s32 @!p2 $0x0  }
0x1d: {  	s5 =	simm.s32 @p1 $0x1;
	p0 =	seq.s32 s7, s2  }
0x1e: {  	s7 =	smul.u32 @!p0 $0xF7A, s2;
	p2 =	seq.s32 @!p0 s5, $0x0  }
0x1f: {  	s9 =	smul.u32 $0xF7A, s1;
	s8 =	simm.s32 @!p0 $0x1BF5;
	p2 =	por !p2, p0  }
0x20: {  	[sflag:s8] =	ssyncset.s32 @!p0 $0xFFFFF086;
	s6 =	sadd.s32 @!p0 s3, s7;
	s7 =	simm.s32 @!p0 $0x108  }
0x21: {  	s3 =	sadd.s32 s3, s9;
	s6 =	sadd.s32 @!p0 $0x88, s6;
	s7 =	simm.s32 @p2 $0x1082  }
0x22: {  	[simem:s7], [sflag:s8] =	dma.local @!p0 [hbm:s6], $0xF7A  }
0x23: {  	s9 =	sor.u32 $0xD0000000, s2;
	s6 =	simm.s32 $0x108;
	_ =	swait.ge @!p0 [sflag:s8], $0x0  }
0x24: {  	s3 =	sadd.s32 $0x88, s3;
	s6 =	simm.s32 @!p1 $0x1082;
	[sflag:s4] =	ssyncset.s32 $0xFFFFF086  }
0x25: {  	[simem:s6], [sflag:s4] =	dma.local [hbm:s3], $0xF7A  }
0x26: {  	[smem:$0x3F97] =	sst s1;
	(tag) =	ssettag s2;
	_ =	strace s9  }
0x27: {  	s1 =	sld [smem:$0x3FA7]  }
0x28: {  	s2 =	sld [smem:$0x3FA8]  }
0x29: {  	s4 =	sld [smem:$0x3FAA]  }
0x2a: {  	p0 =	seq.s32 s5, $0x0;
	s5 =	sld [smem:$0x3FAB]  }
0x2b: {  	s6 =	sld [smem:$0x3FAC]  }
0x2c: {  	s7 =	sld [smem:$0x3FAD]  }
0x2d: {  	s3 =	simm.s32 $0x108;
	s8 =	sld [smem:$0x3FAE]  }
0x2e: {  	s3 =	simm.s32 @!p0 $0x1082;
	s9 =	sld [smem:$0x3FAF]  }
0x2f: {  	lr =	sadd.s32 s0, s3;
	s0 =	sld [smem:$0x3FA6]  }
0x30: {  	s3 =	sld [smem:$0x3FA9]  }
0x31: {  	[smem:$0x3FB2] =	sst s10  }
0x32: {  	s10 =	sld [smem:$0x3FB0];
	_ =	sdelay $0x3  }
0x33: {  	p0 =	seq.s32 s10, $0x1;
	s10 =	sld [smem:$0x3FB2];
	_ =	sdelay $0x3  }
0x34: {  	[smem:$0x3FB2] =	sst s10  }
0x35: {  	s10 =	sld [smem:$0x3FB1];
	_ =	sdelay $0x3  }
0x36: {  	p1 =	seq.s32 s10, $0x1;
	s10 =	sld [smem:$0x3FB2];
	_ =	sdelay $0x3  }
0x37: {  	[smem:$0x3FB2] =	sst s10  }
0x38: {  	s10 =	sld [smem:$0x3FB3]  }
0x39: {  	_ = 	snop;
	(pc) =	sbr.ind lr, $3  }
0x3a: {  	_ = 	snop  }
0x3b: {  	_ = 	snop  }
0x3c: {  	p2 =	seq.s32 s10, $0x1;
	s10 =	sld [smem:$0x3FB2]  }
0x3d: {  	_ =	shalt  }
0x3e: {  	_ =	shalt  }
0x3f: {  	_ =	shalt  }
0x40: {  	_ =	shalt  }
0x41: {  	_ =	shalt  }
0x42: {  	_ =	shalt  }
0x43: {  	_ =	shalt  }
0x44: {  	_ =	shalt  }
0x45: {  	_ =	shalt  }
0x46: {  	_ =	shalt  }
0x47: {  	_ =	shalt  }
0x48: {  	_ =	shalt  }
0x49: {  	_ =	shalt  }
0x4a: {  	_ =	shalt  }
0x4b: {  	_ =	shalt  }
0x4c: {  	_ =	shalt  }
0x4d: {  	_ =	shalt  }
0x4e: {  	_ =	shalt  }
0x4f: {  	_ =	shalt  }
0x50: {  	_ =	shalt  }
0x51: {  	_ =	shalt  }
0x52: {  	_ =	shalt  }
0x53: {  	_ =	shalt  }
0x54: {  	_ =	shalt  }
0x55: {  	_ =	shalt  }
0x56: {  	_ =	shalt  }
0x57: {  	_ =	shalt  }
0x58: {  	_ =	shalt  }
0x59: {  	_ =	shalt  }
0x5a: {  	_ =	shalt  }
0x5b: {  	_ =	shalt  }
0x5c: {  	_ =	shalt  }
0x5d: {  	_ =	shalt  }
0x5e: {  	_ =	shalt  }
0x5f: {  	_ =	shalt  }
0x60: {  	_ =	shalt  }
0x61: {  	_ =	shalt  }
0x62: {  	_ =	shalt  }
0x63: {  	_ =	shalt  }
0x64: {  	_ =	shalt  }
0x65: {  	_ =	shalt  }
0x66: {  	_ =	shalt  }
0x67: {  	_ =	shalt  }
0x68: {  	_ =	shalt  }
0x69: {  	_ =	shalt  }
0x6a: {  	_ =	shalt  }
0x6b: {  	_ =	shalt  }
0x6c: {  	_ =	shalt  }
0x6d: {  	_ =	shalt  }
0x6e: {  	_ =	shalt  }
0x6f: {  	_ =	shalt  }
0x70: {  	_ =	shalt  }
0x71: {  	_ =	shalt  }
0x72: {  	_ =	shalt  }
0x73: {  	_ =	shalt  }
0x74: {  	_ =	shalt  }
0x75: {  	_ =	shalt  }
0x76: {  	_ =	shalt  }
0x77: {  	_ =	shalt  }
0x78: {  	_ =	shalt  }
0x79: {  	_ =	shalt  }
0x7a: {  	_ =	shalt  }
0x7b: {  	_ =	shalt  }
0x7c: {  	_ =	shalt  }
0x7d: {  	_ =	shalt  }
0x7e: {  	_ =	shalt  }
0x7f: {  	_ =	shalt  }
0x80: {  	_ =	shalt  }
0x81: {  	_ =	shalt  }
0x82: {  	_ =	shalt  }
0x83: {  	_ =	shalt  }
0x84: {  	_ =	shalt  }
0x85: {  	_ =	shalt  }
0x86: {  	_ =	shalt  }
0x87: {  	_ =	shalt  }
.Lfunc_end0:
.L_simem_size_0:
called_computation.4_lowered:
.L_overlay_start_0:
0x88: {  	s0 =	sld [smem:$0x3FD9]  }
0x89: {  	s1 =	sld [smem:$0x3FFE];
	_ =	sdelay $0x3  }
0x8a: {  	s0 =	sadd.s32 s1, s0  }
0x8b: {  	[smem:$0x3FBE] =	sst s0  }
0x8c: {  	_ = 	snop  }
0x8d: {  	(tm) =	ssettm $0x1  }
0x8e: {  	s15 =	sld [smem:$0x3FFB];
	_ =	sdelay $0x3  }
0x8f: {  	_ =	strace s15  }
0x90: {  	s0 =	sld [smem:$0x3FFC];
	_ =	sdelay $0x3  }
0x91: {  	_ =	strace s0  }
0x92: {  	s0 =	sld [smem:$0x3FFD];
	_ =	sdelay $0x3  }
0x93: {  	_ =	strace s0  }
0x94: {  	_ =	strace $0x8FFFFFFF  }
0x95: {  	s16 =	sld [smem:$0x3FDB];
	_ =	sdelay $0x1  }
0x96: {  	s17 =	simm.s32 $_scs_section_size  }
0x97: {  	s2 =	simm.s32 $_size__tile_overlayer_lowered;
	s3 =	simm.s32 $_tile_overlayer_lowered  }
0x98: {  	s20 =	simm.s32 $0x1BFF;
	s19 =	sshll.u32 s3, $0x1;
	s0 =	sadd.s32 s17, s16  }
0x99: {  	s4 =	simm.s32 $0x0;
	s18 =	sshll.u32 s2, $0x1;
	s2 =	sadd.s32 s19, s0  }
0x9a: {  	[timem:s4], [sflag:s20] =	dma.local [hbm:s2], s18  }
0x9b: {  	_ =	swait.ge [sflag:s20], s18  }
0x9c: {  	s1 =	ssub.s32 $0x0, s18;
	[sflag:s20] =	ssyncset.done $0x0  }
0x9d: {  	[sflag:s20] =	ssyncadd.s32 s1;
	_ =	sdelay $0x1  }
0x9e: {  	s21 =	simm.s32 $0x1B8B  }
0x9f: {  	_ =	swait.ge [sflag:s21], $0x1  }
0xa0: {  	[sflag:s21] =	ssyncset.done $0x0  }
0xa1: {  	s23 =	simm.s32 $0x1B8E;
	s22 =	sld [smem:$0x3FFE];
	[sflag:s21] =	ssyncadd.s32 $0xFFFFFFFF  }
0xa2: {  	s24 =	simm.s32 $execute0_lowered;
	[smem:$0x3FD2] =	sst s23  }
0xa3: {  	s2 =	sshll.u32 s24, $0x1;
	_ =	strace $0x80000052;
	[dreg:$0x1] =	wrdreg $0xFFFFFFFF  }
0xa4: {  	s25 =	simm.s32 $_size_execute0_lowered;
	s0 =	sadd.s32 s0, s2;
	[dreg:$0x0] =	wrdreg $0x0  }
0xa5: {  	s2 =	sshll.u32 s25, $0x1;
	[dreg:$0x2] =	wrdreg s0  }
0xa6: {  	[dreg:$0x3] =	wrdreg s2  }
0xa7: {  	[dreg:$0x4] =	wrdreg $0xC0  }
0xa8: {  	_ =	task [dreg:s4], $0x5FFFF  }
0xa9: {  	[dreg:$0x1] =	wrdreg $0xFFFFFFFF  }
0xaa: {  	[dreg:$0x0] =	wrdreg $0x60  }
0xab: {  	[dreg:$0x2] =	wrdreg s22  }
0xac: {  	[dreg:$0x3] =	wrdreg $0x9  }
0xad: {  	_ =	task.clear_ibuf [dreg:s4], $0x4FFFF;
	_ =	strace $0x90000052  }
0xae: {  	s26 =	simm.s32 $0x9;
	_ =	strace $0x80000054  }
0xaf: {  	_ =	swait.ge [sflag:s26], $0x1  }
0xb0: {  	[sflag:s26] =	ssyncadd.s32 $0xFFFFFFFF  }
0xb1: {  	_ =	strace $0x90000054  }
0xb2: {  	_ =	sfence  }
0xb3: {  	s28 =	sld [smem:$0x0];
	_ =	sdelay $0x1  }
0xb4: {  	s29 =	srdreg.scid  }
0xb5: {  	s30 =	sshll.u32 s29, $0xD;
	s31 =	sshrl.u32 s29, $0x2  }
0xb6: {  	s1 =	sand.u32 $0x1, s29;
	s2 =	sand.u32 $0x4000, s30;
	s0 =	sadd.s32 s31, s28  }
0xb7: {  	s1 =	sor.u32 s2, s1;
	s0 =	sshll.u32 s0, $0x11  }
0xb8: {  	s0 =	sor.u32 s0, s1  }
0xb9: {  	s0 =	sadd.s32 $0x8F2B, s0  }
0xba: {  	[sflag:s0] =	ssyncadd.remote.s32 $0x1  }
0xbb: {  	_ =	sfence.sel $0xFFFF  }
0xbc: {  	[dreg:$0x0] =	wrdreg $0xFFFFFFFF;
	(pc) =	sbr.abs _section_cstart, $3  }
0xbd: {  	[dreg:$0x1] =	wrdreg $0xFFFFFFFF  }
0xbe: {  	_ =	task.clear_ibuf [dreg:s4], $0x2FFFF;
	_ =	strace $0x9FFFFFFF  }
0xbf: {  	(tm) =	ssettm $0x7FFFFFFF  }
tec
execute0_lowered:
.L_overlay_start_1:
0x0: {  	(tag) =	ssettag $0x1  }
0x1: {  	s0 =	rddreg [dreg:$0x0];
	_ =	strace $0x80000053;
	s3 =	simm.s32 $0x1  }
0x2: {  	v1 =	vimm.s32 $0xFFFFFFFF;
	[sflag:s3] =	ssyncpa.u1 $0x0  }
0x3: {  	[tilespmem:$0x10] =	vst v1  }
0x4: {  	v0 =	vimm.f32 $0.0e+00;
	[tilespmem:$0x20] =	vst v1  }
0x5: {  	[tilespmem:$0x30] =	vst v0  }
0x6: {  	s2 =	simm.s32 $0x2;
	s6 =	simm.s32 $0x7;
	s26 =	stileid.u32;
	[tilespmem:$0x40] =	vst v0  }
0x7: {  	s7 =	simm.s32 $0x8;
	s31 =	simm.s32 $0x9;
	s14 =	simm.s32 $0x0;
	[tilespmem:$0x50] =	vst v0  }
0x8: {  	s15 =	simm.s32 $0x100;
	s18 =	simm.s32 $0x10;
	s19 =	simm.s32 $0x12100;
	[tilespmem:$0x60] =	vst v1  }
0x9: {  	s20 =	simm.s32 $0xF;
	s21 =	simm.s32 $0x50;
	s22 =	simm.s32 $0x80FF;
	[tilespmem:$0x70] =	vst v1  }
0xa: {  	s23 =	simm.s32 $0x20;
	s24 =	simm.s32 $0x30;
	s25 =	simm.s32 $0x100FF;
	[tilespmem:$0x80] =	vst v1  }
0xb: {  	s30 =	simm.s32 $0x0;
	s29 =	simm.s32 $0x0;
	s1 =	sadd.s32 $0x11C00, s0;
	v1 =	vimm.s32 $0x0;
	[tilespmem:$0xB0] =	vst v0  }
.Ltmp0:
0xc: {  	s4 =	sadd.s32 $0x5C00, s0;
	s5 =	sadd.s32 $0x9C00, s0;
	[tilespmem:$0x90] =	vst v1;
	(pc) =	sbr.rel .LBB2_1-.Ltmp0, $4  }
0xd: {  	s8 =	sshll.u32 s26, $0xD;
	s10 =	sshll.u32 s26, $0x1;
	[tilespmem:$0xA0] =	vst v1;
	[sflag:s2] =	ssyncpa.u1 $0x0  }
0xe: {  	s12 =	sshllo.u32 s26, $0x1;
	s26 =	simm.s32 $0x80;
	[sflag:s6] =	ssyncpa.u1 $0x0  }
0xf: {  	vm0 =	vmmov $0xffff;
	v2 =	vlaneseq.u32;
	s9 =	sadd.s32 $0x2000, s8;
	s11 =	sor.u32 $0x81, s10;
	[sflag:s7] =	ssyncpa.u1 $0x0  }
0x10: {  	vm1 =	vmxor vm1, vm1;
	vm2 =	vmmov $0x1;
	vm3 =	vcmask $0x3F3C;
	s13 =	sor.u32 $0x80, s10;
	s28 =	smov.u32 s8;
	[sflag:s31] =	ssyncpa.u1 $0x0  }
.LBB2_3:
0x11: {  	s0 =	sshrl.u32 s28, $0x3  }
0x12: {  	s2 =	sand.u32 $0x7, s28;
	s0 =	sadd.s32 s4, s0  }
0x13: {  	[tilespmem:s15], [sflag:$0x7] =	stream.linear.gather [hbm4b:s0+s2], $0x2000, $0x38;
	[tilespmem:$0x12120] =	vst v63  }
.LBB2_4:
0x14: {  	s0 =	sadd.s32 $0x2000, s28  }
0x15: {  	s2 =	smov.u32 s8;
	s29 =	sadd.s32 $0x1, s29;
	p0 =	slt.s32 s0, s9  }
0x16: {  	s2 =	smov.u32 @p0 s0;
	p0 =	sne.s32 s29, $0x4  }
.Ltmp1:
0x17: {  	_ = 	snop;
	(pc) =	sbr.rel @!p0 .LBB2_13-.Ltmp1, $2  }
0x18: {  	_ =	sdelay $0x2  }
0x19: {  	s30 =	smov.u32 s28;
	s28 =	smov.u32 s2  }
.LBB2_1:
0x1a: {  	p0 =	sgt.s32 s29, $0x1  }
.Ltmp2:
0x1b: {  	_ = 	snop;
	(pc) =	sbr.rel @p0 .LBB2_11-.Ltmp2, $1  }
0x1c: {  	_ =	sdelay $0x3  }
0x1d: {  	p0 =	seq.s32 s29, $0x0  }
.Ltmp3:
0x1e: {  	_ = 	snop;
	(pc) =	sbr.rel @p0 .LBB2_3-.Ltmp3, $1  }
0x1f: {  	_ =	sdelay $0x3  }
0x20: {  	_ =	swait.ge [sflag:s6], $0x2000  }
0x21: {  	[sflag:s6] =	ssyncset.done $0x0  }
0x22: {  	[sflag:s6] =	ssyncadd.s32 $0xFFFFE000;
	(ifvalue) =	ssetifvalue $0xFFFFFFFF;
	v3 =	vld.msk [tilespmem:s15+$0x0 ss:$0x1], $0xffff;
	_ =	sdelay $0x4  }
0x23: {  	v4 =	vperm.xlane v3, v1  }
0x24: {  	vm4 =	vlt.u32 v3, $0x1000  }
0x25: {  	v3 =	vnsel vm4, $0xFFFFFFFE, v3;
	vm4 =	vlt.u32 v4, $0x1000  }
0x26: {  	[tilespmem:$0x70] =	vst v3;
	v3 =	vnsel vm4, $0xFFFFFFFE, v4  }
0x27: {  	s17 =	simm.s32 $0x20F0;
	[tilespmem:$0x80] =	vst v3  }
0x28: {  	v3 =	vld.msk [tilespmem:s17+$0x0 ss:$0x1], $0xffff;
	_ =	sdelay $0x4  }
0x29: {  	(xrf1) =	vunique.msk.u32 $0xffff, v3;
	_ =	sdelay $0xd  }
0x2a: {  	v4 =	vimm.s32 $0xFFFFFFFF;
	v5, _, _ =	vpop (xrf1)  }
0x2b: {  	vm5 =	vne.s32 v3, v4;
	vm4 =	veq.s32 v5, v2  }
0x2c: {  	vm6 =	vlt.u32 v3, $0x1000;
	vm4 =	vmand vm5, vm4  }
0x2d: {  	vm4 =	vmand vm6, vm4  }
0x2e: {  	v4 =	vnsel vm4, $0xFFFFFFFF, v3;
	_ =	sdelay $0x3  }
0x2f: {  	s0 =	simm.s32 $0x80F0;
	(ifvalue) =	ssetifvalue $0xFFFFFFFF  }
0x30: {  	v3 =	vperm.xlane v3, v1;
	[tilespmem:s0], [sflag:$0x8] =	stream.indirect_vreg.gather [hbm4b:s1+s14], $0x1, v4, vm0, $0x4038;
	v4 =	vnsel vm6, $0xFFFFFFFE, v4;
	[tilespmem:$0x12120] =	vst v63  }
0x31: {  	s2 =	simm.s32 $0x0;
	s16 =	simm.s32 $0x20E0;
	[tilespmem:s17+$0x0] =	vst v4  }
.LBB2_6:
0x32: {  	v4 =	vld.msk [tilespmem:s16+$0x0 ss:$0x1], $0xffff;
	s2 =	sadd.s32 $0x10, s2;
	v5 =	vmov v3;
	s17 =	smov.u32 s16  }
0x33: {  	p0 =	slt.u32 s2, $0x1FF0;
	_ =	sdelay $0x4  }
0x34: {  	v3 =	vperm.xlane v4, v1;
	(xrf1) =	vunique.msk.u32 $0xffff, v4;
	_ =	sdelay $0xd  }
0x35: {  	v6, _, _ =	vpop (xrf1)  }
0x36: {  	vm5 =	vne.s32 v4, v5;
	vm4 =	veq.s32 v6, v2  }
0x37: {  	vm6 =	vlt.u32 v4, $0x1000;
	vm4 =	vmand vm5, vm4  }
0x38: {  	vm4 =	vmand vm6, vm4  }
0x39: {  	v4 =	vnsel vm4, $0xFFFFFFFF, v4  }
.Ltmp4:
0x3a: {  	v5 =	vnsel vm6, $0xFFFFFFFE, v4;
	(pc) =	sbr.rel @p0 .LBB2_6-.Ltmp4, $3  }
0x3b: {  	_ =	sdelay $0x1  }
0x3c: {  	s16 =	sadd.s32 $0xFFFFFFF0, s16;
	s0 =	sadd.s32 $0xFFFFFFF0, s0;
	(ifvalue) =	ssetifvalue $0xFFFFFFFF  }
0x3d: {  	[tilespmem:s0], [sflag:$0x8] =	stream.indirect_vreg.gather [hbm4b:s1+s14], $0x1, v4, vm0, $0x4038;
	[tilespmem:s17+$0x0] =	vst v5  }
.Ltmp5:
0x3e: {  	(pc) =	sbr.rel .LBB2_4-.Ltmp5, $4  }
0x3f: {  	_ = 	snop  }
0x40: {  	s0 =	sshrl.u32 s30, $0x3  }
0x41: {  	s2 =	simm.s32 $0xA100;
	s0 =	sadd.s32 s5, s0  }
0x42: {  	[tilespmem:s2], [sflag:$0x8] =	stream.linear.gather [hbm:s0], $0x2000, $0x38;
	[tilespmem:$0x12120] =	vst v63  }
.LBB2_11:
0x43: {  	p0 =	seq.s32 s29, $0x2  }
.Ltmp6:
0x44: {  	_ = 	snop;
	(pc) =	sbr.rel @!p0 .LBB2_12-.Ltmp6, $1  }
0x45: {  	_ =	sdelay $0x3  }
0x46: {  	_ =	swait.ge [sflag:s7], $0x4000  }
0x47: {  	[sflag:s7] =	ssyncset.done $0x0  }
0x48: {  	s0 =	simm.s32 $0x20FF;
	[sflag:s7] =	ssyncadd.s32 $0xFFFFC000  }
0x49: {  	[spmem:s11] =	stream.linear.scatter [tilespmem:s0], [sflag:$0x1], $0x1, $0x38;
	[tilespmem:$0x12120] =	vst v63  }
0x4a: {  	_ =	swait.ge [sflag:s3], $0x1  }
0x4b: {  	[sflag:s3] =	ssyncset.done $0x0  }
0x4c: {  	[sflag:s3] =	ssyncadd.s32 $0xFFFFFFFF  }
0x4d: {  	v4 =	vld [tilespmem:$0x10]  }
0x4e: {  	v5 =	vld [tilespmem:$0x70]  }
0x4f: {  	v3 =	vld [tilespmem:$0x80];
	_ =	sdelay $0x2  }
0x50: {  	(v2sf) =	vpush v4, $0x0  }
0x51: {  	(v2sf) =	vpush v5, $0x0  }
0x52: {  	(v2sf) =	vpush v3, $0x0;
	_ =	sdelay $0xc  }
0x53: {  	s16 =	spop (v2sf)  }
0x54: {  	s2 =	spop (v2sf)  }
0x55: {  	s30 =	spop (v2sf)  }
0x56: {  	p0 =	seq.s32 s16, s2;
	p1 =	seq.s32 s30, s16  }
0x57: {  	p1 =	por p0, p1  }
0x58: {  	v4 =	vpsel p1, $0xFFFFFFFF, v4  }
0x59: {  	[tilespmem:s18+$0x0] =	vst.msk $0x1, v4  }
0x5a: {  	v4 =	vld [tilespmem:$0x30]  }
0x5b: {  	v5 =	vld [tilespmem:$0xA100]  }
0x5c: {  	v6 =	vld [tilespmem:$0x40];
	_ =	sdelay $0x3  }
0x5d: {  	vm4 =	vmmov vm1;
	v5 =	vadd.f32 v5, v4  }
0x5e: {  	vm5 =	vmmov vm2;
	s31 =	simm.s32 $0xA100;
	vm4 =	vmmov @p0 vm2;
	v4 =	vadd.f32 v6, v4  }
0x5f: {  	vm5 =	vmmov @p1 vm1;
	[tilespmem:s31+$0x0] =	vst.msk vm4, v5  }
0x60: {  	[tilespmem:s19+$0x0] =	vst.msk vm5, v4  }
0x61: {  	v4 =	vld [tilespmem:$0x80F0];
	_ =	sdelay $0x3  }
0x62: {  	v5 =	vimm.f32 $0.0e+00  }
0x63: {  	v4 =	vshift.insert v4, v5, s20;
	_ =	sdelay $0x1  }
0x64: {  	[tilespmem:s21+$0x0] =	vst.msk $0x1, v4  }
0x65: {  	[tilespmem:s22+$0x0] =	vst.msk $0x1, v5  }
0x66: {  	v4 =	vld [tilespmem:$0x20F0];
	_ =	sdelay $0x4  }
0x67: {  	v4 =	vshift.insert v4, v1, s20;
	_ =	sdelay $0x1  }
0x68: {  	[tilespmem:s23+$0x0] =	vst.msk $0x1, v4  }
0x69: {  	s17 =	simm.s32 $0x100;
	v6 =	vld [tilespmem:s31+$0x0]  }
0x6a: {  	v7 =	vld [tilespmem:s17+$0x0];
	_ =	sdelay $0x3  }
0x6b: {  	v5 =	vadd.f32 v6, v5  }
0x6c: {  	vm4 =	vne.s32 v7, $0xFFFFFFFF  }
0x6d: {  	(xrf2) =	vadd.seg.scan.f32 vm4, v5;
	_ =	sdelay $0x3  }
0x6e: {  	s0 =	simm.s32 $0x6100;
	v5 =	vperm.xlane v4, v1  }
0x6f: {  	v6 =	vld [tilespmem:s0+$0x0]  }
0x70: {  	vm5 =	veq.s32 v7, v3;
	vm6 =	veq.s32 v7, v5  }
0x71: {  	vm7 =	vgt.u32 v7, $0xFFFFFFFD;
	vm6 =	vmor vm6, vm5  }
0x72: {  	vm6 =	vmor vm6, vm7  }
0x73: {  	v9 =	vld [tilespmem:$0xA0];
	v7 =	vsel vm6, $0xFFFFFFFF, v7  }
0x74: {  	v10 =	vld [tilespmem:$0x90];
	v6 =	vsel vm5, $0x0, v6;
	v8, _, _ =	vpop (xrf2)  }
0x75: {  	v6 =	vadd.f32 v8, v6  }
0x76: {  	s2 =	simm.s32 $0xE100  }
0x77: {  	vm4 =	vmand vm4, vm3;
	[tilespmem:s2+$0x0] =	vst v6;
	(ifvalue) =	ssetifvalue $0xFFFFFFFF  }
0x78: {  	vm6 =	veq.s32 v9, $0x1;
	[hbm4b:s1+s14] =	stream.indirect_vreg.scatter [tilespmem:s2], [sflag:$0x2], $0x1, v7, vm0, $0x4038;
	v7 =	vsel vm4, $0x0, v8;
	[tilespmem:$0x12120] =	vst v63  }
0x79: {  	s16 =	simm.s32 $0x0;
	s17 =	simm.s32 $0x110;
	vm4 =	vmor vm6, vm5;
	v6 =	vsel vm5, v8, v10;
	v7 =	vshift.insert v7, v0, s20  }
.LBB2_9:
0x7a: {  	v8 =	vld [tilespmem:s17+$0x0];
	s31 =	sadd.s32 $0x10, s31  }
0x7b: {  	s0 =	sadd.s32 $0x10, s0;
	v9 =	vld [tilespmem:s31+$0x0]  }
0x7c: {  	s16 =	sadd.s32 $0x10, s16;
	v10 =	vld [tilespmem:s0+$0x0]  }
0x7d: {  	p0 =	slt.u32 s16, $0x1FF0;
	_ =	sdelay $0x2  }
0x7e: {  	v7 =	vadd.f32 v9, v7  }
0x7f: {  	vm5 =	vne.s32 v8, $0xFFFFFFFF  }
0x80: {  	vm6 =	vmand vm5, vm3;
	(xrf2) =	vadd.seg.scan.f32 vm5, v7;
	_ =	sdelay $0x5  }
0x81: {  	vm7 =	veq.s32 v8, v5;
	vm5 =	veq.s32 v8, v3  }
0x82: {  	vm8 =	vgt.u32 v8, $0xFFFFFFFD;
	vm4 =	vmor vm4, vm5;
	vm7 =	vmor vm7, vm5  }
0x83: {  	vm7 =	vmor vm7, vm8  }
0x84: {  	v8 =	vsel vm7, $0xFFFFFFFF, v8  }
.Ltmp7:
0x85: {  	v7 =	vsel vm5, $0x0, v10;
	v9, _, _ =	vpop (xrf2);
	(pc) =	sbr.rel @p0 .LBB2_9-.Ltmp7, $4  }
0x86: {  	v6 =	vsel vm5, v9, v6;
	v10 =	vadd.f32 v9, v7;
	v7 =	vsel vm6, $0x0, v9  }
0x87: {  	s2 =	sadd.s32 $0x10, s2;
	v7 =	vshift.insert v7, v0, s20  }
0x88: {  	s17 =	sadd.s32 $0x10, s17;
	[tilespmem:s2+$0x0] =	vst v10;
	(ifvalue) =	ssetifvalue $0xFFFFFFFF  }
0x89: {  	[hbm4b:s1+s14] =	stream.indirect_vreg.scatter [tilespmem:s2], [sflag:$0x2], $0x1, v8, vm0, $0x4038;
	[tilespmem:$0x12120] =	vst v63  }
0x8a: {  	v3 =	vld [tilespmem:$0x100F0];
	_ =	sdelay $0x4  }
0x8b: {  	v3 =	vshift.insert v3, v0, s20;
	_ =	sdelay $0x1  }
0x8c: {  	[tilespmem:s24+$0x0] =	vst.msk $0x1, v3  }
0x8d: {  	v3 =	vsel vm4, $0x1, v1;
	[tilespmem:$0x90] =	vst v6  }
0x8e: {  	[tilespmem:$0xA0] =	vst v3  }
0x8f: {  	[spmem:s12] =	stream.linear.scatter [tilespmem:s25], [sflag:$0x1], $0x1, $0x38;
	[tilespmem:$0x12120] =	vst v63  }
0x90: {  	v3 =	vmctz.xlane vm4;
	_ =	swait.ge [sflag:s3], $0x1  }
0x91: {  	(v2sf) =	vpush v4, $0x0  }
0x92: {  	(v2sf) =	vpush v3, $0x0;
	_ =	sdelay $0xd  }
0x93: {  	s0 =	spop (v2sf)  }
0x94: {  	s2 =	spop (v2sf)  }
0x95: {  	[sflag:s3] =	ssyncset.done $0x0;
	p0 =	sne.s32 s30, s0;
	p1 =	slt.s32 s2, $0xF  }
0x96: {  	[sflag:s3] =	ssyncadd.s32 $0xFFFFFFFF;
	v3 =	vimm.s32 @!p0 $0xFFFFFFFF;
	s2 =	simm.s32 @!p1 $0xF  }
0x97: {  	[tilespmem:$0x80] =	vst @!p0 v3;
	s31 =	sadd.s32 $0x90, s2  }
0x98: {  	[spmem:s10] =	stream.linear.scatter [tilespmem:s31], [sflag:$0x1], $0x1, $0x38;
	[tilespmem:$0x12120] =	vst v63  }
0x99: {  	_ =	swait.ge [sflag:s3], $0x1  }
0x9a: {  	[sflag:s3] =	ssyncset.done $0x0  }
0x9b: {  	[sflag:s3] =	ssyncadd.s32 $0xFFFFFFFF  }
0x9c: {  	[spmem:s13] =	stream.linear.scatter [tilespmem:s26], [sflag:$0x1], $0x1, $0x38;
	[tilespmem:$0x12120] =	vst v63  }
0x9d: {  	_ =	swait.ge [sflag:s3], $0x1  }
0x9e: {  	[sflag:s3] =	ssyncset.done $0x0  }
0x9f: {  	[sflag:s3] =	ssyncadd.s32 $0xFFFFFFFF;
	(ifvalue) =	ssetifvalue $0xFFFFFFFF;
	v3 =	vld [tilespmem:$0x10];
	_ =	sdelay $0x3  }
.Ltmp8:
0xa0: {  	_ = 	snop;
	(pc) =	sbr.rel .LBB2_4-.Ltmp8, $3  }
0xa1: {  	_ =	sdelay $0x1  }
0xa2: {  	(ifvalue) =	ssetifvalue $0xFFFFFFFF  }
0xa3: {  	[hbm4b:s1+s14] =	stream.indirect_vreg.scatter [tilespmem:s19], [sflag:$0x9], $0x1, v3, vm0, $0x4038;
	[tilespmem:$0x12120] =	vst v63  }
.LBB2_12:
0xa4: {  	s0 =	simm.s32 $0x2  }
0xa5: {  	_ =	swait.ge [sflag:s0], $0x2000  }
0xa6: {  	[sflag:s0] =	ssyncset.done $0x0  }
0xa7: {  	s31 =	simm.s32 $0x9;
	[sflag:s0] =	ssyncadd.s32 $0xFFFFE000  }
0xa8: {  	_ =	swait.ge [sflag:s31], $0x10  }
0xa9: {  	[sflag:s31] =	ssyncset.done $0x0  }
0xaa: {  	[sflag:s31] =	ssyncadd.s32 $0xFFFFFFF0  }
.LBB2_13:
0xab: {  	_ =	sfence.sel $0x180000  }
0xac: {  	s0 =	simm.s32 $0x7;
	[bflag:$0x0] =	sbarrier.arrive $0xFFFF  }
0xad: {  	s26 =	simm.s32 $0x8;
	[sflag:s0] =	ssyncpa.u1 $0x1  }
0xae: {  	s28 =	simm.s32 $0x9;
	[sflag:s26] =	ssyncpa.u1 $0x1  }
0xaf: {  	[sflag:s28] =	ssyncpa.u1 $0x1  }
0xb0: {  	_ =	sfence.stream.spmem  }
0xb1: {  	s29 =	simm.s32 $0x3;
	[bflag:$0x0] =	sbarrier.arrive $0xFFFF  }
0xb2: {  	s30 =	simm.s32 $0x4;
	[sflag:s29] =	ssyncpa.u1 $0x1  }
0xb3: {  	s31 =	simm.s32 $0x3C;
	s2 =	stileid.u32;
	[sflag:s30] =	ssyncpa.u1 $0x1  }
0xb4: {  	p0 =	sne.s32 s2, $0x0;
	[sflag:s31] =	ssyncpa.u1 $0x1  }
0xb5: {  	s0 =	simm.s32 @p0 $0x1;
	_ =	sfence @p0  }
0xb6: {  	[sflag:s0] =	ssyncpa.u1 @p0 $0x1;
	s0 =	simm.s32 @p0 $0x2  }
0xb7: {  	[sflag:s0] =	ssyncpa.u1 @p0 $0x1  }
0xb8: {  	_ =	strace @p0 $0x90000053  }
0xb9: {  	[bflag:$0x2] =	sbarrier.arrive @p0 $0xFFFF  }
0xba: {  	_ =	shalt @p0  }
.LBB2_14:
0xbb: {  	_ =	sfence.stream.spmem;
	s0 =	simm.s32 $0x5  }
0xbc: {  	s2 =	simm.s32 $0x80;
	s3 =	simm.s32 $0xC0;
	[sflag:s0] =	ssyncpa.u1 $0x0  }
0xbd: {  	[tilespmem:s3], [sflag:$0x5] =	stream.linear.gather [spmem:s2], $0x20, $0x38;
	[tilespmem:$0x12120] =	vst v63  }
0xbe: {  	s2 =	simm.s32 $0x0;
	s3 =	simm.s32 $0xE0  }
0xbf: {  	[tilespmem:s3], [sflag:$0x5] =	stream.linear.gather [spmem:s2], $0x20, $0x38;
	[tilespmem:$0x12120] =	vst v63  }
.Ltmp9:
0xc0: {  	_ = 	snop;
	(pc) =	sbr.rel .LBB2_15-.Ltmp9, $4  }
0xc1: {  	_ =	swait.ge [sflag:s0], $0x40  }
0xc2: {  	[sflag:s0] =	ssyncset.done $0x0  }
0xc3: {  	s31 =	simm.s32 $0x6;
	[sflag:s0] =	ssyncadd.s32 $0xFFFFFFC0  }
0xc4: {  	s4 =	simm.s32 $0x0;
	[sflag:s31] =	ssyncpa.u1 $0x0  }
.LBB2_20:
0xc5: {  	p0 =	sgt.u32 s0, $0xFFF  }
0xc6: {  	s5 =	sshrl.u32 @!p0 s0, $0x3  }
0xc7: {  	s0 =	sand.u32 @!p0 $0x7, s0;
	s6 =	simm.s32 @!p0 $0xB0;
	s5 =	sadd.s32 @!p0 s1, s5  }
0xc8: {  	[tilespmem:s6], [sflag:$0x6] =	stream.linear.gather @!p0 [hbm4b:s5+s0], $0x1, $0x38;
	[tilespmem:$0x12120] =	vst v63  }
0xc9: {  	s0 =	simm.s32 @!p0 $0x6  }
0xca: {  	_ =	swait.ge @!p0 [sflag:s0], $0x1  }
0xcb: {  	[sflag:s0] =	ssyncset.done @!p0 $0x0  }
0xcc: {  	[sflag:s0] =	ssyncadd.s32 @!p0 $0xFFFFFFFF  }
0xcd: {  	v2 =	vmov @!p0 s4;
	v1 =	vld.msk @!p0 [tilespmem:$0xB0], $0x1;
	_ =	sdelay $0x3  }
0xce: {  	s0 =	simm.s32 @!p0 $0xE0  }
0xcf: {  	[tilespmem:v2+s0+$0x0], v1 =	vst.idx.ret.add.f32.msk @!p0 $0x1, v1  }
0xd0: {  	[tilespmem:s2+$0xC0] =	vst.msk $0x1, v0  }
0xd1: {  	v0 =	vld.msk [tilespmem:s4+$0xE0], $0x1;
	_ =	sdelay $0x4  }
0xd2: {  	[tilespmem:s2+$0xE0] =	vst.msk $0x1, v0;
	s2 =	sadd.s32 $0x1, s2  }
.LBB2_22:
0xd3: {  	s4 =	sadd.s32 $0x1, s4  }
0xd4: {  	p0 =	sne.s32 s4, $0x20  }
.Ltmp10:
0xd5: {  	_ = 	snop;
	(pc) =	sbr.rel @!p0 .LBB2_23-.Ltmp10, $1  }
0xd6: {  	_ =	sdelay $0x3  }
.LBB2_15:
0xd7: {  	v0 =	vld.msk [tilespmem:s4+$0xC0], $0x1;
	_ =	sdelay $0x4  }
0xd8: {  	(v2sf) =	vpush v0, $0x0;
	_ =	sdelay $0xe  }
0xd9: {  	s0 =	spop (v2sf)  }
0xda: {  	p0 =	seq.s32 s0, $0xFFFFFFFF  }
.Ltmp11:
0xdb: {  	_ = 	snop;
	(pc) =	sbr.rel @p0 .LBB2_22-.Ltmp11, $1  }
0xdc: {  	_ =	sdelay $0x3  }
0xdd: {  	p0 =	slt.s32 s2, $0x1  }
.Ltmp12:
0xde: {  	_ = 	snop;
	(pc) =	sbr.rel @p0 .LBB2_20-.Ltmp12, $1  }
0xdf: {  	_ =	sdelay $0x3  }
0xe0: {  	s5 =	simm.s32 $0xC0;
	p0 =	por $0x0, $0x0  }
0xe1: {  	v1 =	vld.msk @!p0 [tilespmem:s5+$0x0], $0x1;
	_ =	sdelay $0x4  }
0xe2: {  	(v2sf) =	vpush @!p0 v1, $0x0;
	_ =	sdelay $0xd  }
0xe3: {  	p2 =	sne.s32 s2, $0x1  }
.Ltmp13:
0xe4: {  	s6 =	spop @!p0 (v2sf);
	(pc) =	sbr.rel @!p2 .LBB2_19-.Ltmp13, $4  }
0xe5: {  	p1 =	seq.s32 @!p0 s0, s6  }
0xe6: {  	s6 =	simm.s32 $0x0;
	p1 =	por !p1, p0  }
0xe7: {  	s8 =	simm.s32 $0xFFFFFFFF;
	s6 =	simm.s32 @p1 $0xFFFFFFFF  }
0xe8: {  	s7 =	simm.s32 $0x1;
	s6 =	smov.u32 @p0 s8  }
.LBB2_18:
0xe9: {  	s8 =	smov.u32 s6;
	p0 =	sne.s32 s6, $0xFFFFFFFF  }
0xea: {  	s5 =	sadd.s32 $0x1, s5;
	s6 =	smov.u32 s7;
	s7 =	sadd.s32 $0x1, s7  }
0xeb: {  	p1 =	sne.s32 s2, s7;
	v1 =	vld.msk @!p0 [tilespmem:s5+$0x0], $0x1;
	_ =	sdelay $0x4  }
0xec: {  	(v2sf) =	vpush @!p0 v1, $0x0;
	_ =	sdelay $0xe  }
.Ltmp14:
0xed: {  	s9 =	spop @!p0 (v2sf);
	(pc) =	sbr.rel @p1 .LBB2_18-.Ltmp14, $4  }
0xee: {  	p2 =	seq.s32 @!p0 s0, s9  }
0xef: {  	p2 =	por !p2, p0  }
0xf0: {  	s6 =	simm.s32 @p2 $0xFFFFFFFF  }
0xf1: {  	s6 =	smov.u32 @p0 s8  }
.LBB2_19:
0xf2: {  	p0 =	sne.s32 s6, $0xFFFFFFFF  }
.Ltmp15:
0xf3: {  	_ = 	snop;
	(pc) =	sbr.rel @!p0 .LBB2_20-.Ltmp15, $1  }
0xf4: {  	_ =	sdelay $0x3  }
0xf5: {  	v0 =	vld.msk [tilespmem:s4+$0xE0], $0x1;
	v1 =	vmov s6  }
.Ltmp16:
0xf6: {  	_ = 	snop;
	(pc) =	sbr.rel .LBB2_22-.Ltmp16, $2  }
0xf7: {  	_ =	sdelay $0x2  }
0xf8: {  	[tilespmem:v1+s3+$0x0], v0 =	vst.idx.ret.add.f32.msk $0x1, v0  }
.LBB2_23:
0xf9: {  	p0 =	slt.s32 s2, $0x1  }
.Ltmp17:
0xfa: {  	_ = 	snop;
	(pc) =	sbr.rel @p0 .LBB2_27-.Ltmp17, $3  }
0xfb: {  	_ =	sdelay $0x1  }
0xfc: {  	s0 =	simm.s32 $0x6  }
0xfd: {  	[sflag:s0] =	ssyncpa.u1 $0x1;
	s0 =	simm.s32 $0x0  }
0xfe: {  	s3 =	simm.s32 $0xC0  }
0xff: {  	v0 =	vld.msk [tilespmem:s3+$0x0], $0x1;
	_ =	sdelay $0x4  }
0x100: {  	(v2sf) =	vpush v0, $0x0;
	_ =	sdelay $0xe  }
0x101: {  	s2 =	sadd.s32 $0xFFFFFFFF, s2;
	s4 =	spop (v2sf)  }
0x102: {  	p1 =	sne.s32 s2, $0x0;
	p0 =	sgt.u32 s4, $0xFFF  }
.Ltmp18:
0x103: {  	s5 =	sshrl.u32 @!p0 s4, $0x3;
	(pc) =	sbr.rel @!p1 .LBB2_26-.Ltmp18, $4  }
0x104: {  	s3 =	simm.s32 $0xE0;
	s4 =	sand.u32 @!p0 $0x7, s4;
	s5 =	sadd.s32 @!p0 s1, s5  }
0x105: {  	[hbm4b:s5+s4] =	stream.linear.scatter @!p0 [tilespmem:s3], [sflag:$0x5], $0x1, $0x38;
	[tilespmem:$0x12120] =	vst v63  }
0x106: {  	s5 =	simm.s32 $0x0  }
0x107: {  	s4 =	simm.s32 $0xC1;
	s5 =	simm.s32 @!p0 $0x4  }
.LBB2_25:
0x108: {  	v0 =	vld.msk [tilespmem:s4+$0x0], $0x1;
	s2 =	sadd.s32 $0xFFFFFFFF, s2;
	s0 =	sadd.s32 s0, s5  }
0x109: {  	p0 =	sne.s32 s2, $0x0;
	_ =	sdelay $0x3  }
0x10a: {  	(v2sf) =	vpush v0, $0x0;
	_ =	sdelay $0xe  }
.Ltmp19:
0x10b: {  	s6 =	spop (v2sf);
	(pc) =	sbr.rel @p0 .LBB2_25-.Ltmp19, $4  }
0x10c: {  	s5 =	simm.s32 $0x0;
	p1 =	sgt.u32 s6, $0xFFF  }
0x10d: {  	s3 =	sadd.s32 $0x1, s3;
	s5 =	simm.s32 @!p1 $0x4;
	s7 =	sshrl.u32 @!p1 s6, $0x3  }
0x10e: {  	s4 =	sadd.s32 $0x1, s4;
	s6 =	sand.u32 @!p1 $0x7, s6;
	s7 =	sadd.s32 @!p1 s1, s7  }
0x10f: {  	[hbm4b:s7+s6] =	stream.linear.scatter @!p1 [tilespmem:s3], [sflag:$0x5], $0x1, $0x38;
	[tilespmem:$0x12120] =	vst v63  }
.LBB2_26:
0x110: {  	s0 =	sadd.s32 s0, s5  }
0x111: {  	s0 =	sshrl.u32 s0, $0x2  }
.LBB2_27:
0x112: {  	s1 =	simm.s32 $0x5  }
0x113: {  	_ =	swait.ge [sflag:s1], s0  }
0x114: {  	s28 =	ssub.s32 $0x0, s0;
	[sflag:s1] =	ssyncset.done $0x0  }
0x115: {  	[sflag:s1] =	ssyncadd.s32 s28  }
0x116: {  	[sflag:s1] =	ssyncpa.u1 $0x1  }
0x117: {  	s29 =	simm.s32 $0x1;
	_ =	sfence  }
0x118: {  	s30 =	simm.s32 $0x2;
	[sflag:s29] =	ssyncpa.u1 $0x1  }
0x119: {  	[sflag:s30] =	ssyncpa.u1 $0x1  }
0x11a: {  	_ =	strace $0x90000053  }
0x11b: {  	[bflag:$0x2] =	sbarrier.arrive $0xFFFF  }
0x11c: {  	s31 =	rddreg [dreg:$0x1]  }
0x11d: {  	s0 =	sadd.s32 $0x100000, s31  }
0x11e: {  	[sflag:s0] =	ssyncadd.tile.s32 $0x1;
	_ =	shalt  }
.Lfunc_end2:
_tile_overlayer_lowered:
.L_overlay_start_2:
0x11f: {  	(tag) =	ssettag $0x2  }
0x120: {  	s0 =	rddreg [dreg:$0x0];
	s2 =	stileid.u32  }
0x121: {  	s1 =	rddreg [dreg:$0x1];
	p0 =	sne.s32 s2, $0x0  }
0x122: {  	s3 =	rddreg [dreg:$0x2];
	[bflag:$0x3] =	sbarrier.arrive $0xFFFF;
	s2 =	simm.s32 @!p0 $0x1C01  }
0x123: {  	[timem:s3], [sflag:s2] =	dma.local @!p0 [hbm:s0], s1  }
0x124: {  	s0 =	simm.s32 @!p0 $0x1  }
0x125: {  	_ =	swait.ge @!p0 [sflag:s0], s1  }
0x126: {  	s1 =	ssub.s32 @!p0 $0x0, s1;
	[sflag:s0] =	ssyncset.done @!p0 $0x0  }
0x127: {  	[sflag:s0] =	ssyncadd.s32 @!p0 s1  }
0x128: {  	[bflag:$0x3] =	sbarrier.arrive $0xFFFF  }
0x129: {  	_ =	shalt  }

// kernel: scatter_offload_async_start
scs
__scs_entry_jumppad:
0x0: {  	(pc) =	sbr.rel $0x88, $3  }
0x1: {  	(tag) =	ssettag $0x0;
	lr =	simm.s32 $0x1  }
0x2: {  	[smem:$0x3F97] =	sst lr;
	_ =	strace $0xD0000000  }
0x3: {  	_ = 	snop  }
0x4: {  	_ = 	snop  }
0x5: {  	_ = 	snop  }
0x6: {  	_ = 	snop  }
0x7: {  	_ = 	snop  }
__scs_overlays_trampoline_lowered:
0x8: {  	[smem:$0x3FA6] =	sst s0  }
0x9: {  	[smem:$0x3FA7] =	sst s1  }
0xa: {  	[smem:$0x3FA8] =	sst s2  }
0xb: {  	[smem:$0x3FA9] =	sst s3  }
0xc: {  	[smem:$0x3FAA] =	sst s4  }
0xd: {  	[smem:$0x3FAB] =	sst s5  }
0xe: {  	[smem:$0x3FAC] =	sst s6  }
0xf: {  	[smem:$0x3FAD] =	sst s7  }
0x10: {  	[smem:$0x3FAE] =	sst s8  }
0x11: {  	[smem:$0x3FAF] =	sst s9;
	s0 =	simm.s32 @!p0 $0x0  }
0x12: {  	s1 =	sld [smem:$0x3F95];
	s0 =	simm.s32 @p0 $0x1  }
0x13: {  	[smem:$0x3FB0] =	sst s0;
	s0 =	simm.s32 @!p1 $0x0  }
0x14: {  	s2 =	sld [smem:$0x3F94];
	s0 =	simm.s32 @p1 $0x1  }
0x15: {  	[smem:$0x3FB1] =	sst s0;
	s0 =	simm.s32 @!p2 $0x0  }
0x16: {  	s3 =	sld [smem:$0x3FDB];
	s0 =	simm.s32 @p2 $0x1  }
0x17: {  	s4 =	simm.s32 $0x1BF5;
	[smem:$0x3FB3] =	sst s0  }
0x18: {  	s0 =	sld [smem:$0x3F96];
	_ =	swait.ge [sflag:s4], $0x0  }
0x19: {  	s7 =	sld [smem:$0x3F97]  }
0x1a: {  	s8 =	sadd.s32 $0xFFFFE003, lr  }
0x1b: {  	s9 =	sadd.s32 $0xFFFFFEF7, lr;
	s5 =	simm.s32 $0xFFFFFFFF;
	p2 =	slt.u32 s8, $0xFFFFF086  }
0x1c: {  	p1 =	slt.u32 s9, $0xF7A;
	s5 =	simm.s32 @!p2 $0x0  }
0x1d: {  	s5 =	simm.s32 @p1 $0x1;
	p0 =	seq.s32 s7, s2  }
0x1e: {  	s7 =	smul.u32 @!p0 $0xF7A, s2;
	p2 =	seq.s32 @!p0 s5, $0x0  }
0x1f: {  	s9 =	smul.u32 $0xF7A, s1;
	s8 =	simm.s32 @!p0 $0x1BF5;
	p2 =	por !p2, p0  }
0x20: {  	[sflag:s8] =	ssyncset.s32 @!p0 $0xFFFFF086;
	s6 =	sadd.s32 @!p0 s3, s7;
	s7 =	simm.s32 @!p0 $0x108  }
0x21: {  	s3 =	sadd.s32 s3, s9;
	s6 =	sadd.s32 @!p0 $0x88, s6;
	s7 =	simm.s32 @p2 $0x1082  }
0x22: {  	[simem:s7], [sflag:s8] =	dma.local @!p0 [hbm:s6], $0xF7A  }
0x23: {  	s9 =	sor.u32 $0xD0000000, s2;
	s6 =	simm.s32 $0x108;
	_ =	swait.ge @!p0 [sflag:s8], $0x0  }
0x24: {  	s3 =	sadd.s32 $0x88, s3;
	s6 =	simm.s32 @!p1 $0x1082;
	[sflag:s4] =	ssyncset.s32 $0xFFFFF086  }
0x25: {  	[simem:s6], [sflag:s4] =	dma.local [hbm:s3], $0xF7A  }
0x26: {  	[smem:$0x3F97] =	sst s1;
	(tag) =	ssettag s2;
	_ =	strace s9  }
0x27: {  	s1 =	sld [smem:$0x3FA7]  }
0x28: {  	s2 =	sld [smem:$0x3FA8]  }
0x29: {  	s4 =	sld [smem:$0x3FAA]  }
0x2a: {  	p0 =	seq.s32 s5, $0x0;
	s5 =	sld [smem:$0x3FAB]  }
0x2b: {  	s6 =	sld [smem:$0x3FAC]  }
0x2c: {  	s7 =	sld [smem:$0x3FAD]  }
0x2d: {  	s3 =	simm.s32 $0x108;
	s8 =	sld [smem:$0x3FAE]  }
0x2e: {  	s3 =	simm.s32 @!p0 $0x1082;
	s9 =	sld [smem:$0x3FAF]  }
0x2f: {  	lr =	sadd.s32 s0, s3;
	s0 =	sld [smem:$0x3FA6]  }
0x30: {  	s3 =	sld [smem:$0x3FA9]  }
0x31: {  	[smem:$0x3FB2] =	sst s10  }
0x32: {  	s10 =	sld [smem:$0x3FB0];
	_ =	sdelay $0x3  }
0x33: {  	p0 =	seq.s32 s10, $0x1;
	s10 =	sld [smem:$0x3FB2];
	_ =	sdelay $0x3  }
0x34: {  	[smem:$0x3FB2] =	sst s10  }
0x35: {  	s10 =	sld [smem:$0x3FB1];
	_ =	sdelay $0x3  }
0x36: {  	p1 =	seq.s32 s10, $0x1;
	s10 =	sld [smem:$0x3FB2];
	_ =	sdelay $0x3  }
0x37: {  	[smem:$0x3FB2] =	sst s10  }
0x38: {  	s10 =	sld [smem:$0x3FB3]  }
0x39: {  	_ = 	snop;
	(pc) =	sbr.ind lr, $3  }
0x3a: {  	_ = 	snop  }
0x3b: {  	_ = 	snop  }
0x3c: {  	p2 =	seq.s32 s10, $0x1;
	s10 =	sld [smem:$0x3FB2]  }
0x3d: {  	_ =	shalt  }
0x3e: {  	_ =	shalt  }
0x3f: {  	_ =	shalt  }
0x40: {  	_ =	shalt  }
0x41: {  	_ =	shalt  }
0x42: {  	_ =	shalt  }
0x43: {  	_ =	shalt  }
0x44: {  	_ =	shalt  }
0x45: {  	_ =	shalt  }
0x46: {  	_ =	shalt  }
0x47: {  	_ =	shalt  }
0x48: {  	_ =	shalt  }
0x49: {  	_ =	shalt  }
0x4a: {  	_ =	shalt  }
0x4b: {  	_ =	shalt  }
0x4c: {  	_ =	shalt  }
0x4d: {  	_ =	shalt  }
0x4e: {  	_ =	shalt  }
0x4f: {  	_ =	shalt  }
0x50: {  	_ =	shalt  }
0x51: {  	_ =	shalt  }
0x52: {  	_ =	shalt  }
0x53: {  	_ =	shalt  }
0x54: {  	_ =	shalt  }
0x55: {  	_ =	shalt  }
0x56: {  	_ =	shalt  }
0x57: {  	_ =	shalt  }
0x58: {  	_ =	shalt  }
0x59: {  	_ =	shalt  }
0x5a: {  	_ =	shalt  }
0x5b: {  	_ =	shalt  }
0x5c: {  	_ =	shalt  }
0x5d: {  	_ =	shalt  }
0x5e: {  	_ =	shalt  }
0x5f: {  	_ =	shalt  }
0x60: {  	_ =	shalt  }
0x61: {  	_ =	shalt  }
0x62: {  	_ =	shalt  }
0x63: {  	_ =	shalt  }
0x64: {  	_ =	shalt  }
0x65: {  	_ =	shalt  }
0x66: {  	_ =	shalt  }
0x67: {  	_ =	shalt  }
0x68: {  	_ =	shalt  }
0x69: {  	_ =	shalt  }
0x6a: {  	_ =	shalt  }
0x6b: {  	_ =	shalt  }
0x6c: {  	_ =	shalt  }
0x6d: {  	_ =	shalt  }
0x6e: {  	_ =	shalt  }
0x6f: {  	_ =	shalt  }
0x70: {  	_ =	shalt  }
0x71: {  	_ =	shalt  }
0x72: {  	_ =	shalt  }
0x73: {  	_ =	shalt  }
0x74: {  	_ =	shalt  }
0x75: {  	_ =	shalt  }
0x76: {  	_ =	shalt  }
0x77: {  	_ =	shalt  }
0x78: {  	_ =	shalt  }
0x79: {  	_ =	shalt  }
0x7a: {  	_ =	shalt  }
0x7b: {  	_ =	shalt  }
0x7c: {  	_ =	shalt  }
0x7d: {  	_ =	shalt  }
0x7e: {  	_ =	shalt  }
0x7f: {  	_ =	shalt  }
0x80: {  	_ =	shalt  }
0x81: {  	_ =	shalt  }
0x82: {  	_ =	shalt  }
0x83: {  	_ =	shalt  }
0x84: {  	_ =	shalt  }
0x85: {  	_ =	shalt  }
0x86: {  	_ =	shalt  }
0x87: {  	_ =	shalt  }
.Lfunc_end0:
.L_simem_size_0:
called_computation_lowered:
.L_overlay_start_0:
0x88: {  	s2 =	sld [smem:$0x3FD9]  }
0x89: {  	s3 =	sld [smem:$0x3FFE];
	_ =	sdelay $0x1  }
0x8a: {  	s1 =	srdreg.scid  }
0x8b: {  	s0 =	sand.u32 $0x1, s1  }
0x8c: {  	s15 =	sshll.u32 s0, $0xA;
	s2 =	sadd.s32 s3, s2  }
0x8d: {  	s2 =	sadd.s32 s2, s15  }
0x8e: {  	[smem:$0x3FBE] =	sst s2  }
0x8f: {  	_ = 	snop  }
0x90: {  	s16 =	sld [smem:$0x3FD0];
	(tm) =	ssettm $0x1  }
0x91: {  	s17 =	sld [smem:$0x3FFB];
	_ =	sdelay $0x3  }
0x92: {  	_ =	strace s17  }
0x93: {  	s2 =	sld [smem:$0x3FFC];
	_ =	sdelay $0x3  }
0x94: {  	_ =	strace s2  }
0x95: {  	s2 =	sld [smem:$0x3FFD];
	_ =	sdelay $0x3  }
0x96: {  	_ =	strace s2  }
0x97: {  	_ =	strace $0x8FFFFFFF  }
0x98: {  	s18 =	sld [smem:$0x3FDB];
	_ =	sdelay $0x1  }
0x99: {  	s4 =	simm.s32 $_scs_section_size  }
0x9a: {  	s5 =	simm.s32 $_size__tile_overlayer_lowered;
	s6 =	simm.s32 $_tile_overlayer_lowered  }
0x9b: {  	s7 =	simm.s32 $0x1BFF;
	s19 =	sshll.u32 s6, $0x1;
	s4 =	sadd.s32 s4, s18  }
0x9c: {  	s20 =	simm.s32 $0x0;
	s5 =	sshll.u32 s5, $0x1;
	s6 =	sadd.s32 s19, s4  }
0x9d: {  	[timem:s20], [sflag:s7] =	dma.local [hbm:s6], s5  }
0x9e: {  	_ =	swait.ge [sflag:s7], s5  }
0x9f: {  	s5 =	ssub.s32 $0x0, s5;
	[sflag:s7] =	ssyncset.done $0x0  }
0xa0: {  	[sflag:s7] =	ssyncadd.s32 s5;
	_ =	sdelay $0x1  }
0xa1: {  	s21 =	simm.s32 $0x1B8B  }
0xa2: {  	_ =	swait.ge [sflag:s21], $0x1  }
0xa3: {  	[sflag:s21] =	ssyncset.done $0x0  }
0xa4: {  	s22 =	sld [smem:$0x3FFE];
	[sflag:s21] =	ssyncadd.s32 $0xFFFFFFFF  }
0xa5: {  	s24 =	simm.s32 $0x1B8E;
	s23 =	sld [smem:$0x0]  }
0xa6: {  	s25 =	simm.s32 $execute0_lowered;
	[smem:$0x3FD2] =	sst s24  }
0xa7: {  	s7 =	sshll.u32 s25, $0x1;
	_ =	strace $0x8000004C;
	[dreg:$0x1] =	wrdreg $0xFFFFFFFF  }
0xa8: {  	s8 =	simm.s32 $_size_execute0_lowered;
	s7 =	sadd.s32 s4, s7;
	[dreg:$0x0] =	wrdreg $0x0  }
0xa9: {  	s8 =	sshll.u32 s8, $0x1;
	[dreg:$0x2] =	wrdreg s7  }
0xaa: {  	[dreg:$0x3] =	wrdreg s8  }
0xab: {  	[dreg:$0x4] =	wrdreg $0xC0  }
0xac: {  	s26 =	simm.s32 $execute1_lowered;
	_ =	task [dreg:s20], $0x5FFFF  }
0xad: {  	s7 =	sshll.u32 s26, $0x1;
	[dreg:$0x1] =	wrdreg $0xFFFFFFFF  }
0xae: {  	s4 =	sadd.s32 s4, s7;
	[dreg:$0x0] =	wrdreg $0x60  }
0xaf: {  	[dreg:$0x2] =	wrdreg s4  }
0xb0: {  	[dreg:$0x3] =	wrdreg s16  }
0xb1: {  	[dreg:$0x4] =	wrdreg s22  }
0xb2: {  	[dreg:$0x5] =	wrdreg $0x9  }
0xb3: {  	_ =	task.clear_ibuf [dreg:s20], $0x6FFFF;
	_ =	strace $0x9000004C  }
0xb4: {  	s28 =	simm.s32 $0x9;
	_ =	strace $0x8000004E  }
0xb5: {  	_ =	swait.ge [sflag:s28], $0x1  }
0xb6: {  	[sflag:s28] =	ssyncadd.s32 $0xFFFFFFFF  }
0xb7: {  	_ =	strace $0x9000004E  }
0xb8: {  	s3 =	sld [smem:$0x0]  }
0xb9: {  	s4 =	sand.u32 $0xFFFFFFFE, s1  }
0xba: {  	p0 =	sne.s32 s1, s4  }
0xbb: {  	s4 =	sshll.u32 @p0 s4, $0xE  }
0xbc: {  	s4 =	sadd.s32 @p0 $0x11BF3, s4;
	s7 =	sshll.u32 @p0 s3, $0x11  }
0xbd: {  	s4 =	sor.u32 @p0 s7, s4  }
0xbe: {  	[sflag:s4] =	ssyncadd.remote.s32 @p0 $0x1;
	_ =	sdelay $0x1  }
0xbf: {  	s4 =	simm.s32 @p0 $0x1BF3  }
0xc0: {  	_ =	swait.eq @p0 [sflag:s4], $0x1  }
0xc1: {  	[sflag:s4] =	ssyncadd.s32 @p0 $0xFFFFFFFF  }
0xc2: {  	s7 =	sshll.u32 @!p0 s1, $0xE  }
0xc3: {  	s7 =	sor.u32 @!p0 $0x4000, s7;
	s4 =	simm.s32 @!p0 $0x1BF3  }
0xc4: {  	s3 =	sshll.u32 @!p0 s3, $0x11;
	s7 =	sadd.s32 @!p0 $0x11BF3, s7;
	_ =	swait.eq @!p0 [sflag:s4], $0x1  }
0xc5: {  	s3 =	sor.u32 @!p0 s3, s7;
	[sflag:s4] =	ssyncadd.s32 @!p0 $0xFFFFFFFF  }
0xc6: {  	[sflag:s3] =	ssyncadd.remote.s32 @!p0 $0x1  }
0xc7: {  	_ =	strace $0x8000004F;
	[dreg:$0x1] =	wrdreg $0xFFFFFFFF  }
0xc8: {  	[dreg:$0x0] =	wrdreg $0x2030  }
0xc9: {  	[dreg:$0x2] =	wrdreg s22  }
0xca: {  	[dreg:$0x3] =	wrdreg s1  }
0xcb: {  	[dreg:$0x4] =	wrdreg s23  }
0xcc: {  	[dreg:$0x5] =	wrdreg $0xA  }
0xcd: {  	_ =	task.clear_ibuf [dreg:s20], $0x6FFFF;
	_ =	strace $0x9000004F  }
0xce: {  	s29 =	simm.s32 $0xA;
	_ =	strace $0x80000051  }
0xcf: {  	_ =	swait.ge [sflag:s29], $0x1  }
0xd0: {  	[sflag:s29] =	ssyncadd.s32 $0xFFFFFFFF  }
0xd1: {  	_ =	strace $0x90000051  }
0xd2: {  	_ =	sfence  }
0xd3: {  	s30 =	sld [smem:$0x0];
	_ =	sdelay $0x2  }
0xd4: {  	s31 =	sshll.u32 s1, $0xD;
	s1 =	sshrl.u32 s1, $0x2  }
0xd5: {  	s4 =	sand.u32 $0x4000, s31;
	s1 =	sadd.s32 s1, s30  }
0xd6: {  	s0 =	sor.u32 s4, s0;
	s1 =	sshll.u32 s1, $0x11  }
0xd7: {  	s0 =	sor.u32 s1, s0  }
0xd8: {  	s0 =	sadd.s32 $0x8F2B, s0  }
0xd9: {  	[sflag:s0] =	ssyncadd.remote.s32 $0x1  }
0xda: {  	_ =	sfence.sel $0xFFFF  }
0xdb: {  	[dreg:$0x0] =	wrdreg $0xFFFFFFFF;
	(pc) =	sbr.abs _section_cstart, $3  }
0xdc: {  	[dreg:$0x1] =	wrdreg $0xFFFFFFFF  }
0xdd: {  	_ =	task.clear_ibuf [dreg:s20], $0x2FFFF;
	_ =	strace $0x9FFFFFFF  }
0xde: {  	(tm) =	ssettm $0x7FFFFFFF  }
0xdf: {  	_ =	shalt  }
tec
execute0_lowered:
.L_overlay_start_1:
0x0: {  	(tag) =	ssettag $0x1  }
0x1: {  	s3 =	rddreg [dreg:$0x0]  }
0x2: {  	s2 =	rddreg [dreg:$0x1]  }
0x3: {  	s6 =	rddreg [dreg:$0x2]  }
0x4: {  	s4 =	stileid.u32;
	[bflag:$0x3] =	sbarrier.arrive $0xFFFF;
	s1 =	simm.s32 $_size_execute1_lowered  }
0x5: {  	s29 =	srdreg.scid;
	p0 =	sne.s32 s4, $0x0;
	s0 =	sshll.u32 s1, $0x1  }
0x6: {  	s5 =	simm.s32 @!p0 $0x1C3F;
	s7 =	simm.s32 @!p0 $0x4060;
	[dreg:$0x4] =	wrdreg s0  }
0x7: {  	[timem:s7], [sflag:s5] =	dma.local @!p0 [hbm:s3], s0  }
0x8: {  	s3 =	sshll.u32 s29, $0x6  }
0x9: {  	s4 =	sshll.u32 s4, $0x7;
	s3 =	sand.u32 $0x40, s3  }
0xa: {  	s3 =	sor.u32 s4, s3  }
0xb: {  	s8 =	simm.s32 $0x2;
	s11 =	simm.s32 $0x0;
	s30 =	ssub.s32 $0x1000, s3  }
.Ltmp0:
0xc: {  	s10 =	simm.s32 $0x0;
	s31 =	sand.u32 $0x7C0, s30;
	(pc) =	sbr.rel .LBB2_1-.Ltmp0, $4  }
0xd: {  	s7 =	simm.s32 $0x1;
	_ =	strace $0x8000004D;
	p1 =	sne.s32 s31, $0x0  }
0xe: {  	s4 =	simm.s32 $0x1;
	s5 =	sshrl.u32 s30, $0xB;
	s7 =	simm.s32 @!p1 $0x0  }
0xf: {  	s6 =	sadd.s32 $0x44E000, s6;
	[sflag:s4] =	ssyncpa.u1 $0x0;
	s5 =	sadd.s32 s7, s5  }
0x10: {  	s9 =	smov.u32 s3;
	[sflag:s8] =	ssyncpa.u1 $0x0;
	s7 =	sadd.s32 $0x1, s5  }
.LBB2_4:
0x11: {  	_ =	sdelay $0x3  }
0x12: {  	[tilespmem:v1+s22+$0x0 ss:$0x1] =	vst.idx.msk $0xffff, v7  }
0x13: {  	s0 =	sor.u32 s24, s23;
	v46 =	vld.idx.msk [tilespmem:v0+s14+$0x0 ss:$0x1], $0xffff;
	[tilespmem:v1+s20+$0x0 ss:$0x1] =	vst.idx.msk $0xffff, v6  }
0x14: {  	v47 =	vld.idx.msk [tilespmem:v0+s13+$0x0 ss:$0x1], $0xffff;
	[tilespmem:v1+s15+$0x0 ss:$0x1] =	vst.idx.msk $0xffff, v4;
	s29 =	sor.u32 $0x410, s0  }
0x15: {  	[tilespmem:v1+s19+$0x0 ss:$0x1] =	vst.idx.msk $0xffff, v3;
	s22 =	sor.u32 $0x420, s0;
	v48 =	vld.idx.msk [tilespmem:v0+s29+$0x0 ss:$0x1], $0xffff  }
0x16: {  	[tilespmem:v1+s17+$0x0 ss:$0x1] =	vst.idx.msk $0xffff, v2;
	s23 =	sor.u32 $0x430, s0;
	v58 =	vld.idx.msk [tilespmem:v0+s22+$0x0 ss:$0x1], $0xffff  }
0x17: {  	[tilespmem:v1+s16+$0x0 ss:$0x1] =	vst.idx.msk $0xffff, v5;
	s24 =	sor.u32 $0x440, s0;
	v59 =	vld.idx.msk [tilespmem:v0+s23+$0x0 ss:$0x1], $0xffff  }
0x18: {  	s25 =	sor.u32 $0x450, s0;
	v60 =	vld.idx.msk [tilespmem:v0+s24+$0x0 ss:$0x1], $0xffff;
	[tilespmem:v1+s14+$0x0 ss:$0x1] =	vst.idx.msk $0xffff, v46  }
0x19: {  	s1 =	sand.u32 $0x80, s18;
	s8 =	sand.u32 $0x3B00, s0;
	s26 =	sor.u32 $0x460, s0;
	v61 =	vld.idx.msk [tilespmem:v0+s25+$0x0 ss:$0x1], $0xffff;
	[tilespmem:v1+s13+$0x0 ss:$0x1] =	vst.idx.msk $0xffff, v47  }
0x1a: {  	s1 =	sor.u32 s1, s8;
	v62 =	vld.idx.msk [tilespmem:v0+s26+$0x0 ss:$0x1], $0xffff;
	[tilespmem:v1+s29+$0x0 ss:$0x1] =	vst.idx.msk $0xffff, v48  }
0x1b: {  	s0 =	sor.u32 $0x470, s0;
	v49 =	vld.idx.msk [tilespmem:v0+s1+$0x0 ss:$0x1], $0xffff;
	[tilespmem:v1+s22+$0x0 ss:$0x1] =	vst.idx.msk $0xffff, v58  }
0x1c: {  	v63 =	vld.idx.msk [tilespmem:v0+s0+$0x0 ss:$0x1], $0xffff;
	s8 =	sor.u32 $0x400, s1;
	[tilespmem:v1+s23+$0x0 ss:$0x1] =	vst.idx.msk $0xffff, v59  }
0x1d: {  	s30 =	sor.u32 $0x10, s1;
	v50 =	vld.idx.msk [tilespmem:v0+s8+$0x0 ss:$0x1], $0xffff;
	[tilespmem:v1+s24+$0x0 ss:$0x1] =	vst.idx.msk $0xffff, v60  }
0x1e: {  	s31 =	sor.u32 $0x20, s1;
	v51 =	vld.idx.msk [tilespmem:v0+s30+$0x0 ss:$0x1], $0xffff;
	[tilespmem:v1+s25+$0x0 ss:$0x1] =	vst.idx.msk $0xffff, v61  }
0x1f: {  	s17 =	sor.u32 $0x30, s1;
	s19 =	sor.u32 $0x40, s1;
	v52 =	vld.idx.msk [tilespmem:v0+s31+$0x0 ss:$0x1], $0xffff;
	[tilespmem:v1+s26+$0x0 ss:$0x1] =	vst.idx.msk $0xffff, v62  }
0x20: {  	s20 =	sor.u32 $0x50, s1;
	s21 =	sor.u32 $0x60, s1;
	v53 =	vld.idx.msk [tilespmem:v0+s17+$0x0 ss:$0x1], $0xffff;
	[tilespmem:v1+s1+$0x0 ss:$0x1] =	vst.idx.msk $0xffff, v49;
	s1 =	sor.u32 $0x70, s1  }
0x21: {  	[tilespmem:v1+s0+$0x0 ss:$0x1] =	vst.idx.msk $0xffff, v63;
	v57 =	vld.idx.msk [tilespmem:v0+s1+$0x0 ss:$0x1], $0xffff  }
0x22: {  	v54 =	vld.idx.msk [tilespmem:v0+s19+$0x0 ss:$0x1], $0xffff;
	[tilespmem:v1+s8+$0x0 ss:$0x1] =	vst.idx.msk $0xffff, v50  }
0x23: {  	v55 =	vld.idx.msk [tilespmem:v0+s20+$0x0 ss:$0x1], $0xffff;
	[tilespmem:v1+s30+$0x0 ss:$0x1] =	vst.idx.msk $0xffff, v51  }
0x24: {  	v56 =	vld.idx.msk [tilespmem:v0+s21+$0x0 ss:$0x1], $0xffff;
	[tilespmem:v1+s31+$0x0 ss:$0x1] =	vst.idx.msk $0xffff, v52  }
0x25: {  	s28 =	sshll.u32 s11, $0x8;
	s29 =	sshll.u32 s11, $0x7;
	[tilespmem:v1+s17+$0x0 ss:$0x1] =	vst.idx.msk $0xffff, v53  }
0x26: {  	s8 =	sand.u32 $0x380, s29;
	[tilespmem:v1+s1+$0x0 ss:$0x1] =	vst.idx.msk $0xffff, v57;
	s1 =	sand.u32 $0xFF800, s28  }
0x27: {  	[tilespmem:v1+s19+$0x0 ss:$0x1] =	vst.idx.msk $0xffff, v54;
	s1 =	sor.u32 s8, s1  }
0x28: {  	[tilespmem:v1+s20+$0x0 ss:$0x1] =	vst.idx.msk $0xffff, v55;
	s1 =	sshrl.u32 s1, $0x3  }
0x29: {  	[tilespmem:v1+s21+$0x0 ss:$0x1] =	vst.idx.msk $0xffff, v56;
	s31 =	simm.s32 $0x0;
	s30 =	sadd.s32 s6, s1  }
0x2a: {  	[hbm4b:s30+s31] =	stream.linear.scatter [tilespmem:s12], [sflag:$0x2], $0x4000, $0x38;
	[tilespmem:$0x10000] =	vst v63  }
.LBB2_5:
0x2b: {  	s1 =	sadd.s32 $0x800, s9  }
0x2c: {  	p2 =	sgt.s32 s1, $0xFFF  }
0x2d: {  	s1 =	smov.u32 @p2 s3;
	p2 =	sne.s32 s10, s7  }
.Ltmp1:
0x2e: {  	p1 =	slt.u32 s10, $0x2;
	(pc) =	sbr.rel @!p2 .LBB2_6-.Ltmp1, $4  }
0x2f: {  	s0 =	simm.s32 @!p1 $0x2  }
0x30: {  	_ =	swait.ge @!p1 [sflag:s0], $0x4000  }
0x31: {  	s8 =	sadd.s32 $0x1, s10;
	s11 =	smov.u32 s9;
	[sflag:s0] =	ssyncset.done @!p1 $0x0  }
0x32: {  	s10 =	smov.u32 s8;
	s9 =	smov.u32 s1;
	[sflag:s0] =	ssyncadd.s32 @!p1 $0xFFFFC000  }
.LBB2_1:
0x33: {  	p1 =	sge.u32 s10, s5  }
0x34: {  	s12 =	sshll.u32 @!p1 s9, $0x8;
	s13 =	sshll.u32 @!p1 s9, $0x7  }
0x35: {  	s12 =	sand.u32 @!p1 $0xFF800, s12;
	s13 =	sand.u32 @!p1 $0x380, s13  }
0x36: {  	s14 =	sxor.u32 @!p1 $0xFFFFFFFF, s10;
	s12 =	sor.u32 @!p1 s13, s12  }
0x37: {  	s31 =	sadd.s32 $0xFFFFFFFF, s10;
	s13 =	sshll.u32 @!p1 s14, $0xE;
	s12 =	sshrl.u32 @!p1 s12, $0x3  }
0x38: {  	s14 =	simm.s32 @!p1 $0x0;
	s13 =	sand.u32 @!p1 $0x4000, s13;
	s12 =	sadd.s32 @!p1 s2, s12  }
0x39: {  	[tilespmem:s13], [sflag:$0x1] =	stream.linear.gather @!p1 [hbm4b:s12+s14], $0x4000, $0x38;
	[tilespmem:$0x10000] =	vst v63  }
0x3a: {  	p1 =	sge.u32 s31, s5  }
.Ltmp2:
0x3b: {  	_ = 	snop;
	(pc) =	sbr.rel @p1 .LBB2_5-.Ltmp2, $1  }
0x3c: {  	_ =	sdelay $0x3  }
0x3d: {  	s12 =	sshll.u32 s10, $0xE  }
0x3e: {  	s12 =	sand.u32 $0x4000, s12  }
0x3f: {  	v0 =	vmov s12  }
0x40: {  	s13 =	simm.s32 $0x0  }
0x41: {  	_ =	swait.ge [sflag:s4], $0x4000;
	s14 =	sand.u32 $0x3800, s13;
	s15 =	sand.u32 $0x380, s13  }
0x42: {  	[sflag:s4] =	ssyncset.done $0x0;
	s13 =	sand.u32 $0x80, s13;
	s18 =	sor.u32 s15, s14  }
0x43: {  	[sflag:s4] =	ssyncadd.s32 $0xFFFFC000;
	s14 =	sand.u32 $0x3B00, s18;
	s15 =	sor.u32 $0x410, s18  }
0x44: {  	s12 =	sor.u32 $0x8000, s12;
	s13 =	sor.u32 s13, s14;
	v2 =	vld.idx.msk [tilespmem:v0+s15+$0x0 ss:$0x1], $0xffff  }
0x45: {  	v1 =	vmov s12;
	s14 =	sor.u32 $0x400, s13;
	v3 =	vld.idx.msk [tilespmem:v0+s13+$0x0 ss:$0x1], $0xffff  }
0x46: {  	s16 =	sor.u32 $0x10, s13;
	v4 =	vld.idx.msk [tilespmem:v0+s14+$0x0 ss:$0x1], $0xffff  }
0x47: {  	s17 =	sor.u32 $0x20, s13;
	v5 =	vld.idx.msk [tilespmem:v0+s16+$0x0 ss:$0x1], $0xffff  }
0x48: {  	s21 =	sor.u32 $0x30, s13;
	v8 =	vld.idx.msk [tilespmem:v0+s17+$0x0 ss:$0x1], $0xffff  }
0x49: {  	s23 =	sor.u32 $0x40, s13;
	v9 =	vld.idx.msk [tilespmem:v0+s21+$0x0 ss:$0x1], $0xffff  }
0x4a: {  	s25 =	sor.u32 $0x50, s13;
	v10 =	vld.idx.msk [tilespmem:v0+s23+$0x0 ss:$0x1], $0xffff;
	[tilespmem:v1+s15+$0x0 ss:$0x1] =	vst.idx.msk $0xffff, v2  }
0x4b: {  	s22 =	sor.u32 $0x60, s13;
	v11 =	vld.idx.msk [tilespmem:v0+s25+$0x0 ss:$0x1], $0xffff;
	[tilespmem:v1+s13+$0x0 ss:$0x1] =	vst.idx.msk $0xffff, v3  }
0x4c: {  	s20 =	sor.u32 $0x70, s13;
	v7 =	vld.idx.msk [tilespmem:v0+s22+$0x0 ss:$0x1], $0xffff;
	[tilespmem:v1+s14+$0x0 ss:$0x1] =	vst.idx.msk $0xffff, v4  }
0x4d: {  	s19 =	sor.u32 $0x430, s18;
	v6 =	vld.idx.msk [tilespmem:v0+s20+$0x0 ss:$0x1], $0xffff;
	[tilespmem:v1+s16+$0x0 ss:$0x1] =	vst.idx.msk $0xffff, v5  }
0x4e: {  	s15 =	sor.u32 $0x420, s18;
	[tilespmem:v1+s17+$0x0 ss:$0x1] =	vst.idx.msk $0xffff, v8;
	v3 =	vld.idx.msk [tilespmem:v0+s19+$0x0 ss:$0x1], $0xffff  }
0x4f: {  	s24 =	simm.s32 $0x100;
	s17 =	sor.u32 $0x440, s18;
	s16 =	sor.u32 $0x450, s18;
	[tilespmem:v1+s21+$0x0 ss:$0x1] =	vst.idx.msk $0xffff, v9;
	v4 =	vld.idx.msk [tilespmem:v0+s15+$0x0 ss:$0x1], $0xffff  }
0x50: {  	s14 =	sor.u32 $0x460, s18;
	s13 =	sor.u32 $0x470, s18;
	[tilespmem:v1+s23+$0x0 ss:$0x1] =	vst.idx.msk $0xffff, v10;
	s18 =	simm.s32 $0x80;
	v2 =	vld.idx.msk [tilespmem:v0+s17+$0x0 ss:$0x1], $0xffff  }
0x51: {  	s23 =	sand.u32 $0x3800, s24;
	s21 =	simm.s32 $0x200;
	[tilespmem:v1+s25+$0x0 ss:$0x1] =	vst.idx.msk $0xffff, v11;
	s24 =	sand.u32 $0x380, s18;
	v5 =	vld.idx.msk [tilespmem:v0+s16+$0x0 ss:$0x1], $0xffff  }
.LBB2_3:
0x52: {  	p1 =	sne.s32 s21, $0x3F00;
	s23 =	sor.u32 s24, s23;
	[tilespmem:v1+s22+$0x0 ss:$0x1] =	vst.idx.msk $0xffff, v7;
	v7 =	vld.idx.msk [tilespmem:v0+s14+$0x0 ss:$0x1], $0xffff  }
0x53: {  	s22 =	sand.u32 $0x80, s18;
	s24 =	sand.u32 $0x3B00, s23;
	s25 =	sor.u32 $0x410, s23;
	[tilespmem:v1+s20+$0x0 ss:$0x1] =	vst.idx.msk $0xffff, v6;
	v6 =	vld.idx.msk [tilespmem:v0+s13+$0x0 ss:$0x1], $0xffff  }
0x54: {  	s26 =	sor.u32 $0x430, s23;
	s24 =	sor.u32 s22, s24;
	v8 =	vld.idx.msk [tilespmem:v0+s25+$0x0 ss:$0x1], $0xffff;
	[tilespmem:v1+s15+$0x0 ss:$0x1] =	vst.idx.msk $0xffff, v4;
	s15 =	sor.u32 $0x420, s23  }
0x55: {  	v4 =	vld.idx.msk [tilespmem:v0+s24+$0x0 ss:$0x1], $0xffff;
	s28 =	sor.u32 $0x10, s24;
	s29 =	sor.u32 $0x20, s24;
	s30 =	sor.u32 $0x400, s24;
	[tilespmem:v1+s19+$0x0 ss:$0x1] =	vst.idx.msk $0xffff, v3  }
0x56: {  	s31 =	sor.u32 $0x30, s24;
	s0 =	sor.u32 $0x40, s24;
	s1 =	sor.u32 $0x50, s24;
	v3 =	vld.idx.msk [tilespmem:v0+s30+$0x0 ss:$0x1], $0xffff;
	[tilespmem:v1+s17+$0x0 ss:$0x1] =	vst.idx.msk $0xffff, v2  }
0x57: {  	s22 =	sor.u32 $0x60, s24;
	s20 =	sor.u32 $0x70, s24;
	s17 =	sor.u32 $0x440, s23;
	v2 =	vld.idx.msk [tilespmem:v0+s28+$0x0 ss:$0x1], $0xffff;
	[tilespmem:v1+s16+$0x0 ss:$0x1] =	vst.idx.msk $0xffff, v5  }
0x58: {  	s8 =	sor.u32 $0x470, s23;
	s16 =	sor.u32 $0x450, s23;
	v5 =	vld.idx.msk [tilespmem:v0+s29+$0x0 ss:$0x1], $0xffff;
	[tilespmem:v1+s14+$0x0 ss:$0x1] =	vst.idx.msk $0xffff, v7;
	s14 =	sor.u32 $0x460, s23  }
0x59: {  	s19 =	smov.u32 s26;
	v9 =	vld.idx.msk [tilespmem:v0+s31+$0x0 ss:$0x1], $0xffff;
	[tilespmem:v1+s13+$0x0 ss:$0x1] =	vst.idx.msk $0xffff, v6;
	s13 =	smov.u32 s8  }
0x5a: {  	v10 =	vld.idx.msk [tilespmem:v0+s0+$0x0 ss:$0x1], $0xffff;
	[tilespmem:v1+s25+$0x0 ss:$0x1] =	vst.idx.msk $0xffff, v8  }
0x5b: {  	[tilespmem:v1+s24+$0x0 ss:$0x1] =	vst.idx.msk $0xffff, v4;
	v8 =	vld.idx.msk [tilespmem:v0+s1+$0x0 ss:$0x1], $0xffff  }
0x5c: {  	v7 =	vld.idx.msk [tilespmem:v0+s22+$0x0 ss:$0x1], $0xffff;
	[tilespmem:v1+s30+$0x0 ss:$0x1] =	vst.idx.msk $0xffff, v3  }
.Ltmp3:
0x5d: {  	[tilespmem:v1+s28+$0x0 ss:$0x1] =	vst.idx.msk $0xffff, v2;
	v6 =	vld.idx.msk [tilespmem:v0+s20+$0x0 ss:$0x1], $0xffff;
	(pc) =	sbr.rel @p1 .LBB2_3-.Ltmp3, $4  }
0x5e: {  	[tilespmem:v1+s29+$0x0 ss:$0x1] =	vst.idx.msk $0xffff, v5;
	v4 =	vld.idx.msk [tilespmem:v0+s15+$0x0 ss:$0x1], $0xffff  }
0x5f: {  	[tilespmem:v1+s31+$0x0 ss:$0x1] =	vst.idx.msk $0xffff, v9;
	v3 =	vld.idx.msk [tilespmem:v0+s19+$0x0 ss:$0x1], $0xffff  }
0x60: {  	s18 =	sadd.s32 $0x80, s18;
	[tilespmem:v1+s0+$0x0 ss:$0x1] =	vst.idx.msk $0xffff, v10;
	v2 =	vld.idx.msk [tilespmem:v0+s17+$0x0 ss:$0x1], $0xffff  }
0x61: {  	s23 =	sand.u32 $0x3800, s21;
	s21 =	sadd.s32 $0x100, s21;
	s24 =	sand.u32 $0x380, s18;
	[tilespmem:v1+s1+$0x0 ss:$0x1] =	vst.idx.msk $0xffff, v8;
	v5 =	vld.idx.msk [tilespmem:v0+s16+$0x0 ss:$0x1], $0xffff  }
.Ltmp4:
0x62: {  	_ = 	snop;
	(pc) =	sbr.rel .LBB2_4-.Ltmp4, $1  }
0x63: {  	_ =	sdelay $0x3  }
.LBB2_6:
0x64: {  	_ =	sfence.sel $0x180000  }
0x65: {  	s0 =	simm.s32 $0x1;
	[bflag:$0x0] =	sbarrier.arrive $0xFFFF  }
0x66: {  	s31 =	simm.s32 $0x2;
	[sflag:s0] =	ssyncpa.u1 $0x1  }
0x67: {  	[sflag:s31] =	ssyncpa.u1 $0x1  }
0x68: {  	_ =	strace $0x9000004D  }
0x69: {  	[bflag:$0x2] =	sbarrier.arrive $0xFFFF  }
0x6a: {  	s0 =	rddreg [dreg:$0x3]  }
0x6b: {  	s0 =	sadd.s32 @!p0 $0x100000, s0  }
0x6c: {  	s1 =	rddreg [dreg:$0x4];
	[sflag:s0] =	ssyncadd.tile.s32 @!p0 $0x1;
	s0 =	simm.s32 @!p0 $0x3F  }
0x6d: {  	_ =	swait.ge @!p0 [sflag:s0], s1  }
0x6e: {  	s1 =	ssub.s32 @!p0 $0x0, s1;
	[sflag:s0] =	ssyncset.done @!p0 $0x0  }
0x6f: {  	[sflag:s0] =	ssyncadd.s32 @!p0 s1  }
0x70: {  	[bflag:$0x3] =	sbarrier.arrive $0xFFFF  }
0x71: {  	_ =	shalt  }
.Lfunc_end2:
execute1_lowered:
.L_overlay_start_2:
0x72: {  	(tag) =	ssettag $0x2  }
0x73: {  	s2 =	rddreg [dreg:$0x0]  }
0x74: {  	s3 =	rddreg [dreg:$0x1];
	_ =	strace $0x80000050;
	s0 =	simm.s32 $0x1  }
0x75: {  	s9 =	simm.s32 $0x208;
	v0 =	vimm.s32 $0x0;
	[sflag:s0] =	ssyncpa.u1 $0x0  }
0x76: {  	[tilespmem:s9+$0x70] =	vst v0  }
0x77: {  	[tilespmem:s9+$0x60] =	vst v0  }
0x78: {  	[tilespmem:s9+$0x50] =	vst v0  }
0x79: {  	[tilespmem:s9+$0x40] =	vst v0  }
0x7a: {  	s1 =	sadd.s32 $0x44E000, s2;
	s0 =	sadd.s32 $0x16000, s2;
	[tilespmem:s9+$0x30] =	vst v0  }
0x7b: {  	s6 =	sadd.s32 $0x4E000, s2;
	s3 =	sand.u32 $0x1, s3;
	s4 =	sadd.s32 $0x1A000, s2;
	[tilespmem:s9+$0x20] =	vst v0  }
0x7c: {  	s2 =	simm.s32 $0x40;
	[dreg:$0x4] =	wrdreg s3;
	s5 =	sshll.u32 s3, $0xD;
	[tilespmem:s9+$0x10] =	vst v0  }
.LBB3_1:
0x7d: {  	s2 =	sadd.s32 $0x40, s2;
	[tilespmem:s9+$0x0] =	vst v0;
	s9 =	sadd.s32 $0x80, s9  }
0x7e: {  	p0 =	slt.u32 s2, $0x3880;
	[tilespmem:s9+$0x70] =	vst v0  }
0x7f: {  	[tilespmem:s9+$0x60] =	vst v0  }
.Ltmp5:
0x80: {  	[tilespmem:s9+$0x50] =	vst v0;
	(pc) =	sbr.rel @p0 .LBB3_1-.Ltmp5, $4  }
0x81: {  	[tilespmem:s9+$0x40] =	vst v0  }
0x82: {  	[tilespmem:s9+$0x30] =	vst v0  }
0x83: {  	[tilespmem:s9+$0x20] =	vst v0  }
0x84: {  	[tilespmem:s9+$0x10] =	vst v0  }
0x85: {  	s11 =	stileid.u32  }
0x86: {  	s2 =	smul.u32 $0x24, s11  }
0x87: {  	s3 =	smin.u32 s11, $0xA  }
0x88: {  	s2 =	sadd.s32 s3, s2  }
0x89: {  	p0 =	slt.u32 s11, $0xA;
	s20 =	smul.u32 $0x70, s2;
	s2 =	simm.s32 $0x1030  }
0x8a: {  	s2 =	simm.s32 @!p0 $0xFC0  }
0x8b: {  	s2 =	sadd.s32 s2, s20  }
0x8c: {  	s8 =	smin.u32 s2, $0x10000  }
0x8d: {  	s2 =	ssub.s32 s8, s20  }
0x8e: {  	s28 =	simm.s32 $0x2;
	p0 =	sgt.s32 s2, $0x0  }
0x8f: {  	s10 =	simm.s32 $0x9;
	s30 =	simm.s32 $0xA;
	s2 =	simm.s32 @!p0 $0x0  }
0x90: {  	s31 =	simm.s32 $0xB;
	s12 =	simm.s32 $0x1;
	s26 =	smulhi.u32 $0x92492493, s2  }
0x91: {  	s14 =	sadd.s32 s5, s4;
	s15 =	sadd.s32 s5, s0;
	s24 =	simm.s32 $0x0  }
0x92: {  	p1 =	por $0x0, $0x0;
	s18 =	simm.s32 $0x80;
	s3 =	sshrl.u32 s26, $0x6  }
0x93: {  	s19 =	simm.s32 $0x400;
	s17 =	simm.s32 $0xC;
	s29 =	smul.u32 $0x70, s3  }
.Ltmp6:
0x94: {  	[tilespmem:s9+$0x0] =	vst v0;
	v0 =	vimm.s32 $0xFFFFFFFF;
	s21 =	simm.s32 $0x0;
	[sflag:s28] =	ssyncpa.u1 $0x0;
	(pc) =	sbr.rel .LBB3_3-.Ltmp6, $4  }
0x95: {  	[tilespmem:$0xE408] =	vst v0;
	[sflag:s10] =	ssyncpa.u1 $0x0;
	p0 =	sne.s32 s2, s29;
	s2 =	simm.s32 $0x1  }
0x96: {  	s23 =	simm.s32 $0x0;
	[sflag:s30] =	ssyncpa.u1 $0x0;
	s2 =	simm.s32 @!p0 $0x0  }
0x97: {  	s16 =	sshll.u32 s11, $0x9;
	[sflag:s31] =	ssyncpa.u1 $0x0;
	s13 =	sadd.s32 s2, s3  }
0x98: {  	v0 =	vlaneseq.u32;
	s22 =	smov.u32 s20;
	p0 =	por $0x1, $0x1;
	s11 =	sadd.s32 $0x1, s13  }
.LBB3_24:
0x99: {  	s2 =	sshrl.u32 s4, $0x2  }
.LBB3_26:
0x9a: {  	_ =	swait.ge [sflag:s17], s2  }
0x9b: {  	s31 =	ssub.s32 $0x0, s2;
	v1 =	vmov s26;
	vm0 =	veq.s32 v0, $0x0;
	[sflag:s17] =	ssyncset.done $0x0  }
0x9c: {  	vm15 =	veq.s32 v0, $0x2;
	v1 =	vsel vm0, s0, v1;
	[sflag:s17] =	ssyncadd.s32 s31  }
0x9d: {  	v1 =	vsel vm15, s24, v1;
	[sflag:s17] =	ssyncpa.u1 $0x1  }
0x9e: {  	[tilespmem:$0xE408] =	vst v1  }
.LBB3_27:
0x9f: {  	s0 =	sadd.s32 $0x70, s22  }
0xa0: {  	s2 =	smov.u32 s20;
	p2 =	slt.s32 s0, s8  }
0xa1: {  	s2 =	smov.u32 @p2 s0;
	p2 =	sne.s32 s23, s11  }
.Ltmp7:
0xa2: {  	_ = 	snop;
	(pc) =	sbr.rel @!p2 .LBB3_28-.Ltmp7, $4  }
0xa3: {  	_ = 	snop  }
0xa4: {  	s24 =	smov.u32 s21  }
0xa5: {  	s31 =	sadd.s32 $0x1, s23;
	s21 =	smov.u32 s22;
	p0 =	por !p0, !p0  }
0xa6: {  	p1 =	por !p1, !p1;
	s23 =	smov.u32 s31;
	s22 =	smov.u32 s2  }
.LBB3_3:
0xa7: {  	p2 =	sge.u32 s23, s13  }
0xa8: {  	s0 =	smulhi.u32 @!p2 $0xAAAAAAAB, s23  }
0xa9: {  	s2 =	smov.u32 s22;
	p3 =	sgt.s32 @!p2 s22, $0xFF90  }
0xaa: {  	s3 =	sshra.s32 @!p2 s22, $0x1F;
	p3 =	por !p3, p2;
	s0 =	sshrl.u32 @!p2 s0, $0x1  }
0xab: {  	s3 =	sand.u32 @!p2 s3, s22;
	s2 =	simm.s32 @p3 $0xFF90;
	s0 =	smul.u32 @!p2 $0x3, s0  }
0xac: {  	s2 =	ssub.s32 @!p2 s2, s3  }
0xad: {  	s2 =	sadd.s32 @!p2 $0xFFFF0070, s2;
	s0 =	ssub.s32 @!p2 s23, s0  }
0xae: {  	s3 =	sshll.u32 @!p2 s2, $0x2;
	p3 =	sgt.s32 @!p2 s2, $0x6F;
	s0 =	smul.u32 @!p2 $0x1C0, s0  }
0xaf: {  	s4 =	sand.u32 @!p2 $0x7, s22;
	s2 =	ssub.s32 @!p2 $0x1C0, s3;
	p3 =	por !p3, p2  }
0xb0: {  	s3 =	sshrl.u32 @!p2 s22, $0x3;
	s2 =	sshrl.u32 @!p2 s2, $0x2;
	s0 =	sshrl.u32 @!p2 s0, $0x2  }
0xb1: {  	s3 =	sadd.s32 @!p2 s3, s14;
	s2 =	simm.s32 @!p3 $0x0;
	s0 =	sadd.s32 @!p2 $0x10448, s0  }
0xb2: {  	[tilespmem:s0], [sflag:$0xA] =	stream.linear.gather @!p2 [hbm4b:s3+s4], s2, $0x38;
	[tilespmem:$0x1E678] =	vst v63  }
0xb3: {  	s2 =	sadd.s32 $0xFFFFFFFF, s23  }
0xb4: {  	p2 =	sge.u32 s2, s13  }
0xb5: {  	p3 =	sgt.s32 @!p2 s21, $0xFF90  }
0xb6: {  	s0 =	smov.u32 s21;
	s3 =	sshra.s32 @!p2 s21, $0x1F;
	p3 =	por !p3, p2  }
0xb7: {  	s3 =	sand.u32 @!p2 s3, s21;
	s0 =	simm.s32 @p3 $0xFF90  }
0xb8: {  	s0 =	ssub.s32 @!p2 s0, s3  }
0xb9: {  	s0 =	sadd.s32 @!p2 $0xFFFF0070, s0  }
0xba: {  	s3 =	sshll.u32 @!p2 s0, $0x2  }
0xbb: {  	p3 =	sgt.s32 @!p2 s0, $0x6F;
	s0 =	ssub.s32 @!p2 $0x1C0, s3  }
0xbc: {  	p3 =	por !p3, p2;
	s0 =	sshrl.u32 @!p2 s0, $0x2  }
0xbd: {  	s4 =	simm.s32 @!p2 $0xA;
	s3 =	sand.u32 @!p2 $0x1, s2;
	s0 =	simm.s32 @!p3 $0x0  }
0xbe: {  	s3 =	smul.u32 @!p2 $0x1C0, s3;
	_ =	swait.ge @!p2 [sflag:s4], s0  }
0xbf: {  	s5 =	ssub.s32 @!p2 $0x0, s0;
	[sflag:s4] =	ssyncset.done @!p2 $0x0  }
0xc0: {  	s3 =	sshrl.u32 @!p2 s3, $0x2;
	[sflag:s4] =	ssyncadd.s32 @!p2 s5;
	s4 =	sshrl.u32 @!p2 s21, $0x3  }
0xc1: {  	s3 =	sadd.s32 @!p2 $0x10598, s3;
	s5 =	sand.u32 @!p2 $0x7, s21;
	s4 =	sadd.s32 @!p2 s4, s15  }
0xc2: {  	[tilespmem:s3], [sflag:$0xB] =	stream.linear.gather @!p2 [hbm4b:s4+s5], s0, $0x38;
	[tilespmem:$0x1E678] =	vst v63  }
0xc3: {  	s0 =	ssub.s32 @!p2 $0x10000, s21  }
0xc4: {  	p3 =	slt.s32 @!p2 s0, $0x1  }
0xc5: {  	p3 =	por p2, p3  }
.Ltmp8:
0xc6: {  	_ = 	snop;
	(pc) =	sbr.rel @p3 .LBB3_9-.Ltmp8, $1  }
0xc7: {  	_ =	sdelay $0x3  }
0xc8: {  	s3 =	smulhi.u32 $0xAAAAAAAB, s2;
	_ =	sdelay $0x1  }
0xc9: {  	s3 =	sshrl.u32 s3, $0x1  }
0xca: {  	s3 =	smul.u32 $0x3, s3;
	_ =	sdelay $0x1  }
0xcb: {  	s30 =	ssub.s32 s2, s3  }
0xcc: {  	s4 =	simm.s32 $0x1;
	s2 =	smul.u32 $0x1C0, s30  }
.Ltmp9:
0xcd: {  	s4 =	simm.s32 @!p0 $0x0;
	(pc) =	sbr.rel .LBB3_6-.Ltmp9, $4  }
0xce: {  	s31 =	smul.u32 $0x1C000, s4  }
0xcf: {  	p3 =	slt.s32 @!p2 s0, $0x70;
	s2 =	sshrl.u32 s2, $0x2  }
0xd0: {  	p2 =	por !p3, p2;
	s3 =	sshrl.u32 s31, $0x2;
	s5 =	sadd.s32 $0x10448, s2  }
0xd1: {  	s0 =	simm.s32 @p2 $0x70;
	s4 =	sor.u32 $0x10678, s3;
	s2 =	simm.s32 $0x0;
	v1 =	vmov s5  }
.LBB3_5:
0xd2: {  	p2 =	sge.s32 s2, s0  }
.Ltmp10:
0xd3: {  	_ = 	snop;
	(pc) =	sbr.rel @p2 .LBB3_9-.Ltmp10, $2  }
0xd4: {  	_ =	sdelay $0x2  }
0xd5: {  	s4 =	sadd.s32 $0x1000, s4  }
.LBB3_6:
0xd6: {  	p2 =	sle.s32 s0, s2  }
.Ltmp11:
0xd7: {  	_ = 	snop;
	(pc) =	sbr.rel @p2 .LBB3_5-.Ltmp11, $2  }
0xd8: {  	_ =	sdelay $0x2  }
0xd9: {  	s5 =	smov.u32 s2;
	s2 =	sadd.s32 $0x10, s2  }
0xda: {  	s3 =	ssub.s32 s0, s5  }
0xdb: {  	p2 =	slt.s32 s3, $0x10  }
0xdc: {  	s3 =	simm.s32 @!p2 $0x10  }
0xdd: {  	v2 =	vmov s3  }
0xde: {  	vm0 =	vgt.s32 v2, v0;
	_ =	sdelay $0x5  }
0xdf: {  	v2 =	vld.idx.msk [tilespmem:v1+s5+$0x0 ss:$0x1], vm0;
	_ =	sdelay $0x2  }
0xe0: {  	p2 =	slt.s32 s2, s0;
	s3 =	smov.u32 s0  }
0xe1: {  	s9 =	smov.u32 s4;
	s25 =	simm.s32 $0x0;
	s3 =	smov.u32 @p2 s2  }
.LBB3_8:
0xe2: {  	(v2sf) =	vpush v2, s25;
	_ =	sdelay $0xe  }
0xe3: {  	s25 =	sadd.s32 $0x1, s25;
	s10 =	spop (v2sf)  }
0xe4: {  	s31 =	sadd.s32 s25, s5;
	s26 =	sshll.u32 s10, $0x8;
	s10 =	sshll.u32 s10, $0x7  }
0xe5: {  	p2 =	slt.s32 s31, s3;
	s26 =	sand.u32 $0xFFFFF800, s26;
	s10 =	sand.u32 $0x380, s10  }
.Ltmp12:
0xe6: {  	s10 =	sor.u32 s10, s26;
	(pc) =	sbr.rel @p2 .LBB3_8-.Ltmp12, $4  }
0xe7: {  	s10 =	sshrl.u32 s10, $0x3  }
0xe8: {  	s10 =	sadd.s32 s6, s10  }
0xe9: {  	[tilespmem:s9], [sflag:$0x9] =	stream.strided.gather [hbm4b:s10+s18], $0x100, s19, s18, $0x38;
	[tilespmem:$0x1E678] =	vst v63  }
0xea: {  	s9 =	sadd.s32 $0x100, s9  }
.Ltmp13:
0xeb: {  	_ = 	snop;
	(pc) =	sbr.rel .LBB3_5-.Ltmp13, $1  }
0xec: {  	_ =	sdelay $0x3  }
.LBB3_9:
0xed: {  	p2 =	slt.u32 s23, $0x2  }
.Ltmp14:
0xee: {  	_ = 	snop;
	(pc) =	sbr.rel @p2 .LBB3_27-.Ltmp14, $1  }
0xef: {  	_ =	sdelay $0x3  }
0xf0: {  	p2 =	sgt.s32 s24, $0xFF90  }
0xf1: {  	s0 =	smov.u32 s24;
	s2 =	sshra.s32 s24, $0x1F;
	s3 =	ssub.s32 $0x10000, s24  }
0xf2: {  	s0 =	simm.s32 @!p2 $0xFF90;
	s2 =	sand.u32 s2, s24;
	p2 =	slt.s32 s3, $0x70  }
0xf3: {  	s0 =	ssub.s32 s0, s2;
	s3 =	simm.s32 @!p2 $0x70  }
0xf4: {  	s0 =	sadd.s32 $0xFFFF0070, s0;
	s9 =	sshll.u32 s3, $0x8  }
0xf5: {  	s26 =	simm.s32 $0x9;
	s10 =	sshll.u32 s0, $0x2;
	s2 =	sand.u32 $0x3FFFFF00, s9  }
0xf6: {  	p2 =	sgt.s32 s0, $0x6F;
	s25 =	ssub.s32 $0x1C0, s10;
	_ =	swait.ge [sflag:s26], s2  }
0xf7: {  	s2 =	ssub.s32 $0x0, s2;
	[sflag:s26] =	ssyncset.done $0x0;
	s0 =	sshrl.u32 s25, $0x2  }
0xf8: {  	s29 =	simm.s32 $0xB;
	[sflag:s26] =	ssyncadd.s32 s2;
	s0 =	simm.s32 @p2 $0x0  }
0xf9: {  	_ =	swait.ge [sflag:s29], s0  }
0xfa: {  	s0 =	ssub.s32 $0x0, s0;
	[sflag:s29] =	ssyncset.done $0x0  }
0xfb: {  	[sflag:s29] =	ssyncadd.s32 s0  }
0xfc: {  	v1 =	vld [tilespmem:$0xE408];
	_ =	sdelay $0x4  }
0xfd: {  	(v2sf) =	vpush v1, $0x0  }
0xfe: {  	(v2sf) =	vpush v1, $0x1  }
0xff: {  	(v2sf) =	vpush v1, $0x2;
	_ =	sdelay $0x3  }
0x100: {  	s0 =	sadd.s32 $0x70, s24  }
0x101: {  	s2 =	ssub.s32 $0x20000, s24;
	p2 =	slt.s32 s8, s0  }
0x102: {  	s0 =	smov.u32 @p2 s8;
	p2 =	sgt.s32 s2, $0x0  }
0x103: {  	s0 =	ssub.s32 s0, s24;
	s2 =	simm.s32 @!p2 $0x0  }
0x104: {  	p2 =	slt.s32 s2, s0  }
0x105: {  	s0 =	smov.u32 @p2 s2  }
0x106: {  	s4 =	simm.s32 $0x1;
	p2 =	slt.s32 s0, $0x1  }
.Ltmp15:
0x107: {  	s4 =	simm.s32 @!p1 $0x0;
	(pc) =	sbr.rel @p2 .LBB3_14-.Ltmp15, $4  }
0x108: {  	s30 =	smul.u32 $0x1C0, s4  }
0x109: {  	s5 =	spop (v2sf)  }
0x10a: {  	s31 =	sshrl.u32 s30, $0x2;
	s28 =	spop (v2sf)  }
0x10b: {  	s25 =	sadd.s32 $0x10598, s31;
	s24 =	spop (v2sf)  }
0x10c: {  	s2 =	smin.u32 s0, $0x10  }
0x10d: {  	v1 =	vmov s2  }
0x10e: {  	vm1 =	vgt.u32 v1, v0  }
0x10f: {  	p3 =	sgt.s32 s0, $0x10  }
.Ltmp16:
0x110: {  	_ = 	snop;
	(pc) =	sbr.rel @!p3 .LBB3_13-.Ltmp16, $2  }
0x111: {  	_ =	sdelay $0x2  }
0x112: {  	s26 =	simm.s32 $0x10;
	s29 =	sadd.s32 $0xFFFFFFF0, s0;
	s2 =	smov.u32 s25;
	vm0 =	vmmov vm1;
	v1 =	vld.msk [tilespmem:s25+$0x0 ss:$0x1], vm1  }
.LBB3_12:
0x113: {  	s3 =	smin.u32 s29, $0x10;
	s26 =	sadd.s32 $0x10, s26  }
0x114: {  	v2 =	vmov s3;
	p3 =	slt.s32 s26, s0  }
0x115: {  	vm1 =	vgt.u32 v2, v0;
	_ =	sdelay $0x1  }
0x116: {  	v2 =	vshll.u32 v1, $0x5;
	v1 =	vshll.u32 v1, $0x4  }
.Ltmp17:
0x117: {  	v2 =	vand.u32 $0xFFFFFF00, v2;
	v1 =	vand.u32 $0x70, v1;
	(pc) =	sbr.rel @p3 .LBB3_12-.Ltmp17, $4  }
0x118: {  	v1 =	vor.u32 v1, v2  }
0x119: {  	[tilespmem:s2+$0x0] =	vst.msk vm0, v1;
	s2 =	sadd.s32 $0x10, s2;
	vm0 =	vmmov vm1  }
0x11a: {  	v1 =	vld.msk [tilespmem:s2+$0x0 ss:$0x1], vm1  }
0x11b: {  	s29 =	sadd.s32 $0xFFFFFFF0, s29  }
.LBB3_13:
0x11c: {  	_ =	sdelay $0x3  }
0x11d: {  	v2 =	vshll.u32 v1, $0x5;
	v1 =	vshll.u32 v1, $0x4  }
0x11e: {  	v2 =	vand.u32 $0xFFFFFF00, v2;
	v1 =	vand.u32 $0x70, v1  }
0x11f: {  	v1 =	vor.u32 v1, v2  }
0x120: {  	[tilespmem:s2+$0x0] =	vst.msk vm0, v1  }
.LBB3_14:
0x121: {  	s2 =	sand.u32 $0x1, s23  }
0x122: {  	s2 =	smul.u32 $0x70, s2  }
0x123: {  	p3 =	sne.s32 s28, $0xFFFFFFFF  }
0x124: {  	v1 =	vld.msk @!p3 [tilespmem:s2+$0x10598], $0x1;
	_ =	sdelay $0x4  }
0x125: {  	(v2sf) =	vpush @!p3 v1, $0x0;
	_ =	sdelay $0xc  }
.Ltmp18:
0x126: {  	_ = 	snop;
	(pc) =	sbr.rel @p2 .LBB3_25-.Ltmp18, $4  }
0x127: {  	_ = 	snop  }
0x128: {  	s31 =	spop @!p3 (v2sf)  }
0x129: {  	s24 =	simm.s32 @!p3 $0x0;
	s26 =	smov.u32 s31  }
0x12a: {  	[sflag:s17] =	ssyncpa.u1 $0x0;
	s31 =	smov.u32 @p3 s5;
	s26 =	smov.u32 @p3 s28  }
0x12b: {  	v1 =	vld.msk [tilespmem:s25+$0x0], $0x1;
	_ =	sdelay $0x4  }
0x12c: {  	(v2sf) =	vpush v1, $0x0;
	_ =	sdelay $0xe  }
0x12d: {  	s7 =	smov.u32 s11;
	s5 =	spop (v2sf)  }
0x12e: {  	s17 =	smov.u32 s15;
	s2 =	smul.u32 $0x1C000, s4;
	p2 =	seq.s32 s31, s5  }
0x12f: {  	s3 =	smov.u32 s31;
	s29 =	ssub.s32 $0x0, s0;
	p3 =	sgt.s32 @!p2 s31, $0x0  }
0x130: {  	s30 =	simm.s32 $0x0;
	s2 =	sshrl.u32 s2, $0x2;
	p3 =	por !p3, p2  }
0x131: {  	s0 =	sadd.s32 $0x1, s29;
	s28 =	sor.u32 $0x106F8, s2;
	s3 =	simm.s32 @p3 $0x0  }
0x132: {  	s2 =	simm.s32 @!p2 $0x1;
	p3 =	seq.s32 s0, $0x0;
	s3 =	smin.u32 @!p2 s3, $0x1FF70  }
.Ltmp19:
0x133: {  	s4 =	simm.s32 @!p2 $0x7308;
	s9 =	sand.u32 @!p2 $0x1FFF8, s3;
	(pc) =	sbr.rel @p3 .LBB3_17-.Ltmp19, $4  }
0x134: {  	s10 =	sadd.s32 @!p2 $0x80, s3;
	s11 =	sadd.s32 @!p2 s1, s9;
	s9 =	sand.u32 @!p2 $0x7, s3  }
0x135: {  	[tilespmem:s4], [sflag:$0x2] =	stream.linear.gather @!p2 [hbm4b:s11+s9], $0x80, $0x38;
	[tilespmem:$0x1E678] =	vst v63  }
0x136: {  	s15 =	smov.u32 s14;
	s2 =	smov.u32 @p2 s30;
	s4 =	sand.u32 @!p2 $0x3FFF8, s10  }
0x137: {  	s3 =	simm.s32 @!p2 $0x7388;
	s10 =	sadd.s32 @!p2 s1, s4;
	s4 =	sadd.s32 $0x1, s25  }
.LBB3_16:
0x138: {  	s11 =	smov.u32 s2  }
0x139: {  	[tilespmem:s3], [sflag:$0x2] =	stream.linear.gather @!p2 [hbm4b:s10+s9], $0x80, $0x38;
	[tilespmem:$0x1E678] =	vst v63  }
0x13a: {  	s0 =	sadd.s32 $0x1, s0;
	s9 =	smov.u32 s5;
	v1 =	vld.msk [tilespmem:s4+$0x0], $0x1  }
0x13b: {  	p3 =	seq.s32 s0, $0x0;
	_ =	sdelay $0x3  }
0x13c: {  	(v2sf) =	vpush v1, $0x0;
	_ =	sdelay $0xe  }
0x13d: {  	s5 =	spop (v2sf)  }
0x13e: {  	p2 =	seq.s32 s9, s5  }
0x13f: {  	p4 =	sgt.s32 @!p2 s9, $0x0;
	s3 =	sshll.u32 @!p2 s2, $0xA;
	s2 =	sadd.s32 @!p2 $0x1, s2  }
0x140: {  	p4 =	por !p4, p2;
	s3 =	sshra.s32 @!p2 s3, $0x2;
	s2 =	smov.u32 @p2 s11  }
0x141: {  	s9 =	simm.s32 @p4 $0x0;
	s10 =	sadd.s32 @!p2 $0x7308, s3;
	s3 =	sadd.s32 @!p2 $0x7388, s3  }
.Ltmp20:
0x142: {  	s9 =	smin.u32 @!p2 s9, $0x1FF70;
	(pc) =	sbr.rel @!p3 .LBB3_16-.Ltmp20, $4  }
0x143: {  	s11 =	sand.u32 @!p2 $0x1FFF8, s9;
	s14 =	sadd.s32 @!p2 $0x80, s9  }
0x144: {  	s9 =	sand.u32 @!p2 $0x7, s9;
	s11 =	sadd.s32 @!p2 s1, s11;
	s14 =	sand.u32 @!p2 $0x3FFF8, s14  }
0x145: {  	[tilespmem:s10], [sflag:$0x2] =	stream.linear.gather @!p2 [hbm4b:s11+s9], $0x80, $0x38;
	[tilespmem:$0x1E678] =	vst v63  }
0x146: {  	s4 =	sadd.s32 $0x1, s4;
	s10 =	sadd.s32 @!p2 s1, s14  }
.LBB3_17:
0x147: {  	[tilespmem:s3], [sflag:$0x2] =	stream.linear.gather @!p2 [hbm4b:s10+s9], $0x80, $0x38;
	[tilespmem:$0x1E678] =	vst v63  }
0x148: {  	s0 =	sshll.u32 s2, $0x8  }
.Ltmp21:
0x149: {  	s14 =	simm.s32 $0x2;
	s0 =	sand.u32 $0x3FFFFF00, s0;
	(pc) =	sbr.rel .LBB3_18-.Ltmp21, $4  }
0x14a: {  	_ =	swait.ge [sflag:s14], s0  }
0x14b: {  	s0 =	ssub.s32 $0x0, s0;
	[sflag:s14] =	ssyncset.done $0x0  }
0x14c: {  	s4 =	simm.s32 $0x0;
	s11 =	smov.u32 s7;
	[sflag:s14] =	ssyncadd.s32 s0  }
0x14d: {  	s14 =	smov.u32 s15;
	s15 =	smov.u32 s17;
	s17 =	simm.s32 $0xC  }
.LBB3_19:
0x14e: {  	v1 =	vld [tilespmem:s28+$0xFFFFFF80];
	_ =	sdelay $0x4  }
0x14f: {  	[tilespmem:s5+$0x208] =	vst.add.f32.msk $0xffff, v1  }
0x150: {  	v1 =	vld [tilespmem:s28+$0xFFFFFF90];
	_ =	sdelay $0x4  }
0x151: {  	[tilespmem:s5+$0x218] =	vst.add.f32.msk $0xffff, v1  }
0x152: {  	v1 =	vld [tilespmem:s28+$0xFFFFFFA0];
	_ =	sdelay $0x4  }
0x153: {  	[tilespmem:s5+$0x228] =	vst.add.f32.msk $0xffff, v1  }
0x154: {  	v1 =	vld [tilespmem:s28+$0xFFFFFFB0];
	_ =	sdelay $0x4  }
0x155: {  	[tilespmem:s5+$0x238] =	vst.add.f32.msk $0xffff, v1  }
0x156: {  	v1 =	vld [tilespmem:s28+$0xFFFFFFC0];
	_ =	sdelay $0x4  }
0x157: {  	[tilespmem:s5+$0x248] =	vst.add.f32.msk $0xffff, v1  }
0x158: {  	v1 =	vld [tilespmem:s28+$0xFFFFFFD0];
	_ =	sdelay $0x4  }
0x159: {  	[tilespmem:s5+$0x258] =	vst.add.f32.msk $0xffff, v1  }
0x15a: {  	v1 =	vld [tilespmem:s28+$0xFFFFFFE0];
	_ =	sdelay $0x4  }
0x15b: {  	[tilespmem:s5+$0x268] =	vst.add.f32.msk $0xffff, v1  }
0x15c: {  	v1 =	vld [tilespmem:s28+$0xFFFFFFF0];
	_ =	sdelay $0x4  }
0x15d: {  	[tilespmem:s5+$0x278] =	vst.add.f32.msk $0xffff, v1  }
0x15e: {  	v1 =	vld [tilespmem:s28+$0x0];
	_ =	sdelay $0x4  }
0x15f: {  	[tilespmem:s5+$0x288] =	vst.add.f32.msk $0xffff, v1  }
0x160: {  	v1 =	vld [tilespmem:s28+$0x10];
	_ =	sdelay $0x4  }
0x161: {  	[tilespmem:s5+$0x298] =	vst.add.f32.msk $0xffff, v1  }
0x162: {  	v1 =	vld [tilespmem:s28+$0x20];
	_ =	sdelay $0x4  }
0x163: {  	[tilespmem:s5+$0x2A8] =	vst.add.f32.msk $0xffff, v1  }
0x164: {  	v1 =	vld [tilespmem:s28+$0x30];
	_ =	sdelay $0x4  }
0x165: {  	[tilespmem:s5+$0x2B8] =	vst.add.f32.msk $0xffff, v1  }
0x166: {  	v1 =	vld [tilespmem:s28+$0x40];
	_ =	sdelay $0x4  }
0x167: {  	[tilespmem:s5+$0x2C8] =	vst.add.f32.msk $0xffff, v1  }
0x168: {  	v1 =	vld [tilespmem:s28+$0x50];
	_ =	sdelay $0x4  }
0x169: {  	[tilespmem:s5+$0x2D8] =	vst.add.f32.msk $0xffff, v1  }
0x16a: {  	v1 =	vld [tilespmem:s28+$0x60];
	_ =	sdelay $0x4  }
0x16b: {  	[tilespmem:s5+$0x2E8] =	vst.add.f32.msk $0xffff, v1  }
0x16c: {  	v1 =	vld [tilespmem:s28+$0x70];
	_ =	sdelay $0x4  }
0x16d: {  	[tilespmem:s5+$0x2F8] =	vst.add.f32.msk $0xffff, v1  }
.LBB3_23:
0x16e: {  	s29 =	sadd.s32 $0x1, s29  }
0x16f: {  	p2 =	seq.s32 s29, $0x0  }
.Ltmp22:
0x170: {  	_ = 	snop;
	(pc) =	sbr.rel @p2 .LBB3_24-.Ltmp22, $2  }
0x171: {  	_ =	sdelay $0x2  }
0x172: {  	s25 =	sadd.s32 $0x1, s25;
	s28 =	sadd.s32 $0x100, s28;
	s31 =	smov.u32 s0  }
.LBB3_18:
0x173: {  	v1 =	vld.msk [tilespmem:s25+$0x0], $0x1;
	_ =	sdelay $0x4  }
0x174: {  	(v2sf) =	vpush v1, $0x0;
	_ =	sdelay $0xe  }
0x175: {  	s0 =	spop (v2sf)  }
0x176: {  	p2 =	sne.s32 s31, s0  }
.Ltmp23:
0x177: {  	_ = 	snop;
	(pc) =	sbr.rel @!p2 .LBB3_19-.Ltmp23, $3  }
0x178: {  	_ =	sdelay $0x1  }
0x179: {  	s2 =	sshll.u32 s24, $0xA  }
0x17a: {  	s5 =	sshra.s32 s2, $0x2  }
0x17b: {  	p2 =	seq.s32 s31, s26  }
.Ltmp24:
0x17c: {  	_ = 	snop;
	(pc) =	sbr.rel @!p2 .LBB3_21-.Ltmp24, $1  }
0x17d: {  	_ =	sdelay $0x3  }
.Ltmp25:
0x17e: {  	s2 =	sadd.s32 $0x208, s5;
	(pc) =	sbr.rel .LBB3_22-.Ltmp25, $4  }
0x17f: {  	[spmem:s16] =	stream.linear.scatter [tilespmem:s2], [sflag:$0x1], $0x100, $0x38;
	[tilespmem:$0x1E678] =	vst v63  }
0x180: {  	_ =	swait.ge [sflag:s12], $0x100  }
0x181: {  	[sflag:s12] =	ssyncset.done $0x0  }
0x182: {  	[sflag:s12] =	ssyncadd.s32 $0xFFFFFF00  }
.LBB3_21:
0x183: {  	s2 =	sshll.u32 s30, $0xA  }
0x184: {  	s2 =	sshra.s32 s2, $0x2  }
0x185: {  	v1 =	vld [tilespmem:s2+$0x7308];
	_ =	sdelay $0x4  }
0x186: {  	[tilespmem:s5+$0x208] =	vst.add.f32.msk $0xffff, v1  }
0x187: {  	v1 =	vld [tilespmem:s2+$0x7318];
	_ =	sdelay $0x4  }
0x188: {  	[tilespmem:s5+$0x218] =	vst.add.f32.msk $0xffff, v1  }
0x189: {  	v1 =	vld [tilespmem:s2+$0x7328];
	_ =	sdelay $0x4  }
0x18a: {  	[tilespmem:s5+$0x228] =	vst.add.f32.msk $0xffff, v1  }
0x18b: {  	v1 =	vld [tilespmem:s2+$0x7338];
	_ =	sdelay $0x4  }
0x18c: {  	[tilespmem:s5+$0x238] =	vst.add.f32.msk $0xffff, v1  }
0x18d: {  	v1 =	vld [tilespmem:s2+$0x7348];
	_ =	sdelay $0x4  }
0x18e: {  	[tilespmem:s5+$0x248] =	vst.add.f32.msk $0xffff, v1  }
0x18f: {  	v1 =	vld [tilespmem:s2+$0x7358];
	_ =	sdelay $0x4  }
0x190: {  	[tilespmem:s5+$0x258] =	vst.add.f32.msk $0xffff, v1  }
0x191: {  	v1 =	vld [tilespmem:s2+$0x7368];
	_ =	sdelay $0x4  }
0x192: {  	[tilespmem:s5+$0x268] =	vst.add.f32.msk $0xffff, v1  }
0x193: {  	v1 =	vld [tilespmem:s2+$0x7378];
	_ =	sdelay $0x4  }
0x194: {  	[tilespmem:s5+$0x278] =	vst.add.f32.msk $0xffff, v1  }
0x195: {  	v1 =	vld [tilespmem:s2+$0x7388];
	_ =	sdelay $0x4  }
0x196: {  	[tilespmem:s5+$0x288] =	vst.add.f32.msk $0xffff, v1  }
0x197: {  	v1 =	vld [tilespmem:s2+$0x7398];
	_ =	sdelay $0x4  }
0x198: {  	[tilespmem:s5+$0x298] =	vst.add.f32.msk $0xffff, v1  }
0x199: {  	v1 =	vld [tilespmem:s2+$0x73A8];
	_ =	sdelay $0x4  }
0x19a: {  	[tilespmem:s5+$0x2A8] =	vst.add.f32.msk $0xffff, v1  }
0x19b: {  	v1 =	vld [tilespmem:s2+$0x73B8];
	_ =	sdelay $0x4  }
0x19c: {  	[tilespmem:s5+$0x2B8] =	vst.add.f32.msk $0xffff, v1  }
0x19d: {  	v1 =	vld [tilespmem:s2+$0x73C8];
	_ =	sdelay $0x4  }
0x19e: {  	[tilespmem:s5+$0x2C8] =	vst.add.f32.msk $0xffff, v1  }
0x19f: {  	v1 =	vld [tilespmem:s2+$0x73D8];
	_ =	sdelay $0x4  }
0x1a0: {  	[tilespmem:s5+$0x2D8] =	vst.add.f32.msk $0xffff, v1  }
0x1a1: {  	v1 =	vld [tilespmem:s2+$0x73E8];
	_ =	sdelay $0x4  }
0x1a2: {  	[tilespmem:s5+$0x2E8] =	vst.add.f32.msk $0xffff, v1  }
0x1a3: {  	v1 =	vld [tilespmem:s2+$0x73F8];
	_ =	sdelay $0x2  }
0x1a4: {  	p2 =	sgt.u32 s31, $0x1FF70  }
0x1a5: {  	s2 =	sand.u32 @!p2 $0x1FFF8, s31  }
0x1a6: {  	s3 =	sadd.s32 $0x208, s5;
	s9 =	sand.u32 @!p2 $0x7, s31;
	s2 =	sadd.s32 @!p2 s1, s2;
	[tilespmem:s5+$0x2F8] =	vst.add.f32.msk $0xffff, v1  }
0x1a7: {  	[hbm4b:s2+s9] =	stream.linear.scatter @!p2 [tilespmem:s3], [sflag:$0xC], $0x80, $0x38;
	[tilespmem:$0x1E678] =	vst v63  }
0x1a8: {  	s2 =	sadd.s32 @!p2 $0x80, s31  }
0x1a9: {  	s2 =	sand.u32 @!p2 $0x3FFF8, s2  }
0x1aa: {  	s3 =	sadd.s32 $0x288, s5;
	s2 =	sadd.s32 @!p2 s1, s2  }
0x1ab: {  	[hbm4b:s2+s9] =	stream.linear.scatter @!p2 [tilespmem:s3], [sflag:$0xC], $0x80, $0x38;
	[tilespmem:$0x1E678] =	vst v63  }
0x1ac: {  	s2 =	simm.s32 $0x0  }
0x1ad: {  	s2 =	simm.s32 @!p2 $0x400  }
0x1ae: {  	s4 =	sadd.s32 s2, s4  }
.LBB3_22:
0x1af: {  	s2 =	sadd.s32 $0x1, s24  }
0x1b0: {  	s3 =	sshrl.u32 s2, $0x4  }
0x1b1: {  	s3 =	smulhi.u32 $0x24924925, s3  }
0x1b2: {  	v1 =	vld [tilespmem:s28+$0xFFFFFF80]  }
0x1b3: {  	s3 =	smul.u32 $0x70, s3;
	_ =	sdelay $0x1  }
0x1b4: {  	s24 =	ssub.s32 s2, s3  }
0x1b5: {  	s2 =	sshll.u32 s24, $0x8  }
0x1b6: {  	[tilespmem:s2+$0x208] =	vst v1  }
0x1b7: {  	v1 =	vld [tilespmem:s28+$0xFFFFFF90];
	_ =	sdelay $0x4  }
0x1b8: {  	[tilespmem:s2+$0x218] =	vst v1  }
0x1b9: {  	v1 =	vld [tilespmem:s28+$0xFFFFFFA0];
	_ =	sdelay $0x4  }
0x1ba: {  	[tilespmem:s2+$0x228] =	vst v1  }
0x1bb: {  	v1 =	vld [tilespmem:s28+$0xFFFFFFB0];
	_ =	sdelay $0x4  }
0x1bc: {  	[tilespmem:s2+$0x238] =	vst v1  }
0x1bd: {  	v1 =	vld [tilespmem:s28+$0xFFFFFFC0];
	_ =	sdelay $0x4  }
0x1be: {  	[tilespmem:s2+$0x248] =	vst v1  }
0x1bf: {  	v1 =	vld [tilespmem:s28+$0xFFFFFFD0];
	_ =	sdelay $0x4  }
0x1c0: {  	[tilespmem:s2+$0x258] =	vst v1  }
0x1c1: {  	v1 =	vld [tilespmem:s28+$0xFFFFFFE0];
	_ =	sdelay $0x4  }
0x1c2: {  	[tilespmem:s2+$0x268] =	vst v1  }
0x1c3: {  	v1 =	vld [tilespmem:s28+$0xFFFFFFF0];
	_ =	sdelay $0x4  }
0x1c4: {  	[tilespmem:s2+$0x278] =	vst v1  }
0x1c5: {  	v1 =	vld [tilespmem:s28+$0x0];
	_ =	sdelay $0x4  }
0x1c6: {  	[tilespmem:s2+$0x288] =	vst v1  }
0x1c7: {  	v1 =	vld [tilespmem:s28+$0x10];
	_ =	sdelay $0x4  }
0x1c8: {  	[tilespmem:s2+$0x298] =	vst v1  }
0x1c9: {  	v1 =	vld [tilespmem:s28+$0x20];
	_ =	sdelay $0x4  }
0x1ca: {  	[tilespmem:s2+$0x2A8] =	vst v1  }
0x1cb: {  	v1 =	vld [tilespmem:s28+$0x30];
	_ =	sdelay $0x4  }
0x1cc: {  	[tilespmem:s2+$0x2B8] =	vst v1  }
0x1cd: {  	v1 =	vld [tilespmem:s28+$0x40];
	_ =	sdelay $0x4  }
0x1ce: {  	[tilespmem:s2+$0x2C8] =	vst v1  }
0x1cf: {  	v1 =	vld [tilespmem:s28+$0x50];
	_ =	sdelay $0x4  }
0x1d0: {  	[tilespmem:s2+$0x2D8] =	vst v1  }
0x1d1: {  	v1 =	vld [tilespmem:s28+$0x60];
	_ =	sdelay $0x4  }
0x1d2: {  	[tilespmem:s2+$0x2E8] =	vst v1  }
0x1d3: {  	v1 =	vld [tilespmem:s28+$0x70]  }
.Ltmp26:
0x1d4: {  	_ = 	snop;
	(pc) =	sbr.rel .LBB3_23-.Ltmp26, $2  }
0x1d5: {  	_ =	sdelay $0x2  }
0x1d6: {  	s30 =	sadd.s32 $0x1, s30;
	[tilespmem:s2+$0x2F8] =	vst v1  }
.LBB3_25:
.Ltmp27:
0x1d7: {  	(pc) =	sbr.rel .LBB3_26-.Ltmp27, $4  }
0x1d8: {  	_ = 	snop  }
0x1d9: {  	s0 =	simm.s32 $0x2  }
0x1da: {  	_ =	swait.ge [sflag:s0], $0x0  }
0x1db: {  	s2 =	simm.s32 $0x0;
	[sflag:s0] =	ssyncset.done $0x0;
	s0 =	smov.u32 s31  }
.LBB3_28:
0x1dc: {  	_ =	sfence.sel $0x180000  }
0x1dd: {  	s0 =	simm.s32 $0x9;
	[bflag:$0x0] =	sbarrier.arrive $0xFFFF  }
0x1de: {  	s24 =	simm.s32 $0xA;
	[sflag:s0] =	ssyncpa.u1 $0x1  }
0x1df: {  	s25 =	simm.s32 $0xB;
	[sflag:s24] =	ssyncpa.u1 $0x1  }
0x1e0: {  	s26 =	simm.s32 $0x2;
	[sflag:s25] =	ssyncpa.u1 $0x1  }
0x1e1: {  	[sflag:s26] =	ssyncpa.u1 $0x1  }
0x1e2: {  	v0 =	vld [tilespmem:$0xE408];
	_ =	sdelay $0x4  }
0x1e3: {  	(v2sf) =	vpush v0, $0x0  }
0x1e4: {  	(v2sf) =	vpush v0, $0x1;
	_ =	sdelay $0x1  }
0x1e5: {  	(v2sf) =	vpush v0, $0x2;
	_ =	sdelay $0xb  }
0x1e6: {  	s0 =	spop (v2sf)  }
0x1e7: {  	s2 =	spop (v2sf)  }
0x1e8: {  	s3 =	smov.u32 s0;
	p0 =	sne.s32 s0, s2  }
0x1e9: {  	s4 =	spop (v2sf);
	s3 =	simm.s32 @!p0 $0xFFFFFFFF  }
0x1ea: {  	v2 =	vimm.s32 $0x1;
	v3 =	vlaneseq.u32;
	p0 =	seq.s32 s4, $0xFFFFFFFF;
	v1 =	vmov s3  }
0x1eb: {  	s15 =	stileid.u32;
	v0 =	vperm.xlane v0, v2;
	p1 =	sne.s32 @!p0 s0, s2;
	v1 =	vperm.xlane v1, v3  }
0x1ec: {  	vm0 =	vcmask $0x3F04;
	s6 =	simm.s32 $0xE408;
	s0 =	simm.s32 @!p0 $0x1;
	p1 =	por !p1, p0  }
0x1ed: {  	s3 =	sshll.u32 s15, $0x1;
	s2 =	sshll.u32 @!p0 s4, $0xA;
	s0 =	simm.s32 @p1 $0x0;
	v0 =	vsel vm0, v1, v0  }
0x1ee: {  	s5 =	sor.u32 $0x2000, s3;
	s2 =	sshra.s32 @!p0 s2, $0x2;
	s0 =	sor.u32 @!p0 s0, s3;
	[tilespmem:$0xE408] =	vst v0  }
0x1ef: {  	[spmem:s5] =	stream.linear.scatter [tilespmem:s6], [sflag:$0x1], $0x2, $0x38;
	[tilespmem:$0x1E678] =	vst v63  }
0x1f0: {  	s2 =	sadd.s32 @!p0 $0x208, s2;
	s0 =	sshll.u32 @!p0 s0, $0x8  }
0x1f1: {  	[spmem:s0] =	stream.linear.scatter @!p0 [tilespmem:s2], [sflag:$0x1], $0x100, $0x38;
	[tilespmem:$0x1E678] =	vst v63  }
0x1f2: {  	s0 =	simm.s32 @!p0 $0x102  }
0x1f3: {  	s28 =	simm.s32 $0x1;
	s0 =	simm.s32 @p0 $0x2  }
0x1f4: {  	_ =	swait.ge [sflag:s28], s0  }
0x1f5: {  	s0 =	ssub.s32 $0x0, s0;
	[sflag:s28] =	ssyncset.done $0x0  }
0x1f6: {  	p0 =	sne.s32 s15, $0x0;
	[sflag:s28] =	ssyncadd.s32 s0  }
.Ltmp28:
0x1f7: {  	_ =	sfence.stream.spmem;
	(pc) =	sbr.rel @p0 .LBB3_45-.Ltmp28, $4  }
0x1f8: {  	s29 =	simm.s32 $0x3;
	[bflag:$0x0] =	sbarrier.arrive $0xFFFF  }
0x1f9: {  	s30 =	simm.s32 $0x4;
	[sflag:s29] =	ssyncpa.u1 $0x1  }
0x1fa: {  	s31 =	simm.s32 $0x3C;
	[sflag:s30] =	ssyncpa.u1 $0x1  }
0x1fb: {  	s14 =	rddreg [dreg:$0x4];
	[sflag:s31] =	ssyncpa.u1 $0x1  }
0x1fc: {  	_ =	sfence.stream.spmem;
	s0 =	simm.s32 $0x5  }
0x1fd: {  	s2 =	simm.s32 $0x2000;
	s3 =	simm.s32 $0xE418;
	[sflag:s0] =	ssyncpa.u1 $0x0  }
0x1fe: {  	[tilespmem:s3], [sflag:$0x5] =	stream.linear.gather [spmem:s2], $0x20, $0x38;
	[tilespmem:$0x1E678] =	vst v63  }
0x1ff: {  	s26 =	simm.s32 $0x0;
	s28 =	simm.s32 $0xE438  }
0x200: {  	[tilespmem:s28], [sflag:$0x5] =	stream.linear.gather [spmem:s26], $0x2000, $0x38;
	[tilespmem:$0x1E678] =	vst v63  }
0x201: {  	_ =	swait.ge [sflag:s0], $0x2020  }
0x202: {  	[sflag:s0] =	ssyncset.done $0x0  }
0x203: {  	s29 =	simm.s32 $0x0;
	[sflag:s0] =	ssyncadd.s32 $0xFFFFDFE0  }
0x204: {  	v0 =	vld.msk [tilespmem:s29+$0xE418], $0x1;
	_ =	sdelay $0x1  }
0x205: {  	s30 =	simm.s32 $0x1  }
0x206: {  	v1 =	vld.msk [tilespmem:s30+$0xE418], $0x1;
	_ =	sdelay $0x1  }
0x207: {  	(v2sf) =	vpush v0, $0x0;
	_ =	sdelay $0x2  }
0x208: {  	(v2sf) =	vpush v1, $0x0;
	_ =	sdelay $0x2  }
0x209: {  	s31 =	simm.s32 $0x2  }
0x20a: {  	v0 =	vld.msk [tilespmem:s31+$0xE418], $0x1;
	_ =	sdelay $0x2  }
0x20b: {  	s2 =	simm.s32 $0xFFFFFFFF;
	s3 =	simm.s32 $0xFFFFFFFF;
	s0 =	simm.s32 $0xC  }
.LBB3_30:
0x20c: {  	s4 =	smov.u32 s3;
	s5 =	smov.u32 s2  }
0x20d: {  	s2 =	sshra.s32 s0, $0x2;
	p1 =	sne.s32 s0, $0x7C;
	s0 =	sadd.s32 $0x4, s0;
	(v2sf) =	vpush v0, $0x0  }
0x20e: {  	v0 =	vld.msk [tilespmem:s2+$0xE418], $0x1  }
.Ltmp29:
0x20f: {  	(pc) =	sbr.rel @p1 .LBB3_30-.Ltmp29, $4  }
0x210: {  	s3 =	spop (v2sf)  }
0x211: {  	p2 =	sne.s32 s5, $0xFFFFFFFF;
	s2 =	smov.u32 s3  }
0x212: {  	p3 =	seq.s32 s3, $0xFFFFFFFF;
	s2 =	smov.u32 @p2 s5  }
0x213: {  	s3 =	smov.u32 @p3 s4;
	s2 =	smov.u32 @p3 s5  }
0x214: {  	(v2sf) =	vpush v0, $0x0;
	_ =	sdelay $0x8  }
0x215: {  	s0 =	spop (v2sf)  }
0x216: {  	p1 =	sne.s32 s2, $0xFFFFFFFF;
	s9 =	simm.s32 $0x6;
	s4 =	smov.u32 s0  }
0x217: {  	s6 =	simm.s32 $0x0;
	p2 =	seq.s32 s0, $0xFFFFFFFF;
	s4 =	smov.u32 @p1 s2  }
0x218: {  	s10 =	simm.s32 $0xE308;
	s4 =	smov.u32 @p2 s2;
	s2 =	spop (v2sf)  }
0x219: {  	s0 =	smov.u32 @p2 s3;
	p1 =	sne.s32 s4, $0xFFFFFFFF;
	s5 =	smov.u32 s2  }
.Ltmp30:
0x21a: {  	p2 =	seq.s32 s2, $0xFFFFFFFF;
	s5 =	smov.u32 @p1 s4;
	(pc) =	sbr.rel .LBB3_32-.Ltmp30, $4  }
0x21b: {  	s11 =	simm.s32 $0xE388;
	s5 =	smov.u32 @p2 s4;
	s7 =	spop (v2sf)  }
0x21c: {  	s12 =	simm.s32 $0x0;
	p1 =	sne.s32 s5, $0xFFFFFFFF;
	s8 =	smov.u32 s7  }
0x21d: {  	s2 =	smov.u32 @p2 s0;
	p2 =	seq.s32 s7, $0xFFFFFFFF;
	s8 =	smov.u32 @p1 s5  }
0x21e: {  	[sflag:s9] =	ssyncpa.u1 $0x0;
	s7 =	smov.u32 @p2 s2;
	s8 =	smov.u32 @p2 s5  }
.LBB3_38:
0x21f: {  	p1 =	sgt.u32 s0, $0x1FF70  }
0x220: {  	p2 =	seq.s32 @!p1 s0, s8  }
0x221: {  	p1 =	por p1, p2  }
0x222: {  	p2 =	sne.s32 @!p1 s0, s7  }
0x223: {  	p1 =	por p1, !p2  }
0x224: {  	s0 =	sshll.u32 @p1 s12, $0xA  }
0x225: {  	s2 =	sand.u32 @!p1 $0x1FFF8, s0;
	s3 =	sand.u32 @!p1 $0x7, s0;
	s0 =	sadd.s32 @!p1 $0x80, s0  }
0x226: {  	s2 =	sadd.s32 @!p1 s1, s2;
	s0 =	sand.u32 @!p1 $0x3FFF8, s0  }
0x227: {  	[tilespmem:s10], [sflag:$0x6] =	stream.linear.gather @!p1 [hbm4b:s2+s3], $0x80, $0x38;
	[tilespmem:$0x1E678] =	vst v63  }
0x228: {  	s0 =	sadd.s32 @!p1 s1, s0  }
0x229: {  	[tilespmem:s11], [sflag:$0x6] =	stream.linear.gather @!p1 [hbm4b:s0+s3], $0x80, $0x38;
	[tilespmem:$0x1E678] =	vst v63  }
0x22a: {  	_ =	swait.ge @!p1 [sflag:s9], $0x100  }
0x22b: {  	[sflag:s9] =	ssyncset.done @!p1 $0x0  }
0x22c: {  	[sflag:s9] =	ssyncadd.s32 @!p1 $0xFFFFFF00  }
0x22d: {  	v1 =	vld @!p1 [tilespmem:$0xE308];
	_ =	sdelay $0x2  }
0x22e: {  	s0 =	sshll.u32 @!p1 s12, $0xA  }
0x22f: {  	s2 =	sshrl.u32 @!p1 s0, $0x2  }
0x230: {  	[tilespmem:s2+$0xE438] =	vst.add.f32.msk @!p1 $0xffff, v1  }
0x231: {  	v1 =	vld @!p1 [tilespmem:$0xE318];
	_ =	sdelay $0x4  }
0x232: {  	[tilespmem:s2+$0xE448] =	vst.add.f32.msk @!p1 $0xffff, v1  }
0x233: {  	v1 =	vld @!p1 [tilespmem:$0xE328];
	_ =	sdelay $0x4  }
0x234: {  	[tilespmem:s2+$0xE458] =	vst.add.f32.msk @!p1 $0xffff, v1  }
0x235: {  	v1 =	vld @!p1 [tilespmem:$0xE338];
	_ =	sdelay $0x4  }
0x236: {  	[tilespmem:s2+$0xE468] =	vst.add.f32.msk @!p1 $0xffff, v1  }
0x237: {  	v1 =	vld @!p1 [tilespmem:$0xE348];
	_ =	sdelay $0x4  }
0x238: {  	[tilespmem:s2+$0xE478] =	vst.add.f32.msk @!p1 $0xffff, v1  }
0x239: {  	v1 =	vld @!p1 [tilespmem:$0xE358];
	_ =	sdelay $0x4  }
0x23a: {  	[tilespmem:s2+$0xE488] =	vst.add.f32.msk @!p1 $0xffff, v1  }
0x23b: {  	v1 =	vld @!p1 [tilespmem:$0xE368];
	_ =	sdelay $0x4  }
0x23c: {  	[tilespmem:s2+$0xE498] =	vst.add.f32.msk @!p1 $0xffff, v1  }
0x23d: {  	v1 =	vld @!p1 [tilespmem:$0xE378];
	_ =	sdelay $0x4  }
0x23e: {  	[tilespmem:s2+$0xE4A8] =	vst.add.f32.msk @!p1 $0xffff, v1  }
0x23f: {  	v1 =	vld @!p1 [tilespmem:$0xE388];
	_ =	sdelay $0x4  }
0x240: {  	[tilespmem:s2+$0xE4B8] =	vst.add.f32.msk @!p1 $0xffff, v1  }
0x241: {  	v1 =	vld @!p1 [tilespmem:$0xE398];
	_ =	sdelay $0x4  }
0x242: {  	[tilespmem:s2+$0xE4C8] =	vst.add.f32.msk @!p1 $0xffff, v1  }
0x243: {  	v1 =	vld @!p1 [tilespmem:$0xE3A8];
	_ =	sdelay $0x4  }
0x244: {  	[tilespmem:s2+$0xE4D8] =	vst.add.f32.msk @!p1 $0xffff, v1  }
0x245: {  	v1 =	vld @!p1 [tilespmem:$0xE3B8];
	_ =	sdelay $0x4  }
0x246: {  	[tilespmem:s2+$0xE4E8] =	vst.add.f32.msk @!p1 $0xffff, v1  }
0x247: {  	v1 =	vld @!p1 [tilespmem:$0xE3C8];
	_ =	sdelay $0x4  }
0x248: {  	[tilespmem:s2+$0xE4F8] =	vst.add.f32.msk @!p1 $0xffff, v1  }
0x249: {  	v1 =	vld @!p1 [tilespmem:$0xE3D8];
	_ =	sdelay $0x4  }
0x24a: {  	[tilespmem:s2+$0xE508] =	vst.add.f32.msk @!p1 $0xffff, v1  }
0x24b: {  	v1 =	vld @!p1 [tilespmem:$0xE3E8];
	_ =	sdelay $0x4  }
0x24c: {  	[tilespmem:s2+$0xE518] =	vst.add.f32.msk @!p1 $0xffff, v1  }
0x24d: {  	v1 =	vld @!p1 [tilespmem:$0xE3F8];
	_ =	sdelay $0x4  }
0x24e: {  	[tilespmem:s2+$0xE528] =	vst.add.f32.msk @!p1 $0xffff, v1  }
0x24f: {  	s0 =	sshrl.u32 s0, $0x2;
	[tilespmem:s6+$0xE418] =	vst.msk $0x1, v0  }
0x250: {  	v0 =	vld [tilespmem:s0+$0xE438];
	_ =	sdelay $0x2  }
0x251: {  	s31 =	sshll.u32 s6, $0xA  }
0x252: {  	s2 =	sshra.s32 s31, $0x2  }
0x253: {  	[tilespmem:s2+$0xE438] =	vst v0  }
0x254: {  	v0 =	vld [tilespmem:s0+$0xE448];
	_ =	sdelay $0x4  }
0x255: {  	[tilespmem:s2+$0xE448] =	vst v0  }
0x256: {  	v0 =	vld [tilespmem:s0+$0xE458];
	_ =	sdelay $0x4  }
0x257: {  	[tilespmem:s2+$0xE458] =	vst v0  }
0x258: {  	v0 =	vld [tilespmem:s0+$0xE468];
	_ =	sdelay $0x4  }
0x259: {  	[tilespmem:s2+$0xE468] =	vst v0  }
0x25a: {  	v0 =	vld [tilespmem:s0+$0xE478];
	_ =	sdelay $0x4  }
0x25b: {  	[tilespmem:s2+$0xE478] =	vst v0  }
0x25c: {  	v0 =	vld [tilespmem:s0+$0xE488];
	_ =	sdelay $0x4  }
0x25d: {  	[tilespmem:s2+$0xE488] =	vst v0  }
0x25e: {  	v0 =	vld [tilespmem:s0+$0xE498];
	_ =	sdelay $0x4  }
0x25f: {  	[tilespmem:s2+$0xE498] =	vst v0  }
0x260: {  	v0 =	vld [tilespmem:s0+$0xE4A8];
	_ =	sdelay $0x4  }
0x261: {  	[tilespmem:s2+$0xE4A8] =	vst v0  }
0x262: {  	v0 =	vld [tilespmem:s0+$0xE4B8];
	_ =	sdelay $0x4  }
0x263: {  	[tilespmem:s2+$0xE4B8] =	vst v0  }
0x264: {  	v0 =	vld [tilespmem:s0+$0xE4C8];
	_ =	sdelay $0x4  }
0x265: {  	[tilespmem:s2+$0xE4C8] =	vst v0  }
0x266: {  	v0 =	vld [tilespmem:s0+$0xE4D8];
	_ =	sdelay $0x4  }
0x267: {  	[tilespmem:s2+$0xE4D8] =	vst v0  }
0x268: {  	v0 =	vld [tilespmem:s0+$0xE4E8];
	_ =	sdelay $0x4  }
0x269: {  	[tilespmem:s2+$0xE4E8] =	vst v0  }
0x26a: {  	v0 =	vld [tilespmem:s0+$0xE4F8];
	_ =	sdelay $0x4  }
0x26b: {  	[tilespmem:s2+$0xE4F8] =	vst v0  }
0x26c: {  	v0 =	vld [tilespmem:s0+$0xE508];
	_ =	sdelay $0x4  }
0x26d: {  	[tilespmem:s2+$0xE508] =	vst v0  }
0x26e: {  	v0 =	vld [tilespmem:s0+$0xE518];
	_ =	sdelay $0x4  }
0x26f: {  	[tilespmem:s2+$0xE518] =	vst v0  }
0x270: {  	v0 =	vld [tilespmem:s0+$0xE528];
	_ =	sdelay $0x4  }
0x271: {  	s6 =	sadd.s32 $0x1, s6;
	[tilespmem:s2+$0xE528] =	vst v0  }
.LBB3_39:
0x272: {  	s12 =	sadd.s32 $0x1, s12  }
0x273: {  	p1 =	sne.s32 s12, $0x20  }
.Ltmp31:
0x274: {  	_ = 	snop;
	(pc) =	sbr.rel @!p1 .LBB3_40-.Ltmp31, $1  }
0x275: {  	_ =	sdelay $0x3  }
.LBB3_32:
0x276: {  	v0 =	vld.msk [tilespmem:s12+$0xE418], $0x1;
	_ =	sdelay $0x4  }
0x277: {  	(v2sf) =	vpush v0, $0x0;
	_ =	sdelay $0xe  }
0x278: {  	s0 =	spop (v2sf)  }
0x279: {  	p1 =	seq.s32 s0, $0xFFFFFFFF  }
.Ltmp32:
0x27a: {  	_ = 	snop;
	(pc) =	sbr.rel @p1 .LBB3_39-.Ltmp32, $1  }
0x27b: {  	_ =	sdelay $0x3  }
0x27c: {  	p1 =	slt.s32 s6, $0x1  }
.Ltmp33:
0x27d: {  	_ = 	snop;
	(pc) =	sbr.rel @p1 .LBB3_38-.Ltmp33, $1  }
0x27e: {  	_ =	sdelay $0x3  }
0x27f: {  	s4 =	simm.s32 $0xE418;
	p1 =	por $0x0, $0x0  }
0x280: {  	v1 =	vld.msk @!p1 [tilespmem:s4+$0x0], $0x1;
	_ =	sdelay $0x4  }
0x281: {  	(v2sf) =	vpush @!p1 v1, $0x0;
	_ =	sdelay $0xd  }
0x282: {  	p3 =	sne.s32 s6, $0x1  }
.Ltmp34:
0x283: {  	s2 =	spop @!p1 (v2sf);
	(pc) =	sbr.rel @!p3 .LBB3_36-.Ltmp34, $4  }
0x284: {  	p2 =	seq.s32 @!p1 s0, s2  }
0x285: {  	s5 =	simm.s32 $0x0;
	p2 =	por !p2, p1  }
0x286: {  	s2 =	simm.s32 $0xFFFFFFFF;
	s5 =	simm.s32 @p2 $0xFFFFFFFF  }
0x287: {  	s13 =	simm.s32 $0x1;
	s5 =	smov.u32 @p1 s2  }
.LBB3_35:
0x288: {  	s2 =	smov.u32 s5;
	p1 =	sne.s32 s5, $0xFFFFFFFF  }
0x289: {  	s4 =	sadd.s32 $0x1, s4;
	s5 =	smov.u32 s13;
	s13 =	sadd.s32 $0x1, s13  }
0x28a: {  	p2 =	sne.s32 s6, s13;
	v1 =	vld.msk @!p1 [tilespmem:s4+$0x0], $0x1;
	_ =	sdelay $0x4  }
0x28b: {  	(v2sf) =	vpush @!p1 v1, $0x0;
	_ =	sdelay $0xe  }
.Ltmp35:
0x28c: {  	s3 =	spop @!p1 (v2sf);
	(pc) =	sbr.rel @p2 .LBB3_35-.Ltmp35, $4  }
0x28d: {  	p3 =	seq.s32 @!p1 s0, s3  }
0x28e: {  	p3 =	por !p3, p1  }
0x28f: {  	s5 =	simm.s32 @p3 $0xFFFFFFFF  }
0x290: {  	s5 =	smov.u32 @p1 s2  }
.LBB3_36:
0x291: {  	p1 =	seq.s32 s5, $0xFFFFFFFF  }
.Ltmp36:
0x292: {  	_ = 	snop;
	(pc) =	sbr.rel @p1 .LBB3_38-.Ltmp36, $1  }
0x293: {  	_ =	sdelay $0x3  }
0x294: {  	s0 =	sshll.u32 s12, $0x8  }
0x295: {  	s0 =	sand.u32 $0x3FFFFF00, s0  }
0x296: {  	v0 =	vld [tilespmem:s0+$0xE438];
	_ =	sdelay $0x2  }
0x297: {  	s2 =	sshll.u32 s5, $0xA  }
0x298: {  	s2 =	sshra.s32 s2, $0x2  }
0x299: {  	[tilespmem:s2+$0xE438] =	vst.add.f32.msk $0xffff, v0  }
0x29a: {  	v0 =	vld [tilespmem:s0+$0xE448];
	_ =	sdelay $0x4  }
0x29b: {  	[tilespmem:s2+$0xE448] =	vst.add.f32.msk $0xffff, v0  }
0x29c: {  	v0 =	vld [tilespmem:s0+$0xE458];
	_ =	sdelay $0x4  }
0x29d: {  	[tilespmem:s2+$0xE458] =	vst.add.f32.msk $0xffff, v0  }
0x29e: {  	v0 =	vld [tilespmem:s0+$0xE468];
	_ =	sdelay $0x4  }
0x29f: {  	[tilespmem:s2+$0xE468] =	vst.add.f32.msk $0xffff, v0  }
0x2a0: {  	v0 =	vld [tilespmem:s0+$0xE478];
	_ =	sdelay $0x4  }
0x2a1: {  	[tilespmem:s2+$0xE478] =	vst.add.f32.msk $0xffff, v0  }
0x2a2: {  	v0 =	vld [tilespmem:s0+$0xE488];
	_ =	sdelay $0x4  }
0x2a3: {  	[tilespmem:s2+$0xE488] =	vst.add.f32.msk $0xffff, v0  }
0x2a4: {  	v0 =	vld [tilespmem:s0+$0xE498];
	_ =	sdelay $0x4  }
0x2a5: {  	[tilespmem:s2+$0xE498] =	vst.add.f32.msk $0xffff, v0  }
0x2a6: {  	v0 =	vld [tilespmem:s0+$0xE4A8];
	_ =	sdelay $0x4  }
0x2a7: {  	[tilespmem:s2+$0xE4A8] =	vst.add.f32.msk $0xffff, v0  }
0x2a8: {  	v0 =	vld [tilespmem:s0+$0xE4B8];
	_ =	sdelay $0x4  }
0x2a9: {  	[tilespmem:s2+$0xE4B8] =	vst.add.f32.msk $0xffff, v0  }
0x2aa: {  	v0 =	vld [tilespmem:s0+$0xE4C8];
	_ =	sdelay $0x4  }
0x2ab: {  	[tilespmem:s2+$0xE4C8] =	vst.add.f32.msk $0xffff, v0  }
0x2ac: {  	v0 =	vld [tilespmem:s0+$0xE4D8];
	_ =	sdelay $0x4  }
0x2ad: {  	[tilespmem:s2+$0xE4D8] =	vst.add.f32.msk $0xffff, v0  }
0x2ae: {  	v0 =	vld [tilespmem:s0+$0xE4E8];
	_ =	sdelay $0x4  }
0x2af: {  	[tilespmem:s2+$0xE4E8] =	vst.add.f32.msk $0xffff, v0  }
0x2b0: {  	v0 =	vld [tilespmem:s0+$0xE4F8];
	_ =	sdelay $0x4  }
0x2b1: {  	[tilespmem:s2+$0xE4F8] =	vst.add.f32.msk $0xffff, v0  }
0x2b2: {  	v0 =	vld [tilespmem:s0+$0xE508];
	_ =	sdelay $0x4  }
0x2b3: {  	[tilespmem:s2+$0xE508] =	vst.add.f32.msk $0xffff, v0  }
0x2b4: {  	v0 =	vld [tilespmem:s0+$0xE518];
	_ =	sdelay $0x4  }
0x2b5: {  	[tilespmem:s2+$0xE518] =	vst.add.f32.msk $0xffff, v0  }
0x2b6: {  	v0 =	vld [tilespmem:s0+$0xE528]  }
.Ltmp37:
0x2b7: {  	_ = 	snop;
	(pc) =	sbr.rel .LBB3_39-.Ltmp37, $2  }
0x2b8: {  	_ =	sdelay $0x2  }
0x2b9: {  	[tilespmem:s2+$0xE528] =	vst.add.f32.msk $0xffff, v0  }
.LBB3_40:
0x2ba: {  	s0 =	simm.s32 $0x6;
	p1 =	seq.s32 s6, $0x0  }
0x2bb: {  	[sflag:s0] =	ssyncpa.u1 $0x1;
	v0 =	vimm.s32 @p1 $0xFFFFFFFF  }
0x2bc: {  	s0 =	sadd.s32 $0xFFFFFFFF, s6;
	[tilespmem:$0x10438] =	vst @p1 v0  }
0x2bd: {  	v0 =	vld.msk @!p1 [tilespmem:s0+$0xE418], $0x1;
	_ =	sdelay $0x1  }
0x2be: {  	v1 =	vld.msk @!p1 [tilespmem:$0xE418], $0x1;
	_ =	sdelay $0x2  }
0x2bf: {  	p2 =	seq.s32 @!p1 s0, $0x0;
	v0 =	vbroadcast @!p1 v0, $0x0  }
0x2c0: {  	vm0 =	vmmov @!p1 $0x1;
	p2 =	por !p2, p1  }
0x2c1: {  	v1 =	vnsel @!p1 vm0, $0xFFFFFFFF, v1;
	vm0 =	vcmask @!p1 $0x308;
	v0 =	vpsel !p2, $0xFFFFFFFF, v0  }
0x2c2: {  	p2 =	sne.s32 @!p1 s8, s7;
	v0 =	vsel @!p1 vm0, v1, v0  }
0x2c3: {  	s2 =	simm.s32 @!p1 $0xE438;
	s3 =	simm.s32 @!p1 $0x0;
	p3 =	por !p2, p1;
	[tilespmem:$0x10438] =	vst @!p1 v0  }
0x2c4: {  	[spmem:s3] =	stream.linear.scatter @!p1 [tilespmem:s2], [sflag:$0x1], $0x100, $0x38;
	[tilespmem:$0x1E678] =	vst v63  }
0x2c5: {  	s2 =	sshll.u32 @!p3 s0, $0xA  }
0x2c6: {  	s2 =	sshra.s32 @!p3 s2, $0x2  }
0x2c7: {  	s3 =	simm.s32 @!p3 $0x100;
	s2 =	sadd.s32 @!p3 $0xE438, s2  }
0x2c8: {  	[spmem:s3] =	stream.linear.scatter @!p3 [tilespmem:s2], [sflag:$0x1], $0x100, $0x38;
	[tilespmem:$0x1E678] =	vst v63  }
0x2c9: {  	s2 =	simm.s32 @!p3 $0x1  }
0x2ca: {  	_ =	swait.ge @!p3 [sflag:s2], $0x200  }
0x2cb: {  	p1 =	por p2, p1;
	[sflag:s2] =	ssyncset.done @!p3 $0x0  }
0x2cc: {  	[sflag:s2] =	ssyncadd.s32 @!p3 $0xFFFFFE00;
	s2 =	simm.s32 @!p1 $0x1  }
0x2cd: {  	_ =	swait.ge @!p1 [sflag:s2], $0x100  }
0x2ce: {  	s29 =	simm.s32 $0x10438;
	[sflag:s2] =	ssyncset.done @!p1 $0x0  }
0x2cf: {  	s30 =	simm.s32 $0x2000;
	s31 =	simm.s32 $0x1;
	[sflag:s2] =	ssyncadd.s32 @!p1 $0xFFFFFF00  }
0x2d0: {  	[spmem:s30] =	stream.linear.scatter [tilespmem:s29], [sflag:$0x1], $0x10, $0x38;
	[tilespmem:$0x1E678] =	vst v63  }
0x2d1: {  	_ =	swait.ge [sflag:s31], $0x10  }
0x2d2: {  	[sflag:s31] =	ssyncset.done $0x0  }
0x2d3: {  	p1 =	seq.s32 s14, $0x0;
	s9 =	rddreg [dreg:$0x1];
	[sflag:s31] =	ssyncadd.s32 $0xFFFFFFF0  }
0x2d4: {  	s3 =	sshll.u32 @p1 s9, $0xE;
	s8 =	rddreg [dreg:$0x2]  }
0x2d5: {  	s2 =	sadd.s32 @p1 $0x15C3C, s3;
	s3 =	sshll.u32 @p1 s8, $0x11  }
0x2d6: {  	_ =	sfence.stream.spmem;
	s2 =	sor.u32 @p1 s3, s2  }
0x2d7: {  	[sflag:s2] =	ssyncadd.remote.s32 @p1 $0x1;
	s2 =	simm.s32 @p1 $0x4  }
0x2d8: {  	s4 =	simm.s32 @!p1 $0x3C;
	s3 =	sand.u32 $0xFFFFFFFE, s9;
	_ =	swait.ge @p1 [sflag:s2], $0x42  }
0x2d9: {  	s5 =	simm.s32 @!p1 $0x0;
	s3 =	sadd.s32 @!p1 $0x4, s3;
	[sflag:s2] =	ssyncset.done @p1 $0x0  }
0x2da: {  	s7 =	simm.s32 @!p1 $0x200;
	[sflag:s2] =	ssyncadd.s32 @p1 $0xFFFFFFBE;
	s2 =	sshll.u32 @!p1 s3, $0x1A  }
0x2db: {  	s3 =	sshll.u32 @!p1 s3, $0xD;
	s2 =	sor.u32 @!p1 s2, s8;
	_ =	swait.eq @!p1 [sflag:s4], $0x1  }
0x2dc: {  	s3 =	sor.u32 @!p1 $0x1C04, s3;
	s4 =	simm.s32 @!p1 $0x1C03;
	s2 =	sor.u32 @!p1 $0x80004000, s2  }
0x2dd: {  	[spmem:s7], [sflag:s3] =	dma.general @!p1 [spmem:s5], [sflag:s4], length:$0x40, [dreg:$0x0], stride_count:$0x0, ici_dest:s2, dma_misc:DstOpCode:WRITE  }
0x2de: {  	p2 =	slt.s32 s0, $0x2;
	s5 =	simm.s32 @!p1 $0x400;
	s7 =	simm.s32 @!p1 $0x402  }
0x2df: {  	[spmem:s7], [sflag:s3] =	dma.general @!p1 [spmem:s5], [sflag:s4], length:$0x2, [dreg:$0x0], stride_count:$0x0, ici_dest:s2, dma_misc:DstOpCode:WRITE  }
.Ltmp38:
0x2e0: {  	s2 =	simm.s32 @!p1 $0x3;
	(pc) =	sbr.rel @p2 .LBB3_44-.Ltmp38, $4  }
0x2e1: {  	s3 =	sshll.u32 @!p1 s9, $0xE;
	_ =	swait.ge @!p1 [sflag:s2], $0x42  }
0x2e2: {  	s4 =	sshll.u32 @!p1 s8, $0x11;
	s3 =	sadd.s32 @!p1 $0x11C3C, s3;
	[sflag:s2] =	ssyncset.done @!p1 $0x0  }
0x2e3: {  	[sflag:s2] =	ssyncadd.s32 @!p1 $0xFFFFFFBE;
	s2 =	sor.u32 @!p1 s4, s3  }
0x2e4: {  	s0 =	simm.s32 $0x0;
	[sflag:s2] =	ssyncadd.remote.s32 @!p1 $0xFFFFFFFF  }
0x2e5: {  	s0 =	simm.s32 $0xE419  }
0x2e6: {  	v0 =	vld.msk [tilespmem:s0+$0x0], $0x1;
	_ =	sdelay $0x4  }
0x2e7: {  	(v2sf) =	vpush v0, $0x0;
	_ =	sdelay $0xd  }
0x2e8: {  	s31 =	sadd.s32 $0xFFFFFFFE, s6  }
0x2e9: {  	s6 =	simm.s32 $0x0;
	s0 =	sadd.s32 $0xFFFFFFFF, s31;
	s2 =	spop (v2sf)  }
0x2ea: {  	s3 =	simm.s32 $0xE538;
	p1 =	sne.s32 s0, $0x0;
	p2 =	sgt.u32 s2, $0x1FF70  }
.Ltmp39:
0x2eb: {  	s4 =	simm.s32 $0xE638;
	s5 =	sand.u32 @!p2 $0x1FFF8, s2;
	(pc) =	sbr.rel @!p1 .LBB3_43-.Ltmp39, $4  }
0x2ec: {  	s7 =	sadd.s32 @!p2 $0x80, s2;
	s2 =	sand.u32 @!p2 $0x7, s2;
	s6 =	simm.s32 @!p2 $0x400  }
0x2ed: {  	s5 =	sadd.s32 @!p2 s1, s5;
	s7 =	sand.u32 @!p2 $0x3FFF8, s7;
	s6 =	sadd.s32 $0x0, s6  }
0x2ee: {  	[hbm4b:s5+s2] =	stream.linear.scatter @!p2 [tilespmem:s3], [sflag:$0x5], $0x80, $0x38;
	[tilespmem:$0x1E678] =	vst v63  }
0x2ef: {  	s5 =	simm.s32 $0xE41A;
	s3 =	simm.s32 @!p2 $0xE5B8;
	s7 =	sadd.s32 @!p2 s1, s7  }
.LBB3_42:
0x2f0: {  	[hbm4b:s7+s2] =	stream.linear.scatter @!p2 [tilespmem:s3], [sflag:$0x5], $0x80, $0x38;
	[tilespmem:$0x1E678] =	vst v63  }
0x2f1: {  	s0 =	sadd.s32 $0xFFFFFFFF, s0;
	s3 =	smov.u32 s4;
	v0 =	vld.msk [tilespmem:s5+$0x0], $0x1  }
0x2f2: {  	p1 =	sne.s32 s0, $0x0;
	_ =	sdelay $0x3  }
0x2f3: {  	(v2sf) =	vpush v0, $0x0;
	_ =	sdelay $0xe  }
0x2f4: {  	s4 =	sadd.s32 $0x100, s4;
	s8 =	simm.s32 $0x0;
	s2 =	spop (v2sf)  }
.Ltmp40:
0x2f5: {  	s5 =	sadd.s32 $0x1, s5;
	p2 =	sgt.u32 s2, $0x1FF70;
	(pc) =	sbr.rel @p1 .LBB3_42-.Ltmp40, $4  }
0x2f6: {  	s8 =	simm.s32 @!p2 $0x400;
	s7 =	sand.u32 @!p2 $0x1FFF8, s2;
	s9 =	sadd.s32 @!p2 $0x80, s2  }
0x2f7: {  	s2 =	sand.u32 @!p2 $0x7, s2;
	s7 =	sadd.s32 @!p2 s1, s7;
	s9 =	sand.u32 @!p2 $0x3FFF8, s9  }
0x2f8: {  	[hbm4b:s7+s2] =	stream.linear.scatter @!p2 [tilespmem:s3], [sflag:$0x5], $0x80, $0x38;
	[tilespmem:$0x1E678] =	vst v63  }
0x2f9: {  	s6 =	sadd.s32 s6, s8;
	s3 =	sadd.s32 @!p2 $0x80, s3;
	s7 =	sadd.s32 @!p2 s1, s9  }
.LBB3_43:
0x2fa: {  	[hbm4b:s7+s2] =	stream.linear.scatter @!p2 [tilespmem:s3], [sflag:$0x5], $0x80, $0x38;
	[tilespmem:$0x1E678] =	vst v63  }
0x2fb: {  	s0 =	sshrl.u32 s6, $0x2  }
.LBB3_44:
0x2fc: {  	s2 =	simm.s32 $0x5  }
0x2fd: {  	_ =	swait.ge [sflag:s2], s0  }
0x2fe: {  	s31 =	ssub.s32 $0x0, s0;
	[sflag:s2] =	ssyncset.done $0x0  }
0x2ff: {  	[sflag:s2] =	ssyncadd.s32 s31  }
0x300: {  	[sflag:s2] =	ssyncpa.u1 $0x1  }
.LBB3_45:
0x301: {  	s0 =	sor.u32 s14, s15  }
0x302: {  	p1 =	sne.s32 s0, $0x0  }
.Ltmp41:
0x303: {  	_ = 	snop;
	(pc) =	sbr.rel @p1 .LBB3_60-.Ltmp41, $3  }
0x304: {  	_ =	sdelay $0x1  }
0x305: {  	[bflag:$0x0] =	sbarrier.arrive $0xFFFF  }
0x306: {  	_ =	sfence  }
0x307: {  	s0 =	simm.s32 $0x7  }
0x308: {  	s2 =	simm.s32 $0x2000;
	s3 =	simm.s32 $0xE418;
	[sflag:s0] =	ssyncpa.u1 $0x0  }
0x309: {  	[tilespmem:s3], [sflag:$0x7] =	stream.linear.gather [spmem:s2], $0x20, $0x38;
	[tilespmem:$0x1E678] =	vst v63  }
0x30a: {  	s30 =	simm.s32 $0xE438;
	s2 =	simm.s32 $0x0  }
0x30b: {  	[tilespmem:s30], [sflag:$0x7] =	stream.linear.gather [spmem:s2], $0x2000, $0x38;
	[tilespmem:$0x1E678] =	vst v63  }
.Ltmp42:
0x30c: {  	_ = 	snop;
	(pc) =	sbr.rel .LBB3_47-.Ltmp42, $4  }
0x30d: {  	_ =	swait.ge [sflag:s0], $0x2020  }
0x30e: {  	[sflag:s0] =	ssyncset.done $0x0  }
0x30f: {  	s31 =	simm.s32 $0x8;
	[sflag:s0] =	ssyncadd.s32 $0xFFFFDFE0  }
0x310: {  	s3 =	simm.s32 $0x0;
	[sflag:s31] =	ssyncpa.u1 $0x0  }
.LBB3_53:
0x311: {  	p1 =	slt.u32 s0, $0x1FF71  }
0x312: {  	s4 =	sand.u32 @p1 $0x1FFF8, s0;
	s5 =	sand.u32 @p1 $0x7, s0;
	s0 =	sadd.s32 @p1 $0x80, s0  }
0x313: {  	s6 =	simm.s32 @p1 $0xE308;
	s4 =	sadd.s32 @p1 s1, s4;
	s0 =	sand.u32 @p1 $0x3FFF8, s0  }
0x314: {  	[tilespmem:s6], [sflag:$0x8] =	stream.linear.gather @p1 [hbm4b:s4+s5], $0x80, $0x38;
	[tilespmem:$0x1E678] =	vst v63  }
0x315: {  	s0 =	sadd.s32 @p1 s1, s0;
	s4 =	simm.s32 @p1 $0xE388  }
0x316: {  	[tilespmem:s4], [sflag:$0x8] =	stream.linear.gather @p1 [hbm4b:s0+s5], $0x80, $0x38;
	[tilespmem:$0x1E678] =	vst v63  }
0x317: {  	s0 =	simm.s32 @p1 $0x8  }
0x318: {  	_ =	swait.ge @p1 [sflag:s0], $0x100  }
0x319: {  	[sflag:s0] =	ssyncset.done @p1 $0x0  }
0x31a: {  	[sflag:s0] =	ssyncadd.s32 @p1 $0xFFFFFF00  }
0x31b: {  	v1 =	vld @p1 [tilespmem:$0xE308];
	_ =	sdelay $0x2  }
0x31c: {  	s0 =	sshll.u32 @p1 s3, $0xA  }
0x31d: {  	s4 =	sshrl.u32 @p1 s0, $0x2  }
0x31e: {  	[tilespmem:s4+$0xE438] =	vst.add.f32.msk @p1 $0xffff, v1  }
0x31f: {  	v1 =	vld @p1 [tilespmem:$0xE318];
	_ =	sdelay $0x4  }
0x320: {  	[tilespmem:s4+$0xE448] =	vst.add.f32.msk @p1 $0xffff, v1  }
0x321: {  	v1 =	vld @p1 [tilespmem:$0xE328];
	_ =	sdelay $0x4  }
0x322: {  	[tilespmem:s4+$0xE458] =	vst.add.f32.msk @p1 $0xffff, v1  }
0x323: {  	v1 =	vld @p1 [tilespmem:$0xE338];
	_ =	sdelay $0x4  }
0x324: {  	[tilespmem:s4+$0xE468] =	vst.add.f32.msk @p1 $0xffff, v1  }
0x325: {  	v1 =	vld @p1 [tilespmem:$0xE348];
	_ =	sdelay $0x4  }
0x326: {  	[tilespmem:s4+$0xE478] =	vst.add.f32.msk @p1 $0xffff, v1  }
0x327: {  	v1 =	vld @p1 [tilespmem:$0xE358];
	_ =	sdelay $0x4  }
0x328: {  	[tilespmem:s4+$0xE488] =	vst.add.f32.msk @p1 $0xffff, v1  }
0x329: {  	v1 =	vld @p1 [tilespmem:$0xE368];
	_ =	sdelay $0x4  }
0x32a: {  	[tilespmem:s4+$0xE498] =	vst.add.f32.msk @p1 $0xffff, v1  }
0x32b: {  	v1 =	vld @p1 [tilespmem:$0xE378];
	_ =	sdelay $0x4  }
0x32c: {  	[tilespmem:s4+$0xE4A8] =	vst.add.f32.msk @p1 $0xffff, v1  }
0x32d: {  	v1 =	vld @p1 [tilespmem:$0xE388];
	_ =	sdelay $0x4  }
0x32e: {  	[tilespmem:s4+$0xE4B8] =	vst.add.f32.msk @p1 $0xffff, v1  }
0x32f: {  	v1 =	vld @p1 [tilespmem:$0xE398];
	_ =	sdelay $0x4  }
0x330: {  	[tilespmem:s4+$0xE4C8] =	vst.add.f32.msk @p1 $0xffff, v1  }
0x331: {  	v1 =	vld @p1 [tilespmem:$0xE3A8];
	_ =	sdelay $0x4  }
0x332: {  	[tilespmem:s4+$0xE4D8] =	vst.add.f32.msk @p1 $0xffff, v1  }
0x333: {  	v1 =	vld @p1 [tilespmem:$0xE3B8];
	_ =	sdelay $0x4  }
0x334: {  	[tilespmem:s4+$0xE4E8] =	vst.add.f32.msk @p1 $0xffff, v1  }
0x335: {  	v1 =	vld @p1 [tilespmem:$0xE3C8];
	_ =	sdelay $0x4  }
0x336: {  	[tilespmem:s4+$0xE4F8] =	vst.add.f32.msk @p1 $0xffff, v1  }
0x337: {  	v1 =	vld @p1 [tilespmem:$0xE3D8];
	_ =	sdelay $0x4  }
0x338: {  	[tilespmem:s4+$0xE508] =	vst.add.f32.msk @p1 $0xffff, v1  }
0x339: {  	v1 =	vld @p1 [tilespmem:$0xE3E8];
	_ =	sdelay $0x4  }
0x33a: {  	[tilespmem:s4+$0xE518] =	vst.add.f32.msk @p1 $0xffff, v1  }
0x33b: {  	v1 =	vld @p1 [tilespmem:$0xE3F8];
	_ =	sdelay $0x3  }
0x33c: {  	s5 =	sshll.u32 @!p1 s3, $0xA  }
0x33d: {  	s5 =	smov.u32 @p1 s0;
	[tilespmem:s4+$0xE528] =	vst.add.f32.msk @p1 $0xffff, v1  }
0x33e: {  	s0 =	sshrl.u32 s5, $0x2;
	[tilespmem:s2+$0xE418] =	vst.msk $0x1, v0  }
0x33f: {  	v0 =	vld [tilespmem:s0+$0xE438];
	_ =	sdelay $0x2  }
0x340: {  	s31 =	sshll.u32 s2, $0xA  }
0x341: {  	s4 =	sshra.s32 s31, $0x2  }
0x342: {  	[tilespmem:s4+$0xE438] =	vst v0  }
0x343: {  	v0 =	vld [tilespmem:s0+$0xE448];
	_ =	sdelay $0x4  }
0x344: {  	[tilespmem:s4+$0xE448] =	vst v0  }
0x345: {  	v0 =	vld [tilespmem:s0+$0xE458];
	_ =	sdelay $0x4  }
0x346: {  	[tilespmem:s4+$0xE458] =	vst v0  }
0x347: {  	v0 =	vld [tilespmem:s0+$0xE468];
	_ =	sdelay $0x4  }
0x348: {  	[tilespmem:s4+$0xE468] =	vst v0  }
0x349: {  	v0 =	vld [tilespmem:s0+$0xE478];
	_ =	sdelay $0x4  }
0x34a: {  	[tilespmem:s4+$0xE478] =	vst v0  }
0x34b: {  	v0 =	vld [tilespmem:s0+$0xE488];
	_ =	sdelay $0x4  }
0x34c: {  	[tilespmem:s4+$0xE488] =	vst v0  }
0x34d: {  	v0 =	vld [tilespmem:s0+$0xE498];
	_ =	sdelay $0x4  }
0x34e: {  	[tilespmem:s4+$0xE498] =	vst v0  }
0x34f: {  	v0 =	vld [tilespmem:s0+$0xE4A8];
	_ =	sdelay $0x4  }
0x350: {  	[tilespmem:s4+$0xE4A8] =	vst v0  }
0x351: {  	v0 =	vld [tilespmem:s0+$0xE4B8];
	_ =	sdelay $0x4  }
0x352: {  	[tilespmem:s4+$0xE4B8] =	vst v0  }
0x353: {  	v0 =	vld [tilespmem:s0+$0xE4C8];
	_ =	sdelay $0x4  }
0x354: {  	[tilespmem:s4+$0xE4C8] =	vst v0  }
0x355: {  	v0 =	vld [tilespmem:s0+$0xE4D8];
	_ =	sdelay $0x4  }
0x356: {  	[tilespmem:s4+$0xE4D8] =	vst v0  }
0x357: {  	v0 =	vld [tilespmem:s0+$0xE4E8];
	_ =	sdelay $0x4  }
0x358: {  	[tilespmem:s4+$0xE4E8] =	vst v0  }
0x359: {  	v0 =	vld [tilespmem:s0+$0xE4F8];
	_ =	sdelay $0x4  }
0x35a: {  	[tilespmem:s4+$0xE4F8] =	vst v0  }
0x35b: {  	v0 =	vld [tilespmem:s0+$0xE508];
	_ =	sdelay $0x4  }
0x35c: {  	[tilespmem:s4+$0xE508] =	vst v0  }
0x35d: {  	v0 =	vld [tilespmem:s0+$0xE518];
	_ =	sdelay $0x4  }
0x35e: {  	[tilespmem:s4+$0xE518] =	vst v0  }
0x35f: {  	v0 =	vld [tilespmem:s0+$0xE528];
	_ =	sdelay $0x4  }
0x360: {  	s2 =	sadd.s32 $0x1, s2;
	[tilespmem:s4+$0xE528] =	vst v0  }
.LBB3_54:
0x361: {  	s3 =	sadd.s32 $0x1, s3  }
0x362: {  	p1 =	sne.s32 s3, $0x20  }
.Ltmp43:
0x363: {  	_ = 	snop;
	(pc) =	sbr.rel @!p1 .LBB3_55-.Ltmp43, $1  }
0x364: {  	_ =	sdelay $0x3  }
.LBB3_47:
0x365: {  	v0 =	vld.msk [tilespmem:s3+$0xE418], $0x1;
	_ =	sdelay $0x4  }
0x366: {  	(v2sf) =	vpush v0, $0x0;
	_ =	sdelay $0xe  }
0x367: {  	s0 =	spop (v2sf)  }
0x368: {  	p1 =	seq.s32 s0, $0xFFFFFFFF  }
.Ltmp44:
0x369: {  	_ = 	snop;
	(pc) =	sbr.rel @p1 .LBB3_54-.Ltmp44, $1  }
0x36a: {  	_ =	sdelay $0x3  }
0x36b: {  	p1 =	slt.s32 s2, $0x1  }
.Ltmp45:
0x36c: {  	_ = 	snop;
	(pc) =	sbr.rel @p1 .LBB3_53-.Ltmp45, $1  }
0x36d: {  	_ =	sdelay $0x3  }
0x36e: {  	s4 =	simm.s32 $0xE418;
	p1 =	por $0x0, $0x0  }
0x36f: {  	v1 =	vld.msk @!p1 [tilespmem:s4+$0x0], $0x1;
	_ =	sdelay $0x4  }
0x370: {  	(v2sf) =	vpush @!p1 v1, $0x0;
	_ =	sdelay $0xd  }
0x371: {  	p3 =	sne.s32 s2, $0x1  }
.Ltmp46:
0x372: {  	s5 =	spop @!p1 (v2sf);
	(pc) =	sbr.rel @!p3 .LBB3_51-.Ltmp46, $4  }
0x373: {  	p2 =	seq.s32 @!p1 s0, s5  }
0x374: {  	s5 =	simm.s32 $0x0;
	p2 =	por !p2, p1  }
0x375: {  	s7 =	simm.s32 $0xFFFFFFFF;
	s5 =	simm.s32 @p2 $0xFFFFFFFF  }
0x376: {  	s6 =	simm.s32 $0x1;
	s5 =	smov.u32 @p1 s7  }
.LBB3_50:
0x377: {  	s7 =	smov.u32 s5;
	p1 =	sne.s32 s5, $0xFFFFFFFF  }
0x378: {  	s4 =	sadd.s32 $0x1, s4;
	s5 =	smov.u32 s6;
	s6 =	sadd.s32 $0x1, s6  }
0x379: {  	p2 =	sne.s32 s2, s6;
	v1 =	vld.msk @!p1 [tilespmem:s4+$0x0], $0x1;
	_ =	sdelay $0x4  }
0x37a: {  	(v2sf) =	vpush @!p1 v1, $0x0;
	_ =	sdelay $0xe  }
.Ltmp47:
0x37b: {  	s8 =	spop @!p1 (v2sf);
	(pc) =	sbr.rel @p2 .LBB3_50-.Ltmp47, $4  }
0x37c: {  	p3 =	seq.s32 @!p1 s0, s8  }
0x37d: {  	p3 =	por !p3, p1  }
0x37e: {  	s5 =	simm.s32 @p3 $0xFFFFFFFF  }
0x37f: {  	s5 =	smov.u32 @p1 s7  }
.LBB3_51:
0x380: {  	p1 =	seq.s32 s5, $0xFFFFFFFF  }
.Ltmp48:
0x381: {  	_ = 	snop;
	(pc) =	sbr.rel @p1 .LBB3_53-.Ltmp48, $1  }
0x382: {  	_ =	sdelay $0x3  }
0x383: {  	s0 =	sshll.u32 s3, $0x8  }
0x384: {  	s0 =	sand.u32 $0x3FFFFF00, s0  }
0x385: {  	v0 =	vld [tilespmem:s0+$0xE438];
	_ =	sdelay $0x2  }
0x386: {  	s4 =	sshll.u32 s5, $0xA  }
0x387: {  	s4 =	sshra.s32 s4, $0x2  }
0x388: {  	[tilespmem:s4+$0xE438] =	vst.add.f32.msk $0xffff, v0  }
0x389: {  	v0 =	vld [tilespmem:s0+$0xE448];
	_ =	sdelay $0x4  }
0x38a: {  	[tilespmem:s4+$0xE448] =	vst.add.f32.msk $0xffff, v0  }
0x38b: {  	v0 =	vld [tilespmem:s0+$0xE458];
	_ =	sdelay $0x4  }
0x38c: {  	[tilespmem:s4+$0xE458] =	vst.add.f32.msk $0xffff, v0  }
0x38d: {  	v0 =	vld [tilespmem:s0+$0xE468];
	_ =	sdelay $0x4  }
0x38e: {  	[tilespmem:s4+$0xE468] =	vst.add.f32.msk $0xffff, v0  }
0x38f: {  	v0 =	vld [tilespmem:s0+$0xE478];
	_ =	sdelay $0x4  }
0x390: {  	[tilespmem:s4+$0xE478] =	vst.add.f32.msk $0xffff, v0  }
0x391: {  	v0 =	vld [tilespmem:s0+$0xE488];
	_ =	sdelay $0x4  }
0x392: {  	[tilespmem:s4+$0xE488] =	vst.add.f32.msk $0xffff, v0  }
0x393: {  	v0 =	vld [tilespmem:s0+$0xE498];
	_ =	sdelay $0x4  }
0x394: {  	[tilespmem:s4+$0xE498] =	vst.add.f32.msk $0xffff, v0  }
0x395: {  	v0 =	vld [tilespmem:s0+$0xE4A8];
	_ =	sdelay $0x4  }
0x396: {  	[tilespmem:s4+$0xE4A8] =	vst.add.f32.msk $0xffff, v0  }
0x397: {  	v0 =	vld [tilespmem:s0+$0xE4B8];
	_ =	sdelay $0x4  }
0x398: {  	[tilespmem:s4+$0xE4B8] =	vst.add.f32.msk $0xffff, v0  }
0x399: {  	v0 =	vld [tilespmem:s0+$0xE4C8];
	_ =	sdelay $0x4  }
0x39a: {  	[tilespmem:s4+$0xE4C8] =	vst.add.f32.msk $0xffff, v0  }
0x39b: {  	v0 =	vld [tilespmem:s0+$0xE4D8];
	_ =	sdelay $0x4  }
0x39c: {  	[tilespmem:s4+$0xE4D8] =	vst.add.f32.msk $0xffff, v0  }
0x39d: {  	v0 =	vld [tilespmem:s0+$0xE4E8];
	_ =	sdelay $0x4  }
0x39e: {  	[tilespmem:s4+$0xE4E8] =	vst.add.f32.msk $0xffff, v0  }
0x39f: {  	v0 =	vld [tilespmem:s0+$0xE4F8];
	_ =	sdelay $0x4  }
0x3a0: {  	[tilespmem:s4+$0xE4F8] =	vst.add.f32.msk $0xffff, v0  }
0x3a1: {  	v0 =	vld [tilespmem:s0+$0xE508];
	_ =	sdelay $0x4  }
0x3a2: {  	[tilespmem:s4+$0xE508] =	vst.add.f32.msk $0xffff, v0  }
0x3a3: {  	v0 =	vld [tilespmem:s0+$0xE518];
	_ =	sdelay $0x4  }
0x3a4: {  	[tilespmem:s4+$0xE518] =	vst.add.f32.msk $0xffff, v0  }
0x3a5: {  	v0 =	vld [tilespmem:s0+$0xE528]  }
.Ltmp49:
0x3a6: {  	_ = 	snop;
	(pc) =	sbr.rel .LBB3_54-.Ltmp49, $2  }
0x3a7: {  	_ =	sdelay $0x2  }
0x3a8: {  	[tilespmem:s4+$0xE528] =	vst.add.f32.msk $0xffff, v0  }
.LBB3_55:
0x3a9: {  	p1 =	slt.s32 s2, $0x1  }
.Ltmp50:
0x3aa: {  	_ = 	snop;
	(pc) =	sbr.rel @p1 .LBB3_59-.Ltmp50, $3  }
0x3ab: {  	_ =	sdelay $0x1  }
0x3ac: {  	s0 =	simm.s32 $0x8  }
0x3ad: {  	s4 =	simm.s32 $0x0;
	[sflag:s0] =	ssyncpa.u1 $0x1  }
0x3ae: {  	s0 =	simm.s32 $0xE418  }
0x3af: {  	v0 =	vld.msk [tilespmem:s0+$0x0], $0x1;
	_ =	sdelay $0x4  }
0x3b0: {  	(v2sf) =	vpush v0, $0x0;
	_ =	sdelay $0xe  }
0x3b1: {  	s0 =	sadd.s32 $0xFFFFFFFF, s2;
	s3 =	spop (v2sf)  }
0x3b2: {  	s6 =	simm.s32 $0xE438;
	p1 =	sne.s32 s0, $0x0;
	p2 =	sgt.u32 s3, $0x1FF70  }
.Ltmp51:
0x3b3: {  	s2 =	simm.s32 $0xE538;
	s5 =	sand.u32 @!p2 $0x1FFF8, s3;
	(pc) =	sbr.rel @!p1 .LBB3_58-.Ltmp51, $4  }
0x3b4: {  	s7 =	sadd.s32 @!p2 $0x80, s3;
	s4 =	simm.s32 @!p2 $0x400;
	s8 =	sadd.s32 @!p2 s1, s5  }
0x3b5: {  	s5 =	sand.u32 @!p2 $0x7, s3;
	s3 =	simm.s32 $0xE419;
	s7 =	sand.u32 @!p2 $0x3FFF8, s7  }
0x3b6: {  	[hbm4b:s8+s5] =	stream.linear.scatter @!p2 [tilespmem:s6], [sflag:$0x7], $0x80, $0x38;
	[tilespmem:$0x1E678] =	vst v63  }
0x3b7: {  	s4 =	sadd.s32 $0x0, s4;
	s6 =	simm.s32 @!p2 $0xE4B8;
	s7 =	sadd.s32 @!p2 s1, s7  }
.LBB3_57:
0x3b8: {  	[hbm4b:s7+s5] =	stream.linear.scatter @!p2 [tilespmem:s6], [sflag:$0x7], $0x80, $0x38;
	[tilespmem:$0x1E678] =	vst v63  }
0x3b9: {  	s0 =	sadd.s32 $0xFFFFFFFF, s0;
	s6 =	smov.u32 s2;
	v0 =	vld.msk [tilespmem:s3+$0x0], $0x1  }
0x3ba: {  	p1 =	sne.s32 s0, $0x0;
	_ =	sdelay $0x3  }
0x3bb: {  	(v2sf) =	vpush v0, $0x0;
	_ =	sdelay $0xe  }
0x3bc: {  	s2 =	sadd.s32 $0x100, s2;
	s8 =	simm.s32 $0x0;
	s5 =	spop (v2sf)  }
.Ltmp52:
0x3bd: {  	s3 =	sadd.s32 $0x1, s3;
	p2 =	sgt.u32 s5, $0x1FF70;
	(pc) =	sbr.rel @p1 .LBB3_57-.Ltmp52, $4  }
0x3be: {  	s8 =	simm.s32 @!p2 $0x400;
	s7 =	sand.u32 @!p2 $0x1FFF8, s5;
	s9 =	sadd.s32 @!p2 $0x80, s5  }
0x3bf: {  	s5 =	sand.u32 @!p2 $0x7, s5;
	s7 =	sadd.s32 @!p2 s1, s7;
	s9 =	sand.u32 @!p2 $0x3FFF8, s9  }
0x3c0: {  	[hbm4b:s7+s5] =	stream.linear.scatter @!p2 [tilespmem:s6], [sflag:$0x7], $0x80, $0x38;
	[tilespmem:$0x1E678] =	vst v63  }
0x3c1: {  	s4 =	sadd.s32 s4, s8;
	s6 =	sadd.s32 @!p2 $0x80, s6;
	s7 =	sadd.s32 @!p2 s1, s9  }
.LBB3_58:
0x3c2: {  	[hbm4b:s7+s5] =	stream.linear.scatter @!p2 [tilespmem:s6], [sflag:$0x7], $0x80, $0x38;
	[tilespmem:$0x1E678] =	vst v63  }
0x3c3: {  	s4 =	sshrl.u32 s4, $0x2  }
.LBB3_59:
0x3c4: {  	s0 =	simm.s32 $0x7  }
0x3c5: {  	_ =	swait.ge [sflag:s0], s4  }
0x3c6: {  	s1 =	ssub.s32 $0x0, s4;
	[sflag:s0] =	ssyncset.done $0x0  }
0x3c7: {  	[sflag:s0] =	ssyncadd.s32 s1  }
0x3c8: {  	[sflag:s0] =	ssyncpa.u1 $0x1  }
.LBB3_60:
0x3c9: {  	_ =	sfence;
	s0 =	simm.s32 $0x1  }
0x3ca: {  	[sflag:s0] =	ssyncpa.u1 $0x1  }
0x3cb: {  	_ =	strace $0x90000050  }
0x3cc: {  	[bflag:$0x2] =	sbarrier.arrive $0xFFFF  }
0x3cd: {  	s0 =	rddreg [dreg:$0x3]  }
0x3ce: {  	s0 =	sadd.s32 @!p0 $0x100000, s0  }
0x3cf: {  	[sflag:s0] =	ssyncadd.tile.s32 @!p0 $0x1;
	_ =	shalt  }
.Lfunc_end3:
_tile_overlayer_lowered:
.L_overlay_start_3:
0x3d0: {  	(tag) =	ssettag $0x3  }
0x3d1: {  	s0 =	rddreg [dreg:$0x0];
	s2 =	stileid.u32  }
0x3d2: {  	s1 =	rddreg [dreg:$0x1];
	p0 =	sne.s32 s2, $0x0  }
0x3d3: {  	s3 =	rddreg [dreg:$0x2];
	[bflag:$0x3] =	sbarrier.arrive $0xFFFF;
	s2 =	simm.s32 @!p0 $0x1C01  }
0x3d4: {  	[timem:s3], [sflag:s2] =	dma.local @!p0 [hbm:s0], s1  }
0x3d5: {  	s0 =	simm.s32 @!p0 $0x1  }
0x3d6: {  	_ =	swait.ge @!p0 [sflag:s0], s1  }
0x3d7: {  	s1 =	ssub.s32 @!p0 $0x0, s1;
	[sflag:s0] =	ssyncset.done @!p0 $0x0  }
0x3d8: {  	[sflag:s0] =	ssyncadd.s32 @!p0 s1  }
0x3d9: {  	[bflag:$0x3] =	sbarrier.arrive $0xFFFF  }
0x3da: {  	_ =	shalt  }

</sc_bundles>
